<compile_context>
chip_gen: v7x
topology: tpu7x:2x2x1
jax: 0.10.2.dev20260603
libtpu: 0.0.44.dev20260713+nightly
codegen_flags: <defaults>
</compile_context>

<pallas_src>
import functools
import math

import jax
import jax.numpy as jnp
from jax import lax
from jax.experimental import pallas as pl
from jax.experimental.pallas import tpu as pltpu
from jax.experimental.pallas import tpu_sc as plsc

B = 2
L = 4096
DM = 1024
NH = 16
DK = 64
DFF = 4096
NR = 2
BL = 64
NB = L // BL
G = NR * B * NH
CB = 4
RPC = CB * BL
UN = RPC + BL
VW = 128
LT = 512
TD = 256
NCHK = L // 128


def _bdot(a, b):
    return jnp.dot(a.astype(jnp.bfloat16), b.astype(jnp.bfloat16),
                   preferred_element_type=jnp.float32)


def _proj_body(x_ref, w_ref, b_ref, qv_ref):
    x = x_ref[0]
    qv = _bdot(x, w_ref[...]) + b_ref[...]
    qv_ref[0] = qv.reshape(LT, NH, VW)


def _proj_call(x2, Wq, bq, Wv, bv):
    w_qv = jnp.concatenate(
        [Wq.reshape(DM, NH, DK), Wv.reshape(DM, NH, DK)], axis=2
    ).reshape(DM, 2 * DM)
    b_qv = jnp.concatenate(
        [bq.reshape(NH, DK), bv.reshape(NH, DK)], axis=1).reshape(1, 2 * DM)
    return pl.pallas_call(
        _proj_body,
        grid=(B, L // LT),
        in_specs=[
            pl.BlockSpec((1, LT, DM), lambda b, t: (b, t, 0)),
            pl.BlockSpec((DM, 2 * DM), lambda b, t: (0, 0)),
            pl.BlockSpec((1, 2 * DM), lambda b, t: (0, 0)),
        ],
        out_specs=pl.BlockSpec((1, LT, NH, VW), lambda b, t: (b, t, 0, 0)),
        out_shape=jax.ShapeDtypeStruct((B, L, NH, VW), jnp.float32),
    )(x2, w_qv, b_qv)


def _sort_body(h_ref, u_ref):
    h = h_ref[0]
    iota_nb = lax.broadcasted_iota(jnp.int32, (128, NB), 1)
    r_iota = lax.broadcasted_iota(jnp.int32, (128, 128), 0)
    c_iota = lax.broadcasted_iota(jnp.int32, (128, 128), 1)
    tril = (c_iota < r_iota).astype(jnp.float32)

    total = jnp.zeros((1, NB), jnp.float32)
    for c in range(NCHK):
        oh = (h[:, c:c + 1] == iota_nb).astype(jnp.float32)
        total = total + jnp.sum(oh, axis=0, keepdims=True)
    inc = total
    for k in (1, 2, 4, 8, 16, 32):
        inc = inc + jnp.concatenate(
            [jnp.zeros((1, k), jnp.float32), inc[:, :NB - k]], axis=1)
    starts = inc - total

    run = jnp.zeros((1, NB), jnp.float32)
    cols = []
    for c in range(NCHK):
        oh = (h[:, c:c + 1] == iota_nb).astype(jnp.float32)
        ex = jnp.dot(tril, oh, preferred_element_type=jnp.float32) + run
        cols.append(jnp.sum(oh * (starts + ex), axis=1, keepdims=True))
        run = run + jnp.sum(oh, axis=0, keepdims=True)
    u_ref[0] = jnp.concatenate(cols, axis=1).astype(jnp.int32)


def _sort_call(hash_t):
    return pl.pallas_call(
        _sort_body,
        grid=(G,),
        in_specs=[pl.BlockSpec((1, 128, NCHK), lambda g: (g, 0, 0))],
        out_specs=pl.BlockSpec((1, 128, NCHK), lambda g: (g, 0, 0)),
        out_shape=jax.ShapeDtypeStruct((G, 128, NCHK), jnp.int32),
    )(hash_t)


def _task_ids(wid, t):
    g = wid * 2 + t
    b = (g // NH) % B
    h = g % NH
    return g, b, h


NBUF = 4


def _scp_body(undo_hbm, qv_hbm, qvs_hbm, idx_hbm,
              undo_v, idx_v, gidx_v, b0, b1, b2, b3,
              g0, g1, g2, g3, w0, w1, w2, w3):
  bufs = (b0, b1, b2, b3)
  gsems = (g0, g1, g2, g3)
  wsems = (w0, w1, w2, w3)
  wid = lax.axis_index("s") * 2 + lax.axis_index("c")
  for t in range(2):
    gl = wid * 2 + t
    g = gl
    b = (g // NH) % B
    h = g % NH
    base = b * (L * NH) + h
    pltpu.sync_copy(undo_hbm.at[gl], undo_v)

    def inv_body(i, _):
        u = undo_v[pl.ds(i * 16, 16)]
        vals = lax.iota(jnp.int32, 16) + i * 16
        plsc.store_scatter(idx_v, [u], vals)
        return 0
    lax.fori_loop(0, L // 16, inv_body, 0)

    pltpu.sync_copy(idx_v, idx_hbm.at[gl])

    def gx_body(i, _):
        ix = idx_v[pl.ds(i * 16, 16)]
        gidx_v[i // 8, pl.ds((i % 8) * 16, 16)] = ix * NH + base
        return 0
    lax.fori_loop(0, L // 16, gx_body, 0)

    def gat_body(i, _):
        cps = []
        for k in range(NBUF):
            c = i * NBUF + k
            cps.append(pltpu.async_copy(
                qv_hbm.at[gidx_v.at[c]], bufs[k], gsems[k]))
        wps = []
        for k in range(NBUF):
            c = i * NBUF + k
            cps[k].wait()
            wps.append(pltpu.async_copy(
                bufs[k], qvs_hbm.at[gl, pl.ds(c * 128, 128)], wsems[k]))
        for k in range(NBUF):
            wps[k].wait()
        return 0
    lax.fori_loop(0, NCHK // NBUF, gat_body, 0)


def _scp_call(undo, qv_flat):
    mesh = plsc.VectorSubcoreMesh(core_axis_name="c", subcore_axis_name="s")
    f = functools.partial(
        pl.kernel,
        out_type=[
            jax.ShapeDtypeStruct((G, L, VW), jnp.float32),
            jax.ShapeDtypeStruct((G, L), jnp.int32),
        ],
        mesh=mesh,
        scratch_types=(
            [pltpu.VMEM((L,), jnp.int32),
             pltpu.VMEM((L,), jnp.int32),
             pltpu.VMEM((NCHK, 128), jnp.int32)]
            + [pltpu.VMEM((128, VW), jnp.float32)] * NBUF
            + [pltpu.SemaphoreType.DMA] * (2 * NBUF)
        ),
        compiler_params=pltpu.CompilerParams(needs_layout_passes=False),
    )(_scp_body)
    return f(undo, qv_flat)


def _attn_body(qv_ref, ps_ref, pl_ref, o_ref):
    qv = qv_ref[0]
    scale = 1.0 / math.sqrt(DK)
    for j in range(L // RPC):
        lo = j * RPC
        qc = qv[lo:lo + RPC, :DK]
        if j == 0:
            ku = jnp.concatenate([qv[L - BL:], qv[:RPC]], axis=0)
            kp = jnp.concatenate(
                [pl_ref[0, :, L - BL:], pl_ref[0, :, :RPC]], axis=1)
        else:
            ku = qv[lo - BL:lo + RPC]
            kp = pl_ref[0, :, lo - BL:lo + RPC]
        kq = ku[:, :DK]
        vu = ku[:, DK:]
        nrm = jnp.sqrt(jnp.sum(kq * kq, axis=-1, keepdims=True)) + 1e-9
        kn = kq / nrm
        qp = ps_ref[0, lo:lo + RPC, :]
        d = kp - qp
        rb = lax.broadcasted_iota(jnp.int32, (RPC, UN), 0) // BL
        cb = lax.broadcasted_iota(jnp.int32, (RPC, UN), 1) // BL
        valid = (cb == rb) | (cb == rb + 1)
        s = lax.dot_general(
            qc.astype(jnp.bfloat16), kn.astype(jnp.bfloat16),
            (((1,), (1,)), ((), ())),
            preferred_element_type=jnp.float32) * scale
        s = jnp.where(d > 0, -1e9, s)
        s = jnp.where(d == 0, -1e5, s)
        s = jnp.where(valid, s, -3e38)
        m = jnp.max(s, axis=-1, keepdims=True)
        e = jnp.exp(s - m)
        se = jnp.sum(e, axis=-1, keepdims=True)
        p = e * (1.0 / se)
        lse = m + jnp.log(se)
        o = _bdot(p, vu)
        pad = jnp.zeros((RPC, VW - DK - 1), jnp.float32)
        o_ref[0, lo:lo + RPC, :] = jnp.concatenate([o, lse, pad], axis=-1)


def _attn_call(qvs, idx_s, idx_l):
    return pl.pallas_call(
        _attn_body,
        grid=(qvs.shape[0],),
        in_specs=[
            pl.BlockSpec((1, L, VW), lambda g: (g, 0, 0)),
            pl.BlockSpec((1, L, 1), lambda g: (g, 0, 0)),
            pl.BlockSpec((1, 1, L), lambda g: (g, 0, 0)),
        ],
        out_specs=pl.BlockSpec((1, L, VW), lambda g: (g, 0, 0)),
        out_shape=jax.ShapeDtypeStruct((qvs.shape[0], L, VW), jnp.float32),
    )(qvs, idx_s, idx_l)


def _scs_body(oe_hbm, idx_hbm, onat_hbm, idx_v, gidx_v,
              b0, b1, b2, b3, g0, g1, g2, g3, w0, w1, w2, w3):
  bufs = (b0, b1, b2, b3)
  gsems = (g0, g1, g2, g3)
  wsems = (w0, w1, w2, w3)
  wid = lax.axis_index("s") * 2 + lax.axis_index("c")
  for t in range(2):
    gl = wid * 2 + t
    g = gl
    r = g // (B * NH)
    b = (g // NH) % B
    h = g % NH
    base = (r * B + b) * (L * NH) + h
    pltpu.sync_copy(idx_hbm.at[gl], idx_v)

    def gx_body(i, _):
        ix = idx_v[pl.ds(i * 16, 16)]
        gidx_v[i // 8, pl.ds((i % 8) * 16, 16)] = ix * NH + base
        return 0
    lax.fori_loop(0, L // 16, gx_body, 0)

    def sc_body(i, _):
        cps = []
        for k in range(NBUF):
            c = i * NBUF + k
            cps.append(pltpu.async_copy(
                oe_hbm.at[gl, pl.ds(c * 128, 128)], bufs[k], gsems[k]))
        wps = []
        for k in range(NBUF):
            c = i * NBUF + k
            cps[k].wait()
            wps.append(pltpu.async_copy(
                bufs[k], onat_hbm.at[gidx_v.at[c]], wsems[k]))
        for k in range(NBUF):
            wps[k].wait()
        return 0
    lax.fori_loop(0, NCHK // NBUF, sc_body, 0)


def _scs_call(oext, idx):
    mesh = plsc.VectorSubcoreMesh(core_axis_name="c", subcore_axis_name="s")
    f = functools.partial(
        pl.kernel,
        out_type=[jax.ShapeDtypeStruct((NR * B * L * NH, VW), jnp.float32)],
        mesh=mesh,
        scratch_types=(
            [pltpu.VMEM((L,), jnp.int32),
             pltpu.VMEM((NCHK, 128), jnp.int32)]
            + [pltpu.VMEM((128, VW), jnp.float32)] * NBUF
            + [pltpu.SemaphoreType.DMA] * (2 * NBUF)
        ),
        compiler_params=pltpu.CompilerParams(needs_layout_passes=False),
    )(_scs_body)
    return f(oext, idx)[0]


def _ln(x, g, b):
    mu = jnp.mean(x, axis=-1, keepdims=True)
    var = jnp.mean((x - mu) ** 2, axis=-1, keepdims=True)
    return (x - mu) / jnp.sqrt(var + 1e-5) * g + b


def _ffn_body(x1_ref, x2_ref, w1_ref, b1_ref, w2_ref, b2_ref, lg_ref, y2_ref):
    x1 = x1_ref[0]
    hmid = jnp.maximum(_bdot(x1, w1_ref[...]) + b1_ref[...], 0.0)
    f = _bdot(hmid, w2_ref[...]) + b2_ref[...]
    y2_ref[0] = x2_ref[0] + _ln(f, lg_ref[0:1], lg_ref[1:2])


def _ffn_call(x1, x2, w1, b1, w2, b2, lg):
    return pl.pallas_call(
        _ffn_body,
        grid=(B, L // TD),
        in_specs=[
            pl.BlockSpec((1, TD, DM), lambda b, t: (b, t, 0)),
            pl.BlockSpec((1, TD, DM), lambda b, t: (b, t, 0)),
            pl.BlockSpec((DM, DFF), lambda b, t: (0, 0)),
            pl.BlockSpec((1, DFF), lambda b, t: (0, 0)),
            pl.BlockSpec((DFF, DM), lambda b, t: (0, 0)),
            pl.BlockSpec((1, DM), lambda b, t: (0, 0)),
            pl.BlockSpec((2, DM), lambda b, t: (0, 0)),
        ],
        out_specs=pl.BlockSpec((1, TD, DM), lambda b, t: (b, t, 0)),
        out_shape=jax.ShapeDtypeStruct((B, L, DM), jnp.float32),
    )(x1, x2, w1, b1.reshape(1, DFF), w2, b2.reshape(1, DM), lg)


def _comb_body(on_ref, x1_ref, wo_ref, bo_ref, lf_ref, y1_ref):
    ob0 = on_ref[0, 0]
    ob1 = on_ref[1, 0]
    l0 = ob0[:, :, DK:DK + 1]
    l1 = ob1[:, :, DK:DK + 1]
    m = jnp.maximum(l0, l1)
    e0 = jnp.exp(l0 - m)
    e1 = jnp.exp(l1 - m)
    attn = (e0 * ob0[:, :, :DK] + e1 * ob1[:, :, :DK]) / (e0 + e1)
    a = _bdot(attn.reshape(TD, DM), wo_ref[...]) + bo_ref[...]
    y1_ref[0] = x1_ref[0] + _ln(a, lf_ref[0:1], lf_ref[1:2])


def _comb_call(onat, x1, Wo, bo, lf):
    return pl.pallas_call(
        _comb_body,
        grid=(B, L // TD),
        in_specs=[
            pl.BlockSpec((NR, 1, TD, NH, VW), lambda b, t: (0, b, t, 0, 0)),
            pl.BlockSpec((1, TD, DM), lambda b, t: (b, t, 0)),
            pl.BlockSpec((DM, DM), lambda b, t: (0, 0)),
            pl.BlockSpec((1, DM), lambda b, t: (0, 0)),
            pl.BlockSpec((2, DM), lambda b, t: (0, 0)),
        ],
        out_specs=pl.BlockSpec((1, TD, DM), lambda b, t: (b, t, 0)),
        out_shape=jax.ShapeDtypeStruct((B, L, DM), jnp.float32),
    )(onat, x1, Wo, bo.reshape(1, DM), lf)


def kernel(x1, x2, Wq, bq, Wv, bv, Wo, bo, w1, b1, w2, b2,
           ln_f_g, ln_f_b, ln_g_g, ln_g_b):
    key = jax.random.key(42)
    q = (x2 @ Wq + bq).reshape(B, L, NH, DK).transpose(0, 2, 1, 3)
    qn = q / (jnp.linalg.norm(q, axis=-1, keepdims=True) + 1e-9)
    hs = []
    for r in range(NR):
        rk = jax.random.fold_in(key, r)
        R = jax.random.normal(rk, (DK, NB // 2), dtype=jnp.float32)
        R = R / (jnp.linalg.norm(R, axis=0, keepdims=True) + 1e-9)
        proj = jnp.einsum('bhld,dk->bhlk', qn, R)
        hs.append(jnp.argmax(jnp.concatenate([proj, -proj], axis=-1), axis=-1))
    hash_t = (jnp.stack(hs, 0).astype(jnp.int32)
              .reshape(G, NCHK, 128).transpose(0, 2, 1))

    qv = _proj_call(x2, Wq, bq, Wv, bv)
    undo_t = _sort_call(hash_t)
    undo = undo_t.transpose(0, 2, 1).reshape(G, L)
    qvs, idx = _scp_call(undo, qv.reshape(B * L * NH, VW))
    y2 = _ffn_call(x1, x2, w1, b1, w2, b2, jnp.stack([ln_g_g, ln_g_b]))
    oext = _attn_call(qvs, idx.reshape(G, L, 1), idx.reshape(G, 1, L))
    onat = _scs_call(oext, idx).reshape(NR, B, L, NH, VW)
    y1 = _comb_call(onat, x1, Wo, bo, jnp.stack([ln_f_g, ln_f_b]))
    return (y1, y2)

# --- scband reference (transcript-rebuilt; emitter-appended) ---
"""Pipeline reference for scband-reformer-layer-20255065768618 (READ-ONLY COPY).

The authoritative reference and input builder live on the scoring server;
editing this copy changes nothing except your own understanding.
"""

import jax, jax.numpy as jnp
import numpy as np
import math

D_MODEL = 1024
N_HEADS = 16
D_FF = 4096
ROUNDS = 2
BUCKET_LENGTH = 64
CHUNKS = 8
CAUSAL = True
D_K = D_MODEL // N_HEADS


def setup_inputs(seed: int = 0):
    key = jax.random.key(seed)
    ks = jax.random.split(key, 12)
    B, L = 2, 4096
    inp = {}
    inp['x1'] = jax.random.normal(ks[0], (B, L, D_MODEL), dtype=jnp.float32)
    inp['x2'] = jax.random.normal(ks[1], (B, L, D_MODEL), dtype=jnp.float32)
    inp['Wq'] = jax.random.normal(ks[2], (D_MODEL, D_MODEL), dtype=jnp.float32) * 0.02
    inp['bq'] = jnp.zeros((D_MODEL,), jnp.float32)
    inp['Wv'] = jax.random.normal(ks[3], (D_MODEL, D_MODEL), dtype=jnp.float32) * 0.02
    inp['bv'] = jnp.zeros((D_MODEL,), jnp.float32)
    inp['Wo'] = jax.random.normal(ks[4], (D_MODEL, D_MODEL), dtype=jnp.float32) * 0.02
    inp['bo'] = jnp.zeros((D_MODEL,), jnp.float32)
    inp['w1'] = jax.random.normal(ks[5], (D_MODEL, D_FF), dtype=jnp.float32) * 0.02
    inp['b1'] = jnp.zeros((D_FF,), jnp.float32)
    inp['w2'] = jax.random.normal(ks[6], (D_FF, D_MODEL), dtype=jnp.float32) * 0.02
    inp['b2'] = jnp.zeros((D_MODEL,), jnp.float32)
    inp['ln_f_g'] = jnp.ones((D_MODEL,), jnp.float32)
    inp['ln_f_b'] = jnp.zeros((D_MODEL,), jnp.float32)
    inp['ln_g_g'] = jnp.ones((D_MODEL,), jnp.float32)
    inp['ln_g_b'] = jnp.zeros((D_MODEL,), jnp.float32)
    return inp


def _layer_norm(x, g, b):
    mu = x.mean(-1, keepdims=True)
    var = ((x - mu) ** 2).mean(-1, keepdims=True)
    return (x - mu) / jnp.sqrt(var + 1e-5) * g + b


def _look_back(x):
    # x: [..., n_buckets, bucket_len, d] -> concat previous bucket along bucket_len axis
    shift = jnp.concatenate([x[..., -1:, :, :], x[..., :-1, :, :]], axis=-3)
    return jnp.concatenate([shift, x], axis=-2)


def _lsh_attention(x, Wq, bq, Wv, bv, Wo, bo, key):
    B, L, _ = x.shape
    q = (x @ Wq + bq).reshape(B, L, N_HEADS, D_K).transpose(0, 2, 1, 3)
    v = (x @ Wv + bv).reshape(B, L, N_HEADS, D_K).transpose(0, 2, 1, 3)
    nb = L // BUCKET_LENGTH
    qn = q / (jnp.linalg.norm(q, axis=-1, keepdims=True) + 1e-9)
    outs = []
    lses = []
    for r in range(ROUNDS):
        rk = jax.random.fold_in(key, r)
        R = jax.random.normal(rk, (D_K, nb // 2), dtype=jnp.float32)
        R = R / (jnp.linalg.norm(R, axis=0, keepdims=True) + 1e-9)
        proj = jnp.einsum('bhld,dk->bhlk', qn, R)
        hashes = jnp.argmax(jnp.concatenate([proj, -proj], axis=-1), axis=-1)  # [B,H,L]
        ts = hashes * L + jnp.arange(L)[None, None, :]
        idx = jnp.argsort(ts, axis=-1)          # sorted order -> original position
        undo = jnp.argsort(idx, axis=-1)        # original position -> sorted order
        sq = jnp.take_along_axis(q, idx[..., None], axis=2)
        sk = jnp.take_along_axis(qn, idx[..., None], axis=2)  # shared-QK, keys normalized
        sv = jnp.take_along_axis(v, idx[..., None], axis=2)
        bq_ = sq.reshape(B, N_HEADS, nb, BUCKET_LENGTH, D_K)
        bk_ = _look_back(sk.reshape(B, N_HEADS, nb, BUCKET_LENGTH, D_K))
        bv_ = _look_back(sv.reshape(B, N_HEADS, nb, BUCKET_LENGTH, D_K))
        pos = idx.reshape(B, N_HEADS, nb, BUCKET_LENGTH)
        kpos = _look_back(pos[..., None])[..., 0]
        scores = jnp.einsum('bhnid,bhnjd->bhnij', bq_, bk_) / math.sqrt(D_K)
        qp = pos[..., :, None]
        kp = kpos[..., None, :]
        if CAUSAL:
            scores = jnp.where(kp > qp, -1e9, scores)
        scores = jnp.where(kp == qp, -1e5, scores)  # discourage self-attention
        lse = jax.scipy.special.logsumexp(scores, axis=-1)  # [B,H,nb,bl]
        probs = jnp.exp(scores - lse[..., None])
        o = jnp.einsum('bhnij,bhnjd->bhnid', probs, bv_).reshape(B, N_HEADS, L, D_K)
        o = jnp.take_along_axis(o, undo[..., None], axis=2)
        lse_u = jnp.take_along_axis(lse.reshape(B, N_HEADS, L), undo, axis=2)
        outs.append(o)
        lses.append(lse_u)
    lses = jnp.stack(lses, axis=0)  # [R,B,H,L]
    w = jax.nn.softmax(lses, axis=0)
    out = sum(w[r][..., None] * outs[r] for r in range(ROUNDS))
    out = out.transpose(0, 2, 1, 3).reshape(B, L, D_MODEL)
    return out @ Wo + bo


def _chunk_ff(x, w1, b1, w2, b2):
    parts = jnp.split(x, CHUNKS, axis=1)
    outs = [jax.nn.relu(p @ w1 + b1) @ w2 + b2 for p in parts]
    return jnp.concatenate(outs, axis=1)


def reference(x1, x2, Wq, bq, Wv, bv, Wo, bo, w1, b1, w2, b2, ln_f_g, ln_f_b, ln_g_g, ln_g_b):
    key = jax.random.key(42)
    a = _lsh_attention(x2, Wq, bq, Wv, bv, Wo, bo, key)
    y1 = x1 + _layer_norm(a, ln_f_g, ln_f_b)
    f = _chunk_ff(x1, w1, b1, w2, b2)
    y2 = x2 + _layer_norm(f, ln_g_g, ln_g_b)
    return (y1, y2)

if __name__ == "__main__":
    import jax
    _d = setup_inputs()
    print(jax.jit(kernel)(*tuple(_d.values())))

</pallas_src>

<mosaic_0001>
#map = affine_map<(d0, d1) -> (0, 0, 0)>
#map1 = affine_map<(d0, d1) -> (0, 0)>
module attributes {stable_mosaic.version = 14 : i64} {
  func.func @_scs_body(%arg0: i32, %arg1: i32, %arg2: memref<64x4096x128xf32, #tpu.memory_space<hbm>>, %arg3: memref<64x4096xi32, #tpu.memory_space<hbm>>, %arg4: memref<262144x128xf32, #tpu.memory_space<hbm>>, %arg5: memref<4096xi32, #tpu.memory_space<vmem>>, %arg6: memref<32x128xi32, #tpu.memory_space<vmem>>, %arg7: memref<128x128xf32, #tpu.memory_space<vmem>>, %arg8: memref<128x128xf32, #tpu.memory_space<vmem>>, %arg9: memref<128x128xf32, #tpu.memory_space<vmem>>, %arg10: memref<128x128xf32, #tpu.memory_space<vmem>>, %arg11: memref<!tpu.dma_semaphore, #tpu.memory_space<semaphore_mem>>, %arg12: memref<!tpu.dma_semaphore, #tpu.memory_space<semaphore_mem>>, %arg13: memref<!tpu.dma_semaphore, #tpu.memory_space<semaphore_mem>>, %arg14: memref<!tpu.dma_semaphore, #tpu.memory_space<semaphore_mem>>, %arg15: memref<!tpu.dma_semaphore, #tpu.memory_space<semaphore_mem>>, %arg16: memref<!tpu.dma_semaphore, #tpu.memory_space<semaphore_mem>>, %arg17: memref<!tpu.dma_semaphore, #tpu.memory_space<semaphore_mem>>, %arg18: memref<!tpu.dma_semaphore, #tpu.memory_space<semaphore_mem>>) attributes {dimension_semantics = [#tpu.dimension_semantics<core_parallel>, #tpu.dimension_semantics<subcore_parallel>], iteration_bounds = array<i64: 2, 16>, scalar_prefetch = 0 : i64, scratch_operands = 14 : i64, tpu.core_type = #tpu.core_type<sc_vector_subcore>, window_params = [{transform_indices = #map}, {transform_indices = #map1}, {transform_indices = #map1}]} {
    %mul3A = arith.constant 2 : i32
    %mul3A_0 = arith.muli %arg1, %mul3A : i32
    %add3A = arith.addi %mul3A_0, %arg0 : i32
    %mul3A_1 = arith.constant 2 : i32
    %mul3A_2 = arith.muli %add3A, %mul3A_1 : i32
    %add3A_3 = arith.constant 0 : i32
    %add3A_4 = arith.addi %mul3A_2, %add3A_3 : i32
    %jit3A = arith.constant 32 : i32
    %div3A = arith.divsi %add3A_4, %jit3A : i32
    %sign3A = arith.constant 0 : i32
    %sign3A_5 = arith.cmpi sgt, %add3A_4, %sign3A : i32
    %sign3A_6 = arith.extui %sign3A_5 : i1 to i32
    %sign3A_7 = arith.constant 0 : i32
    %sign3A_8 = arith.cmpi slt, %add3A_4, %sign3A_7 : i32
    %sign3A_9 = arith.extui %sign3A_8 : i1 to i32
    %sign3A_10 = arith.subi %sign3A_6, %sign3A_9 : i32
    %sign3A_11 = arith.constant 0 : i32
    %sign3A_12 = arith.cmpi sgt, %jit3A, %sign3A_11 : i32
    %sign3A_13 = arith.extui %sign3A_12 : i1 to i32
    %sign3A_14 = arith.constant 0 : i32
    %sign3A_15 = arith.cmpi slt, %jit3A, %sign3A_14 : i32
    %sign3A_16 = arith.extui %sign3A_15 : i1 to i32
    %sign3A_17 = arith.subi %sign3A_13, %sign3A_16 : i32
    %ne3A = arith.cmpi ne, %sign3A_10, %sign3A_17 : i32
    %rem3A = arith.remsi %add3A_4, %jit3A : i32
    %ne3A_18 = arith.constant 0 : i32
    %ne3A_19 = arith.cmpi ne, %rem3A, %ne3A_18 : i32
    %and3A = arith.andi %ne3A, %ne3A_19 : i1
    %sub3A = arith.constant 1 : i32
    %sub3A_20 = arith.subi %div3A, %sub3A : i32
    %select_n3A = arith.select %and3A, %sub3A_20, %div3A : i32
    %jit3A_21 = arith.constant 16 : i32
    %div3A_22 = arith.divsi %add3A_4, %jit3A_21 : i32
    %sign3A_23 = arith.constant 0 : i32
    %sign3A_24 = arith.cmpi sgt, %add3A_4, %sign3A_23 : i32
    %sign3A_25 = arith.extui %sign3A_24 : i1 to i32
    %sign3A_26 = arith.constant 0 : i32
    %sign3A_27 = arith.cmpi slt, %add3A_4, %sign3A_26 : i32
    %sign3A_28 = arith.extui %sign3A_27 : i1 to i32
    %sign3A_29 = arith.subi %sign3A_25, %sign3A_28 : i32
    %sign3A_30 = arith.constant 0 : i32
    %sign3A_31 = arith.cmpi sgt, %jit3A_21, %sign3A_30 : i32
    %sign3A_32 = arith.extui %sign3A_31 : i1 to i32
    %sign3A_33 = arith.constant 0 : i32
    %sign3A_34 = arith.cmpi slt, %jit3A_21, %sign3A_33 : i32
    %sign3A_35 = arith.extui %sign3A_34 : i1 to i32
    %sign3A_36 = arith.subi %sign3A_32, %sign3A_35 : i32
    %ne3A_37 = arith.cmpi ne, %sign3A_29, %sign3A_36 : i32
    %rem3A_38 = arith.remsi %add3A_4, %jit3A_21 : i32
    %ne3A_39 = arith.constant 0 : i32
    %ne3A_40 = arith.cmpi ne, %rem3A_38, %ne3A_39 : i32
    %and3A_41 = arith.andi %ne3A_37, %ne3A_40 : i1
    %sub3A_42 = arith.constant 1 : i32
    %sub3A_43 = arith.subi %div3A_22, %sub3A_42 : i32
    %select_n3A_44 = arith.select %and3A_41, %sub3A_43, %div3A_22 : i32
    %jit3A_45 = arith.constant 2 : i32
    %eq3A = arith.constant 0 : i32
    %eq3A_46 = arith.cmpi eq, %jit3A_45, %eq3A : i32
    %jit3A_47 = arith.constant 1 : i32
    %select_n3A_48 = arith.select %eq3A_46, %jit3A_47, %jit3A_45 : i32
    %rem3A_49 = arith.remsi %select_n3A_44, %select_n3A_48 : i32
    %ne3A_50 = arith.constant 0 : i32
    %ne3A_51 = arith.cmpi ne, %rem3A_49, %ne3A_50 : i32
    %lt3A = arith.constant 0 : i32
    %lt3A_52 = arith.cmpi slt, %rem3A_49, %lt3A : i32
    %lt3A_53 = arith.constant 0 : i32
    %lt3A_54 = arith.cmpi slt, %select_n3A_48, %lt3A_53 : i32
    %ne3A_55 = arith.xori %lt3A_52, %lt3A_54 : i1
    %and3A_56 = arith.andi %ne3A_55, %ne3A_51 : i1
    %add3A_57 = arith.addi %rem3A_49, %select_n3A_48 : i32
    %select_n3A_58 = arith.select %and3A_56, %add3A_57, %rem3A_49 : i32
    %jit3A_59 = arith.constant 16 : i32
    %eq3A_60 = arith.constant 0 : i32
    %eq3A_61 = arith.cmpi eq, %jit3A_59, %eq3A_60 : i32
    %jit3A_62 = arith.constant 1 : i32
    %select_n3A_63 = arith.select %eq3A_61, %jit3A_62, %jit3A_59 : i32
    %rem3A_64 = arith.remsi %add3A_4, %select_n3A_63 : i32
    %ne3A_65 = arith.constant 0 : i32
    %ne3A_66 = arith.cmpi ne, %rem3A_64, %ne3A_65 : i32
    %lt3A_67 = arith.constant 0 : i32
    %lt3A_68 = arith.cmpi slt, %rem3A_64, %lt3A_67 : i32
    %lt3A_69 = arith.constant 0 : i32
    %lt3A_70 = arith.cmpi slt, %select_n3A_63, %lt3A_69 : i32
    %ne3A_71 = arith.xori %lt3A_68, %lt3A_70 : i1
    %and3A_72 = arith.andi %ne3A_71, %ne3A_66 : i1
    %add3A_73 = arith.addi %rem3A_64, %select_n3A_63 : i32
    %select_n3A_74 = arith.select %and3A_72, %add3A_73, %rem3A_64 : i32
    %mul3A_75 = arith.constant 2 : i32
    %mul3A_76 = arith.muli %select_n3A, %mul3A_75 : i32
    %add3A_77 = arith.addi %mul3A_76, %select_n3A_58 : i32
    %mul3A_78 = arith.constant 65536 : i32
    %mul3A_79 = arith.muli %add3A_77, %mul3A_78 : i32
    %add3A_80 = arith.addi %mul3A_79, %select_n3A_74 : i32
    "tpu.region"() ({
      %run_scoped3A = tpu.sem_alloc : memref<!tpu.dma_semaphore, #tpu.memory_space<semaphore_mem>>
      %dma_start3A = arith.constant 0 : i32
      %dma_start3A_198 = tpu.memref_slice %arg3[%add3A_4, %dma_start3A] : memref<64x4096xi32, #tpu.memory_space<hbm>> -> memref<1x4096xi32, #tpu.memory_space<hbm>>
      %dma_start3A_199 = tpu.memref_squeeze %dma_start3A_198 : memref<1x4096xi32, #tpu.memory_space<hbm>> -> memref<4096xi32, #tpu.memory_space<hbm>>
      %dma_start3A_200 = arith.constant 0 : i32
      %dma_start3A_201 = tpu.memref_slice %arg3[%add3A_4, %dma_start3A_200] : memref<64x4096xi32, #tpu.memory_space<hbm>> -> memref<1x4096xi32, #tpu.memory_space<hbm>>
      %dma_start3A_202 = tpu.memref_squeeze %dma_start3A_201 : memref<1x4096xi32, #tpu.memory_space<hbm>> -> memref<4096xi32, #tpu.memory_space<hbm>>
      tpu.enqueue_dma source(%dma_start3A_202 : memref<4096xi32, #tpu.memory_space<hbm>>) target(%arg5 : memref<4096xi32, #tpu.memory_space<vmem>>) target_semaphore(%run_scoped3A : memref<!tpu.dma_semaphore, #tpu.memory_space<semaphore_mem>>)
      %dma_wait3A = arith.constant 0 : i32
      %dma_wait3A_203 = tpu.memref_slice %arg3[%add3A_4, %dma_wait3A] : memref<64x4096xi32, #tpu.memory_space<hbm>> -> memref<1x4096xi32, #tpu.memory_space<hbm>>
      %dma_wait3A_204 = tpu.memref_squeeze %dma_wait3A_203 : memref<1x4096xi32, #tpu.memory_space<hbm>> -> memref<4096xi32, #tpu.memory_space<hbm>>
      %dma_wait3A_205 = arith.constant 0 : i32
      %dma_wait3A_206 = tpu.memref_slice %arg3[%add3A_4, %dma_wait3A_205] : memref<64x4096xi32, #tpu.memory_space<hbm>> -> memref<1x4096xi32, #tpu.memory_space<hbm>>
      %dma_wait3A_207 = tpu.memref_squeeze %dma_wait3A_206 : memref<1x4096xi32, #tpu.memory_space<hbm>> -> memref<4096xi32, #tpu.memory_space<hbm>>
      tpu.wait_dma2 semaphore(%run_scoped3A : memref<!tpu.dma_semaphore, #tpu.memory_space<semaphore_mem>>) src(%dma_wait3A_207 : memref<4096xi32, #tpu.memory_space<hbm>>) dst(%arg5 : memref<4096xi32, #tpu.memory_space<vmem>>)
      tpu.yield
    }) : () -> ()
    %scan3A = arith.constant 0 : i32
    %scan3A_81 = arith.constant 0 : i32
    %scan3A_82 = arith.constant 256 : i32
    %scan3A_83 = arith.addi %scan3A_81, %scan3A_82 : i32
    %scan3A_84 = arith.constant 1 : i32
    %scan3A_85 = scf.for %scan3A_198 = %scan3A_81 to %scan3A_83 step %scan3A_84 iter_args(%scan3A_199 = %scan3A) -> (i32)  : i32 {
      %mul3A_200 = arith.constant 16 : i32
      %mul3A_201 = arith.muli %scan3A_198, %mul3A_200 : i32
      %get3A = arith.index_cast %mul3A_201 : i32 to index
      %get3A_202 = tpu.vector_load %arg5[%get3A] {strides = array<i32>} : memref<4096xi32, #tpu.memory_space<vmem>>, vector<16xi32>,
      %mul3A_203 = arith.constant 16 : i32
      %mul3A_204 = vector.broadcast %mul3A_203 : i32 to vector<16xi32>
      %mul3A_205 = arith.muli %get3A_202, %mul3A_204 : vector<16xi32>
      %add3A_206 = vector.broadcast %add3A_80 : i32 to vector<16xi32>
      %add3A_207 = arith.addi %mul3A_205, %add3A_206 : vector<16xi32>
      %jit3A_208 = arith.constant 8 : i32
      %div3A_209 = arith.divsi %scan3A_198, %jit3A_208 : i32
      %sign3A_210 = arith.constant 0 : i32
      %sign3A_211 = arith.cmpi sgt, %scan3A_198, %sign3A_210 : i32
      %sign3A_212 = arith.extui %sign3A_211 : i1 to i32
      %sign3A_213 = arith.constant 0 : i32
      %sign3A_214 = arith.cmpi slt, %scan3A_198, %sign3A_213 : i32
      %sign3A_215 = arith.extui %sign3A_214 : i1 to i32
      %sign3A_216 = arith.subi %sign3A_212, %sign3A_215 : i32
      %sign3A_217 = arith.constant 0 : i32
      %sign3A_218 = arith.cmpi sgt, %jit3A_208, %sign3A_217 : i32
      %sign3A_219 = arith.extui %sign3A_218 : i1 to i32
      %sign3A_220 = arith.constant 0 : i32
      %sign3A_221 = arith.cmpi slt, %jit3A_208, %sign3A_220 : i32
      %sign3A_222 = arith.extui %sign3A_221 : i1 to i32
      %sign3A_223 = arith.subi %sign3A_219, %sign3A_222 : i32
      %ne3A_224 = arith.cmpi ne, %sign3A_216, %sign3A_223 : i32
      %rem3A_225 = arith.remsi %scan3A_198, %jit3A_208 : i32
      %ne3A_226 = arith.constant 0 : i32
      %ne3A_227 = arith.cmpi ne, %rem3A_225, %ne3A_226 : i32
      %and3A_228 = arith.andi %ne3A_224, %ne3A_227 : i1
      %sub3A_229 = arith.constant 1 : i32
      %sub3A_230 = arith.subi %div3A_209, %sub3A_229 : i32
      %select_n3A_231 = arith.select %and3A_228, %sub3A_230, %div3A_209 : i32
      %jit3A_232 = arith.constant 8 : i32
      %eq3A_233 = arith.constant 0 : i32
      %eq3A_234 = arith.cmpi eq, %jit3A_232, %eq3A_233 : i32
      %jit3A_235 = arith.constant 1 : i32
      %select_n3A_236 = arith.select %eq3A_234, %jit3A_235, %jit3A_232 : i32
      %rem3A_237 = arith.remsi %scan3A_198, %select_n3A_236 : i32
      %ne3A_238 = arith.constant 0 : i32
      %ne3A_239 = arith.cmpi ne, %rem3A_237, %ne3A_238 : i32
      %lt3A_240 = arith.constant 0 : i32
      %lt3A_241 = arith.cmpi slt, %rem3A_237, %lt3A_240 : i32
      %lt3A_242 = arith.constant 0 : i32
      %lt3A_243 = arith.cmpi slt, %select_n3A_236, %lt3A_242 : i32
      %ne3A_244 = arith.xori %lt3A_241, %lt3A_243 : i1
      %and3A_245 = arith.andi %ne3A_244, %ne3A_239 : i1
      %add3A_246 = arith.addi %rem3A_237, %select_n3A_236 : i32
      %select_n3A_247 = arith.select %and3A_245, %add3A_246, %rem3A_237 : i32
      %mul3A_248 = arith.constant 16 : i32
      %mul3A_249 = arith.muli %select_n3A_247, %mul3A_248 : i32
      %swap3A = arith.index_cast %select_n3A_231 : i32 to index
      %swap3A_250 = arith.index_cast %mul3A_249 : i32 to index
      %swap3A_251 = tpu.vector_load %arg6[%swap3A, %swap3A_250] {strides = array<i32>} : memref<32x128xi32, #tpu.memory_space<vmem>>, vector<16xi32>,
      tpu.vector_store %arg6[%swap3A, %swap3A_250], %add3A_207 {strides = array<i32>} : memref<32x128xi32, #tpu.memory_space<vmem>>, vector<16xi32>,
      %scan3A_252 = arith.constant 0 : i32
      scf.yield %scan3A_252 : i32
    }
    %scan3A_86 = arith.constant 256 : i32
    %scan3A_87 = arith.constant 0 : i32
    %scan3A_88 = arith.constant 0 : i32
    %scan3A_89 = arith.constant 8 : i32
    %scan3A_90 = arith.addi %scan3A_88, %scan3A_89 : i32
    %scan3A_91 = arith.constant 1 : i32
    %scan3A_92 = scf.for %scan3A_198 = %scan3A_88 to %scan3A_90 step %scan3A_91 iter_args(%scan3A_199 = %scan3A_87) -> (i32)  : i32 {
      %mul3A_200 = arith.constant 4 : i32
      %mul3A_201 = arith.muli %scan3A_198, %mul3A_200 : i32
      %add3A_202 = arith.constant 0 : i32
      %add3A_203 = arith.addi %mul3A_201, %add3A_202 : i32
      %mul3A_204 = arith.constant 128 : i32
      %mul3A_205 = arith.muli %add3A_203, %mul3A_204 : i32
      %dma_start3A = arith.constant 0 : i32
      %dma_start3A_206 = tpu.memref_slice %arg2[%add3A_4, %mul3A_205, %dma_start3A] : memref<64x4096x128xf32, #tpu.memory_space<hbm>> -> memref<1x128x128xf32, #tpu.memory_space<hbm>>
      %dma_start3A_207 = tpu.memref_squeeze %dma_start3A_206 : memref<1x128x128xf32, #tpu.memory_space<hbm>> -> memref<128x128xf32, #tpu.memory_space<hbm>>
      %dma_start3A_208 = arith.constant 0 : i32
      %dma_start3A_209 = tpu.memref_slice %arg2[%add3A_4, %mul3A_205, %dma_start3A_208] : memref<64x4096x128xf32, #tpu.memory_space<hbm>> -> memref<1x128x128xf32, #tpu.memory_space<hbm>>
      %dma_start3A_210 = tpu.memref_squeeze %dma_start3A_209 : memref<1x128x128xf32, #tpu.memory_space<hbm>> -> memref<128x128xf32, #tpu.memory_space<hbm>>
      tpu.enqueue_dma source(%dma_start3A_210 : memref<128x128xf32, #tpu.memory_space<hbm>>) target(%arg7 : memref<128x128xf32, #tpu.memory_space<vmem>>) target_semaphore(%arg11 : memref<!tpu.dma_semaphore, #tpu.memory_space<semaphore_mem>>)
      %mul3A_211 = arith.constant 4 : i32
      %mul3A_212 = arith.muli %scan3A_198, %mul3A_211 : i32
      %add3A_213 = arith.constant 1 : i32
      %add3A_214 = arith.addi %mul3A_212, %add3A_213 : i32
      %mul3A_215 = arith.constant 128 : i32
      %mul3A_216 = arith.muli %add3A_214, %mul3A_215 : i32
      %dma_start3A_217 = arith.constant 0 : i32
      %dma_start3A_218 = tpu.memref_slice %arg2[%add3A_4, %mul3A_216, %dma_start3A_217] : memref<64x4096x128xf32, #tpu.memory_space<hbm>> -> memref<1x128x128xf32, #tpu.memory_space<hbm>>
      %dma_start3A_219 = tpu.memref_squeeze %dma_start3A_218 : memref<1x128x128xf32, #tpu.memory_space<hbm>> -> memref<128x128xf32, #tpu.memory_space<hbm>>
      %dma_start3A_220 = arith.constant 0 : i32
      %dma_start3A_221 = tpu.memref_slice %arg2[%add3A_4, %mul3A_216, %dma_start3A_220] : memref<64x4096x128xf32, #tpu.memory_space<hbm>> -> memref<1x128x128xf32, #tpu.memory_space<hbm>>
      %dma_start3A_222 = tpu.memref_squeeze %dma_start3A_221 : memref<1x128x128xf32, #tpu.memory_space<hbm>> -> memref<128x128xf32, #tpu.memory_space<hbm>>
      tpu.enqueue_dma source(%dma_start3A_222 : memref<128x128xf32, #tpu.memory_space<hbm>>) target(%arg8 : memref<128x128xf32, #tpu.memory_space<vmem>>) target_semaphore(%arg12 : memref<!tpu.dma_semaphore, #tpu.memory_space<semaphore_mem>>)
      %mul3A_223 = arith.constant 4 : i32
      %mul3A_224 = arith.muli %scan3A_198, %mul3A_223 : i32
      %add3A_225 = arith.constant 2 : i32
      %add3A_226 = arith.addi %mul3A_224, %add3A_225 : i32
      %mul3A_227 = arith.constant 128 : i32
      %mul3A_228 = arith.muli %add3A_226, %mul3A_227 : i32
      %dma_start3A_229 = arith.constant 0 : i32
      %dma_start3A_230 = tpu.memref_slice %arg2[%add3A_4, %mul3A_228, %dma_start3A_229] : memref<64x4096x128xf32, #tpu.memory_space<hbm>> -> memref<1x128x128xf32, #tpu.memory_space<hbm>>
      %dma_start3A_231 = tpu.memref_squeeze %dma_start3A_230 : memref<1x128x128xf32, #tpu.memory_space<hbm>> -> memref<128x128xf32, #tpu.memory_space<hbm>>
      %dma_start3A_232 = arith.constant 0 : i32
      %dma_start3A_233 = tpu.memref_slice %arg2[%add3A_4, %mul3A_228, %dma_start3A_232] : memref<64x4096x128xf32, #tpu.memory_space<hbm>> -> memref<1x128x128xf32, #tpu.memory_space<hbm>>
      %dma_start3A_234 = tpu.memref_squeeze %dma_start3A_233 : memref<1x128x128xf32, #tpu.memory_space<hbm>> -> memref<128x128xf32, #tpu.memory_space<hbm>>
      tpu.enqueue_dma source(%dma_start3A_234 : memref<128x128xf32, #tpu.memory_space<hbm>>) target(%arg9 : memref<128x128xf32, #tpu.memory_space<vmem>>) target_semaphore(%arg13 : memref<!tpu.dma_semaphore, #tpu.memory_space<semaphore_mem>>)
      %mul3A_235 = arith.constant 4 : i32
      %mul3A_236 = arith.muli %scan3A_198, %mul3A_235 : i32
      %add3A_237 = arith.constant 3 : i32
      %add3A_238 = arith.addi %mul3A_236, %add3A_237 : i32
      %mul3A_239 = arith.constant 128 : i32
      %mul3A_240 = arith.muli %add3A_238, %mul3A_239 : i32
      %dma_start3A_241 = arith.constant 0 : i32
      %dma_start3A_242 = tpu.memref_slice %arg2[%add3A_4, %mul3A_240, %dma_start3A_241] : memref<64x4096x128xf32, #tpu.memory_space<hbm>> -> memref<1x128x128xf32, #tpu.memory_space<hbm>>
      %dma_start3A_243 = tpu.memref_squeeze %dma_start3A_242 : memref<1x128x128xf32, #tpu.memory_space<hbm>> -> memref<128x128xf32, #tpu.memory_space<hbm>>
      %dma_start3A_244 = arith.constant 0 : i32
      %dma_start3A_245 = tpu.memref_slice %arg2[%add3A_4, %mul3A_240, %dma_start3A_244] : memref<64x4096x128xf32, #tpu.memory_space<hbm>> -> memref<1x128x128xf32, #tpu.memory_space<hbm>>
      %dma_start3A_246 = tpu.memref_squeeze %dma_start3A_245 : memref<1x128x128xf32, #tpu.memory_space<hbm>> -> memref<128x128xf32, #tpu.memory_space<hbm>>
      tpu.enqueue_dma source(%dma_start3A_246 : memref<128x128xf32, #tpu.memory_space<hbm>>) target(%arg10 : memref<128x128xf32, #tpu.memory_space<vmem>>) target_semaphore(%arg14 : memref<!tpu.dma_semaphore, #tpu.memory_space<semaphore_mem>>)
      %mul3A_247 = arith.constant 4 : i32
      %mul3A_248 = arith.muli %scan3A_198, %mul3A_247 : i32
      %add3A_249 = arith.constant 0 : i32
      %add3A_250 = arith.addi %mul3A_248, %add3A_249 : i32
      %dma_wait3A = arith.constant 0 : i32
      %dma_wait3A_251 = tpu.memref_slice %arg2[%add3A_4, %mul3A_205, %dma_wait3A] : memref<64x4096x128xf32, #tpu.memory_space<hbm>> -> memref<1x128x128xf32, #tpu.memory_space<hbm>>
      %dma_wait3A_252 = tpu.memref_squeeze %dma_wait3A_251 : memref<1x128x128xf32, #tpu.memory_space<hbm>> -> memref<128x128xf32, #tpu.memory_space<hbm>>
      %dma_wait3A_253 = arith.constant 0 : i32
      %dma_wait3A_254 = tpu.memref_slice %arg2[%add3A_4, %mul3A_205, %dma_wait3A_253] : memref<64x4096x128xf32, #tpu.memory_space<hbm>> -> memref<1x128x128xf32, #tpu.memory_space<hbm>>
      %dma_wait3A_255 = tpu.memref_squeeze %dma_wait3A_254 : memref<1x128x128xf32, #tpu.memory_space<hbm>> -> memref<128x128xf32, #tpu.memory_space<hbm>>
      tpu.wait_dma2 semaphore(%arg11 : memref<!tpu.dma_semaphore, #tpu.memory_space<semaphore_mem>>) src(%dma_wait3A_255 : memref<128x128xf32, #tpu.memory_space<hbm>>) dst(%arg7 : memref<128x128xf32, #tpu.memory_space<vmem>>)
      %dma_start3A_256 = arith.constant 0 : i32
      %dma_start3A_257 = tpu.memref_slice %arg6[%add3A_250, %dma_start3A_256] : memref<32x128xi32, #tpu.memory_space<vmem>> -> memref<1x128xi32, #tpu.memory_space<vmem>>
      %dma_start3A_258 = tpu.memref_squeeze %dma_start3A_257 : memref<1x128xi32, #tpu.memory_space<vmem>> -> memref<128xi32, #tpu.memory_space<vmem>>
      %dma_start3A_259 = arith.constant 0 : i32
      %dma_start3A_260 = arith.constant 0 : i32
      %dma_start3A_261 = tpu.memref_slice %arg4[%dma_start3A_259, %dma_start3A_260] : memref<262144x128xf32, #tpu.memory_space<hbm>> -> memref<262144x128xf32, #tpu.memory_space<hbm>>
      tpu.enqueue_indirect_dma source(%arg7 : memref<128x128xf32, #tpu.memory_space<vmem>>) target(%dma_start3A_261 : memref<262144x128xf32, #tpu.memory_space<hbm>>) offsets(%dma_start3A_258 : memref<128xi32, #tpu.memory_space<vmem>>) semaphore(%arg15 : memref<!tpu.dma_semaphore, #tpu.memory_space<semaphore_mem>>)
      %mul3A_262 = arith.constant 4 : i32
      %mul3A_263 = arith.muli %scan3A_198, %mul3A_262 : i32
      %add3A_264 = arith.constant 1 : i32
      %add3A_265 = arith.addi %mul3A_263, %add3A_264 : i32
      %dma_wait3A_266 = arith.constant 0 : i32
      %dma_wait3A_267 = tpu.memref_slice %arg2[%add3A_4, %mul3A_216, %dma_wait3A_266] : memref<64x4096x128xf32, #tpu.memory_space<hbm>> -> memref<1x128x128xf32, #tpu.memory_space<hbm>>
      %dma_wait3A_268 = tpu.memref_squeeze %dma_wait3A_267 : memref<1x128x128xf32, #tpu.memory_space<hbm>> -> memref<128x128xf32, #tpu.memory_space<hbm>>
      %dma_wait3A_269 = arith.constant 0 : i32
      %dma_wait3A_270 = tpu.memref_slice %arg2[%add3A_4, %mul3A_216, %dma_wait3A_269] : memref<64x4096x128xf32, #tpu.memory_space<hbm>> -> memref<1x128x128xf32, #tpu.memory_space<hbm>>
      %dma_wait3A_271 = tpu.memref_squeeze %dma_wait3A_270 : memref<1x128x128xf32, #tpu.memory_space<hbm>> -> memref<128x128xf32, #tpu.memory_space<hbm>>
      tpu.wait_dma2 semaphore(%arg12 : memref<!tpu.dma_semaphore, #tpu.memory_space<semaphore_mem>>) src(%dma_wait3A_271 : memref<128x128xf32, #tpu.memory_space<hbm>>) dst(%arg8 : memref<128x128xf32, #tpu.memory_space<vmem>>)
      %dma_start3A_272 = arith.constant 0 : i32
      %dma_start3A_273 = tpu.memref_slice %arg6[%add3A_265, %dma_start3A_272] : memref<32x128xi32, #tpu.memory_space<vmem>> -> memref<1x128xi32, #tpu.memory_space<vmem>>
      %dma_start3A_274 = tpu.memref_squeeze %dma_start3A_273 : memref<1x128xi32, #tpu.memory_space<vmem>> -> memref<128xi32, #tpu.memory_space<vmem>>
      %dma_start3A_275 = arith.constant 0 : i32
      %dma_start3A_276 = arith.constant 0 : i32
      %dma_start3A_277 = tpu.memref_slice %arg4[%dma_start3A_275, %dma_start3A_276] : memref<262144x128xf32, #tpu.memory_space<hbm>> -> memref<262144x128xf32, #tpu.memory_space<hbm>>
      tpu.enqueue_indirect_dma source(%arg8 : memref<128x128xf32, #tpu.memory_space<vmem>>) target(%dma_start3A_277 : memref<262144x128xf32, #tpu.memory_space<hbm>>) offsets(%dma_start3A_274 : memref<128xi32, #tpu.memory_space<vmem>>) semaphore(%arg16 : memref<!tpu.dma_semaphore, #tpu.memory_space<semaphore_mem>>)
      %mul3A_278 = arith.constant 4 : i32
      %mul3A_279 = arith.muli %scan3A_198, %mul3A_278 : i32
      %add3A_280 = arith.constant 2 : i32
      %add3A_281 = arith.addi %mul3A_279, %add3A_280 : i32
      %dma_wait3A_282 = arith.constant 0 : i32
      %dma_wait3A_283 = tpu.memref_slice %arg2[%add3A_4, %mul3A_228, %dma_wait3A_282] : memref<64x4096x128xf32, #tpu.memory_space<hbm>> -> memref<1x128x128xf32, #tpu.memory_space<hbm>>
      %dma_wait3A_284 = tpu.memref_squeeze %dma_wait3A_283 : memref<1x128x128xf32, #tpu.memory_space<hbm>> -> memref<128x128xf32, #tpu.memory_space<hbm>>
      %dma_wait3A_285 = arith.constant 0 : i32
      %dma_wait3A_286 = tpu.memref_slice %arg2[%add3A_4, %mul3A_228, %dma_wait3A_285] : memref<64x4096x128xf32, #tpu.memory_space<hbm>> -> memref<1x128x128xf32, #tpu.memory_space<hbm>>
      %dma_wait3A_287 = tpu.memref_squeeze %dma_wait3A_286 : memref<1x128x128xf32, #tpu.memory_space<hbm>> -> memref<128x128xf32, #tpu.memory_space<hbm>>
      tpu.wait_dma2 semaphore(%arg13 : memref<!tpu.dma_semaphore, #tpu.memory_space<semaphore_mem>>) src(%dma_wait3A_287 : memref<128x128xf32, #tpu.memory_space<hbm>>) dst(%arg9 : memref<128x128xf32, #tpu.memory_space<vmem>>)
      %dma_start3A_288 = arith.constant 0 : i32
      %dma_start3A_289 = tpu.memref_slice %arg6[%add3A_281, %dma_start3A_288] : memref<32x128xi32, #tpu.memory_space<vmem>> -> memref<1x128xi32, #tpu.memory_space<vmem>>
      %dma_start3A_290 = tpu.memref_squeeze %dma_start3A_289 : memref<1x128xi32, #tpu.memory_space<vmem>> -> memref<128xi32, #tpu.memory_space<vmem>>
      %dma_start3A_291 = arith.constant 0 : i32
      %dma_start3A_292 = arith.constant 0 : i32
      %dma_start3A_293 = tpu.memref_slice %arg4[%dma_start3A_291, %dma_start3A_292] : memref<262144x128xf32, #tpu.memory_space<hbm>> -> memref<262144x128xf32, #tpu.memory_space<hbm>>
      tpu.enqueue_indirect_dma source(%arg9 : memref<128x128xf32, #tpu.memory_space<vmem>>) target(%dma_start3A_293 : memref<262144x128xf32, #tpu.memory_space<hbm>>) offsets(%dma_start3A_290 : memref<128xi32, #tpu.memory_space<vmem>>) semaphore(%arg17 : memref<!tpu.dma_semaphore, #tpu.memory_space<semaphore_mem>>)
      %mul3A_294 = arith.constant 4 : i32
      %mul3A_295 = arith.muli %scan3A_198, %mul3A_294 : i32
      %add3A_296 = arith.constant 3 : i32
      %add3A_297 = arith.addi %mul3A_295, %add3A_296 : i32
      %dma_wait3A_298 = arith.constant 0 : i32
      %dma_wait3A_299 = tpu.memref_slice %arg2[%add3A_4, %mul3A_240, %dma_wait3A_298] : memref<64x4096x128xf32, #tpu.memory_space<hbm>> -> memref<1x128x128xf32, #tpu.memory_space<hbm>>
      %dma_wait3A_300 = tpu.memref_squeeze %dma_wait3A_299 : memref<1x128x128xf32, #tpu.memory_space<hbm>> -> memref<128x128xf32, #tpu.memory_space<hbm>>
      %dma_wait3A_301 = arith.constant 0 : i32
      %dma_wait3A_302 = tpu.memref_slice %arg2[%add3A_4, %mul3A_240, %dma_wait3A_301] : memref<64x4096x128xf32, #tpu.memory_space<hbm>> -> memref<1x128x128xf32, #tpu.memory_space<hbm>>
      %dma_wait3A_303 = tpu.memref_squeeze %dma_wait3A_302 : memref<1x128x128xf32, #tpu.memory_space<hbm>> -> memref<128x128xf32, #tpu.memory_space<hbm>>
      tpu.wait_dma2 semaphore(%arg14 : memref<!tpu.dma_semaphore, #tpu.memory_space<semaphore_mem>>) src(%dma_wait3A_303 : memref<128x128xf32, #tpu.memory_space<hbm>>) dst(%arg10 : memref<128x128xf32, #tpu.memory_space<vmem>>)
      %dma_start3A_304 = arith.constant 0 : i32
      %dma_start3A_305 = tpu.memref_slice %arg6[%add3A_297, %dma_start3A_304] : memref<32x128xi32, #tpu.memory_space<vmem>> -> memref<1x128xi32, #tpu.memory_space<vmem>>
      %dma_start3A_306 = tpu.memref_squeeze %dma_start3A_305 : memref<1x128xi32, #tpu.memory_space<vmem>> -> memref<128xi32, #tpu.memory_space<vmem>>
      %dma_start3A_307 = arith.constant 0 : i32
      %dma_start3A_308 = arith.constant 0 : i32
      %dma_start3A_309 = tpu.memref_slice %arg4[%dma_start3A_307, %dma_start3A_308] : memref<262144x128xf32, #tpu.memory_space<hbm>> -> memref<262144x128xf32, #tpu.memory_space<hbm>>
      tpu.enqueue_indirect_dma source(%arg10 : memref<128x128xf32, #tpu.memory_space<vmem>>) target(%dma_start3A_309 : memref<262144x128xf32, #tpu.memory_space<hbm>>) offsets(%dma_start3A_306 : memref<128xi32, #tpu.memory_space<vmem>>) semaphore(%arg18 : memref<!tpu.dma_semaphore, #tpu.memory_space<semaphore_mem>>)
      %dma_wait3A_310 = arith.constant 0 : i32
      %dma_wait3A_311 = tpu.memref_slice %arg6[%add3A_250, %dma_wait3A_310] : memref<32x128xi32, #tpu.memory_space<vmem>> -> memref<1x128xi32, #tpu.memory_space<vmem>>
      %dma_wait3A_312 = tpu.memref_squeeze %dma_wait3A_311 : memref<1x128xi32, #tpu.memory_space<vmem>> -> memref<128xi32, #tpu.memory_space<vmem>>
      %dma_wait3A_313 = arith.constant 0 : i32
      %dma_wait3A_314 = arith.constant 0 : i32
      %dma_wait3A_315 = tpu.memref_slice %arg4[%dma_wait3A_313, %dma_wait3A_314] : memref<262144x128xf32, #tpu.memory_space<hbm>> -> memref<262144x128xf32, #tpu.memory_space<hbm>>
      tpu.wait_indirect_dma semaphore(%arg15 : memref<!tpu.dma_semaphore, #tpu.memory_space<semaphore_mem>>) src(%arg7 : memref<128x128xf32, #tpu.memory_space<vmem>>) dst(%dma_wait3A_315 : memref<262144x128xf32, #tpu.memory_space<hbm>>)
      %dma_wait3A_316 = arith.constant 0 : i32
      %dma_wait3A_317 = tpu.memref_slice %arg6[%add3A_265, %dma_wait3A_316] : memref<32x128xi32, #tpu.memory_space<vmem>> -> memref<1x128xi32, #tpu.memory_space<vmem>>
      %dma_wait3A_318 = tpu.memref_squeeze %dma_wait3A_317 : memref<1x128xi32, #tpu.memory_space<vmem>> -> memref<128xi32, #tpu.memory_space<vmem>>
      %dma_wait3A_319 = arith.constant 0 : i32
      %dma_wait3A_320 = arith.constant 0 : i32
      %dma_wait3A_321 = tpu.memref_slice %arg4[%dma_wait3A_319, %dma_wait3A_320] : memref<262144x128xf32, #tpu.memory_space<hbm>> -> memref<262144x128xf32, #tpu.memory_space<hbm>>
      tpu.wait_indirect_dma semaphore(%arg16 : memref<!tpu.dma_semaphore, #tpu.memory_space<semaphore_mem>>) src(%arg8 : memref<128x128xf32, #tpu.memory_space<vmem>>) dst(%dma_wait3A_321 : memref<262144x128xf32, #tpu.memory_space<hbm>>)
      %dma_wait3A_322 = arith.constant 0 : i32
      %dma_wait3A_323 = tpu.memref_slice %arg6[%add3A_281, %dma_wait3A_322] : memref<32x128xi32, #tpu.memory_space<vmem>> -> memref<1x128xi32, #tpu.memory_space<vmem>>
      %dma_wait3A_324 = tpu.memref_squeeze %dma_wait3A_323 : memref<1x128xi32, #tpu.memory_space<vmem>> -> memref<128xi32, #tpu.memory_space<vmem>>
      %dma_wait3A_325 = arith.constant 0 : i32
      %dma_wait3A_326 = arith.constant 0 : i32
      %dma_wait3A_327 = tpu.memref_slice %arg4[%dma_wait3A_325, %dma_wait3A_326] : memref<262144x128xf32, #tpu.memory_space<hbm>> -> memref<262144x128xf32, #tpu.memory_space<hbm>>
      tpu.wait_indirect_dma semaphore(%arg17 : memref<!tpu.dma_semaphore, #tpu.memory_space<semaphore_mem>>) src(%arg9 : memref<128x128xf32, #tpu.memory_space<vmem>>) dst(%dma_wait3A_327 : memref<262144x128xf32, #tpu.memory_space<hbm>>)
      %dma_wait3A_328 = arith.constant 0 : i32
      %dma_wait3A_329 = tpu.memref_slice %arg6[%add3A_297, %dma_wait3A_328] : memref<32x128xi32, #tpu.memory_space<vmem>> -> memref<1x128xi32, #tpu.memory_space<vmem>>
      %dma_wait3A_330 = tpu.memref_squeeze %dma_wait3A_329 : memref<1x128xi32, #tpu.memory_space<vmem>> -> memref<128xi32, #tpu.memory_space<vmem>>
      %dma_wait3A_331 = arith.constant 0 : i32
      %dma_wait3A_332 = arith.constant 0 : i32
      %dma_wait3A_333 = tpu.memref_slice %arg4[%dma_wait3A_331, %dma_wait3A_332] : memref<262144x128xf32, #tpu.memory_space<hbm>> -> memref<262144x128xf32, #tpu.memory_space<hbm>>
      tpu.wait_indirect_dma semaphore(%arg18 : memref<!tpu.dma_semaphore, #tpu.memory_space<semaphore_mem>>) src(%arg10 : memref<128x128xf32, #tpu.memory_space<vmem>>) dst(%dma_wait3A_333 : memref<262144x128xf32, #tpu.memory_space<hbm>>)
      %scan3A_334 = arith.constant 0 : i32
      scf.yield %scan3A_334 : i32
    }
    %scan3A_93 = arith.constant 8 : i32
    %mul3A_94 = arith.constant 2 : i32
    %mul3A_95 = arith.muli %add3A, %mul3A_94 : i32
    %add3A_96 = arith.constant 1 : i32
    %add3A_97 = arith.addi %mul3A_95, %add3A_96 : i32
    %jit3A_98 = arith.constant 32 : i32
    %div3A_99 = arith.divsi %add3A_97, %jit3A_98 : i32
    %sign3A_100 = arith.constant 0 : i32
    %sign3A_101 = arith.cmpi sgt, %add3A_97, %sign3A_100 : i32
    %sign3A_102 = arith.extui %sign3A_101 : i1 to i32
    %sign3A_103 = arith.constant 0 : i32
    %sign3A_104 = arith.cmpi slt, %add3A_97, %sign3A_103 : i32
    %sign3A_105 = arith.extui %sign3A_104 : i1 to i32
    %sign3A_106 = arith.subi %sign3A_102, %sign3A_105 : i32
    %sign3A_107 = arith.constant 0 : i32
    %sign3A_108 = arith.cmpi sgt, %jit3A_98, %sign3A_107 : i32
    %sign3A_109 = arith.extui %sign3A_108 : i1 to i32
    %sign3A_110 = arith.constant 0 : i32
    %sign3A_111 = arith.cmpi slt, %jit3A_98, %sign3A_110 : i32
    %sign3A_112 = arith.extui %sign3A_111 : i1 to i32
    %sign3A_113 = arith.subi %sign3A_109, %sign3A_112 : i32
    %ne3A_114 = arith.cmpi ne, %sign3A_106, %sign3A_113 : i32
    %rem3A_115 = arith.remsi %add3A_97, %jit3A_98 : i32
    %ne3A_116 = arith.constant 0 : i32
    %ne3A_117 = arith.cmpi ne, %rem3A_115, %ne3A_116 : i32
    %and3A_118 = arith.andi %ne3A_114, %ne3A_117 : i1
    %sub3A_119 = arith.constant 1 : i32
    %sub3A_120 = arith.subi %div3A_99, %sub3A_119 : i32
    %select_n3A_121 = arith.select %and3A_118, %sub3A_120, %div3A_99 : i32
    %jit3A_122 = arith.constant 16 : i32
    %div3A_123 = arith.divsi %add3A_97, %jit3A_122 : i32
    %sign3A_124 = arith.constant 0 : i32
    %sign3A_125 = arith.cmpi sgt, %add3A_97, %sign3A_124 : i32
    %sign3A_126 = arith.extui %sign3A_125 : i1 to i32
    %sign3A_127 = arith.constant 0 : i32
    %sign3A_128 = arith.cmpi slt, %add3A_97, %sign3A_127 : i32
    %sign3A_129 = arith.extui %sign3A_128 : i1 to i32
    %sign3A_130 = arith.subi %sign3A_126, %sign3A_129 : i32
    %sign3A_131 = arith.constant 0 : i32
    %sign3A_132 = arith.cmpi sgt, %jit3A_122, %sign3A_131 : i32
    %sign3A_133 = arith.extui %sign3A_132 : i1 to i32
    %sign3A_134 = arith.constant 0 : i32
    %sign3A_135 = arith.cmpi slt, %jit3A_122, %sign3A_134 : i32
    %sign3A_136 = arith.extui %sign3A_135 : i1 to i32
    %sign3A_137 = arith.subi %sign3A_133, %sign3A_136 : i32
    %ne3A_138 = arith.cmpi ne, %sign3A_130, %sign3A_137 : i32
    %rem3A_139 = arith.remsi %add3A_97, %jit3A_122 : i32
    %ne3A_140 = arith.constant 0 : i32
    %ne3A_141 = arith.cmpi ne, %rem3A_139, %ne3A_140 : i32
    %and3A_142 = arith.andi %ne3A_138, %ne3A_141 : i1
    %sub3A_143 = arith.constant 1 : i32
    %sub3A_144 = arith.subi %div3A_123, %sub3A_143 : i32
    %select_n3A_145 = arith.select %and3A_142, %sub3A_144, %div3A_123 : i32
    %jit3A_146 = arith.constant 2 : i32
    %eq3A_147 = arith.constant 0 : i32
    %eq3A_148 = arith.cmpi eq, %jit3A_146, %eq3A_147 : i32
    %jit3A_149 = arith.constant 1 : i32
    %select_n3A_150 = arith.select %eq3A_148, %jit3A_149, %jit3A_146 : i32
    %rem3A_151 = arith.remsi %select_n3A_145, %select_n3A_150 : i32
    %ne3A_152 = arith.constant 0 : i32
    %ne3A_153 = arith.cmpi ne, %rem3A_151, %ne3A_152 : i32
    %lt3A_154 = arith.constant 0 : i32
    %lt3A_155 = arith.cmpi slt, %rem3A_151, %lt3A_154 : i32
    %lt3A_156 = arith.constant 0 : i32
    %lt3A_157 = arith.cmpi slt, %select_n3A_150, %lt3A_156 : i32
    %ne3A_158 = arith.xori %lt3A_155, %lt3A_157 : i1
    %and3A_159 = arith.andi %ne3A_158, %ne3A_153 : i1
    %add3A_160 = arith.addi %rem3A_151, %select_n3A_150 : i32
    %select_n3A_161 = arith.select %and3A_159, %add3A_160, %rem3A_151 : i32
    %jit3A_162 = arith.constant 16 : i32
    %eq3A_163 = arith.constant 0 : i32
    %eq3A_164 = arith.cmpi eq, %jit3A_162, %eq3A_163 : i32
    %jit3A_165 = arith.constant 1 : i32
    %select_n3A_166 = arith.select %eq3A_164, %jit3A_165, %jit3A_162 : i32
    %rem3A_167 = arith.remsi %add3A_97, %select_n3A_166 : i32
    %ne3A_168 = arith.constant 0 : i32
    %ne3A_169 = arith.cmpi ne, %rem3A_167, %ne3A_168 : i32
    %lt3A_170 = arith.constant 0 : i32
    %lt3A_171 = arith.cmpi slt, %rem3A_167, %lt3A_170 : i32
    %lt3A_172 = arith.constant 0 : i32
    %lt3A_173 = arith.cmpi slt, %select_n3A_166, %lt3A_172 : i32
    %ne3A_174 = arith.xori %lt3A_171, %lt3A_173 : i1
    %and3A_175 = arith.andi %ne3A_174, %ne3A_169 : i1
    %add3A_176 = arith.addi %rem3A_167, %select_n3A_166 : i32
    %select_n3A_177 = arith.select %and3A_175, %add3A_176, %rem3A_167 : i32
    %mul3A_178 = arith.constant 2 : i32
    %mul3A_179 = arith.muli %select_n3A_121, %mul3A_178 : i32
    %add3A_180 = arith.addi %mul3A_179, %select_n3A_161 : i32
    %mul3A_181 = arith.constant 65536 : i32
    %mul3A_182 = arith.muli %add3A_180, %mul3A_181 : i32
    %add3A_183 = arith.addi %mul3A_182, %select_n3A_177 : i32
    "tpu.region"() ({
      %run_scoped3A = tpu.sem_alloc : memref<!tpu.dma_semaphore, #tpu.memory_space<semaphore_mem>>
      %dma_start3A = arith.constant 0 : i32
      %dma_start3A_198 = tpu.memref_slice %arg3[%add3A_97, %dma_start3A] : memref<64x4096xi32, #tpu.memory_space<hbm>> -> memref<1x4096xi32, #tpu.memory_space<hbm>>
      %dma_start3A_199 = tpu.memref_squeeze %dma_start3A_198 : memref<1x4096xi32, #tpu.memory_space<hbm>> -> memref<4096xi32, #tpu.memory_space<hbm>>
      %dma_start3A_200 = arith.constant 0 : i32
      %dma_start3A_201 = tpu.memref_slice %arg3[%add3A_97, %dma_start3A_200] : memref<64x4096xi32, #tpu.memory_space<hbm>> -> memref<1x4096xi32, #tpu.memory_space<hbm>>
      %dma_start3A_202 = tpu.memref_squeeze %dma_start3A_201 : memref<1x4096xi32, #tpu.memory_space<hbm>> -> memref<4096xi32, #tpu.memory_space<hbm>>
      tpu.enqueue_dma source(%dma_start3A_202 : memref<4096xi32, #tpu.memory_space<hbm>>) target(%arg5 : memref<4096xi32, #tpu.memory_space<vmem>>) target_semaphore(%run_scoped3A : memref<!tpu.dma_semaphore, #tpu.memory_space<semaphore_mem>>)
      %dma_wait3A = arith.constant 0 : i32
      %dma_wait3A_203 = tpu.memref_slice %arg3[%add3A_97, %dma_wait3A] : memref<64x4096xi32, #tpu.memory_space<hbm>> -> memref<1x4096xi32, #tpu.memory_space<hbm>>
      %dma_wait3A_204 = tpu.memref_squeeze %dma_wait3A_203 : memref<1x4096xi32, #tpu.memory_space<hbm>> -> memref<4096xi32, #tpu.memory_space<hbm>>
      %dma_wait3A_205 = arith.constant 0 : i32
      %dma_wait3A_206 = tpu.memref_slice %arg3[%add3A_97, %dma_wait3A_205] : memref<64x4096xi32, #tpu.memory_space<hbm>> -> memref<1x4096xi32, #tpu.memory_space<hbm>>
      %dma_wait3A_207 = tpu.memref_squeeze %dma_wait3A_206 : memref<1x4096xi32, #tpu.memory_space<hbm>> -> memref<4096xi32, #tpu.memory_space<hbm>>
      tpu.wait_dma2 semaphore(%run_scoped3A : memref<!tpu.dma_semaphore, #tpu.memory_space<semaphore_mem>>) src(%dma_wait3A_207 : memref<4096xi32, #tpu.memory_space<hbm>>) dst(%arg5 : memref<4096xi32, #tpu.memory_space<vmem>>)
      tpu.yield
    }) : () -> ()
    %scan3A_184 = arith.constant 0 : i32
    %scan3A_185 = arith.constant 0 : i32
    %scan3A_186 = arith.constant 256 : i32
    %scan3A_187 = arith.addi %scan3A_185, %scan3A_186 : i32
    %scan3A_188 = arith.constant 1 : i32
    %scan3A_189 = scf.for %scan3A_198 = %scan3A_185 to %scan3A_187 step %scan3A_188 iter_args(%scan3A_199 = %scan3A_184) -> (i32)  : i32 {
      %mul3A_200 = arith.constant 16 : i32
      %mul3A_201 = arith.muli %scan3A_198, %mul3A_200 : i32
      %get3A = arith.index_cast %mul3A_201 : i32 to index
      %get3A_202 = tpu.vector_load %arg5[%get3A] {strides = array<i32>} : memref<4096xi32, #tpu.memory_space<vmem>>, vector<16xi32>,
      %mul3A_203 = arith.constant 16 : i32
      %mul3A_204 = vector.broadcast %mul3A_203 : i32 to vector<16xi32>
      %mul3A_205 = arith.muli %get3A_202, %mul3A_204 : vector<16xi32>
      %add3A_206 = vector.broadcast %add3A_183 : i32 to vector<16xi32>
      %add3A_207 = arith.addi %mul3A_205, %add3A_206 : vector<16xi32>
      %jit3A_208 = arith.constant 8 : i32
      %div3A_209 = arith.divsi %scan3A_198, %jit3A_208 : i32
      %sign3A_210 = arith.constant 0 : i32
      %sign3A_211 = arith.cmpi sgt, %scan3A_198, %sign3A_210 : i32
      %sign3A_212 = arith.extui %sign3A_211 : i1 to i32
      %sign3A_213 = arith.constant 0 : i32
      %sign3A_214 = arith.cmpi slt, %scan3A_198, %sign3A_213 : i32
      %sign3A_215 = arith.extui %sign3A_214 : i1 to i32
      %sign3A_216 = arith.subi %sign3A_212, %sign3A_215 : i32
      %sign3A_217 = arith.constant 0 : i32
      %sign3A_218 = arith.cmpi sgt, %jit3A_208, %sign3A_217 : i32
      %sign3A_219 = arith.extui %sign3A_218 : i1 to i32
      %sign3A_220 = arith.constant 0 : i32
      %sign3A_221 = arith.cmpi slt, %jit3A_208, %sign3A_220 : i32
      %sign3A_222 = arith.extui %sign3A_221 : i1 to i32
      %sign3A_223 = arith.subi %sign3A_219, %sign3A_222 : i32
      %ne3A_224 = arith.cmpi ne, %sign3A_216, %sign3A_223 : i32
      %rem3A_225 = arith.remsi %scan3A_198, %jit3A_208 : i32
      %ne3A_226 = arith.constant 0 : i32
      %ne3A_227 = arith.cmpi ne, %rem3A_225, %ne3A_226 : i32
      %and3A_228 = arith.andi %ne3A_224, %ne3A_227 : i1
      %sub3A_229 = arith.constant 1 : i32
      %sub3A_230 = arith.subi %div3A_209, %sub3A_229 : i32
      %select_n3A_231 = arith.select %and3A_228, %sub3A_230, %div3A_209 : i32
      %jit3A_232 = arith.constant 8 : i32
      %eq3A_233 = arith.constant 0 : i32
      %eq3A_234 = arith.cmpi eq, %jit3A_232, %eq3A_233 : i32
      %jit3A_235 = arith.constant 1 : i32
      %select_n3A_236 = arith.select %eq3A_234, %jit3A_235, %jit3A_232 : i32
      %rem3A_237 = arith.remsi %scan3A_198, %select_n3A_236 : i32
      %ne3A_238 = arith.constant 0 : i32
      %ne3A_239 = arith.cmpi ne, %rem3A_237, %ne3A_238 : i32
      %lt3A_240 = arith.constant 0 : i32
      %lt3A_241 = arith.cmpi slt, %rem3A_237, %lt3A_240 : i32
      %lt3A_242 = arith.constant 0 : i32
      %lt3A_243 = arith.cmpi slt, %select_n3A_236, %lt3A_242 : i32
      %ne3A_244 = arith.xori %lt3A_241, %lt3A_243 : i1
      %and3A_245 = arith.andi %ne3A_244, %ne3A_239 : i1
      %add3A_246 = arith.addi %rem3A_237, %select_n3A_236 : i32
      %select_n3A_247 = arith.select %and3A_245, %add3A_246, %rem3A_237 : i32
      %mul3A_248 = arith.constant 16 : i32
      %mul3A_249 = arith.muli %select_n3A_247, %mul3A_248 : i32
      %swap3A = arith.index_cast %select_n3A_231 : i32 to index
      %swap3A_250 = arith.index_cast %mul3A_249 : i32 to index
      %swap3A_251 = tpu.vector_load %arg6[%swap3A, %swap3A_250] {strides = array<i32>} : memref<32x128xi32, #tpu.memory_space<vmem>>, vector<16xi32>,
      tpu.vector_store %arg6[%swap3A, %swap3A_250], %add3A_207 {strides = array<i32>} : memref<32x128xi32, #tpu.memory_space<vmem>>, vector<16xi32>,
      %scan3A_252 = arith.constant 0 : i32
      scf.yield %scan3A_252 : i32
    }
    %scan3A_190 = arith.constant 256 : i32
    %scan3A_191 = arith.constant 0 : i32
    %scan3A_192 = arith.constant 0 : i32
    %scan3A_193 = arith.constant 8 : i32
    %scan3A_194 = arith.addi %scan3A_192, %scan3A_193 : i32
    %scan3A_195 = arith.constant 1 : i32
    %scan3A_196 = scf.for %scan3A_198 = %scan3A_192 to %scan3A_194 step %scan3A_195 iter_args(%scan3A_199 = %scan3A_191) -> (i32)  : i32 {
      %mul3A_200 = arith.constant 4 : i32
      %mul3A_201 = arith.muli %scan3A_198, %mul3A_200 : i32
      %add3A_202 = arith.constant 0 : i32
      %add3A_203 = arith.addi %mul3A_201, %add3A_202 : i32
      %mul3A_204 = arith.constant 128 : i32
      %mul3A_205 = arith.muli %add3A_203, %mul3A_204 : i32
      %dma_start3A = arith.constant 0 : i32
      %dma_start3A_206 = tpu.memref_slice %arg2[%add3A_97, %mul3A_205, %dma_start3A] : memref<64x4096x128xf32, #tpu.memory_space<hbm>> -> memref<1x128x128xf32, #tpu.memory_space<hbm>>
      %dma_start3A_207 = tpu.memref_squeeze %dma_start3A_206 : memref<1x128x128xf32, #tpu.memory_space<hbm>> -> memref<128x128xf32, #tpu.memory_space<hbm>>
      %dma_start3A_208 = arith.constant 0 : i32
      %dma_start3A_209 = tpu.memref_slice %arg2[%add3A_97, %mul3A_205, %dma_start3A_208] : memref<64x4096x128xf32, #tpu.memory_space<hbm>> -> memref<1x128x128xf32, #tpu.memory_space<hbm>>
      %dma_start3A_210 = tpu.memref_squeeze %dma_start3A_209 : memref<1x128x128xf32, #tpu.memory_space<hbm>> -> memref<128x128xf32, #tpu.memory_space<hbm>>
      tpu.enqueue_dma source(%dma_start3A_210 : memref<128x128xf32, #tpu.memory_space<hbm>>) target(%arg7 : memref<128x128xf32, #tpu.memory_space<vmem>>) target_semaphore(%arg11 : memref<!tpu.dma_semaphore, #tpu.memory_space<semaphore_mem>>)
      %mul3A_211 = arith.constant 4 : i32
      %mul3A_212 = arith.muli %scan3A_198, %mul3A_211 : i32
      %add3A_213 = arith.constant 1 : i32
      %add3A_214 = arith.addi %mul3A_212, %add3A_213 : i32
      %mul3A_215 = arith.constant 128 : i32
      %mul3A_216 = arith.muli %add3A_214, %mul3A_215 : i32
      %dma_start3A_217 = arith.constant 0 : i32
      %dma_start3A_218 = tpu.memref_slice %arg2[%add3A_97, %mul3A_216, %dma_start3A_217] : memref<64x4096x128xf32, #tpu.memory_space<hbm>> -> memref<1x128x128xf32, #tpu.memory_space<hbm>>
      %dma_start3A_219 = tpu.memref_squeeze %dma_start3A_218 : memref<1x128x128xf32, #tpu.memory_space<hbm>> -> memref<128x128xf32, #tpu.memory_space<hbm>>
      %dma_start3A_220 = arith.constant 0 : i32
      %dma_start3A_221 = tpu.memref_slice %arg2[%add3A_97, %mul3A_216, %dma_start3A_220] : memref<64x4096x128xf32, #tpu.memory_space<hbm>> -> memref<1x128x128xf32, #tpu.memory_space<hbm>>
      %dma_start3A_222 = tpu.memref_squeeze %dma_start3A_221 : memref<1x128x128xf32, #tpu.memory_space<hbm>> -> memref<128x128xf32, #tpu.memory_space<hbm>>
      tpu.enqueue_dma source(%dma_start3A_222 : memref<128x128xf32, #tpu.memory_space<hbm>>) target(%arg8 : memref<128x128xf32, #tpu.memory_space<vmem>>) target_semaphore(%arg12 : memref<!tpu.dma_semaphore, #tpu.memory_space<semaphore_mem>>)
      %mul3A_223 = arith.constant 4 : i32
      %mul3A_224 = arith.muli %scan3A_198, %mul3A_223 : i32
      %add3A_225 = arith.constant 2 : i32
      %add3A_226 = arith.addi %mul3A_224, %add3A_225 : i32
      %mul3A_227 = arith.constant 128 : i32
      %mul3A_228 = arith.muli %add3A_226, %mul3A_227 : i32
      %dma_start3A_229 = arith.constant 0 : i32
      %dma_start3A_230 = tpu.memref_slice %arg2[%add3A_97, %mul3A_228, %dma_start3A_229] : memref<64x4096x128xf32, #tpu.memory_space<hbm>> -> memref<1x128x128xf32, #tpu.memory_space<hbm>>
      %dma_start3A_231 = tpu.memref_squeeze %dma_start3A_230 : memref<1x128x128xf32, #tpu.memory_space<hbm>> -> memref<128x128xf32, #tpu.memory_space<hbm>>
      %dma_start3A_232 = arith.constant 0 : i32
      %dma_start3A_233 = tpu.memref_slice %arg2[%add3A_97, %mul3A_228, %dma_start3A_232] : memref<64x4096x128xf32, #tpu.memory_space<hbm>> -> memref<1x128x128xf32, #tpu.memory_space<hbm>>
      %dma_start3A_234 = tpu.memref_squeeze %dma_start3A_233 : memref<1x128x128xf32, #tpu.memory_space<hbm>> -> memref<128x128xf32, #tpu.memory_space<hbm>>
      tpu.enqueue_dma source(%dma_start3A_234 : memref<128x128xf32, #tpu.memory_space<hbm>>) target(%arg9 : memref<128x128xf32, #tpu.memory_space<vmem>>) target_semaphore(%arg13 : memref<!tpu.dma_semaphore, #tpu.memory_space<semaphore_mem>>)
      %mul3A_235 = arith.constant 4 : i32
      %mul3A_236 = arith.muli %scan3A_198, %mul3A_235 : i32
      %add3A_237 = arith.constant 3 : i32
      %add3A_238 = arith.addi %mul3A_236, %add3A_237 : i32
      %mul3A_239 = arith.constant 128 : i32
      %mul3A_240 = arith.muli %add3A_238, %mul3A_239 : i32
      %dma_start3A_241 = arith.constant 0 : i32
      %dma_start3A_242 = tpu.memref_slice %arg2[%add3A_97, %mul3A_240, %dma_start3A_241] : memref<64x4096x128xf32, #tpu.memory_space<hbm>> -> memref<1x128x128xf32, #tpu.memory_space<hbm>>
      %dma_start3A_243 = tpu.memref_squeeze %dma_start3A_242 : memref<1x128x128xf32, #tpu.memory_space<hbm>> -> memref<128x128xf32, #tpu.memory_space<hbm>>
      %dma_start3A_244 = arith.constant 0 : i32
      %dma_start3A_245 = tpu.memref_slice %arg2[%add3A_97, %mul3A_240, %dma_start3A_244] : memref<64x4096x128xf32, #tpu.memory_space<hbm>> -> memref<1x128x128xf32, #tpu.memory_space<hbm>>
      %dma_start3A_246 = tpu.memref_squeeze %dma_start3A_245 : memref<1x128x128xf32, #tpu.memory_space<hbm>> -> memref<128x128xf32, #tpu.memory_space<hbm>>
      tpu.enqueue_dma source(%dma_start3A_246 : memref<128x128xf32, #tpu.memory_space<hbm>>) target(%arg10 : memref<128x128xf32, #tpu.memory_space<vmem>>) target_semaphore(%arg14 : memref<!tpu.dma_semaphore, #tpu.memory_space<semaphore_mem>>)
      %mul3A_247 = arith.constant 4 : i32
      %mul3A_248 = arith.muli %scan3A_198, %mul3A_247 : i32
      %add3A_249 = arith.constant 0 : i32
      %add3A_250 = arith.addi %mul3A_248, %add3A_249 : i32
      %dma_wait3A = arith.constant 0 : i32
      %dma_wait3A_251 = tpu.memref_slice %arg2[%add3A_97, %mul3A_205, %dma_wait3A] : memref<64x4096x128xf32, #tpu.memory_space<hbm>> -> memref<1x128x128xf32, #tpu.memory_space<hbm>>
      %dma_wait3A_252 = tpu.memref_squeeze %dma_wait3A_251 : memref<1x128x128xf32, #tpu.memory_space<hbm>> -> memref<128x128xf32, #tpu.memory_space<hbm>>
      %dma_wait3A_253 = arith.constant 0 : i32
      %dma_wait3A_254 = tpu.memref_slice %arg2[%add3A_97, %mul3A_205, %dma_wait3A_253] : memref<64x4096x128xf32, #tpu.memory_space<hbm>> -> memref<1x128x128xf32, #tpu.memory_space<hbm>>
      %dma_wait3A_255 = tpu.memref_squeeze %dma_wait3A_254 : memref<1x128x128xf32, #tpu.memory_space<hbm>> -> memref<128x128xf32, #tpu.memory_space<hbm>>
      tpu.wait_dma2 semaphore(%arg11 : memref<!tpu.dma_semaphore, #tpu.memory_space<semaphore_mem>>) src(%dma_wait3A_255 : memref<128x128xf32, #tpu.memory_space<hbm>>) dst(%arg7 : memref<128x128xf32, #tpu.memory_space<vmem>>)
      %dma_start3A_256 = arith.constant 0 : i32
      %dma_start3A_257 = tpu.memref_slice %arg6[%add3A_250, %dma_start3A_256] : memref<32x128xi32, #tpu.memory_space<vmem>> -> memref<1x128xi32, #tpu.memory_space<vmem>>
      %dma_start3A_258 = tpu.memref_squeeze %dma_start3A_257 : memref<1x128xi32, #tpu.memory_space<vmem>> -> memref<128xi32, #tpu.memory_space<vmem>>
      %dma_start3A_259 = arith.constant 0 : i32
      %dma_start3A_260 = arith.constant 0 : i32
      %dma_start3A_261 = tpu.memref_slice %arg4[%dma_start3A_259, %dma_start3A_260] : memref<262144x128xf32, #tpu.memory_space<hbm>> -> memref<262144x128xf32, #tpu.memory_space<hbm>>
      tpu.enqueue_indirect_dma source(%arg7 : memref<128x128xf32, #tpu.memory_space<vmem>>) target(%dma_start3A_261 : memref<262144x128xf32, #tpu.memory_space<hbm>>) offsets(%dma_start3A_258 : memref<128xi32, #tpu.memory_space<vmem>>) semaphore(%arg15 : memref<!tpu.dma_semaphore, #tpu.memory_space<semaphore_mem>>)
      %mul3A_262 = arith.constant 4 : i32
      %mul3A_263 = arith.muli %scan3A_198, %mul3A_262 : i32
      %add3A_264 = arith.constant 1 : i32
      %add3A_265 = arith.addi %mul3A_263, %add3A_264 : i32
      %dma_wait3A_266 = arith.constant 0 : i32
      %dma_wait3A_267 = tpu.memref_slice %arg2[%add3A_97, %mul3A_216, %dma_wait3A_266] : memref<64x4096x128xf32, #tpu.memory_space<hbm>> -> memref<1x128x128xf32, #tpu.memory_space<hbm>>
      %dma_wait3A_268 = tpu.memref_squeeze %dma_wait3A_267 : memref<1x128x128xf32, #tpu.memory_space<hbm>> -> memref<128x128xf32, #tpu.memory_space<hbm>>
      %dma_wait3A_269 = arith.constant 0 : i32
      %dma_wait3A_270 = tpu.memref_slice %arg2[%add3A_97, %mul3A_216, %dma_wait3A_269] : memref<64x4096x128xf32, #tpu.memory_space<hbm>> -> memref<1x128x128xf32, #tpu.memory_space<hbm>>
      %dma_wait3A_271 = tpu.memref_squeeze %dma_wait3A_270 : memref<1x128x128xf32, #tpu.memory_space<hbm>> -> memref<128x128xf32, #tpu.memory_space<hbm>>
      tpu.wait_dma2 semaphore(%arg12 : memref<!tpu.dma_semaphore, #tpu.memory_space<semaphore_mem>>) src(%dma_wait3A_271 : memref<128x128xf32, #tpu.memory_space<hbm>>) dst(%arg8 : memref<128x128xf32, #tpu.memory_space<vmem>>)
      %dma_start3A_272 = arith.constant 0 : i32
      %dma_start3A_273 = tpu.memref_slice %arg6[%add3A_265, %dma_start3A_272] : memref<32x128xi32, #tpu.memory_space<vmem>> -> memref<1x128xi32, #tpu.memory_space<vmem>>
      %dma_start3A_274 = tpu.memref_squeeze %dma_start3A_273 : memref<1x128xi32, #tpu.memory_space<vmem>> -> memref<128xi32, #tpu.memory_space<vmem>>
      %dma_start3A_275 = arith.constant 0 : i32
      %dma_start3A_276 = arith.constant 0 : i32
      %dma_start3A_277 = tpu.memref_slice %arg4[%dma_start3A_275, %dma_start3A_276] : memref<262144x128xf32, #tpu.memory_space<hbm>> -> memref<262144x128xf32, #tpu.memory_space<hbm>>
      tpu.enqueue_indirect_dma source(%arg8 : memref<128x128xf32, #tpu.memory_space<vmem>>) target(%dma_start3A_277 : memref<262144x128xf32, #tpu.memory_space<hbm>>) offsets(%dma_start3A_274 : memref<128xi32, #tpu.memory_space<vmem>>) semaphore(%arg16 : memref<!tpu.dma_semaphore, #tpu.memory_space<semaphore_mem>>)
      %mul3A_278 = arith.constant 4 : i32
      %mul3A_279 = arith.muli %scan3A_198, %mul3A_278 : i32
      %add3A_280 = arith.constant 2 : i32
      %add3A_281 = arith.addi %mul3A_279, %add3A_280 : i32
      %dma_wait3A_282 = arith.constant 0 : i32
      %dma_wait3A_283 = tpu.memref_slice %arg2[%add3A_97, %mul3A_228, %dma_wait3A_282] : memref<64x4096x128xf32, #tpu.memory_space<hbm>> -> memref<1x128x128xf32, #tpu.memory_space<hbm>>
      %dma_wait3A_284 = tpu.memref_squeeze %dma_wait3A_283 : memref<1x128x128xf32, #tpu.memory_space<hbm>> -> memref<128x128xf32, #tpu.memory_space<hbm>>
      %dma_wait3A_285 = arith.constant 0 : i32
      %dma_wait3A_286 = tpu.memref_slice %arg2[%add3A_97, %mul3A_228, %dma_wait3A_285] : memref<64x4096x128xf32, #tpu.memory_space<hbm>> -> memref<1x128x128xf32, #tpu.memory_space<hbm>>
      %dma_wait3A_287 = tpu.memref_squeeze %dma_wait3A_286 : memref<1x128x128xf32, #tpu.memory_space<hbm>> -> memref<128x128xf32, #tpu.memory_space<hbm>>
      tpu.wait_dma2 semaphore(%arg13 : memref<!tpu.dma_semaphore, #tpu.memory_space<semaphore_mem>>) src(%dma_wait3A_287 : memref<128x128xf32, #tpu.memory_space<hbm>>) dst(%arg9 : memref<128x128xf32, #tpu.memory_space<vmem>>)
      %dma_start3A_288 = arith.constant 0 : i32
      %dma_start3A_289 = tpu.memref_slice %arg6[%add3A_281, %dma_start3A_288] : memref<32x128xi32, #tpu.memory_space<vmem>> -> memref<1x128xi32, #tpu.memory_space<vmem>>
      %dma_start3A_290 = tpu.memref_squeeze %dma_start3A_289 : memref<1x128xi32, #tpu.memory_space<vmem>> -> memref<128xi32, #tpu.memory_space<vmem>>
      %dma_start3A_291 = arith.constant 0 : i32
      %dma_start3A_292 = arith.constant 0 : i32
      %dma_start3A_293 = tpu.memref_slice %arg4[%dma_start3A_291, %dma_start3A_292] : memref<262144x128xf32, #tpu.memory_space<hbm>> -> memref<262144x128xf32, #tpu.memory_space<hbm>>
      tpu.enqueue_indirect_dma source(%arg9 : memref<128x128xf32, #tpu.memory_space<vmem>>) target(%dma_start3A_293 : memref<262144x128xf32, #tpu.memory_space<hbm>>) offsets(%dma_start3A_290 : memref<128xi32, #tpu.memory_space<vmem>>) semaphore(%arg17 : memref<!tpu.dma_semaphore, #tpu.memory_space<semaphore_mem>>)
      %mul3A_294 = arith.constant 4 : i32
      %mul3A_295 = arith.muli %scan3A_198, %mul3A_294 : i32
      %add3A_296 = arith.constant 3 : i32
      %add3A_297 = arith.addi %mul3A_295, %add3A_296 : i32
      %dma_wait3A_298 = arith.constant 0 : i32
      %dma_wait3A_299 = tpu.memref_slice %arg2[%add3A_97, %mul3A_240, %dma_wait3A_298] : memref<64x4096x128xf32, #tpu.memory_space<hbm>> -> memref<1x128x128xf32, #tpu.memory_space<hbm>>
      %dma_wait3A_300 = tpu.memref_squeeze %dma_wait3A_299 : memref<1x128x128xf32, #tpu.memory_space<hbm>> -> memref<128x128xf32, #tpu.memory_space<hbm>>
      %dma_wait3A_301 = arith.constant 0 : i32
      %dma_wait3A_302 = tpu.memref_slice %arg2[%add3A_97, %mul3A_240, %dma_wait3A_301] : memref<64x4096x128xf32, #tpu.memory_space<hbm>> -> memref<1x128x128xf32, #tpu.memory_space<hbm>>
      %dma_wait3A_303 = tpu.memref_squeeze %dma_wait3A_302 : memref<1x128x128xf32, #tpu.memory_space<hbm>> -> memref<128x128xf32, #tpu.memory_space<hbm>>
      tpu.wait_dma2 semaphore(%arg14 : memref<!tpu.dma_semaphore, #tpu.memory_space<semaphore_mem>>) src(%dma_wait3A_303 : memref<128x128xf32, #tpu.memory_space<hbm>>) dst(%arg10 : memref<128x128xf32, #tpu.memory_space<vmem>>)
      %dma_start3A_304 = arith.constant 0 : i32
      %dma_start3A_305 = tpu.memref_slice %arg6[%add3A_297, %dma_start3A_304] : memref<32x128xi32, #tpu.memory_space<vmem>> -> memref<1x128xi32, #tpu.memory_space<vmem>>
      %dma_start3A_306 = tpu.memref_squeeze %dma_start3A_305 : memref<1x128xi32, #tpu.memory_space<vmem>> -> memref<128xi32, #tpu.memory_space<vmem>>
      %dma_start3A_307 = arith.constant 0 : i32
      %dma_start3A_308 = arith.constant 0 : i32
      %dma_start3A_309 = tpu.memref_slice %arg4[%dma_start3A_307, %dma_start3A_308] : memref<262144x128xf32, #tpu.memory_space<hbm>> -> memref<262144x128xf32, #tpu.memory_space<hbm>>
      tpu.enqueue_indirect_dma source(%arg10 : memref<128x128xf32, #tpu.memory_space<vmem>>) target(%dma_start3A_309 : memref<262144x128xf32, #tpu.memory_space<hbm>>) offsets(%dma_start3A_306 : memref<128xi32, #tpu.memory_space<vmem>>) semaphore(%arg18 : memref<!tpu.dma_semaphore, #tpu.memory_space<semaphore_mem>>)
      %dma_wait3A_310 = arith.constant 0 : i32
      %dma_wait3A_311 = tpu.memref_slice %arg6[%add3A_250, %dma_wait3A_310] : memref<32x128xi32, #tpu.memory_space<vmem>> -> memref<1x128xi32, #tpu.memory_space<vmem>>
      %dma_wait3A_312 = tpu.memref_squeeze %dma_wait3A_311 : memref<1x128xi32, #tpu.memory_space<vmem>> -> memref<128xi32, #tpu.memory_space<vmem>>
      %dma_wait3A_313 = arith.constant 0 : i32
      %dma_wait3A_314 = arith.constant 0 : i32
      %dma_wait3A_315 = tpu.memref_slice %arg4[%dma_wait3A_313, %dma_wait3A_314] : memref<262144x128xf32, #tpu.memory_space<hbm>> -> memref<262144x128xf32, #tpu.memory_space<hbm>>
      tpu.wait_indirect_dma semaphore(%arg15 : memref<!tpu.dma_semaphore, #tpu.memory_space<semaphore_mem>>) src(%arg7 : memref<128x128xf32, #tpu.memory_space<vmem>>) dst(%dma_wait3A_315 : memref<262144x128xf32, #tpu.memory_space<hbm>>)
      %dma_wait3A_316 = arith.constant 0 : i32
      %dma_wait3A_317 = tpu.memref_slice %arg6[%add3A_265, %dma_wait3A_316] : memref<32x128xi32, #tpu.memory_space<vmem>> -> memref<1x128xi32, #tpu.memory_space<vmem>>
      %dma_wait3A_318 = tpu.memref_squeeze %dma_wait3A_317 : memref<1x128xi32, #tpu.memory_space<vmem>> -> memref<128xi32, #tpu.memory_space<vmem>>
      %dma_wait3A_319 = arith.constant 0 : i32
      %dma_wait3A_320 = arith.constant 0 : i32
      %dma_wait3A_321 = tpu.memref_slice %arg4[%dma_wait3A_319, %dma_wait3A_320] : memref<262144x128xf32, #tpu.memory_space<hbm>> -> memref<262144x128xf32, #tpu.memory_space<hbm>>
      tpu.wait_indirect_dma semaphore(%arg16 : memref<!tpu.dma_semaphore, #tpu.memory_space<semaphore_mem>>) src(%arg8 : memref<128x128xf32, #tpu.memory_space<vmem>>) dst(%dma_wait3A_321 : memref<262144x128xf32, #tpu.memory_space<hbm>>)
      %dma_wait3A_322 = arith.constant 0 : i32
      %dma_wait3A_323 = tpu.memref_slice %arg6[%add3A_281, %dma_wait3A_322] : memref<32x128xi32, #tpu.memory_space<vmem>> -> memref<1x128xi32, #tpu.memory_space<vmem>>
      %dma_wait3A_324 = tpu.memref_squeeze %dma_wait3A_323 : memref<1x128xi32, #tpu.memory_space<vmem>> -> memref<128xi32, #tpu.memory_space<vmem>>
      %dma_wait3A_325 = arith.constant 0 : i32
      %dma_wait3A_326 = arith.constant 0 : i32
      %dma_wait3A_327 = tpu.memref_slice %arg4[%dma_wait3A_325, %dma_wait3A_326] : memref<262144x128xf32, #tpu.memory_space<hbm>> -> memref<262144x128xf32, #tpu.memory_space<hbm>>
      tpu.wait_indirect_dma semaphore(%arg17 : memref<!tpu.dma_semaphore, #tpu.memory_space<semaphore_mem>>) src(%arg9 : memref<128x128xf32, #tpu.memory_space<vmem>>) dst(%dma_wait3A_327 : memref<262144x128xf32, #tpu.memory_space<hbm>>)
      %dma_wait3A_328 = arith.constant 0 : i32
      %dma_wait3A_329 = tpu.memref_slice %arg6[%add3A_297, %dma_wait3A_328] : memref<32x128xi32, #tpu.memory_space<vmem>> -> memref<1x128xi32, #tpu.memory_space<vmem>>
      %dma_wait3A_330 = tpu.memref_squeeze %dma_wait3A_329 : memref<1x128xi32, #tpu.memory_space<vmem>> -> memref<128xi32, #tpu.memory_space<vmem>>
      %dma_wait3A_331 = arith.constant 0 : i32
      %dma_wait3A_332 = arith.constant 0 : i32
      %dma_wait3A_333 = tpu.memref_slice %arg4[%dma_wait3A_331, %dma_wait3A_332] : memref<262144x128xf32, #tpu.memory_space<hbm>> -> memref<262144x128xf32, #tpu.memory_space<hbm>>
      tpu.wait_indirect_dma semaphore(%arg18 : memref<!tpu.dma_semaphore, #tpu.memory_space<semaphore_mem>>) src(%arg10 : memref<128x128xf32, #tpu.memory_space<vmem>>) dst(%dma_wait3A_333 : memref<262144x128xf32, #tpu.memory_space<hbm>>)
      %scan3A_334 = arith.constant 0 : i32
      scf.yield %scan3A_334 : i32
    }
    %scan3A_197 = arith.constant 8 : i32
    return
  }
}

#map = affine_map<(d0, d1) -> (0, 0)>
#map1 = affine_map<(d0, d1) -> (0, 0, 0)>
module attributes {stable_mosaic.version = 14 : i64} {
  func.func @_scp_body(%arg0: i32, %arg1: i32, %arg2: memref<64x4096xi32, #tpu.memory_space<hbm>>, %arg3: memref<131072x128xf32, #tpu.memory_space<hbm>>, %arg4: memref<64x4096x128xf32, #tpu.memory_space<hbm>>, %arg5: memref<64x4096xi32, #tpu.memory_space<hbm>>, %arg6: memref<4096xi32, #tpu.memory_space<vmem>>, %arg7: memref<4096xi32, #tpu.memory_space<vmem>>, %arg8: memref<32x128xi32, #tpu.memory_space<vmem>>, %arg9: memref<128x128xf32, #tpu.memory_space<vmem>>, %arg10: memref<128x128xf32, #tpu.memory_space<vmem>>, %arg11: memref<128x128xf32, #tpu.memory_space<vmem>>, %arg12: memref<128x128xf32, #tpu.memory_space<vmem>>, %arg13: memref<!tpu.dma_semaphore, #tpu.memory_space<semaphore_mem>>, %arg14: memref<!tpu.dma_semaphore, #tpu.memory_space<semaphore_mem>>, %arg15: memref<!tpu.dma_semaphore, #tpu.memory_space<semaphore_mem>>, %arg16: memref<!tpu.dma_semaphore, #tpu.memory_space<semaphore_mem>>, %arg17: memref<!tpu.dma_semaphore, #tpu.memory_space<semaphore_mem>>, %arg18: memref<!tpu.dma_semaphore, #tpu.memory_space<semaphore_mem>>, %arg19: memref<!tpu.dma_semaphore, #tpu.memory_space<semaphore_mem>>, %arg20: memref<!tpu.dma_semaphore, #tpu.memory_space<semaphore_mem>>) attributes {dimension_semantics = [#tpu.dimension_semantics<core_parallel>, #tpu.dimension_semantics<subcore_parallel>], iteration_bounds = array<i64: 2, 16>, scalar_prefetch = 0 : i64, scratch_operands = 15 : i64, tpu.core_type = #tpu.core_type<sc_vector_subcore>, window_params = [{transform_indices = #map}, {transform_indices = #map}, {transform_indices = #map1}, {transform_indices = #map}]} {
    %mul3A = arith.constant 2 : i32
    %mul3A_0 = arith.muli %arg1, %mul3A : i32
    %add3A = arith.addi %mul3A_0, %arg0 : i32
    %mul3A_1 = arith.constant 2 : i32
    %mul3A_2 = arith.muli %add3A, %mul3A_1 : i32
    %add3A_3 = arith.constant 0 : i32
    %add3A_4 = arith.addi %mul3A_2, %add3A_3 : i32
    %jit3A = arith.constant 16 : i32
    %div3A = arith.divsi %add3A_4, %jit3A : i32
    %sign3A = arith.constant 0 : i32
    %sign3A_5 = arith.cmpi sgt, %add3A_4, %sign3A : i32
    %sign3A_6 = arith.extui %sign3A_5 : i1 to i32
    %sign3A_7 = arith.constant 0 : i32
    %sign3A_8 = arith.cmpi slt, %add3A_4, %sign3A_7 : i32
    %sign3A_9 = arith.extui %sign3A_8 : i1 to i32
    %sign3A_10 = arith.subi %sign3A_6, %sign3A_9 : i32
    %sign3A_11 = arith.constant 0 : i32
    %sign3A_12 = arith.cmpi sgt, %jit3A, %sign3A_11 : i32
    %sign3A_13 = arith.extui %sign3A_12 : i1 to i32
    %sign3A_14 = arith.constant 0 : i32
    %sign3A_15 = arith.cmpi slt, %jit3A, %sign3A_14 : i32
    %sign3A_16 = arith.extui %sign3A_15 : i1 to i32
    %sign3A_17 = arith.subi %sign3A_13, %sign3A_16 : i32
    %ne3A = arith.cmpi ne, %sign3A_10, %sign3A_17 : i32
    %rem3A = arith.remsi %add3A_4, %jit3A : i32
    %ne3A_18 = arith.constant 0 : i32
    %ne3A_19 = arith.cmpi ne, %rem3A, %ne3A_18 : i32
    %and3A = arith.andi %ne3A, %ne3A_19 : i1
    %sub3A = arith.constant 1 : i32
    %sub3A_20 = arith.subi %div3A, %sub3A : i32
    %select_n3A = arith.select %and3A, %sub3A_20, %div3A : i32
    %jit3A_21 = arith.constant 2 : i32
    %eq3A = arith.constant 0 : i32
    %eq3A_22 = arith.cmpi eq, %jit3A_21, %eq3A : i32
    %jit3A_23 = arith.constant 1 : i32
    %select_n3A_24 = arith.select %eq3A_22, %jit3A_23, %jit3A_21 : i32
    %rem3A_25 = arith.remsi %select_n3A, %select_n3A_24 : i32
    %ne3A_26 = arith.constant 0 : i32
    %ne3A_27 = arith.cmpi ne, %rem3A_25, %ne3A_26 : i32
    %lt3A = arith.constant 0 : i32
    %lt3A_28 = arith.cmpi slt, %rem3A_25, %lt3A : i32
    %lt3A_29 = arith.constant 0 : i32
    %lt3A_30 = arith.cmpi slt, %select_n3A_24, %lt3A_29 : i32
    %ne3A_31 = arith.xori %lt3A_28, %lt3A_30 : i1
    %and3A_32 = arith.andi %ne3A_31, %ne3A_27 : i1
    %add3A_33 = arith.addi %rem3A_25, %select_n3A_24 : i32
    %select_n3A_34 = arith.select %and3A_32, %add3A_33, %rem3A_25 : i32
    %jit3A_35 = arith.constant 16 : i32
    %eq3A_36 = arith.constant 0 : i32
    %eq3A_37 = arith.cmpi eq, %jit3A_35, %eq3A_36 : i32
    %jit3A_38 = arith.constant 1 : i32
    %select_n3A_39 = arith.select %eq3A_37, %jit3A_38, %jit3A_35 : i32
    %rem3A_40 = arith.remsi %add3A_4, %select_n3A_39 : i32
    %ne3A_41 = arith.constant 0 : i32
    %ne3A_42 = arith.cmpi ne, %rem3A_40, %ne3A_41 : i32
    %lt3A_43 = arith.constant 0 : i32
    %lt3A_44 = arith.cmpi slt, %rem3A_40, %lt3A_43 : i32
    %lt3A_45 = arith.constant 0 : i32
    %lt3A_46 = arith.cmpi slt, %select_n3A_39, %lt3A_45 : i32
    %ne3A_47 = arith.xori %lt3A_44, %lt3A_46 : i1
    %and3A_48 = arith.andi %ne3A_47, %ne3A_42 : i1
    %add3A_49 = arith.addi %rem3A_40, %select_n3A_39 : i32
    %select_n3A_50 = arith.select %and3A_48, %add3A_49, %rem3A_40 : i32
    %mul3A_51 = arith.constant 65536 : i32
    %mul3A_52 = arith.muli %select_n3A_34, %mul3A_51 : i32
    %add3A_53 = arith.addi %mul3A_52, %select_n3A_50 : i32
    "tpu.region"() ({
      %run_scoped3A = tpu.sem_alloc : memref<!tpu.dma_semaphore, #tpu.memory_space<semaphore_mem>>
      %dma_start3A = arith.constant 0 : i32
      %dma_start3A_158 = tpu.memref_slice %arg2[%add3A_4, %dma_start3A] : memref<64x4096xi32, #tpu.memory_space<hbm>> -> memref<1x4096xi32, #tpu.memory_space<hbm>>
      %dma_start3A_159 = tpu.memref_squeeze %dma_start3A_158 : memref<1x4096xi32, #tpu.memory_space<hbm>> -> memref<4096xi32, #tpu.memory_space<hbm>>
      %dma_start3A_160 = arith.constant 0 : i32
      %dma_start3A_161 = tpu.memref_slice %arg2[%add3A_4, %dma_start3A_160] : memref<64x4096xi32, #tpu.memory_space<hbm>> -> memref<1x4096xi32, #tpu.memory_space<hbm>>
      %dma_start3A_162 = tpu.memref_squeeze %dma_start3A_161 : memref<1x4096xi32, #tpu.memory_space<hbm>> -> memref<4096xi32, #tpu.memory_space<hbm>>
      tpu.enqueue_dma source(%dma_start3A_162 : memref<4096xi32, #tpu.memory_space<hbm>>) target(%arg6 : memref<4096xi32, #tpu.memory_space<vmem>>) target_semaphore(%run_scoped3A : memref<!tpu.dma_semaphore, #tpu.memory_space<semaphore_mem>>)
      %dma_wait3A = arith.constant 0 : i32
      %dma_wait3A_163 = tpu.memref_slice %arg2[%add3A_4, %dma_wait3A] : memref<64x4096xi32, #tpu.memory_space<hbm>> -> memref<1x4096xi32, #tpu.memory_space<hbm>>
      %dma_wait3A_164 = tpu.memref_squeeze %dma_wait3A_163 : memref<1x4096xi32, #tpu.memory_space<hbm>> -> memref<4096xi32, #tpu.memory_space<hbm>>
      %dma_wait3A_165 = arith.constant 0 : i32
      %dma_wait3A_166 = tpu.memref_slice %arg2[%add3A_4, %dma_wait3A_165] : memref<64x4096xi32, #tpu.memory_space<hbm>> -> memref<1x4096xi32, #tpu.memory_space<hbm>>
      %dma_wait3A_167 = tpu.memref_squeeze %dma_wait3A_166 : memref<1x4096xi32, #tpu.memory_space<hbm>> -> memref<4096xi32, #tpu.memory_space<hbm>>
      tpu.wait_dma2 semaphore(%run_scoped3A : memref<!tpu.dma_semaphore, #tpu.memory_space<semaphore_mem>>) src(%dma_wait3A_167 : memref<4096xi32, #tpu.memory_space<hbm>>) dst(%arg6 : memref<4096xi32, #tpu.memory_space<vmem>>)
      tpu.yield
    }) : () -> ()
    %scan3A = arith.constant 0 : i32
    %scan3A_54 = arith.constant 0 : i32
    %scan3A_55 = arith.constant 256 : i32
    %scan3A_56 = arith.addi %scan3A_54, %scan3A_55 : i32
    %scan3A_57 = arith.constant 1 : i32
    %scan3A_58 = scf.for %scan3A_158 = %scan3A_54 to %scan3A_56 step %scan3A_57 iter_args(%scan3A_159 = %scan3A) -> (i32)  : i32 {
      %mul3A_160 = arith.constant 16 : i32
      %mul3A_161 = arith.muli %scan3A_158, %mul3A_160 : i32
      %get3A = arith.index_cast %mul3A_161 : i32 to index
      %get3A_162 = tpu.vector_load %arg6[%get3A] {strides = array<i32>} : memref<4096xi32, #tpu.memory_space<vmem>>, vector<16xi32>,
      %iota3A = tpu.iota {dimensions = array<i32: 0>} : vector<16xi32>
      %mul3A_163 = arith.constant 16 : i32
      %mul3A_164 = arith.muli %scan3A_158, %mul3A_163 : i32
      %add3A_165 = vector.broadcast %mul3A_164 : i32 to vector<16xi32>
      %add3A_166 = arith.addi %iota3A, %add3A_165 : vector<16xi32>
      tpu.vector_store_idx %arg7[%get3A_162], %add3A_166 : memref<4096xi32, #tpu.memory_space<vmem>>[vector<16xi32>], vector<16xi32>,
      %scan3A_167 = arith.constant 0 : i32
      scf.yield %scan3A_167 : i32
    }
    %scan3A_59 = arith.constant 256 : i32
    "tpu.region"() ({
      %run_scoped3A = tpu.sem_alloc : memref<!tpu.dma_semaphore, #tpu.memory_space<semaphore_mem>>
      %dma_start3A = arith.constant 0 : i32
      %dma_start3A_158 = tpu.memref_slice %arg5[%add3A_4, %dma_start3A] : memref<64x4096xi32, #tpu.memory_space<hbm>> -> memref<1x4096xi32, #tpu.memory_space<hbm>>
      %dma_start3A_159 = tpu.memref_squeeze %dma_start3A_158 : memref<1x4096xi32, #tpu.memory_space<hbm>> -> memref<4096xi32, #tpu.memory_space<hbm>>
      %dma_start3A_160 = arith.constant 0 : i32
      %dma_start3A_161 = tpu.memref_slice %arg5[%add3A_4, %dma_start3A_160] : memref<64x4096xi32, #tpu.memory_space<hbm>> -> memref<1x4096xi32, #tpu.memory_space<hbm>>
      %dma_start3A_162 = tpu.memref_squeeze %dma_start3A_161 : memref<1x4096xi32, #tpu.memory_space<hbm>> -> memref<4096xi32, #tpu.memory_space<hbm>>
      tpu.enqueue_dma source(%arg7 : memref<4096xi32, #tpu.memory_space<vmem>>) target(%dma_start3A_162 : memref<4096xi32, #tpu.memory_space<hbm>>) target_semaphore(%run_scoped3A : memref<!tpu.dma_semaphore, #tpu.memory_space<semaphore_mem>>)
      %dma_wait3A = arith.constant 0 : i32
      %dma_wait3A_163 = tpu.memref_slice %arg5[%add3A_4, %dma_wait3A] : memref<64x4096xi32, #tpu.memory_space<hbm>> -> memref<1x4096xi32, #tpu.memory_space<hbm>>
      %dma_wait3A_164 = tpu.memref_squeeze %dma_wait3A_163 : memref<1x4096xi32, #tpu.memory_space<hbm>> -> memref<4096xi32, #tpu.memory_space<hbm>>
      %dma_wait3A_165 = arith.constant 0 : i32
      %dma_wait3A_166 = tpu.memref_slice %arg5[%add3A_4, %dma_wait3A_165] : memref<64x4096xi32, #tpu.memory_space<hbm>> -> memref<1x4096xi32, #tpu.memory_space<hbm>>
      %dma_wait3A_167 = tpu.memref_squeeze %dma_wait3A_166 : memref<1x4096xi32, #tpu.memory_space<hbm>> -> memref<4096xi32, #tpu.memory_space<hbm>>
      tpu.wait_dma2 semaphore(%run_scoped3A : memref<!tpu.dma_semaphore, #tpu.memory_space<semaphore_mem>>) src(%arg7 : memref<4096xi32, #tpu.memory_space<vmem>>) dst(%dma_wait3A_167 : memref<4096xi32, #tpu.memory_space<hbm>>)
      tpu.yield
    }) : () -> ()
    %scan3A_60 = arith.constant 0 : i32
    %scan3A_61 = arith.constant 0 : i32
    %scan3A_62 = arith.constant 256 : i32
    %scan3A_63 = arith.addi %scan3A_61, %scan3A_62 : i32
    %scan3A_64 = arith.constant 1 : i32
    %scan3A_65 = scf.for %scan3A_158 = %scan3A_61 to %scan3A_63 step %scan3A_64 iter_args(%scan3A_159 = %scan3A_60) -> (i32)  : i32 {
      %mul3A_160 = arith.constant 16 : i32
      %mul3A_161 = arith.muli %scan3A_158, %mul3A_160 : i32
      %get3A = arith.index_cast %mul3A_161 : i32 to index
      %get3A_162 = tpu.vector_load %arg7[%get3A] {strides = array<i32>} : memref<4096xi32, #tpu.memory_space<vmem>>, vector<16xi32>,
      %mul3A_163 = arith.constant 16 : i32
      %mul3A_164 = vector.broadcast %mul3A_163 : i32 to vector<16xi32>
      %mul3A_165 = arith.muli %get3A_162, %mul3A_164 : vector<16xi32>
      %add3A_166 = vector.broadcast %add3A_53 : i32 to vector<16xi32>
      %add3A_167 = arith.addi %mul3A_165, %add3A_166 : vector<16xi32>
      %jit3A_168 = arith.constant 8 : i32
      %div3A_169 = arith.divsi %scan3A_158, %jit3A_168 : i32
      %sign3A_170 = arith.constant 0 : i32
      %sign3A_171 = arith.cmpi sgt, %scan3A_158, %sign3A_170 : i32
      %sign3A_172 = arith.extui %sign3A_171 : i1 to i32
      %sign3A_173 = arith.constant 0 : i32
      %sign3A_174 = arith.cmpi slt, %scan3A_158, %sign3A_173 : i32
      %sign3A_175 = arith.extui %sign3A_174 : i1 to i32
      %sign3A_176 = arith.subi %sign3A_172, %sign3A_175 : i32
      %sign3A_177 = arith.constant 0 : i32
      %sign3A_178 = arith.cmpi sgt, %jit3A_168, %sign3A_177 : i32
      %sign3A_179 = arith.extui %sign3A_178 : i1 to i32
      %sign3A_180 = arith.constant 0 : i32
      %sign3A_181 = arith.cmpi slt, %jit3A_168, %sign3A_180 : i32
      %sign3A_182 = arith.extui %sign3A_181 : i1 to i32
      %sign3A_183 = arith.subi %sign3A_179, %sign3A_182 : i32
      %ne3A_184 = arith.cmpi ne, %sign3A_176, %sign3A_183 : i32
      %rem3A_185 = arith.remsi %scan3A_158, %jit3A_168 : i32
      %ne3A_186 = arith.constant 0 : i32
      %ne3A_187 = arith.cmpi ne, %rem3A_185, %ne3A_186 : i32
      %and3A_188 = arith.andi %ne3A_184, %ne3A_187 : i1
      %sub3A_189 = arith.constant 1 : i32
      %sub3A_190 = arith.subi %div3A_169, %sub3A_189 : i32
      %select_n3A_191 = arith.select %and3A_188, %sub3A_190, %div3A_169 : i32
      %jit3A_192 = arith.constant 8 : i32
      %eq3A_193 = arith.constant 0 : i32
      %eq3A_194 = arith.cmpi eq, %jit3A_192, %eq3A_193 : i32
      %jit3A_195 = arith.constant 1 : i32
      %select_n3A_196 = arith.select %eq3A_194, %jit3A_195, %jit3A_192 : i32
      %rem3A_197 = arith.remsi %scan3A_158, %select_n3A_196 : i32
      %ne3A_198 = arith.constant 0 : i32
      %ne3A_199 = arith.cmpi ne, %rem3A_197, %ne3A_198 : i32
      %lt3A_200 = arith.constant 0 : i32
      %lt3A_201 = arith.cmpi slt, %rem3A_197, %lt3A_200 : i32
      %lt3A_202 = arith.constant 0 : i32
      %lt3A_203 = arith.cmpi slt, %select_n3A_196, %lt3A_202 : i32
      %ne3A_204 = arith.xori %lt3A_201, %lt3A_203 : i1
      %and3A_205 = arith.andi %ne3A_204, %ne3A_199 : i1
      %add3A_206 = arith.addi %rem3A_197, %select_n3A_196 : i32
      %select_n3A_207 = arith.select %and3A_205, %add3A_206, %rem3A_197 : i32
      %mul3A_208 = arith.constant 16 : i32
      %mul3A_209 = arith.muli %select_n3A_207, %mul3A_208 : i32
      %swap3A = arith.index_cast %select_n3A_191 : i32 to index
      %swap3A_210 = arith.index_cast %mul3A_209 : i32 to index
      %swap3A_211 = tpu.vector_load %arg8[%swap3A, %swap3A_210] {strides = array<i32>} : memref<32x128xi32, #tpu.memory_space<vmem>>, vector<16xi32>,
      tpu.vector_store %arg8[%swap3A, %swap3A_210], %add3A_167 {strides = array<i32>} : memref<32x128xi32, #tpu.memory_space<vmem>>, vector<16xi32>,
      %scan3A_212 = arith.constant 0 : i32
      scf.yield %scan3A_212 : i32
    }
    %scan3A_66 = arith.constant 256 : i32
    %scan3A_67 = arith.constant 0 : i32
    %scan3A_68 = arith.constant 0 : i32
    %scan3A_69 = arith.constant 8 : i32
    %scan3A_70 = arith.addi %scan3A_68, %scan3A_69 : i32
    %scan3A_71 = arith.constant 1 : i32
    %scan3A_72 = scf.for %scan3A_158 = %scan3A_68 to %scan3A_70 step %scan3A_71 iter_args(%scan3A_159 = %scan3A_67) -> (i32)  : i32 {
      %mul3A_160 = arith.constant 4 : i32
      %mul3A_161 = arith.muli %scan3A_158, %mul3A_160 : i32
      %add3A_162 = arith.constant 0 : i32
      %add3A_163 = arith.addi %mul3A_161, %add3A_162 : i32
      %dma_start3A = arith.constant 0 : i32
      %dma_start3A_164 = tpu.memref_slice %arg8[%add3A_163, %dma_start3A] : memref<32x128xi32, #tpu.memory_space<vmem>> -> memref<1x128xi32, #tpu.memory_space<vmem>>
      %dma_start3A_165 = tpu.memref_squeeze %dma_start3A_164 : memref<1x128xi32, #tpu.memory_space<vmem>> -> memref<128xi32, #tpu.memory_space<vmem>>
      %dma_start3A_166 = arith.constant 0 : i32
      %dma_start3A_167 = arith.constant 0 : i32
      %dma_start3A_168 = tpu.memref_slice %arg3[%dma_start3A_166, %dma_start3A_167] : memref<131072x128xf32, #tpu.memory_space<hbm>> -> memref<131072x128xf32, #tpu.memory_space<hbm>>
      tpu.enqueue_indirect_dma source(%dma_start3A_168 : memref<131072x128xf32, #tpu.memory_space<hbm>>) target(%arg9 : memref<128x128xf32, #tpu.memory_space<vmem>>) offsets(%dma_start3A_165 : memref<128xi32, #tpu.memory_space<vmem>>) semaphore(%arg13 : memref<!tpu.dma_semaphore, #tpu.memory_space<semaphore_mem>>)
      %mul3A_169 = arith.constant 4 : i32
      %mul3A_170 = arith.muli %scan3A_158, %mul3A_169 : i32
      %add3A_171 = arith.constant 1 : i32
      %add3A_172 = arith.addi %mul3A_170, %add3A_171 : i32
      %dma_start3A_173 = arith.constant 0 : i32
      %dma_start3A_174 = tpu.memref_slice %arg8[%add3A_172, %dma_start3A_173] : memref<32x128xi32, #tpu.memory_space<vmem>> -> memref<1x128xi32, #tpu.memory_space<vmem>>
      %dma_start3A_175 = tpu.memref_squeeze %dma_start3A_174 : memref<1x128xi32, #tpu.memory_space<vmem>> -> memref<128xi32, #tpu.memory_space<vmem>>
      %dma_start3A_176 = arith.constant 0 : i32
      %dma_start3A_177 = arith.constant 0 : i32
      %dma_start3A_178 = tpu.memref_slice %arg3[%dma_start3A_176, %dma_start3A_177] : memref<131072x128xf32, #tpu.memory_space<hbm>> -> memref<131072x128xf32, #tpu.memory_space<hbm>>
      tpu.enqueue_indirect_dma source(%dma_start3A_178 : memref<131072x128xf32, #tpu.memory_space<hbm>>) target(%arg10 : memref<128x128xf32, #tpu.memory_space<vmem>>) offsets(%dma_start3A_175 : memref<128xi32, #tpu.memory_space<vmem>>) semaphore(%arg14 : memref<!tpu.dma_semaphore, #tpu.memory_space<semaphore_mem>>)
      %mul3A_179 = arith.constant 4 : i32
      %mul3A_180 = arith.muli %scan3A_158, %mul3A_179 : i32
      %add3A_181 = arith.constant 2 : i32
      %add3A_182 = arith.addi %mul3A_180, %add3A_181 : i32
      %dma_start3A_183 = arith.constant 0 : i32
      %dma_start3A_184 = tpu.memref_slice %arg8[%add3A_182, %dma_start3A_183] : memref<32x128xi32, #tpu.memory_space<vmem>> -> memref<1x128xi32, #tpu.memory_space<vmem>>
      %dma_start3A_185 = tpu.memref_squeeze %dma_start3A_184 : memref<1x128xi32, #tpu.memory_space<vmem>> -> memref<128xi32, #tpu.memory_space<vmem>>
      %dma_start3A_186 = arith.constant 0 : i32
      %dma_start3A_187 = arith.constant 0 : i32
      %dma_start3A_188 = tpu.memref_slice %arg3[%dma_start3A_186, %dma_start3A_187] : memref<131072x128xf32, #tpu.memory_space<hbm>> -> memref<131072x128xf32, #tpu.memory_space<hbm>>
      tpu.enqueue_indirect_dma source(%dma_start3A_188 : memref<131072x128xf32, #tpu.memory_space<hbm>>) target(%arg11 : memref<128x128xf32, #tpu.memory_space<vmem>>) offsets(%dma_start3A_185 : memref<128xi32, #tpu.memory_space<vmem>>) semaphore(%arg15 : memref<!tpu.dma_semaphore, #tpu.memory_space<semaphore_mem>>)
      %mul3A_189 = arith.constant 4 : i32
      %mul3A_190 = arith.muli %scan3A_158, %mul3A_189 : i32
      %add3A_191 = arith.constant 3 : i32
      %add3A_192 = arith.addi %mul3A_190, %add3A_191 : i32
      %dma_start3A_193 = arith.constant 0 : i32
      %dma_start3A_194 = tpu.memref_slice %arg8[%add3A_192, %dma_start3A_193] : memref<32x128xi32, #tpu.memory_space<vmem>> -> memref<1x128xi32, #tpu.memory_space<vmem>>
      %dma_start3A_195 = tpu.memref_squeeze %dma_start3A_194 : memref<1x128xi32, #tpu.memory_space<vmem>> -> memref<128xi32, #tpu.memory_space<vmem>>
      %dma_start3A_196 = arith.constant 0 : i32
      %dma_start3A_197 = arith.constant 0 : i32
      %dma_start3A_198 = tpu.memref_slice %arg3[%dma_start3A_196, %dma_start3A_197] : memref<131072x128xf32, #tpu.memory_space<hbm>> -> memref<131072x128xf32, #tpu.memory_space<hbm>>
      tpu.enqueue_indirect_dma source(%dma_start3A_198 : memref<131072x128xf32, #tpu.memory_space<hbm>>) target(%arg12 : memref<128x128xf32, #tpu.memory_space<vmem>>) offsets(%dma_start3A_195 : memref<128xi32, #tpu.memory_space<vmem>>) semaphore(%arg16 : memref<!tpu.dma_semaphore, #tpu.memory_space<semaphore_mem>>)
      %mul3A_199 = arith.constant 4 : i32
      %mul3A_200 = arith.muli %scan3A_158, %mul3A_199 : i32
      %add3A_201 = arith.constant 0 : i32
      %add3A_202 = arith.addi %mul3A_200, %add3A_201 : i32
      %dma_wait3A = arith.constant 0 : i32
      %dma_wait3A_203 = tpu.memref_slice %arg8[%add3A_163, %dma_wait3A] : memref<32x128xi32, #tpu.memory_space<vmem>> -> memref<1x128xi32, #tpu.memory_space<vmem>>
      %dma_wait3A_204 = tpu.memref_squeeze %dma_wait3A_203 : memref<1x128xi32, #tpu.memory_space<vmem>> -> memref<128xi32, #tpu.memory_space<vmem>>
      %dma_wait3A_205 = arith.constant 0 : i32
      %dma_wait3A_206 = arith.constant 0 : i32
      %dma_wait3A_207 = tpu.memref_slice %arg3[%dma_wait3A_205, %dma_wait3A_206] : memref<131072x128xf32, #tpu.memory_space<hbm>> -> memref<131072x128xf32, #tpu.memory_space<hbm>>
      tpu.wait_indirect_dma semaphore(%arg13 : memref<!tpu.dma_semaphore, #tpu.memory_space<semaphore_mem>>) src(%dma_wait3A_207 : memref<131072x128xf32, #tpu.memory_space<hbm>>) dst(%arg9 : memref<128x128xf32, #tpu.memory_space<vmem>>)
      %mul3A_208 = arith.constant 128 : i32
      %mul3A_209 = arith.muli %add3A_202, %mul3A_208 : i32
      %dma_start3A_210 = arith.constant 0 : i32
      %dma_start3A_211 = tpu.memref_slice %arg4[%add3A_4, %mul3A_209, %dma_start3A_210] : memref<64x4096x128xf32, #tpu.memory_space<hbm>> -> memref<1x128x128xf32, #tpu.memory_space<hbm>>
      %dma_start3A_212 = tpu.memref_squeeze %dma_start3A_211 : memref<1x128x128xf32, #tpu.memory_space<hbm>> -> memref<128x128xf32, #tpu.memory_space<hbm>>
      %dma_start3A_213 = arith.constant 0 : i32
      %dma_start3A_214 = tpu.memref_slice %arg4[%add3A_4, %mul3A_209, %dma_start3A_213] : memref<64x4096x128xf32, #tpu.memory_space<hbm>> -> memref<1x128x128xf32, #tpu.memory_space<hbm>>
      %dma_start3A_215 = tpu.memref_squeeze %dma_start3A_214 : memref<1x128x128xf32, #tpu.memory_space<hbm>> -> memref<128x128xf32, #tpu.memory_space<hbm>>
      tpu.enqueue_dma source(%arg9 : memref<128x128xf32, #tpu.memory_space<vmem>>) target(%dma_start3A_215 : memref<128x128xf32, #tpu.memory_space<hbm>>) target_semaphore(%arg17 : memref<!tpu.dma_semaphore, #tpu.memory_space<semaphore_mem>>)
      %mul3A_216 = arith.constant 4 : i32
      %mul3A_217 = arith.muli %scan3A_158, %mul3A_216 : i32
      %add3A_218 = arith.constant 1 : i32
      %add3A_219 = arith.addi %mul3A_217, %add3A_218 : i32
      %dma_wait3A_220 = arith.constant 0 : i32
      %dma_wait3A_221 = tpu.memref_slice %arg8[%add3A_172, %dma_wait3A_220] : memref<32x128xi32, #tpu.memory_space<vmem>> -> memref<1x128xi32, #tpu.memory_space<vmem>>
      %dma_wait3A_222 = tpu.memref_squeeze %dma_wait3A_221 : memref<1x128xi32, #tpu.memory_space<vmem>> -> memref<128xi32, #tpu.memory_space<vmem>>
      %dma_wait3A_223 = arith.constant 0 : i32
      %dma_wait3A_224 = arith.constant 0 : i32
      %dma_wait3A_225 = tpu.memref_slice %arg3[%dma_wait3A_223, %dma_wait3A_224] : memref<131072x128xf32, #tpu.memory_space<hbm>> -> memref<131072x128xf32, #tpu.memory_space<hbm>>
      tpu.wait_indirect_dma semaphore(%arg14 : memref<!tpu.dma_semaphore, #tpu.memory_space<semaphore_mem>>) src(%dma_wait3A_225 : memref<131072x128xf32, #tpu.memory_space<hbm>>) dst(%arg10 : memref<128x128xf32, #tpu.memory_space<vmem>>)
      %mul3A_226 = arith.constant 128 : i32
      %mul3A_227 = arith.muli %add3A_219, %mul3A_226 : i32
      %dma_start3A_228 = arith.constant 0 : i32
      %dma_start3A_229 = tpu.memref_slice %arg4[%add3A_4, %mul3A_227, %dma_start3A_228] : memref<64x4096x128xf32, #tpu.memory_space<hbm>> -> memref<1x128x128xf32, #tpu.memory_space<hbm>>
      %dma_start3A_230 = tpu.memref_squeeze %dma_start3A_229 : memref<1x128x128xf32, #tpu.memory_space<hbm>> -> memref<128x128xf32, #tpu.memory_space<hbm>>
      %dma_start3A_231 = arith.constant 0 : i32
      %dma_start3A_232 = tpu.memref_slice %arg4[%add3A_4, %mul3A_227, %dma_start3A_231] : memref<64x4096x128xf32, #tpu.memory_space<hbm>> -> memref<1x128x128xf32, #tpu.memory_space<hbm>>
      %dma_start3A_233 = tpu.memref_squeeze %dma_start3A_232 : memref<1x128x128xf32, #tpu.memory_space<hbm>> -> memref<128x128xf32, #tpu.memory_space<hbm>>
      tpu.enqueue_dma source(%arg10 : memref<128x128xf32, #tpu.memory_space<vmem>>) target(%dma_start3A_233 : memref<128x128xf32, #tpu.memory_space<hbm>>) target_semaphore(%arg18 : memref<!tpu.dma_semaphore, #tpu.memory_space<semaphore_mem>>)
      %mul3A_234 = arith.constant 4 : i32
      %mul3A_235 = arith.muli %scan3A_158, %mul3A_234 : i32
      %add3A_236 = arith.constant 2 : i32
      %add3A_237 = arith.addi %mul3A_235, %add3A_236 : i32
      %dma_wait3A_238 = arith.constant 0 : i32
      %dma_wait3A_239 = tpu.memref_slice %arg8[%add3A_182, %dma_wait3A_238] : memref<32x128xi32, #tpu.memory_space<vmem>> -> memref<1x128xi32, #tpu.memory_space<vmem>>
      %dma_wait3A_240 = tpu.memref_squeeze %dma_wait3A_239 : memref<1x128xi32, #tpu.memory_space<vmem>> -> memref<128xi32, #tpu.memory_space<vmem>>
      %dma_wait3A_241 = arith.constant 0 : i32
      %dma_wait3A_242 = arith.constant 0 : i32
      %dma_wait3A_243 = tpu.memref_slice %arg3[%dma_wait3A_241, %dma_wait3A_242] : memref<131072x128xf32, #tpu.memory_space<hbm>> -> memref<131072x128xf32, #tpu.memory_space<hbm>>
      tpu.wait_indirect_dma semaphore(%arg15 : memref<!tpu.dma_semaphore, #tpu.memory_space<semaphore_mem>>) src(%dma_wait3A_243 : memref<131072x128xf32, #tpu.memory_space<hbm>>) dst(%arg11 : memref<128x128xf32, #tpu.memory_space<vmem>>)
      %mul3A_244 = arith.constant 128 : i32
      %mul3A_245 = arith.muli %add3A_237, %mul3A_244 : i32
      %dma_start3A_246 = arith.constant 0 : i32
      %dma_start3A_247 = tpu.memref_slice %arg4[%add3A_4, %mul3A_245, %dma_start3A_246] : memref<64x4096x128xf32, #tpu.memory_space<hbm>> -> memref<1x128x128xf32, #tpu.memory_space<hbm>>
      %dma_start3A_248 = tpu.memref_squeeze %dma_start3A_247 : memref<1x128x128xf32, #tpu.memory_space<hbm>> -> memref<128x128xf32, #tpu.memory_space<hbm>>
      %dma_start3A_249 = arith.constant 0 : i32
      %dma_start3A_250 = tpu.memref_slice %arg4[%add3A_4, %mul3A_245, %dma_start3A_249] : memref<64x4096x128xf32, #tpu.memory_space<hbm>> -> memref<1x128x128xf32, #tpu.memory_space<hbm>>
      %dma_start3A_251 = tpu.memref_squeeze %dma_start3A_250 : memref<1x128x128xf32, #tpu.memory_space<hbm>> -> memref<128x128xf32, #tpu.memory_space<hbm>>
      tpu.enqueue_dma source(%arg11 : memref<128x128xf32, #tpu.memory_space<vmem>>) target(%dma_start3A_251 : memref<128x128xf32, #tpu.memory_space<hbm>>) target_semaphore(%arg19 : memref<!tpu.dma_semaphore, #tpu.memory_space<semaphore_mem>>)
      %mul3A_252 = arith.constant 4 : i32
      %mul3A_253 = arith.muli %scan3A_158, %mul3A_252 : i32
      %add3A_254 = arith.constant 3 : i32
      %add3A_255 = arith.addi %mul3A_253, %add3A_254 : i32
      %dma_wait3A_256 = arith.constant 0 : i32
      %dma_wait3A_257 = tpu.memref_slice %arg8[%add3A_192, %dma_wait3A_256] : memref<32x128xi32, #tpu.memory_space<vmem>> -> memref<1x128xi32, #tpu.memory_space<vmem>>
      %dma_wait3A_258 = tpu.memref_squeeze %dma_wait3A_257 : memref<1x128xi32, #tpu.memory_space<vmem>> -> memref<128xi32, #tpu.memory_space<vmem>>
      %dma_wait3A_259 = arith.constant 0 : i32
      %dma_wait3A_260 = arith.constant 0 : i32
      %dma_wait3A_261 = tpu.memref_slice %arg3[%dma_wait3A_259, %dma_wait3A_260] : memref<131072x128xf32, #tpu.memory_space<hbm>> -> memref<131072x128xf32, #tpu.memory_space<hbm>>
      tpu.wait_indirect_dma semaphore(%arg16 : memref<!tpu.dma_semaphore, #tpu.memory_space<semaphore_mem>>) src(%dma_wait3A_261 : memref<131072x128xf32, #tpu.memory_space<hbm>>) dst(%arg12 : memref<128x128xf32, #tpu.memory_space<vmem>>)
      %mul3A_262 = arith.constant 128 : i32
      %mul3A_263 = arith.muli %add3A_255, %mul3A_262 : i32
      %dma_start3A_264 = arith.constant 0 : i32
      %dma_start3A_265 = tpu.memref_slice %arg4[%add3A_4, %mul3A_263, %dma_start3A_264] : memref<64x4096x128xf32, #tpu.memory_space<hbm>> -> memref<1x128x128xf32, #tpu.memory_space<hbm>>
      %dma_start3A_266 = tpu.memref_squeeze %dma_start3A_265 : memref<1x128x128xf32, #tpu.memory_space<hbm>> -> memref<128x128xf32, #tpu.memory_space<hbm>>
      %dma_start3A_267 = arith.constant 0 : i32
      %dma_start3A_268 = tpu.memref_slice %arg4[%add3A_4, %mul3A_263, %dma_start3A_267] : memref<64x4096x128xf32, #tpu.memory_space<hbm>> -> memref<1x128x128xf32, #tpu.memory_space<hbm>>
      %dma_start3A_269 = tpu.memref_squeeze %dma_start3A_268 : memref<1x128x128xf32, #tpu.memory_space<hbm>> -> memref<128x128xf32, #tpu.memory_space<hbm>>
      tpu.enqueue_dma source(%arg12 : memref<128x128xf32, #tpu.memory_space<vmem>>) target(%dma_start3A_269 : memref<128x128xf32, #tpu.memory_space<hbm>>) target_semaphore(%arg20 : memref<!tpu.dma_semaphore, #tpu.memory_space<semaphore_mem>>)
      %dma_wait3A_270 = arith.constant 0 : i32
      %dma_wait3A_271 = tpu.memref_slice %arg4[%add3A_4, %mul3A_209, %dma_wait3A_270] : memref<64x4096x128xf32, #tpu.memory_space<hbm>> -> memref<1x128x128xf32, #tpu.memory_space<hbm>>
      %dma_wait3A_272 = tpu.memref_squeeze %dma_wait3A_271 : memref<1x128x128xf32, #tpu.memory_space<hbm>> -> memref<128x128xf32, #tpu.memory_space<hbm>>
      %dma_wait3A_273 = arith.constant 0 : i32
      %dma_wait3A_274 = tpu.memref_slice %arg4[%add3A_4, %mul3A_209, %dma_wait3A_273] : memref<64x4096x128xf32, #tpu.memory_space<hbm>> -> memref<1x128x128xf32, #tpu.memory_space<hbm>>
      %dma_wait3A_275 = tpu.memref_squeeze %dma_wait3A_274 : memref<1x128x128xf32, #tpu.memory_space<hbm>> -> memref<128x128xf32, #tpu.memory_space<hbm>>
      tpu.wait_dma2 semaphore(%arg17 : memref<!tpu.dma_semaphore, #tpu.memory_space<semaphore_mem>>) src(%arg9 : memref<128x128xf32, #tpu.memory_space<vmem>>) dst(%dma_wait3A_275 : memref<128x128xf32, #tpu.memory_space<hbm>>)
      %dma_wait3A_276 = arith.constant 0 : i32
      %dma_wait3A_277 = tpu.memref_slice %arg4[%add3A_4, %mul3A_227, %dma_wait3A_276] : memref<64x4096x128xf32, #tpu.memory_space<hbm>> -> memref<1x128x128xf32, #tpu.memory_space<hbm>>
      %dma_wait3A_278 = tpu.memref_squeeze %dma_wait3A_277 : memref<1x128x128xf32, #tpu.memory_space<hbm>> -> memref<128x128xf32, #tpu.memory_space<hbm>>
      %dma_wait3A_279 = arith.constant 0 : i32
      %dma_wait3A_280 = tpu.memref_slice %arg4[%add3A_4, %mul3A_227, %dma_wait3A_279] : memref<64x4096x128xf32, #tpu.memory_space<hbm>> -> memref<1x128x128xf32, #tpu.memory_space<hbm>>
      %dma_wait3A_281 = tpu.memref_squeeze %dma_wait3A_280 : memref<1x128x128xf32, #tpu.memory_space<hbm>> -> memref<128x128xf32, #tpu.memory_space<hbm>>
      tpu.wait_dma2 semaphore(%arg18 : memref<!tpu.dma_semaphore, #tpu.memory_space<semaphore_mem>>) src(%arg10 : memref<128x128xf32, #tpu.memory_space<vmem>>) dst(%dma_wait3A_281 : memref<128x128xf32, #tpu.memory_space<hbm>>)
      %dma_wait3A_282 = arith.constant 0 : i32
      %dma_wait3A_283 = tpu.memref_slice %arg4[%add3A_4, %mul3A_245, %dma_wait3A_282] : memref<64x4096x128xf32, #tpu.memory_space<hbm>> -> memref<1x128x128xf32, #tpu.memory_space<hbm>>
      %dma_wait3A_284 = tpu.memref_squeeze %dma_wait3A_283 : memref<1x128x128xf32, #tpu.memory_space<hbm>> -> memref<128x128xf32, #tpu.memory_space<hbm>>
      %dma_wait3A_285 = arith.constant 0 : i32
      %dma_wait3A_286 = tpu.memref_slice %arg4[%add3A_4, %mul3A_245, %dma_wait3A_285] : memref<64x4096x128xf32, #tpu.memory_space<hbm>> -> memref<1x128x128xf32, #tpu.memory_space<hbm>>
      %dma_wait3A_287 = tpu.memref_squeeze %dma_wait3A_286 : memref<1x128x128xf32, #tpu.memory_space<hbm>> -> memref<128x128xf32, #tpu.memory_space<hbm>>
      tpu.wait_dma2 semaphore(%arg19 : memref<!tpu.dma_semaphore, #tpu.memory_space<semaphore_mem>>) src(%arg11 : memref<128x128xf32, #tpu.memory_space<vmem>>) dst(%dma_wait3A_287 : memref<128x128xf32, #tpu.memory_space<hbm>>)
      %dma_wait3A_288 = arith.constant 0 : i32
      %dma_wait3A_289 = tpu.memref_slice %arg4[%add3A_4, %mul3A_263, %dma_wait3A_288] : memref<64x4096x128xf32, #tpu.memory_space<hbm>> -> memref<1x128x128xf32, #tpu.memory_space<hbm>>
      %dma_wait3A_290 = tpu.memref_squeeze %dma_wait3A_289 : memref<1x128x128xf32, #tpu.memory_space<hbm>> -> memref<128x128xf32, #tpu.memory_space<hbm>>
      %dma_wait3A_291 = arith.constant 0 : i32
      %dma_wait3A_292 = tpu.memref_slice %arg4[%add3A_4, %mul3A_263, %dma_wait3A_291] : memref<64x4096x128xf32, #tpu.memory_space<hbm>> -> memref<1x128x128xf32, #tpu.memory_space<hbm>>
      %dma_wait3A_293 = tpu.memref_squeeze %dma_wait3A_292 : memref<1x128x128xf32, #tpu.memory_space<hbm>> -> memref<128x128xf32, #tpu.memory_space<hbm>>
      tpu.wait_dma2 semaphore(%arg20 : memref<!tpu.dma_semaphore, #tpu.memory_space<semaphore_mem>>) src(%arg12 : memref<128x128xf32, #tpu.memory_space<vmem>>) dst(%dma_wait3A_293 : memref<128x128xf32, #tpu.memory_space<hbm>>)
      %scan3A_294 = arith.constant 0 : i32
      scf.yield %scan3A_294 : i32
    }
    %scan3A_73 = arith.constant 8 : i32
    %mul3A_74 = arith.constant 2 : i32
    %mul3A_75 = arith.muli %add3A, %mul3A_74 : i32
    %add3A_76 = arith.constant 1 : i32
    %add3A_77 = arith.addi %mul3A_75, %add3A_76 : i32
    %jit3A_78 = arith.constant 16 : i32
    %div3A_79 = arith.divsi %add3A_77, %jit3A_78 : i32
    %sign3A_80 = arith.constant 0 : i32
    %sign3A_81 = arith.cmpi sgt, %add3A_77, %sign3A_80 : i32
    %sign3A_82 = arith.extui %sign3A_81 : i1 to i32
    %sign3A_83 = arith.constant 0 : i32
    %sign3A_84 = arith.cmpi slt, %add3A_77, %sign3A_83 : i32
    %sign3A_85 = arith.extui %sign3A_84 : i1 to i32
    %sign3A_86 = arith.subi %sign3A_82, %sign3A_85 : i32
    %sign3A_87 = arith.constant 0 : i32
    %sign3A_88 = arith.cmpi sgt, %jit3A_78, %sign3A_87 : i32
    %sign3A_89 = arith.extui %sign3A_88 : i1 to i32
    %sign3A_90 = arith.constant 0 : i32
    %sign3A_91 = arith.cmpi slt, %jit3A_78, %sign3A_90 : i32
    %sign3A_92 = arith.extui %sign3A_91 : i1 to i32
    %sign3A_93 = arith.subi %sign3A_89, %sign3A_92 : i32
    %ne3A_94 = arith.cmpi ne, %sign3A_86, %sign3A_93 : i32
    %rem3A_95 = arith.remsi %add3A_77, %jit3A_78 : i32
    %ne3A_96 = arith.constant 0 : i32
    %ne3A_97 = arith.cmpi ne, %rem3A_95, %ne3A_96 : i32
    %and3A_98 = arith.andi %ne3A_94, %ne3A_97 : i1
    %sub3A_99 = arith.constant 1 : i32
    %sub3A_100 = arith.subi %div3A_79, %sub3A_99 : i32
    %select_n3A_101 = arith.select %and3A_98, %sub3A_100, %div3A_79 : i32
    %jit3A_102 = arith.constant 2 : i32
    %eq3A_103 = arith.constant 0 : i32
    %eq3A_104 = arith.cmpi eq, %jit3A_102, %eq3A_103 : i32
    %jit3A_105 = arith.constant 1 : i32
    %select_n3A_106 = arith.select %eq3A_104, %jit3A_105, %jit3A_102 : i32
    %rem3A_107 = arith.remsi %select_n3A_101, %select_n3A_106 : i32
    %ne3A_108 = arith.constant 0 : i32
    %ne3A_109 = arith.cmpi ne, %rem3A_107, %ne3A_108 : i32
    %lt3A_110 = arith.constant 0 : i32
    %lt3A_111 = arith.cmpi slt, %rem3A_107, %lt3A_110 : i32
    %lt3A_112 = arith.constant 0 : i32
    %lt3A_113 = arith.cmpi slt, %select_n3A_106, %lt3A_112 : i32
    %ne3A_114 = arith.xori %lt3A_111, %lt3A_113 : i1
    %and3A_115 = arith.andi %ne3A_114, %ne3A_109 : i1
    %add3A_116 = arith.addi %rem3A_107, %select_n3A_106 : i32
    %select_n3A_117 = arith.select %and3A_115, %add3A_116, %rem3A_107 : i32
    %jit3A_118 = arith.constant 16 : i32
    %eq3A_119 = arith.constant 0 : i32
    %eq3A_120 = arith.cmpi eq, %jit3A_118, %eq3A_119 : i32
    %jit3A_121 = arith.constant 1 : i32
    %select_n3A_122 = arith.select %eq3A_120, %jit3A_121, %jit3A_118 : i32
    %rem3A_123 = arith.remsi %add3A_77, %select_n3A_122 : i32
    %ne3A_124 = arith.constant 0 : i32
    %ne3A_125 = arith.cmpi ne, %rem3A_123, %ne3A_124 : i32
    %lt3A_126 = arith.constant 0 : i32
    %lt3A_127 = arith.cmpi slt, %rem3A_123, %lt3A_126 : i32
    %lt3A_128 = arith.constant 0 : i32
    %lt3A_129 = arith.cmpi slt, %select_n3A_122, %lt3A_128 : i32
    %ne3A_130 = arith.xori %lt3A_127, %lt3A_129 : i1
    %and3A_131 = arith.andi %ne3A_130, %ne3A_125 : i1
    %add3A_132 = arith.addi %rem3A_123, %select_n3A_122 : i32
    %select_n3A_133 = arith.select %and3A_131, %add3A_132, %rem3A_123 : i32
    %mul3A_134 = arith.constant 65536 : i32
    %mul3A_135 = arith.muli %select_n3A_117, %mul3A_134 : i32
    %add3A_136 = arith.addi %mul3A_135, %select_n3A_133 : i32
    "tpu.region"() ({
      %run_scoped3A = tpu.sem_alloc : memref<!tpu.dma_semaphore, #tpu.memory_space<semaphore_mem>>
      %dma_start3A = arith.constant 0 : i32
      %dma_start3A_158 = tpu.memref_slice %arg2[%add3A_77, %dma_start3A] : memref<64x4096xi32, #tpu.memory_space<hbm>> -> memref<1x4096xi32, #tpu.memory_space<hbm>>
      %dma_start3A_159 = tpu.memref_squeeze %dma_start3A_158 : memref<1x4096xi32, #tpu.memory_space<hbm>> -> memref<4096xi32, #tpu.memory_space<hbm>>
      %dma_start3A_160 = arith.constant 0 : i32
      %dma_start3A_161 = tpu.memref_slice %arg2[%add3A_77, %dma_start3A_160] : memref<64x4096xi32, #tpu.memory_space<hbm>> -> memref<1x4096xi32, #tpu.memory_space<hbm>>
      %dma_start3A_162 = tpu.memref_squeeze %dma_start3A_161 : memref<1x4096xi32, #tpu.memory_space<hbm>> -> memref<4096xi32, #tpu.memory_space<hbm>>
      tpu.enqueue_dma source(%dma_start3A_162 : memref<4096xi32, #tpu.memory_space<hbm>>) target(%arg6 : memref<4096xi32, #tpu.memory_space<vmem>>) target_semaphore(%run_scoped3A : memref<!tpu.dma_semaphore, #tpu.memory_space<semaphore_mem>>)
      %dma_wait3A = arith.constant 0 : i32
      %dma_wait3A_163 = tpu.memref_slice %arg2[%add3A_77, %dma_wait3A] : memref<64x4096xi32, #tpu.memory_space<hbm>> -> memref<1x4096xi32, #tpu.memory_space<hbm>>
      %dma_wait3A_164 = tpu.memref_squeeze %dma_wait3A_163 : memref<1x4096xi32, #tpu.memory_space<hbm>> -> memref<4096xi32, #tpu.memory_space<hbm>>
      %dma_wait3A_165 = arith.constant 0 : i32
      %dma_wait3A_166 = tpu.memref_slice %arg2[%add3A_77, %dma_wait3A_165] : memref<64x4096xi32, #tpu.memory_space<hbm>> -> memref<1x4096xi32, #tpu.memory_space<hbm>>
      %dma_wait3A_167 = tpu.memref_squeeze %dma_wait3A_166 : memref<1x4096xi32, #tpu.memory_space<hbm>> -> memref<4096xi32, #tpu.memory_space<hbm>>
      tpu.wait_dma2 semaphore(%run_scoped3A : memref<!tpu.dma_semaphore, #tpu.memory_space<semaphore_mem>>) src(%dma_wait3A_167 : memref<4096xi32, #tpu.memory_space<hbm>>) dst(%arg6 : memref<4096xi32, #tpu.memory_space<vmem>>)
      tpu.yield
    }) : () -> ()
    %scan3A_137 = arith.constant 0 : i32
    %scan3A_138 = arith.constant 0 : i32
    %scan3A_139 = arith.constant 256 : i32
    %scan3A_140 = arith.addi %scan3A_138, %scan3A_139 : i32
    %scan3A_141 = arith.constant 1 : i32
    %scan3A_142 = scf.for %scan3A_158 = %scan3A_138 to %scan3A_140 step %scan3A_141 iter_args(%scan3A_159 = %scan3A_137) -> (i32)  : i32 {
      %mul3A_160 = arith.constant 16 : i32
      %mul3A_161 = arith.muli %scan3A_158, %mul3A_160 : i32
      %get3A = arith.index_cast %mul3A_161 : i32 to index
      %get3A_162 = tpu.vector_load %arg6[%get3A] {strides = array<i32>} : memref<4096xi32, #tpu.memory_space<vmem>>, vector<16xi32>,
      %iota3A = tpu.iota {dimensions = array<i32: 0>} : vector<16xi32>
      %mul3A_163 = arith.constant 16 : i32
      %mul3A_164 = arith.muli %scan3A_158, %mul3A_163 : i32
      %add3A_165 = vector.broadcast %mul3A_164 : i32 to vector<16xi32>
      %add3A_166 = arith.addi %iota3A, %add3A_165 : vector<16xi32>
      tpu.vector_store_idx %arg7[%get3A_162], %add3A_166 : memref<4096xi32, #tpu.memory_space<vmem>>[vector<16xi32>], vector<16xi32>,
      %scan3A_167 = arith.constant 0 : i32
      scf.yield %scan3A_167 : i32
    }
    %scan3A_143 = arith.constant 256 : i32
    "tpu.region"() ({
      %run_scoped3A = tpu.sem_alloc : memref<!tpu.dma_semaphore, #tpu.memory_space<semaphore_mem>>
      %dma_start3A = arith.constant 0 : i32
      %dma_start3A_158 = tpu.memref_slice %arg5[%add3A_77, %dma_start3A] : memref<64x4096xi32, #tpu.memory_space<hbm>> -> memref<1x4096xi32, #tpu.memory_space<hbm>>
      %dma_start3A_159 = tpu.memref_squeeze %dma_start3A_158 : memref<1x4096xi32, #tpu.memory_space<hbm>> -> memref<4096xi32, #tpu.memory_space<hbm>>
      %dma_start3A_160 = arith.constant 0 : i32
      %dma_start3A_161 = tpu.memref_slice %arg5[%add3A_77, %dma_start3A_160] : memref<64x4096xi32, #tpu.memory_space<hbm>> -> memref<1x4096xi32, #tpu.memory_space<hbm>>
      %dma_start3A_162 = tpu.memref_squeeze %dma_start3A_161 : memref<1x4096xi32, #tpu.memory_space<hbm>> -> memref<4096xi32, #tpu.memory_space<hbm>>
      tpu.enqueue_dma source(%arg7 : memref<4096xi32, #tpu.memory_space<vmem>>) target(%dma_start3A_162 : memref<4096xi32, #tpu.memory_space<hbm>>) target_semaphore(%run_scoped3A : memref<!tpu.dma_semaphore, #tpu.memory_space<semaphore_mem>>)
      %dma_wait3A = arith.constant 0 : i32
      %dma_wait3A_163 = tpu.memref_slice %arg5[%add3A_77, %dma_wait3A] : memref<64x4096xi32, #tpu.memory_space<hbm>> -> memref<1x4096xi32, #tpu.memory_space<hbm>>
      %dma_wait3A_164 = tpu.memref_squeeze %dma_wait3A_163 : memref<1x4096xi32, #tpu.memory_space<hbm>> -> memref<4096xi32, #tpu.memory_space<hbm>>
      %dma_wait3A_165 = arith.constant 0 : i32
      %dma_wait3A_166 = tpu.memref_slice %arg5[%add3A_77, %dma_wait3A_165] : memref<64x4096xi32, #tpu.memory_space<hbm>> -> memref<1x4096xi32, #tpu.memory_space<hbm>>
      %dma_wait3A_167 = tpu.memref_squeeze %dma_wait3A_166 : memref<1x4096xi32, #tpu.memory_space<hbm>> -> memref<4096xi32, #tpu.memory_space<hbm>>
      tpu.wait_dma2 semaphore(%run_scoped3A : memref<!tpu.dma_semaphore, #tpu.memory_space<semaphore_mem>>) src(%arg7 : memref<4096xi32, #tpu.memory_space<vmem>>) dst(%dma_wait3A_167 : memref<4096xi32, #tpu.memory_space<hbm>>)
      tpu.yield
    }) : () -> ()
    %scan3A_144 = arith.constant 0 : i32
    %scan3A_145 = arith.constant 0 : i32
    %scan3A_146 = arith.constant 256 : i32
    %scan3A_147 = arith.addi %scan3A_145, %scan3A_146 : i32
    %scan3A_148 = arith.constant 1 : i32
    %scan3A_149 = scf.for %scan3A_158 = %scan3A_145 to %scan3A_147 step %scan3A_148 iter_args(%scan3A_159 = %scan3A_144) -> (i32)  : i32 {
      %mul3A_160 = arith.constant 16 : i32
      %mul3A_161 = arith.muli %scan3A_158, %mul3A_160 : i32
      %get3A = arith.index_cast %mul3A_161 : i32 to index
      %get3A_162 = tpu.vector_load %arg7[%get3A] {strides = array<i32>} : memref<4096xi32, #tpu.memory_space<vmem>>, vector<16xi32>,
      %mul3A_163 = arith.constant 16 : i32
      %mul3A_164 = vector.broadcast %mul3A_163 : i32 to vector<16xi32>
      %mul3A_165 = arith.muli %get3A_162, %mul3A_164 : vector<16xi32>
      %add3A_166 = vector.broadcast %add3A_136 : i32 to vector<16xi32>
      %add3A_167 = arith.addi %mul3A_165, %add3A_166 : vector<16xi32>
      %jit3A_168 = arith.constant 8 : i32
      %div3A_169 = arith.divsi %scan3A_158, %jit3A_168 : i32
      %sign3A_170 = arith.constant 0 : i32
      %sign3A_171 = arith.cmpi sgt, %scan3A_158, %sign3A_170 : i32
      %sign3A_172 = arith.extui %sign3A_171 : i1 to i32
      %sign3A_173 = arith.constant 0 : i32
      %sign3A_174 = arith.cmpi slt, %scan3A_158, %sign3A_173 : i32
      %sign3A_175 = arith.extui %sign3A_174 : i1 to i32
      %sign3A_176 = arith.subi %sign3A_172, %sign3A_175 : i32
      %sign3A_177 = arith.constant 0 : i32
      %sign3A_178 = arith.cmpi sgt, %jit3A_168, %sign3A_177 : i32
      %sign3A_179 = arith.extui %sign3A_178 : i1 to i32
      %sign3A_180 = arith.constant 0 : i32
      %sign3A_181 = arith.cmpi slt, %jit3A_168, %sign3A_180 : i32
      %sign3A_182 = arith.extui %sign3A_181 : i1 to i32
      %sign3A_183 = arith.subi %sign3A_179, %sign3A_182 : i32
      %ne3A_184 = arith.cmpi ne, %sign3A_176, %sign3A_183 : i32
      %rem3A_185 = arith.remsi %scan3A_158, %jit3A_168 : i32
      %ne3A_186 = arith.constant 0 : i32
      %ne3A_187 = arith.cmpi ne, %rem3A_185, %ne3A_186 : i32
      %and3A_188 = arith.andi %ne3A_184, %ne3A_187 : i1
      %sub3A_189 = arith.constant 1 : i32
      %sub3A_190 = arith.subi %div3A_169, %sub3A_189 : i32
      %select_n3A_191 = arith.select %and3A_188, %sub3A_190, %div3A_169 : i32
      %jit3A_192 = arith.constant 8 : i32
      %eq3A_193 = arith.constant 0 : i32
      %eq3A_194 = arith.cmpi eq, %jit3A_192, %eq3A_193 : i32
      %jit3A_195 = arith.constant 1 : i32
      %select_n3A_196 = arith.select %eq3A_194, %jit3A_195, %jit3A_192 : i32
      %rem3A_197 = arith.remsi %scan3A_158, %select_n3A_196 : i32
      %ne3A_198 = arith.constant 0 : i32
      %ne3A_199 = arith.cmpi ne, %rem3A_197, %ne3A_198 : i32
      %lt3A_200 = arith.constant 0 : i32
      %lt3A_201 = arith.cmpi slt, %rem3A_197, %lt3A_200 : i32
      %lt3A_202 = arith.constant 0 : i32
      %lt3A_203 = arith.cmpi slt, %select_n3A_196, %lt3A_202 : i32
      %ne3A_204 = arith.xori %lt3A_201, %lt3A_203 : i1
      %and3A_205 = arith.andi %ne3A_204, %ne3A_199 : i1
      %add3A_206 = arith.addi %rem3A_197, %select_n3A_196 : i32
      %select_n3A_207 = arith.select %and3A_205, %add3A_206, %rem3A_197 : i32
      %mul3A_208 = arith.constant 16 : i32
      %mul3A_209 = arith.muli %select_n3A_207, %mul3A_208 : i32
      %swap3A = arith.index_cast %select_n3A_191 : i32 to index
      %swap3A_210 = arith.index_cast %mul3A_209 : i32 to index
      %swap3A_211 = tpu.vector_load %arg8[%swap3A, %swap3A_210] {strides = array<i32>} : memref<32x128xi32, #tpu.memory_space<vmem>>, vector<16xi32>,
      tpu.vector_store %arg8[%swap3A, %swap3A_210], %add3A_167 {strides = array<i32>} : memref<32x128xi32, #tpu.memory_space<vmem>>, vector<16xi32>,
      %scan3A_212 = arith.constant 0 : i32
      scf.yield %scan3A_212 : i32
    }
    %scan3A_150 = arith.constant 256 : i32
    %scan3A_151 = arith.constant 0 : i32
    %scan3A_152 = arith.constant 0 : i32
    %scan3A_153 = arith.constant 8 : i32
    %scan3A_154 = arith.addi %scan3A_152, %scan3A_153 : i32
    %scan3A_155 = arith.constant 1 : i32
    %scan3A_156 = scf.for %scan3A_158 = %scan3A_152 to %scan3A_154 step %scan3A_155 iter_args(%scan3A_159 = %scan3A_151) -> (i32)  : i32 {
      %mul3A_160 = arith.constant 4 : i32
      %mul3A_161 = arith.muli %scan3A_158, %mul3A_160 : i32
      %add3A_162 = arith.constant 0 : i32
      %add3A_163 = arith.addi %mul3A_161, %add3A_162 : i32
      %dma_start3A = arith.constant 0 : i32
      %dma_start3A_164 = tpu.memref_slice %arg8[%add3A_163, %dma_start3A] : memref<32x128xi32, #tpu.memory_space<vmem>> -> memref<1x128xi32, #tpu.memory_space<vmem>>
      %dma_start3A_165 = tpu.memref_squeeze %dma_start3A_164 : memref<1x128xi32, #tpu.memory_space<vmem>> -> memref<128xi32, #tpu.memory_space<vmem>>
      %dma_start3A_166 = arith.constant 0 : i32
      %dma_start3A_167 = arith.constant 0 : i32
      %dma_start3A_168 = tpu.memref_slice %arg3[%dma_start3A_166, %dma_start3A_167] : memref<131072x128xf32, #tpu.memory_space<hbm>> -> memref<131072x128xf32, #tpu.memory_space<hbm>>
      tpu.enqueue_indirect_dma source(%dma_start3A_168 : memref<131072x128xf32, #tpu.memory_space<hbm>>) target(%arg9 : memref<128x128xf32, #tpu.memory_space<vmem>>) offsets(%dma_start3A_165 : memref<128xi32, #tpu.memory_space<vmem>>) semaphore(%arg13 : memref<!tpu.dma_semaphore, #tpu.memory_space<semaphore_mem>>)
      %mul3A_169 = arith.constant 4 : i32
      %mul3A_170 = arith.muli %scan3A_158, %mul3A_169 : i32
      %add3A_171 = arith.constant 1 : i32
      %add3A_172 = arith.addi %mul3A_170, %add3A_171 : i32
      %dma_start3A_173 = arith.constant 0 : i32
      %dma_start3A_174 = tpu.memref_slice %arg8[%add3A_172, %dma_start3A_173] : memref<32x128xi32, #tpu.memory_space<vmem>> -> memref<1x128xi32, #tpu.memory_space<vmem>>
      %dma_start3A_175 = tpu.memref_squeeze %dma_start3A_174 : memref<1x128xi32, #tpu.memory_space<vmem>> -> memref<128xi32, #tpu.memory_space<vmem>>
      %dma_start3A_176 = arith.constant 0 : i32
      %dma_start3A_177 = arith.constant 0 : i32
      %dma_start3A_178 = tpu.memref_slice %arg3[%dma_start3A_176, %dma_start3A_177] : memref<131072x128xf32, #tpu.memory_space<hbm>> -> memref<131072x128xf32, #tpu.memory_space<hbm>>
      tpu.enqueue_indirect_dma source(%dma_start3A_178 : memref<131072x128xf32, #tpu.memory_space<hbm>>) target(%arg10 : memref<128x128xf32, #tpu.memory_space<vmem>>) offsets(%dma_start3A_175 : memref<128xi32, #tpu.memory_space<vmem>>) semaphore(%arg14 : memref<!tpu.dma_semaphore, #tpu.memory_space<semaphore_mem>>)
      %mul3A_179 = arith.constant 4 : i32
      %mul3A_180 = arith.muli %scan3A_158, %mul3A_179 : i32
      %add3A_181 = arith.constant 2 : i32
      %add3A_182 = arith.addi %mul3A_180, %add3A_181 : i32
      %dma_start3A_183 = arith.constant 0 : i32
      %dma_start3A_184 = tpu.memref_slice %arg8[%add3A_182, %dma_start3A_183] : memref<32x128xi32, #tpu.memory_space<vmem>> -> memref<1x128xi32, #tpu.memory_space<vmem>>
      %dma_start3A_185 = tpu.memref_squeeze %dma_start3A_184 : memref<1x128xi32, #tpu.memory_space<vmem>> -> memref<128xi32, #tpu.memory_space<vmem>>
      %dma_start3A_186 = arith.constant 0 : i32
      %dma_start3A_187 = arith.constant 0 : i32
      %dma_start3A_188 = tpu.memref_slice %arg3[%dma_start3A_186, %dma_start3A_187] : memref<131072x128xf32, #tpu.memory_space<hbm>> -> memref<131072x128xf32, #tpu.memory_space<hbm>>
      tpu.enqueue_indirect_dma source(%dma_start3A_188 : memref<131072x128xf32, #tpu.memory_space<hbm>>) target(%arg11 : memref<128x128xf32, #tpu.memory_space<vmem>>) offsets(%dma_start3A_185 : memref<128xi32, #tpu.memory_space<vmem>>) semaphore(%arg15 : memref<!tpu.dma_semaphore, #tpu.memory_space<semaphore_mem>>)
      %mul3A_189 = arith.constant 4 : i32
      %mul3A_190 = arith.muli %scan3A_158, %mul3A_189 : i32
      %add3A_191 = arith.constant 3 : i32
      %add3A_192 = arith.addi %mul3A_190, %add3A_191 : i32
      %dma_start3A_193 = arith.constant 0 : i32
      %dma_start3A_194 = tpu.memref_slice %arg8[%add3A_192, %dma_start3A_193] : memref<32x128xi32, #tpu.memory_space<vmem>> -> memref<1x128xi32, #tpu.memory_space<vmem>>
      %dma_start3A_195 = tpu.memref_squeeze %dma_start3A_194 : memref<1x128xi32, #tpu.memory_space<vmem>> -> memref<128xi32, #tpu.memory_space<vmem>>
      %dma_start3A_196 = arith.constant 0 : i32
      %dma_start3A_197 = arith.constant 0 : i32
      %dma_start3A_198 = tpu.memref_slice %arg3[%dma_start3A_196, %dma_start3A_197] : memref<131072x128xf32, #tpu.memory_space<hbm>> -> memref<131072x128xf32, #tpu.memory_space<hbm>>
      tpu.enqueue_indirect_dma source(%dma_start3A_198 : memref<131072x128xf32, #tpu.memory_space<hbm>>) target(%arg12 : memref<128x128xf32, #tpu.memory_space<vmem>>) offsets(%dma_start3A_195 : memref<128xi32, #tpu.memory_space<vmem>>) semaphore(%arg16 : memref<!tpu.dma_semaphore, #tpu.memory_space<semaphore_mem>>)
      %mul3A_199 = arith.constant 4 : i32
      %mul3A_200 = arith.muli %scan3A_158, %mul3A_199 : i32
      %add3A_201 = arith.constant 0 : i32
      %add3A_202 = arith.addi %mul3A_200, %add3A_201 : i32
      %dma_wait3A = arith.constant 0 : i32
      %dma_wait3A_203 = tpu.memref_slice %arg8[%add3A_163, %dma_wait3A] : memref<32x128xi32, #tpu.memory_space<vmem>> -> memref<1x128xi32, #tpu.memory_space<vmem>>
      %dma_wait3A_204 = tpu.memref_squeeze %dma_wait3A_203 : memref<1x128xi32, #tpu.memory_space<vmem>> -> memref<128xi32, #tpu.memory_space<vmem>>
      %dma_wait3A_205 = arith.constant 0 : i32
      %dma_wait3A_206 = arith.constant 0 : i32
      %dma_wait3A_207 = tpu.memref_slice %arg3[%dma_wait3A_205, %dma_wait3A_206] : memref<131072x128xf32, #tpu.memory_space<hbm>> -> memref<131072x128xf32, #tpu.memory_space<hbm>>
      tpu.wait_indirect_dma semaphore(%arg13 : memref<!tpu.dma_semaphore, #tpu.memory_space<semaphore_mem>>) src(%dma_wait3A_207 : memref<131072x128xf32, #tpu.memory_space<hbm>>) dst(%arg9 : memref<128x128xf32, #tpu.memory_space<vmem>>)
      %mul3A_208 = arith.constant 128 : i32
      %mul3A_209 = arith.muli %add3A_202, %mul3A_208 : i32
      %dma_start3A_210 = arith.constant 0 : i32
      %dma_start3A_211 = tpu.memref_slice %arg4[%add3A_77, %mul3A_209, %dma_start3A_210] : memref<64x4096x128xf32, #tpu.memory_space<hbm>> -> memref<1x128x128xf32, #tpu.memory_space<hbm>>
      %dma_start3A_212 = tpu.memref_squeeze %dma_start3A_211 : memref<1x128x128xf32, #tpu.memory_space<hbm>> -> memref<128x128xf32, #tpu.memory_space<hbm>>
      %dma_start3A_213 = arith.constant 0 : i32
      %dma_start3A_214 = tpu.memref_slice %arg4[%add3A_77, %mul3A_209, %dma_start3A_213] : memref<64x4096x128xf32, #tpu.memory_space<hbm>> -> memref<1x128x128xf32, #tpu.memory_space<hbm>>
      %dma_start3A_215 = tpu.memref_squeeze %dma_start3A_214 : memref<1x128x128xf32, #tpu.memory_space<hbm>> -> memref<128x128xf32, #tpu.memory_space<hbm>>
      tpu.enqueue_dma source(%arg9 : memref<128x128xf32, #tpu.memory_space<vmem>>) target(%dma_start3A_215 : memref<128x128xf32, #tpu.memory_space<hbm>>) target_semaphore(%arg17 : memref<!tpu.dma_semaphore, #tpu.memory_space<semaphore_mem>>)
      %mul3A_216 = arith.constant 4 : i32
      %mul3A_217 = arith.muli %scan3A_158, %mul3A_216 : i32
      %add3A_218 = arith.constant 1 : i32
      %add3A_219 = arith.addi %mul3A_217, %add3A_218 : i32
      %dma_wait3A_220 = arith.constant 0 : i32
      %dma_wait3A_221 = tpu.memref_slice %arg8[%add3A_172, %dma_wait3A_220] : memref<32x128xi32, #tpu.memory_space<vmem>> -> memref<1x128xi32, #tpu.memory_space<vmem>>
      %dma_wait3A_222 = tpu.memref_squeeze %dma_wait3A_221 : memref<1x128xi32, #tpu.memory_space<vmem>> -> memref<128xi32, #tpu.memory_space<vmem>>
      %dma_wait3A_223 = arith.constant 0 : i32
      %dma_wait3A_224 = arith.constant 0 : i32
      %dma_wait3A_225 = tpu.memref_slice %arg3[%dma_wait3A_223, %dma_wait3A_224] : memref<131072x128xf32, #tpu.memory_space<hbm>> -> memref<131072x128xf32, #tpu.memory_space<hbm>>
      tpu.wait_indirect_dma semaphore(%arg14 : memref<!tpu.dma_semaphore, #tpu.memory_space<semaphore_mem>>) src(%dma_wait3A_225 : memref<131072x128xf32, #tpu.memory_space<hbm>>) dst(%arg10 : memref<128x128xf32, #tpu.memory_space<vmem>>)
      %mul3A_226 = arith.constant 128 : i32
      %mul3A_227 = arith.muli %add3A_219, %mul3A_226 : i32
      %dma_start3A_228 = arith.constant 0 : i32
      %dma_start3A_229 = tpu.memref_slice %arg4[%add3A_77, %mul3A_227, %dma_start3A_228] : memref<64x4096x128xf32, #tpu.memory_space<hbm>> -> memref<1x128x128xf32, #tpu.memory_space<hbm>>
      %dma_start3A_230 = tpu.memref_squeeze %dma_start3A_229 : memref<1x128x128xf32, #tpu.memory_space<hbm>> -> memref<128x128xf32, #tpu.memory_space<hbm>>
      %dma_start3A_231 = arith.constant 0 : i32
      %dma_start3A_232 = tpu.memref_slice %arg4[%add3A_77, %mul3A_227, %dma_start3A_231] : memref<64x4096x128xf32, #tpu.memory_space<hbm>> -> memref<1x128x128xf32, #tpu.memory_space<hbm>>
      %dma_start3A_233 = tpu.memref_squeeze %dma_start3A_232 : memref<1x128x128xf32, #tpu.memory_space<hbm>> -> memref<128x128xf32, #tpu.memory_space<hbm>>
      tpu.enqueue_dma source(%arg10 : memref<128x128xf32, #tpu.memory_space<vmem>>) target(%dma_start3A_233 : memref<128x128xf32, #tpu.memory_space<hbm>>) target_semaphore(%arg18 : memref<!tpu.dma_semaphore, #tpu.memory_space<semaphore_mem>>)
      %mul3A_234 = arith.constant 4 : i32
      %mul3A_235 = arith.muli %scan3A_158, %mul3A_234 : i32
      %add3A_236 = arith.constant 2 : i32
      %add3A_237 = arith.addi %mul3A_235, %add3A_236 : i32
      %dma_wait3A_238 = arith.constant 0 : i32
      %dma_wait3A_239 = tpu.memref_slice %arg8[%add3A_182, %dma_wait3A_238] : memref<32x128xi32, #tpu.memory_space<vmem>> -> memref<1x128xi32, #tpu.memory_space<vmem>>
      %dma_wait3A_240 = tpu.memref_squeeze %dma_wait3A_239 : memref<1x128xi32, #tpu.memory_space<vmem>> -> memref<128xi32, #tpu.memory_space<vmem>>
      %dma_wait3A_241 = arith.constant 0 : i32
      %dma_wait3A_242 = arith.constant 0 : i32
      %dma_wait3A_243 = tpu.memref_slice %arg3[%dma_wait3A_241, %dma_wait3A_242] : memref<131072x128xf32, #tpu.memory_space<hbm>> -> memref<131072x128xf32, #tpu.memory_space<hbm>>
      tpu.wait_indirect_dma semaphore(%arg15 : memref<!tpu.dma_semaphore, #tpu.memory_space<semaphore_mem>>) src(%dma_wait3A_243 : memref<131072x128xf32, #tpu.memory_space<hbm>>) dst(%arg11 : memref<128x128xf32, #tpu.memory_space<vmem>>)
      %mul3A_244 = arith.constant 128 : i32
      %mul3A_245 = arith.muli %add3A_237, %mul3A_244 : i32
      %dma_start3A_246 = arith.constant 0 : i32
      %dma_start3A_247 = tpu.memref_slice %arg4[%add3A_77, %mul3A_245, %dma_start3A_246] : memref<64x4096x128xf32, #tpu.memory_space<hbm>> -> memref<1x128x128xf32, #tpu.memory_space<hbm>>
      %dma_start3A_248 = tpu.memref_squeeze %dma_start3A_247 : memref<1x128x128xf32, #tpu.memory_space<hbm>> -> memref<128x128xf32, #tpu.memory_space<hbm>>
      %dma_start3A_249 = arith.constant 0 : i32
      %dma_start3A_250 = tpu.memref_slice %arg4[%add3A_77, %mul3A_245, %dma_start3A_249] : memref<64x4096x128xf32, #tpu.memory_space<hbm>> -> memref<1x128x128xf32, #tpu.memory_space<hbm>>
      %dma_start3A_251 = tpu.memref_squeeze %dma_start3A_250 : memref<1x128x128xf32, #tpu.memory_space<hbm>> -> memref<128x128xf32, #tpu.memory_space<hbm>>
      tpu.enqueue_dma source(%arg11 : memref<128x128xf32, #tpu.memory_space<vmem>>) target(%dma_start3A_251 : memref<128x128xf32, #tpu.memory_space<hbm>>) target_semaphore(%arg19 : memref<!tpu.dma_semaphore, #tpu.memory_space<semaphore_mem>>)
      %mul3A_252 = arith.constant 4 : i32
      %mul3A_253 = arith.muli %scan3A_158, %mul3A_252 : i32
      %add3A_254 = arith.constant 3 : i32
      %add3A_255 = arith.addi %mul3A_253, %add3A_254 : i32
      %dma_wait3A_256 = arith.constant 0 : i32
      %dma_wait3A_257 = tpu.memref_slice %arg8[%add3A_192, %dma_wait3A_256] : memref<32x128xi32, #tpu.memory_space<vmem>> -> memref<1x128xi32, #tpu.memory_space<vmem>>
      %dma_wait3A_258 = tpu.memref_squeeze %dma_wait3A_257 : memref<1x128xi32, #tpu.memory_space<vmem>> -> memref<128xi32, #tpu.memory_space<vmem>>
      %dma_wait3A_259 = arith.constant 0 : i32
      %dma_wait3A_260 = arith.constant 0 : i32
      %dma_wait3A_261 = tpu.memref_slice %arg3[%dma_wait3A_259, %dma_wait3A_260] : memref<131072x128xf32, #tpu.memory_space<hbm>> -> memref<131072x128xf32, #tpu.memory_space<hbm>>
      tpu.wait_indirect_dma semaphore(%arg16 : memref<!tpu.dma_semaphore, #tpu.memory_space<semaphore_mem>>) src(%dma_wait3A_261 : memref<131072x128xf32, #tpu.memory_space<hbm>>) dst(%arg12 : memref<128x128xf32, #tpu.memory_space<vmem>>)
      %mul3A_262 = arith.constant 128 : i32
      %mul3A_263 = arith.muli %add3A_255, %mul3A_262 : i32
      %dma_start3A_264 = arith.constant 0 : i32
      %dma_start3A_265 = tpu.memref_slice %arg4[%add3A_77, %mul3A_263, %dma_start3A_264] : memref<64x4096x128xf32, #tpu.memory_space<hbm>> -> memref<1x128x128xf32, #tpu.memory_space<hbm>>
      %dma_start3A_266 = tpu.memref_squeeze %dma_start3A_265 : memref<1x128x128xf32, #tpu.memory_space<hbm>> -> memref<128x128xf32, #tpu.memory_space<hbm>>
      %dma_start3A_267 = arith.constant 0 : i32
      %dma_start3A_268 = tpu.memref_slice %arg4[%add3A_77, %mul3A_263, %dma_start3A_267] : memref<64x4096x128xf32, #tpu.memory_space<hbm>> -> memref<1x128x128xf32, #tpu.memory_space<hbm>>
      %dma_start3A_269 = tpu.memref_squeeze %dma_start3A_268 : memref<1x128x128xf32, #tpu.memory_space<hbm>> -> memref<128x128xf32, #tpu.memory_space<hbm>>
      tpu.enqueue_dma source(%arg12 : memref<128x128xf32, #tpu.memory_space<vmem>>) target(%dma_start3A_269 : memref<128x128xf32, #tpu.memory_space<hbm>>) target_semaphore(%arg20 : memref<!tpu.dma_semaphore, #tpu.memory_space<semaphore_mem>>)
      %dma_wait3A_270 = arith.constant 0 : i32
      %dma_wait3A_271 = tpu.memref_slice %arg4[%add3A_77, %mul3A_209, %dma_wait3A_270] : memref<64x4096x128xf32, #tpu.memory_space<hbm>> -> memref<1x128x128xf32, #tpu.memory_space<hbm>>
      %dma_wait3A_272 = tpu.memref_squeeze %dma_wait3A_271 : memref<1x128x128xf32, #tpu.memory_space<hbm>> -> memref<128x128xf32, #tpu.memory_space<hbm>>
      %dma_wait3A_273 = arith.constant 0 : i32
      %dma_wait3A_274 = tpu.memref_slice %arg4[%add3A_77, %mul3A_209, %dma_wait3A_273] : memref<64x4096x128xf32, #tpu.memory_space<hbm>> -> memref<1x128x128xf32, #tpu.memory_space<hbm>>
      %dma_wait3A_275 = tpu.memref_squeeze %dma_wait3A_274 : memref<1x128x128xf32, #tpu.memory_space<hbm>> -> memref<128x128xf32, #tpu.memory_space<hbm>>
      tpu.wait_dma2 semaphore(%arg17 : memref<!tpu.dma_semaphore, #tpu.memory_space<semaphore_mem>>) src(%arg9 : memref<128x128xf32, #tpu.memory_space<vmem>>) dst(%dma_wait3A_275 : memref<128x128xf32, #tpu.memory_space<hbm>>)
      %dma_wait3A_276 = arith.constant 0 : i32
      %dma_wait3A_277 = tpu.memref_slice %arg4[%add3A_77, %mul3A_227, %dma_wait3A_276] : memref<64x4096x128xf32, #tpu.memory_space<hbm>> -> memref<1x128x128xf32, #tpu.memory_space<hbm>>
      %dma_wait3A_278 = tpu.memref_squeeze %dma_wait3A_277 : memref<1x128x128xf32, #tpu.memory_space<hbm>> -> memref<128x128xf32, #tpu.memory_space<hbm>>
      %dma_wait3A_279 = arith.constant 0 : i32
      %dma_wait3A_280 = tpu.memref_slice %arg4[%add3A_77, %mul3A_227, %dma_wait3A_279] : memref<64x4096x128xf32, #tpu.memory_space<hbm>> -> memref<1x128x128xf32, #tpu.memory_space<hbm>>
      %dma_wait3A_281 = tpu.memref_squeeze %dma_wait3A_280 : memref<1x128x128xf32, #tpu.memory_space<hbm>> -> memref<128x128xf32, #tpu.memory_space<hbm>>
      tpu.wait_dma2 semaphore(%arg18 : memref<!tpu.dma_semaphore, #tpu.memory_space<semaphore_mem>>) src(%arg10 : memref<128x128xf32, #tpu.memory_space<vmem>>) dst(%dma_wait3A_281 : memref<128x128xf32, #tpu.memory_space<hbm>>)
      %dma_wait3A_282 = arith.constant 0 : i32
      %dma_wait3A_283 = tpu.memref_slice %arg4[%add3A_77, %mul3A_245, %dma_wait3A_282] : memref<64x4096x128xf32, #tpu.memory_space<hbm>> -> memref<1x128x128xf32, #tpu.memory_space<hbm>>
      %dma_wait3A_284 = tpu.memref_squeeze %dma_wait3A_283 : memref<1x128x128xf32, #tpu.memory_space<hbm>> -> memref<128x128xf32, #tpu.memory_space<hbm>>
      %dma_wait3A_285 = arith.constant 0 : i32
      %dma_wait3A_286 = tpu.memref_slice %arg4[%add3A_77, %mul3A_245, %dma_wait3A_285] : memref<64x4096x128xf32, #tpu.memory_space<hbm>> -> memref<1x128x128xf32, #tpu.memory_space<hbm>>
      %dma_wait3A_287 = tpu.memref_squeeze %dma_wait3A_286 : memref<1x128x128xf32, #tpu.memory_space<hbm>> -> memref<128x128xf32, #tpu.memory_space<hbm>>
      tpu.wait_dma2 semaphore(%arg19 : memref<!tpu.dma_semaphore, #tpu.memory_space<semaphore_mem>>) src(%arg11 : memref<128x128xf32, #tpu.memory_space<vmem>>) dst(%dma_wait3A_287 : memref<128x128xf32, #tpu.memory_space<hbm>>)
      %dma_wait3A_288 = arith.constant 0 : i32
      %dma_wait3A_289 = tpu.memref_slice %arg4[%add3A_77, %mul3A_263, %dma_wait3A_288] : memref<64x4096x128xf32, #tpu.memory_space<hbm>> -> memref<1x128x128xf32, #tpu.memory_space<hbm>>
      %dma_wait3A_290 = tpu.memref_squeeze %dma_wait3A_289 : memref<1x128x128xf32, #tpu.memory_space<hbm>> -> memref<128x128xf32, #tpu.memory_space<hbm>>
      %dma_wait3A_291 = arith.constant 0 : i32
      %dma_wait3A_292 = tpu.memref_slice %arg4[%add3A_77, %mul3A_263, %dma_wait3A_291] : memref<64x4096x128xf32, #tpu.memory_space<hbm>> -> memref<1x128x128xf32, #tpu.memory_space<hbm>>
      %dma_wait3A_293 = tpu.memref_squeeze %dma_wait3A_292 : memref<1x128x128xf32, #tpu.memory_space<hbm>> -> memref<128x128xf32, #tpu.memory_space<hbm>>
      tpu.wait_dma2 semaphore(%arg20 : memref<!tpu.dma_semaphore, #tpu.memory_space<semaphore_mem>>) src(%arg12 : memref<128x128xf32, #tpu.memory_space<vmem>>) dst(%dma_wait3A_293 : memref<128x128xf32, #tpu.memory_space<hbm>>)
      %scan3A_294 = arith.constant 0 : i32
      scf.yield %scan3A_294 : i32
    }
    %scan3A_157 = arith.constant 8 : i32
    return
  }
}

module attributes {stable_mosaic.version = 14 : i64} {
  func.func @_sort_body(%arg0: i32, %arg1: memref<1x128x32xi32, #tpu.memory_space<vmem>>, %arg2: memref<1x128x32xi32, #tpu.memory_space<vmem>>) attributes {dimension_semantics = [#tpu.dimension_semantics<arbitrary>], iteration_bounds = array<i64: 64>, scalar_prefetch = 0 : i64, scratch_operands = 0 : i64, tpu.core_type = #tpu.core_type<tc>, window_params = [{transform_indices = @transform_0, window_bounds = array<i64: 1, 128, 32>}, {transform_indices = @transform_1, window_bounds = array<i64: 1, 128, 32>}]} {
    %get3A = arith.constant 0 : index
    %get3A_0 = arith.constant 0 : index
    %get3A_1 = arith.constant 0 : index
    %get3A_2 = vector.load %arg1[%get3A, %get3A_0, %get3A_1] : memref<1x128x32xi32, #tpu.memory_space<vmem>>, vector<1x128x32xi32>
    %get3A_3 = vector.shape_cast %get3A_2 : vector<1x128x32xi32> to vector<128x32xi32>
    %iota3A = tpu.iota {dimensions = array<i32: 1>} : vector<128x64xi32>
    %iota3A_4 = tpu.iota {dimensions = array<i32: 0>} : vector<128x128xi32>
    %iota3A_5 = tpu.iota {dimensions = array<i32: 1>} : vector<128x128xi32>
    %lt3A = arith.cmpi slt, %iota3A_5, %iota3A_4 : vector<128x128xi32>
    %convert_element_type3A = arith.extui %lt3A : vector<128x128xi1> to vector<128x128xi32>
    %convert_element_type3A_6 = arith.sitofp %convert_element_type3A : vector<128x128xi32> to vector<128x128xf32>
    %broadcast_in_dim3A = arith.constant 0.000000e+00 : f32
    %broadcast_in_dim3A_7 = vector.broadcast %broadcast_in_dim3A : f32 to vector<1x64xf32>
    %slice3A = vector.extract_strided_slice %get3A_3 {offsets = [0, 0], sizes = [128, 1], strides = [1, 1]} : vector<128x32xi32> to vector<128x1xi32>
    %eq3A = vector.broadcast %slice3A : vector<128x1xi32> to vector<128x64xi32>
    %eq3A_8 = arith.cmpi eq, %eq3A, %iota3A : vector<128x64xi32>
    %convert_element_type3A_9 = arith.extui %eq3A_8 : vector<128x64xi1> to vector<128x64xi32>
    %convert_element_type3A_10 = arith.sitofp %convert_element_type3A_9 : vector<128x64xi32> to vector<128x64xf32>
    %reduce_sum3A = arith.constant dense<0.000000e+00> : vector<64xf32>
    %reduce_sum3A_11 = vector.multi_reduction <add>, %convert_element_type3A_10, %reduce_sum3A [0] : vector<128x64xf32> to vector<64xf32>
    %broadcast_in_dim3A_12 = vector.shape_cast %reduce_sum3A_11 : vector<64xf32> to vector<1x64xf32>
    %add3A = arith.addf %broadcast_in_dim3A_7, %broadcast_in_dim3A_12 : vector<1x64xf32>
    %slice3A_13 = vector.extract_strided_slice %get3A_3 {offsets = [0, 1], sizes = [128, 1], strides = [1, 1]} : vector<128x32xi32> to vector<128x1xi32>
    %eq3A_14 = vector.broadcast %slice3A_13 : vector<128x1xi32> to vector<128x64xi32>
    %eq3A_15 = arith.cmpi eq, %eq3A_14, %iota3A : vector<128x64xi32>
    %convert_element_type3A_16 = arith.extui %eq3A_15 : vector<128x64xi1> to vector<128x64xi32>
    %convert_element_type3A_17 = arith.sitofp %convert_element_type3A_16 : vector<128x64xi32> to vector<128x64xf32>
    %reduce_sum3A_18 = arith.constant dense<0.000000e+00> : vector<64xf32>
    %reduce_sum3A_19 = vector.multi_reduction <add>, %convert_element_type3A_17, %reduce_sum3A_18 [0] : vector<128x64xf32> to vector<64xf32>
    %broadcast_in_dim3A_20 = vector.shape_cast %reduce_sum3A_19 : vector<64xf32> to vector<1x64xf32>
    %add3A_21 = arith.addf %add3A, %broadcast_in_dim3A_20 : vector<1x64xf32>
    %slice3A_22 = vector.extract_strided_slice %get3A_3 {offsets = [0, 2], sizes = [128, 1], strides = [1, 1]} : vector<128x32xi32> to vector<128x1xi32>
    %eq3A_23 = vector.broadcast %slice3A_22 : vector<128x1xi32> to vector<128x64xi32>
    %eq3A_24 = arith.cmpi eq, %eq3A_23, %iota3A : vector<128x64xi32>
    %convert_element_type3A_25 = arith.extui %eq3A_24 : vector<128x64xi1> to vector<128x64xi32>
    %convert_element_type3A_26 = arith.sitofp %convert_element_type3A_25 : vector<128x64xi32> to vector<128x64xf32>
    %reduce_sum3A_27 = arith.constant dense<0.000000e+00> : vector<64xf32>
    %reduce_sum3A_28 = vector.multi_reduction <add>, %convert_element_type3A_26, %reduce_sum3A_27 [0] : vector<128x64xf32> to vector<64xf32>
    %broadcast_in_dim3A_29 = vector.shape_cast %reduce_sum3A_28 : vector<64xf32> to vector<1x64xf32>
    %add3A_30 = arith.addf %add3A_21, %broadcast_in_dim3A_29 : vector<1x64xf32>
    %slice3A_31 = vector.extract_strided_slice %get3A_3 {offsets = [0, 3], sizes = [128, 1], strides = [1, 1]} : vector<128x32xi32> to vector<128x1xi32>
    %eq3A_32 = vector.broadcast %slice3A_31 : vector<128x1xi32> to vector<128x64xi32>
    %eq3A_33 = arith.cmpi eq, %eq3A_32, %iota3A : vector<128x64xi32>
    %convert_element_type3A_34 = arith.extui %eq3A_33 : vector<128x64xi1> to vector<128x64xi32>
    %convert_element_type3A_35 = arith.sitofp %convert_element_type3A_34 : vector<128x64xi32> to vector<128x64xf32>
    %reduce_sum3A_36 = arith.constant dense<0.000000e+00> : vector<64xf32>
    %reduce_sum3A_37 = vector.multi_reduction <add>, %convert_element_type3A_35, %reduce_sum3A_36 [0] : vector<128x64xf32> to vector<64xf32>
    %broadcast_in_dim3A_38 = vector.shape_cast %reduce_sum3A_37 : vector<64xf32> to vector<1x64xf32>
    %add3A_39 = arith.addf %add3A_30, %broadcast_in_dim3A_38 : vector<1x64xf32>
    %slice3A_40 = vector.extract_strided_slice %get3A_3 {offsets = [0, 4], sizes = [128, 1], strides = [1, 1]} : vector<128x32xi32> to vector<128x1xi32>
    %eq3A_41 = vector.broadcast %slice3A_40 : vector<128x1xi32> to vector<128x64xi32>
    %eq3A_42 = arith.cmpi eq, %eq3A_41, %iota3A : vector<128x64xi32>
    %convert_element_type3A_43 = arith.extui %eq3A_42 : vector<128x64xi1> to vector<128x64xi32>
    %convert_element_type3A_44 = arith.sitofp %convert_element_type3A_43 : vector<128x64xi32> to vector<128x64xf32>
    %reduce_sum3A_45 = arith.constant dense<0.000000e+00> : vector<64xf32>
    %reduce_sum3A_46 = vector.multi_reduction <add>, %convert_element_type3A_44, %reduce_sum3A_45 [0] : vector<128x64xf32> to vector<64xf32>
    %broadcast_in_dim3A_47 = vector.shape_cast %reduce_sum3A_46 : vector<64xf32> to vector<1x64xf32>
    %add3A_48 = arith.addf %add3A_39, %broadcast_in_dim3A_47 : vector<1x64xf32>
    %slice3A_49 = vector.extract_strided_slice %get3A_3 {offsets = [0, 5], sizes = [128, 1], strides = [1, 1]} : vector<128x32xi32> to vector<128x1xi32>
    %eq3A_50 = vector.broadcast %slice3A_49 : vector<128x1xi32> to vector<128x64xi32>
    %eq3A_51 = arith.cmpi eq, %eq3A_50, %iota3A : vector<128x64xi32>
    %convert_element_type3A_52 = arith.extui %eq3A_51 : vector<128x64xi1> to vector<128x64xi32>
    %convert_element_type3A_53 = arith.sitofp %convert_element_type3A_52 : vector<128x64xi32> to vector<128x64xf32>
    %reduce_sum3A_54 = arith.constant dense<0.000000e+00> : vector<64xf32>
    %reduce_sum3A_55 = vector.multi_reduction <add>, %convert_element_type3A_53, %reduce_sum3A_54 [0] : vector<128x64xf32> to vector<64xf32>
    %broadcast_in_dim3A_56 = vector.shape_cast %reduce_sum3A_55 : vector<64xf32> to vector<1x64xf32>
    %add3A_57 = arith.addf %add3A_48, %broadcast_in_dim3A_56 : vector<1x64xf32>
    %slice3A_58 = vector.extract_strided_slice %get3A_3 {offsets = [0, 6], sizes = [128, 1], strides = [1, 1]} : vector<128x32xi32> to vector<128x1xi32>
    %eq3A_59 = vector.broadcast %slice3A_58 : vector<128x1xi32> to vector<128x64xi32>
    %eq3A_60 = arith.cmpi eq, %eq3A_59, %iota3A : vector<128x64xi32>
    %convert_element_type3A_61 = arith.extui %eq3A_60 : vector<128x64xi1> to vector<128x64xi32>
    %convert_element_type3A_62 = arith.sitofp %convert_element_type3A_61 : vector<128x64xi32> to vector<128x64xf32>
    %reduce_sum3A_63 = arith.constant dense<0.000000e+00> : vector<64xf32>
    %reduce_sum3A_64 = vector.multi_reduction <add>, %convert_element_type3A_62, %reduce_sum3A_63 [0] : vector<128x64xf32> to vector<64xf32>
    %broadcast_in_dim3A_65 = vector.shape_cast %reduce_sum3A_64 : vector<64xf32> to vector<1x64xf32>
    %add3A_66 = arith.addf %add3A_57, %broadcast_in_dim3A_65 : vector<1x64xf32>
    %slice3A_67 = vector.extract_strided_slice %get3A_3 {offsets = [0, 7], sizes = [128, 1], strides = [1, 1]} : vector<128x32xi32> to vector<128x1xi32>
    %eq3A_68 = vector.broadcast %slice3A_67 : vector<128x1xi32> to vector<128x64xi32>
    %eq3A_69 = arith.cmpi eq, %eq3A_68, %iota3A : vector<128x64xi32>
    %convert_element_type3A_70 = arith.extui %eq3A_69 : vector<128x64xi1> to vector<128x64xi32>
    %convert_element_type3A_71 = arith.sitofp %convert_element_type3A_70 : vector<128x64xi32> to vector<128x64xf32>
    %reduce_sum3A_72 = arith.constant dense<0.000000e+00> : vector<64xf32>
    %reduce_sum3A_73 = vector.multi_reduction <add>, %convert_element_type3A_71, %reduce_sum3A_72 [0] : vector<128x64xf32> to vector<64xf32>
    %broadcast_in_dim3A_74 = vector.shape_cast %reduce_sum3A_73 : vector<64xf32> to vector<1x64xf32>
    %add3A_75 = arith.addf %add3A_66, %broadcast_in_dim3A_74 : vector<1x64xf32>
    %slice3A_76 = vector.extract_strided_slice %get3A_3 {offsets = [0, 8], sizes = [128, 1], strides = [1, 1]} : vector<128x32xi32> to vector<128x1xi32>
    %eq3A_77 = vector.broadcast %slice3A_76 : vector<128x1xi32> to vector<128x64xi32>
    %eq3A_78 = arith.cmpi eq, %eq3A_77, %iota3A : vector<128x64xi32>
    %convert_element_type3A_79 = arith.extui %eq3A_78 : vector<128x64xi1> to vector<128x64xi32>
    %convert_element_type3A_80 = arith.sitofp %convert_element_type3A_79 : vector<128x64xi32> to vector<128x64xf32>
    %reduce_sum3A_81 = arith.constant dense<0.000000e+00> : vector<64xf32>
    %reduce_sum3A_82 = vector.multi_reduction <add>, %convert_element_type3A_80, %reduce_sum3A_81 [0] : vector<128x64xf32> to vector<64xf32>
    %broadcast_in_dim3A_83 = vector.shape_cast %reduce_sum3A_82 : vector<64xf32> to vector<1x64xf32>
    %add3A_84 = arith.addf %add3A_75, %broadcast_in_dim3A_83 : vector<1x64xf32>
    %slice3A_85 = vector.extract_strided_slice %get3A_3 {offsets = [0, 9], sizes = [128, 1], strides = [1, 1]} : vector<128x32xi32> to vector<128x1xi32>
    %eq3A_86 = vector.broadcast %slice3A_85 : vector<128x1xi32> to vector<128x64xi32>
    %eq3A_87 = arith.cmpi eq, %eq3A_86, %iota3A : vector<128x64xi32>
    %convert_element_type3A_88 = arith.extui %eq3A_87 : vector<128x64xi1> to vector<128x64xi32>
    %convert_element_type3A_89 = arith.sitofp %convert_element_type3A_88 : vector<128x64xi32> to vector<128x64xf32>
    %reduce_sum3A_90 = arith.constant dense<0.000000e+00> : vector<64xf32>
    %reduce_sum3A_91 = vector.multi_reduction <add>, %convert_element_type3A_89, %reduce_sum3A_90 [0] : vector<128x64xf32> to vector<64xf32>
    %broadcast_in_dim3A_92 = vector.shape_cast %reduce_sum3A_91 : vector<64xf32> to vector<1x64xf32>
    %add3A_93 = arith.addf %add3A_84, %broadcast_in_dim3A_92 : vector<1x64xf32>
    %slice3A_94 = vector.extract_strided_slice %get3A_3 {offsets = [0, 10], sizes = [128, 1], strides = [1, 1]} : vector<128x32xi32> to vector<128x1xi32>
    %eq3A_95 = vector.broadcast %slice3A_94 : vector<128x1xi32> to vector<128x64xi32>
    %eq3A_96 = arith.cmpi eq, %eq3A_95, %iota3A : vector<128x64xi32>
    %convert_element_type3A_97 = arith.extui %eq3A_96 : vector<128x64xi1> to vector<128x64xi32>
    %convert_element_type3A_98 = arith.sitofp %convert_element_type3A_97 : vector<128x64xi32> to vector<128x64xf32>
    %reduce_sum3A_99 = arith.constant dense<0.000000e+00> : vector<64xf32>
    %reduce_sum3A_100 = vector.multi_reduction <add>, %convert_element_type3A_98, %reduce_sum3A_99 [0] : vector<128x64xf32> to vector<64xf32>
    %broadcast_in_dim3A_101 = vector.shape_cast %reduce_sum3A_100 : vector<64xf32> to vector<1x64xf32>
    %add3A_102 = arith.addf %add3A_93, %broadcast_in_dim3A_101 : vector<1x64xf32>
    %slice3A_103 = vector.extract_strided_slice %get3A_3 {offsets = [0, 11], sizes = [128, 1], strides = [1, 1]} : vector<128x32xi32> to vector<128x1xi32>
    %eq3A_104 = vector.broadcast %slice3A_103 : vector<128x1xi32> to vector<128x64xi32>
    %eq3A_105 = arith.cmpi eq, %eq3A_104, %iota3A : vector<128x64xi32>
    %convert_element_type3A_106 = arith.extui %eq3A_105 : vector<128x64xi1> to vector<128x64xi32>
    %convert_element_type3A_107 = arith.sitofp %convert_element_type3A_106 : vector<128x64xi32> to vector<128x64xf32>
    %reduce_sum3A_108 = arith.constant dense<0.000000e+00> : vector<64xf32>
    %reduce_sum3A_109 = vector.multi_reduction <add>, %convert_element_type3A_107, %reduce_sum3A_108 [0] : vector<128x64xf32> to vector<64xf32>
    %broadcast_in_dim3A_110 = vector.shape_cast %reduce_sum3A_109 : vector<64xf32> to vector<1x64xf32>
    %add3A_111 = arith.addf %add3A_102, %broadcast_in_dim3A_110 : vector<1x64xf32>
    %slice3A_112 = vector.extract_strided_slice %get3A_3 {offsets = [0, 12], sizes = [128, 1], strides = [1, 1]} : vector<128x32xi32> to vector<128x1xi32>
    %eq3A_113 = vector.broadcast %slice3A_112 : vector<128x1xi32> to vector<128x64xi32>
    %eq3A_114 = arith.cmpi eq, %eq3A_113, %iota3A : vector<128x64xi32>
    %convert_element_type3A_115 = arith.extui %eq3A_114 : vector<128x64xi1> to vector<128x64xi32>
    %convert_element_type3A_116 = arith.sitofp %convert_element_type3A_115 : vector<128x64xi32> to vector<128x64xf32>
    %reduce_sum3A_117 = arith.constant dense<0.000000e+00> : vector<64xf32>
    %reduce_sum3A_118 = vector.multi_reduction <add>, %convert_element_type3A_116, %reduce_sum3A_117 [0] : vector<128x64xf32> to vector<64xf32>
    %broadcast_in_dim3A_119 = vector.shape_cast %reduce_sum3A_118 : vector<64xf32> to vector<1x64xf32>
    %add3A_120 = arith.addf %add3A_111, %broadcast_in_dim3A_119 : vector<1x64xf32>
    %slice3A_121 = vector.extract_strided_slice %get3A_3 {offsets = [0, 13], sizes = [128, 1], strides = [1, 1]} : vector<128x32xi32> to vector<128x1xi32>
    %eq3A_122 = vector.broadcast %slice3A_121 : vector<128x1xi32> to vector<128x64xi32>
    %eq3A_123 = arith.cmpi eq, %eq3A_122, %iota3A : vector<128x64xi32>
    %convert_element_type3A_124 = arith.extui %eq3A_123 : vector<128x64xi1> to vector<128x64xi32>
    %convert_element_type3A_125 = arith.sitofp %convert_element_type3A_124 : vector<128x64xi32> to vector<128x64xf32>
    %reduce_sum3A_126 = arith.constant dense<0.000000e+00> : vector<64xf32>
    %reduce_sum3A_127 = vector.multi_reduction <add>, %convert_element_type3A_125, %reduce_sum3A_126 [0] : vector<128x64xf32> to vector<64xf32>
    %broadcast_in_dim3A_128 = vector.shape_cast %reduce_sum3A_127 : vector<64xf32> to vector<1x64xf32>
    %add3A_129 = arith.addf %add3A_120, %broadcast_in_dim3A_128 : vector<1x64xf32>
    %slice3A_130 = vector.extract_strided_slice %get3A_3 {offsets = [0, 14], sizes = [128, 1], strides = [1, 1]} : vector<128x32xi32> to vector<128x1xi32>
    %eq3A_131 = vector.broadcast %slice3A_130 : vector<128x1xi32> to vector<128x64xi32>
    %eq3A_132 = arith.cmpi eq, %eq3A_131, %iota3A : vector<128x64xi32>
    %convert_element_type3A_133 = arith.extui %eq3A_132 : vector<128x64xi1> to vector<128x64xi32>
    %convert_element_type3A_134 = arith.sitofp %convert_element_type3A_133 : vector<128x64xi32> to vector<128x64xf32>
    %reduce_sum3A_135 = arith.constant dense<0.000000e+00> : vector<64xf32>
    %reduce_sum3A_136 = vector.multi_reduction <add>, %convert_element_type3A_134, %reduce_sum3A_135 [0] : vector<128x64xf32> to vector<64xf32>
    %broadcast_in_dim3A_137 = vector.shape_cast %reduce_sum3A_136 : vector<64xf32> to vector<1x64xf32>
    %add3A_138 = arith.addf %add3A_129, %broadcast_in_dim3A_137 : vector<1x64xf32>
    %slice3A_139 = vector.extract_strided_slice %get3A_3 {offsets = [0, 15], sizes = [128, 1], strides = [1, 1]} : vector<128x32xi32> to vector<128x1xi32>
    %eq3A_140 = vector.broadcast %slice3A_139 : vector<128x1xi32> to vector<128x64xi32>
    %eq3A_141 = arith.cmpi eq, %eq3A_140, %iota3A : vector<128x64xi32>
    %convert_element_type3A_142 = arith.extui %eq3A_141 : vector<128x64xi1> to vector<128x64xi32>
    %convert_element_type3A_143 = arith.sitofp %convert_element_type3A_142 : vector<128x64xi32> to vector<128x64xf32>
    %reduce_sum3A_144 = arith.constant dense<0.000000e+00> : vector<64xf32>
    %reduce_sum3A_145 = vector.multi_reduction <add>, %convert_element_type3A_143, %reduce_sum3A_144 [0] : vector<128x64xf32> to vector<64xf32>
    %broadcast_in_dim3A_146 = vector.shape_cast %reduce_sum3A_145 : vector<64xf32> to vector<1x64xf32>
    %add3A_147 = arith.addf %add3A_138, %broadcast_in_dim3A_146 : vector<1x64xf32>
    %slice3A_148 = vector.extract_strided_slice %get3A_3 {offsets = [0, 16], sizes = [128, 1], strides = [1, 1]} : vector<128x32xi32> to vector<128x1xi32>
    %eq3A_149 = vector.broadcast %slice3A_148 : vector<128x1xi32> to vector<128x64xi32>
    %eq3A_150 = arith.cmpi eq, %eq3A_149, %iota3A : vector<128x64xi32>
    %convert_element_type3A_151 = arith.extui %eq3A_150 : vector<128x64xi1> to vector<128x64xi32>
    %convert_element_type3A_152 = arith.sitofp %convert_element_type3A_151 : vector<128x64xi32> to vector<128x64xf32>
    %reduce_sum3A_153 = arith.constant dense<0.000000e+00> : vector<64xf32>
    %reduce_sum3A_154 = vector.multi_reduction <add>, %convert_element_type3A_152, %reduce_sum3A_153 [0] : vector<128x64xf32> to vector<64xf32>
    %broadcast_in_dim3A_155 = vector.shape_cast %reduce_sum3A_154 : vector<64xf32> to vector<1x64xf32>
    %add3A_156 = arith.addf %add3A_147, %broadcast_in_dim3A_155 : vector<1x64xf32>
    %slice3A_157 = vector.extract_strided_slice %get3A_3 {offsets = [0, 17], sizes = [128, 1], strides = [1, 1]} : vector<128x32xi32> to vector<128x1xi32>
    %eq3A_158 = vector.broadcast %slice3A_157 : vector<128x1xi32> to vector<128x64xi32>
    %eq3A_159 = arith.cmpi eq, %eq3A_158, %iota3A : vector<128x64xi32>
    %convert_element_type3A_160 = arith.extui %eq3A_159 : vector<128x64xi1> to vector<128x64xi32>
    %convert_element_type3A_161 = arith.sitofp %convert_element_type3A_160 : vector<128x64xi32> to vector<128x64xf32>
    %reduce_sum3A_162 = arith.constant dense<0.000000e+00> : vector<64xf32>
    %reduce_sum3A_163 = vector.multi_reduction <add>, %convert_element_type3A_161, %reduce_sum3A_162 [0] : vector<128x64xf32> to vector<64xf32>
    %broadcast_in_dim3A_164 = vector.shape_cast %reduce_sum3A_163 : vector<64xf32> to vector<1x64xf32>
    %add3A_165 = arith.addf %add3A_156, %broadcast_in_dim3A_164 : vector<1x64xf32>
    %slice3A_166 = vector.extract_strided_slice %get3A_3 {offsets = [0, 18], sizes = [128, 1], strides = [1, 1]} : vector<128x32xi32> to vector<128x1xi32>
    %eq3A_167 = vector.broadcast %slice3A_166 : vector<128x1xi32> to vector<128x64xi32>
    %eq3A_168 = arith.cmpi eq, %eq3A_167, %iota3A : vector<128x64xi32>
    %convert_element_type3A_169 = arith.extui %eq3A_168 : vector<128x64xi1> to vector<128x64xi32>
    %convert_element_type3A_170 = arith.sitofp %convert_element_type3A_169 : vector<128x64xi32> to vector<128x64xf32>
    %reduce_sum3A_171 = arith.constant dense<0.000000e+00> : vector<64xf32>
    %reduce_sum3A_172 = vector.multi_reduction <add>, %convert_element_type3A_170, %reduce_sum3A_171 [0] : vector<128x64xf32> to vector<64xf32>
    %broadcast_in_dim3A_173 = vector.shape_cast %reduce_sum3A_172 : vector<64xf32> to vector<1x64xf32>
    %add3A_174 = arith.addf %add3A_165, %broadcast_in_dim3A_173 : vector<1x64xf32>
    %slice3A_175 = vector.extract_strided_slice %get3A_3 {offsets = [0, 19], sizes = [128, 1], strides = [1, 1]} : vector<128x32xi32> to vector<128x1xi32>
    %eq3A_176 = vector.broadcast %slice3A_175 : vector<128x1xi32> to vector<128x64xi32>
    %eq3A_177 = arith.cmpi eq, %eq3A_176, %iota3A : vector<128x64xi32>
    %convert_element_type3A_178 = arith.extui %eq3A_177 : vector<128x64xi1> to vector<128x64xi32>
    %convert_element_type3A_179 = arith.sitofp %convert_element_type3A_178 : vector<128x64xi32> to vector<128x64xf32>
    %reduce_sum3A_180 = arith.constant dense<0.000000e+00> : vector<64xf32>
    %reduce_sum3A_181 = vector.multi_reduction <add>, %convert_element_type3A_179, %reduce_sum3A_180 [0] : vector<128x64xf32> to vector<64xf32>
    %broadcast_in_dim3A_182 = vector.shape_cast %reduce_sum3A_181 : vector<64xf32> to vector<1x64xf32>
    %add3A_183 = arith.addf %add3A_174, %broadcast_in_dim3A_182 : vector<1x64xf32>
    %slice3A_184 = vector.extract_strided_slice %get3A_3 {offsets = [0, 20], sizes = [128, 1], strides = [1, 1]} : vector<128x32xi32> to vector<128x1xi32>
    %eq3A_185 = vector.broadcast %slice3A_184 : vector<128x1xi32> to vector<128x64xi32>
    %eq3A_186 = arith.cmpi eq, %eq3A_185, %iota3A : vector<128x64xi32>
    %convert_element_type3A_187 = arith.extui %eq3A_186 : vector<128x64xi1> to vector<128x64xi32>
    %convert_element_type3A_188 = arith.sitofp %convert_element_type3A_187 : vector<128x64xi32> to vector<128x64xf32>
    %reduce_sum3A_189 = arith.constant dense<0.000000e+00> : vector<64xf32>
    %reduce_sum3A_190 = vector.multi_reduction <add>, %convert_element_type3A_188, %reduce_sum3A_189 [0] : vector<128x64xf32> to vector<64xf32>
    %broadcast_in_dim3A_191 = vector.shape_cast %reduce_sum3A_190 : vector<64xf32> to vector<1x64xf32>
    %add3A_192 = arith.addf %add3A_183, %broadcast_in_dim3A_191 : vector<1x64xf32>
    %slice3A_193 = vector.extract_strided_slice %get3A_3 {offsets = [0, 21], sizes = [128, 1], strides = [1, 1]} : vector<128x32xi32> to vector<128x1xi32>
    %eq3A_194 = vector.broadcast %slice3A_193 : vector<128x1xi32> to vector<128x64xi32>
    %eq3A_195 = arith.cmpi eq, %eq3A_194, %iota3A : vector<128x64xi32>
    %convert_element_type3A_196 = arith.extui %eq3A_195 : vector<128x64xi1> to vector<128x64xi32>
    %convert_element_type3A_197 = arith.sitofp %convert_element_type3A_196 : vector<128x64xi32> to vector<128x64xf32>
    %reduce_sum3A_198 = arith.constant dense<0.000000e+00> : vector<64xf32>
    %reduce_sum3A_199 = vector.multi_reduction <add>, %convert_element_type3A_197, %reduce_sum3A_198 [0] : vector<128x64xf32> to vector<64xf32>
    %broadcast_in_dim3A_200 = vector.shape_cast %reduce_sum3A_199 : vector<64xf32> to vector<1x64xf32>
    %add3A_201 = arith.addf %add3A_192, %broadcast_in_dim3A_200 : vector<1x64xf32>
    %slice3A_202 = vector.extract_strided_slice %get3A_3 {offsets = [0, 22], sizes = [128, 1], strides = [1, 1]} : vector<128x32xi32> to vector<128x1xi32>
    %eq3A_203 = vector.broadcast %slice3A_202 : vector<128x1xi32> to vector<128x64xi32>
    %eq3A_204 = arith.cmpi eq, %eq3A_203, %iota3A : vector<128x64xi32>
    %convert_element_type3A_205 = arith.extui %eq3A_204 : vector<128x64xi1> to vector<128x64xi32>
    %convert_element_type3A_206 = arith.sitofp %convert_element_type3A_205 : vector<128x64xi32> to vector<128x64xf32>
    %reduce_sum3A_207 = arith.constant dense<0.000000e+00> : vector<64xf32>
    %reduce_sum3A_208 = vector.multi_reduction <add>, %convert_element_type3A_206, %reduce_sum3A_207 [0] : vector<128x64xf32> to vector<64xf32>
    %broadcast_in_dim3A_209 = vector.shape_cast %reduce_sum3A_208 : vector<64xf32> to vector<1x64xf32>
    %add3A_210 = arith.addf %add3A_201, %broadcast_in_dim3A_209 : vector<1x64xf32>
    %slice3A_211 = vector.extract_strided_slice %get3A_3 {offsets = [0, 23], sizes = [128, 1], strides = [1, 1]} : vector<128x32xi32> to vector<128x1xi32>
    %eq3A_212 = vector.broadcast %slice3A_211 : vector<128x1xi32> to vector<128x64xi32>
    %eq3A_213 = arith.cmpi eq, %eq3A_212, %iota3A : vector<128x64xi32>
    %convert_element_type3A_214 = arith.extui %eq3A_213 : vector<128x64xi1> to vector<128x64xi32>
    %convert_element_type3A_215 = arith.sitofp %convert_element_type3A_214 : vector<128x64xi32> to vector<128x64xf32>
    %reduce_sum3A_216 = arith.constant dense<0.000000e+00> : vector<64xf32>
    %reduce_sum3A_217 = vector.multi_reduction <add>, %convert_element_type3A_215, %reduce_sum3A_216 [0] : vector<128x64xf32> to vector<64xf32>
    %broadcast_in_dim3A_218 = vector.shape_cast %reduce_sum3A_217 : vector<64xf32> to vector<1x64xf32>
    %add3A_219 = arith.addf %add3A_210, %broadcast_in_dim3A_218 : vector<1x64xf32>
    %slice3A_220 = vector.extract_strided_slice %get3A_3 {offsets = [0, 24], sizes = [128, 1], strides = [1, 1]} : vector<128x32xi32> to vector<128x1xi32>
    %eq3A_221 = vector.broadcast %slice3A_220 : vector<128x1xi32> to vector<128x64xi32>
    %eq3A_222 = arith.cmpi eq, %eq3A_221, %iota3A : vector<128x64xi32>
    %convert_element_type3A_223 = arith.extui %eq3A_222 : vector<128x64xi1> to vector<128x64xi32>
    %convert_element_type3A_224 = arith.sitofp %convert_element_type3A_223 : vector<128x64xi32> to vector<128x64xf32>
    %reduce_sum3A_225 = arith.constant dense<0.000000e+00> : vector<64xf32>
    %reduce_sum3A_226 = vector.multi_reduction <add>, %convert_element_type3A_224, %reduce_sum3A_225 [0] : vector<128x64xf32> to vector<64xf32>
    %broadcast_in_dim3A_227 = vector.shape_cast %reduce_sum3A_226 : vector<64xf32> to vector<1x64xf32>
    %add3A_228 = arith.addf %add3A_219, %broadcast_in_dim3A_227 : vector<1x64xf32>
    %slice3A_229 = vector.extract_strided_slice %get3A_3 {offsets = [0, 25], sizes = [128, 1], strides = [1, 1]} : vector<128x32xi32> to vector<128x1xi32>
    %eq3A_230 = vector.broadcast %slice3A_229 : vector<128x1xi32> to vector<128x64xi32>
    %eq3A_231 = arith.cmpi eq, %eq3A_230, %iota3A : vector<128x64xi32>
    %convert_element_type3A_232 = arith.extui %eq3A_231 : vector<128x64xi1> to vector<128x64xi32>
    %convert_element_type3A_233 = arith.sitofp %convert_element_type3A_232 : vector<128x64xi32> to vector<128x64xf32>
    %reduce_sum3A_234 = arith.constant dense<0.000000e+00> : vector<64xf32>
    %reduce_sum3A_235 = vector.multi_reduction <add>, %convert_element_type3A_233, %reduce_sum3A_234 [0] : vector<128x64xf32> to vector<64xf32>
    %broadcast_in_dim3A_236 = vector.shape_cast %reduce_sum3A_235 : vector<64xf32> to vector<1x64xf32>
    %add3A_237 = arith.addf %add3A_228, %broadcast_in_dim3A_236 : vector<1x64xf32>
    %slice3A_238 = vector.extract_strided_slice %get3A_3 {offsets = [0, 26], sizes = [128, 1], strides = [1, 1]} : vector<128x32xi32> to vector<128x1xi32>
    %eq3A_239 = vector.broadcast %slice3A_238 : vector<128x1xi32> to vector<128x64xi32>
    %eq3A_240 = arith.cmpi eq, %eq3A_239, %iota3A : vector<128x64xi32>
    %convert_element_type3A_241 = arith.extui %eq3A_240 : vector<128x64xi1> to vector<128x64xi32>
    %convert_element_type3A_242 = arith.sitofp %convert_element_type3A_241 : vector<128x64xi32> to vector<128x64xf32>
    %reduce_sum3A_243 = arith.constant dense<0.000000e+00> : vector<64xf32>
    %reduce_sum3A_244 = vector.multi_reduction <add>, %convert_element_type3A_242, %reduce_sum3A_243 [0] : vector<128x64xf32> to vector<64xf32>
    %broadcast_in_dim3A_245 = vector.shape_cast %reduce_sum3A_244 : vector<64xf32> to vector<1x64xf32>
    %add3A_246 = arith.addf %add3A_237, %broadcast_in_dim3A_245 : vector<1x64xf32>
    %slice3A_247 = vector.extract_strided_slice %get3A_3 {offsets = [0, 27], sizes = [128, 1], strides = [1, 1]} : vector<128x32xi32> to vector<128x1xi32>
    %eq3A_248 = vector.broadcast %slice3A_247 : vector<128x1xi32> to vector<128x64xi32>
    %eq3A_249 = arith.cmpi eq, %eq3A_248, %iota3A : vector<128x64xi32>
    %convert_element_type3A_250 = arith.extui %eq3A_249 : vector<128x64xi1> to vector<128x64xi32>
    %convert_element_type3A_251 = arith.sitofp %convert_element_type3A_250 : vector<128x64xi32> to vector<128x64xf32>
    %reduce_sum3A_252 = arith.constant dense<0.000000e+00> : vector<64xf32>
    %reduce_sum3A_253 = vector.multi_reduction <add>, %convert_element_type3A_251, %reduce_sum3A_252 [0] : vector<128x64xf32> to vector<64xf32>
    %broadcast_in_dim3A_254 = vector.shape_cast %reduce_sum3A_253 : vector<64xf32> to vector<1x64xf32>
    %add3A_255 = arith.addf %add3A_246, %broadcast_in_dim3A_254 : vector<1x64xf32>
    %slice3A_256 = vector.extract_strided_slice %get3A_3 {offsets = [0, 28], sizes = [128, 1], strides = [1, 1]} : vector<128x32xi32> to vector<128x1xi32>
    %eq3A_257 = vector.broadcast %slice3A_256 : vector<128x1xi32> to vector<128x64xi32>
    %eq3A_258 = arith.cmpi eq, %eq3A_257, %iota3A : vector<128x64xi32>
    %convert_element_type3A_259 = arith.extui %eq3A_258 : vector<128x64xi1> to vector<128x64xi32>
    %convert_element_type3A_260 = arith.sitofp %convert_element_type3A_259 : vector<128x64xi32> to vector<128x64xf32>
    %reduce_sum3A_261 = arith.constant dense<0.000000e+00> : vector<64xf32>
    %reduce_sum3A_262 = vector.multi_reduction <add>, %convert_element_type3A_260, %reduce_sum3A_261 [0] : vector<128x64xf32> to vector<64xf32>
    %broadcast_in_dim3A_263 = vector.shape_cast %reduce_sum3A_262 : vector<64xf32> to vector<1x64xf32>
    %add3A_264 = arith.addf %add3A_255, %broadcast_in_dim3A_263 : vector<1x64xf32>
    %slice3A_265 = vector.extract_strided_slice %get3A_3 {offsets = [0, 29], sizes = [128, 1], strides = [1, 1]} : vector<128x32xi32> to vector<128x1xi32>
    %eq3A_266 = vector.broadcast %slice3A_265 : vector<128x1xi32> to vector<128x64xi32>
    %eq3A_267 = arith.cmpi eq, %eq3A_266, %iota3A : vector<128x64xi32>
    %convert_element_type3A_268 = arith.extui %eq3A_267 : vector<128x64xi1> to vector<128x64xi32>
    %convert_element_type3A_269 = arith.sitofp %convert_element_type3A_268 : vector<128x64xi32> to vector<128x64xf32>
    %reduce_sum3A_270 = arith.constant dense<0.000000e+00> : vector<64xf32>
    %reduce_sum3A_271 = vector.multi_reduction <add>, %convert_element_type3A_269, %reduce_sum3A_270 [0] : vector<128x64xf32> to vector<64xf32>
    %broadcast_in_dim3A_272 = vector.shape_cast %reduce_sum3A_271 : vector<64xf32> to vector<1x64xf32>
    %add3A_273 = arith.addf %add3A_264, %broadcast_in_dim3A_272 : vector<1x64xf32>
    %slice3A_274 = vector.extract_strided_slice %get3A_3 {offsets = [0, 30], sizes = [128, 1], strides = [1, 1]} : vector<128x32xi32> to vector<128x1xi32>
    %eq3A_275 = vector.broadcast %slice3A_274 : vector<128x1xi32> to vector<128x64xi32>
    %eq3A_276 = arith.cmpi eq, %eq3A_275, %iota3A : vector<128x64xi32>
    %convert_element_type3A_277 = arith.extui %eq3A_276 : vector<128x64xi1> to vector<128x64xi32>
    %convert_element_type3A_278 = arith.sitofp %convert_element_type3A_277 : vector<128x64xi32> to vector<128x64xf32>
    %reduce_sum3A_279 = arith.constant dense<0.000000e+00> : vector<64xf32>
    %reduce_sum3A_280 = vector.multi_reduction <add>, %convert_element_type3A_278, %reduce_sum3A_279 [0] : vector<128x64xf32> to vector<64xf32>
    %broadcast_in_dim3A_281 = vector.shape_cast %reduce_sum3A_280 : vector<64xf32> to vector<1x64xf32>
    %add3A_282 = arith.addf %add3A_273, %broadcast_in_dim3A_281 : vector<1x64xf32>
    %slice3A_283 = vector.extract_strided_slice %get3A_3 {offsets = [0, 31], sizes = [128, 1], strides = [1, 1]} : vector<128x32xi32> to vector<128x1xi32>
    %eq3A_284 = vector.broadcast %slice3A_283 : vector<128x1xi32> to vector<128x64xi32>
    %eq3A_285 = arith.cmpi eq, %eq3A_284, %iota3A : vector<128x64xi32>
    %convert_element_type3A_286 = arith.extui %eq3A_285 : vector<128x64xi1> to vector<128x64xi32>
    %convert_element_type3A_287 = arith.sitofp %convert_element_type3A_286 : vector<128x64xi32> to vector<128x64xf32>
    %reduce_sum3A_288 = arith.constant dense<0.000000e+00> : vector<64xf32>
    %reduce_sum3A_289 = vector.multi_reduction <add>, %convert_element_type3A_287, %reduce_sum3A_288 [0] : vector<128x64xf32> to vector<64xf32>
    %broadcast_in_dim3A_290 = vector.shape_cast %reduce_sum3A_289 : vector<64xf32> to vector<1x64xf32>
    %add3A_291 = arith.addf %add3A_282, %broadcast_in_dim3A_290 : vector<1x64xf32>
    %broadcast_in_dim3A_292 = arith.constant 0.000000e+00 : f32
    %broadcast_in_dim3A_293 = vector.broadcast %broadcast_in_dim3A_292 : f32 to vector<1x1xf32>
    %slice3A_294 = vector.extract_strided_slice %add3A_291 {offsets = [0, 0], sizes = [1, 63], strides = [1, 1]} : vector<1x64xf32> to vector<1x63xf32>
    %concatenate3A = tpu.concatenate %broadcast_in_dim3A_293, %slice3A_294 in 1 : vector<1x1xf32>, vector<1x63xf32> -> vector<1x64xf32>
    %add3A_295 = arith.addf %add3A_291, %concatenate3A : vector<1x64xf32>
    %broadcast_in_dim3A_296 = arith.constant 0.000000e+00 : f32
    %broadcast_in_dim3A_297 = vector.broadcast %broadcast_in_dim3A_296 : f32 to vector<1x2xf32>
    %slice3A_298 = vector.extract_strided_slice %add3A_295 {offsets = [0, 0], sizes = [1, 62], strides = [1, 1]} : vector<1x64xf32> to vector<1x62xf32>
    %concatenate3A_299 = tpu.concatenate %broadcast_in_dim3A_297, %slice3A_298 in 1 : vector<1x2xf32>, vector<1x62xf32> -> vector<1x64xf32>
    %add3A_300 = arith.addf %add3A_295, %concatenate3A_299 : vector<1x64xf32>
    %broadcast_in_dim3A_301 = arith.constant 0.000000e+00 : f32
    %broadcast_in_dim3A_302 = vector.broadcast %broadcast_in_dim3A_301 : f32 to vector<1x4xf32>
    %slice3A_303 = vector.extract_strided_slice %add3A_300 {offsets = [0, 0], sizes = [1, 60], strides = [1, 1]} : vector<1x64xf32> to vector<1x60xf32>
    %concatenate3A_304 = tpu.concatenate %broadcast_in_dim3A_302, %slice3A_303 in 1 : vector<1x4xf32>, vector<1x60xf32> -> vector<1x64xf32>
    %add3A_305 = arith.addf %add3A_300, %concatenate3A_304 : vector<1x64xf32>
    %broadcast_in_dim3A_306 = arith.constant 0.000000e+00 : f32
    %broadcast_in_dim3A_307 = vector.broadcast %broadcast_in_dim3A_306 : f32 to vector<1x8xf32>
    %slice3A_308 = vector.extract_strided_slice %add3A_305 {offsets = [0, 0], sizes = [1, 56], strides = [1, 1]} : vector<1x64xf32> to vector<1x56xf32>
    %concatenate3A_309 = tpu.concatenate %broadcast_in_dim3A_307, %slice3A_308 in 1 : vector<1x8xf32>, vector<1x56xf32> -> vector<1x64xf32>
    %add3A_310 = arith.addf %add3A_305, %concatenate3A_309 : vector<1x64xf32>
    %broadcast_in_dim3A_311 = arith.constant 0.000000e+00 : f32
    %broadcast_in_dim3A_312 = vector.broadcast %broadcast_in_dim3A_311 : f32 to vector<1x16xf32>
    %slice3A_313 = vector.extract_strided_slice %add3A_310 {offsets = [0, 0], sizes = [1, 48], strides = [1, 1]} : vector<1x64xf32> to vector<1x48xf32>
    %concatenate3A_314 = tpu.concatenate %broadcast_in_dim3A_312, %slice3A_313 in 1 : vector<1x16xf32>, vector<1x48xf32> -> vector<1x64xf32>
    %add3A_315 = arith.addf %add3A_310, %concatenate3A_314 : vector<1x64xf32>
    %broadcast_in_dim3A_316 = arith.constant 0.000000e+00 : f32
    %broadcast_in_dim3A_317 = vector.broadcast %broadcast_in_dim3A_316 : f32 to vector<1x32xf32>
    %slice3A_318 = vector.extract_strided_slice %add3A_315 {offsets = [0, 0], sizes = [1, 32], strides = [1, 1]} : vector<1x64xf32> to vector<1x32xf32>
    %concatenate3A_319 = tpu.concatenate %broadcast_in_dim3A_317, %slice3A_318 in 1 : vector<1x32xf32>, vector<1x32xf32> -> vector<1x64xf32>
    %add3A_320 = arith.addf %add3A_315, %concatenate3A_319 : vector<1x64xf32>
    %sub3A = arith.subf %add3A_320, %add3A_291 : vector<1x64xf32>
    %broadcast_in_dim3A_321 = arith.constant 0.000000e+00 : f32
    %broadcast_in_dim3A_322 = vector.broadcast %broadcast_in_dim3A_321 : f32 to vector<1x64xf32>
    %slice3A_323 = vector.extract_strided_slice %get3A_3 {offsets = [0, 0], sizes = [128, 1], strides = [1, 1]} : vector<128x32xi32> to vector<128x1xi32>
    %eq3A_324 = vector.broadcast %slice3A_323 : vector<128x1xi32> to vector<128x64xi32>
    %eq3A_325 = arith.cmpi eq, %eq3A_324, %iota3A : vector<128x64xi32>
    %convert_element_type3A_326 = arith.extui %eq3A_325 : vector<128x64xi1> to vector<128x64xi32>
    %convert_element_type3A_327 = arith.sitofp %convert_element_type3A_326 : vector<128x64xi32> to vector<128x64xf32>
    %dot_general3A = arith.constant dense<0.000000e+00> : vector<128x64xf32>
    %dot_general3A_328 = tpu.matmul %convert_element_type3A_6, %convert_element_type3A_327, %dot_general3A {dimension_numbers = #tpu.dot_dimension_numbers<[1], [0], [0], [1], [0, 0, 1, 1], [], []>, transpose_lhs_hint = false} : vector<128x128xf32>, vector<128x64xf32>, vector<128x64xf32> -> vector<128x64xf32>
    %add3A_329 = vector.broadcast %broadcast_in_dim3A_322 : vector<1x64xf32> to vector<128x64xf32>
    %add3A_330 = arith.addf %dot_general3A_328, %add3A_329 : vector<128x64xf32>
    %add3A_331 = vector.broadcast %sub3A : vector<1x64xf32> to vector<128x64xf32>
    %add3A_332 = arith.addf %add3A_331, %add3A_330 : vector<128x64xf32>
    %mul3A = arith.mulf %convert_element_type3A_327, %add3A_332 : vector<128x64xf32>
    %reduce_sum3A_333 = arith.constant dense<0.000000e+00> : vector<128xf32>
    %reduce_sum3A_334 = vector.multi_reduction <add>, %mul3A, %reduce_sum3A_333 [1] : vector<128x64xf32> to vector<128xf32>
    %broadcast_in_dim3A_335 = vector.shape_cast %reduce_sum3A_334 : vector<128xf32> to vector<128x1xf32>
    %reduce_sum3A_336 = arith.constant dense<0.000000e+00> : vector<64xf32>
    %reduce_sum3A_337 = vector.multi_reduction <add>, %convert_element_type3A_327, %reduce_sum3A_336 [0] : vector<128x64xf32> to vector<64xf32>
    %broadcast_in_dim3A_338 = vector.shape_cast %reduce_sum3A_337 : vector<64xf32> to vector<1x64xf32>
    %add3A_339 = arith.addf %broadcast_in_dim3A_322, %broadcast_in_dim3A_338 : vector<1x64xf32>
    %slice3A_340 = vector.extract_strided_slice %get3A_3 {offsets = [0, 1], sizes = [128, 1], strides = [1, 1]} : vector<128x32xi32> to vector<128x1xi32>
    %eq3A_341 = vector.broadcast %slice3A_340 : vector<128x1xi32> to vector<128x64xi32>
    %eq3A_342 = arith.cmpi eq, %eq3A_341, %iota3A : vector<128x64xi32>
    %convert_element_type3A_343 = arith.extui %eq3A_342 : vector<128x64xi1> to vector<128x64xi32>
    %convert_element_type3A_344 = arith.sitofp %convert_element_type3A_343 : vector<128x64xi32> to vector<128x64xf32>
    %dot_general3A_345 = arith.constant dense<0.000000e+00> : vector<128x64xf32>
    %dot_general3A_346 = tpu.matmul %convert_element_type3A_6, %convert_element_type3A_344, %dot_general3A_345 {dimension_numbers = #tpu.dot_dimension_numbers<[1], [0], [0], [1], [0, 0, 1, 1], [], []>, transpose_lhs_hint = false} : vector<128x128xf32>, vector<128x64xf32>, vector<128x64xf32> -> vector<128x64xf32>
    %add3A_347 = vector.broadcast %add3A_339 : vector<1x64xf32> to vector<128x64xf32>
    %add3A_348 = arith.addf %dot_general3A_346, %add3A_347 : vector<128x64xf32>
    %add3A_349 = vector.broadcast %sub3A : vector<1x64xf32> to vector<128x64xf32>
    %add3A_350 = arith.addf %add3A_349, %add3A_348 : vector<128x64xf32>
    %mul3A_351 = arith.mulf %convert_element_type3A_344, %add3A_350 : vector<128x64xf32>
    %reduce_sum3A_352 = arith.constant dense<0.000000e+00> : vector<128xf32>
    %reduce_sum3A_353 = vector.multi_reduction <add>, %mul3A_351, %reduce_sum3A_352 [1] : vector<128x64xf32> to vector<128xf32>
    %broadcast_in_dim3A_354 = vector.shape_cast %reduce_sum3A_353 : vector<128xf32> to vector<128x1xf32>
    %reduce_sum3A_355 = arith.constant dense<0.000000e+00> : vector<64xf32>
    %reduce_sum3A_356 = vector.multi_reduction <add>, %convert_element_type3A_344, %reduce_sum3A_355 [0] : vector<128x64xf32> to vector<64xf32>
    %broadcast_in_dim3A_357 = vector.shape_cast %reduce_sum3A_356 : vector<64xf32> to vector<1x64xf32>
    %add3A_358 = arith.addf %add3A_339, %broadcast_in_dim3A_357 : vector<1x64xf32>
    %slice3A_359 = vector.extract_strided_slice %get3A_3 {offsets = [0, 2], sizes = [128, 1], strides = [1, 1]} : vector<128x32xi32> to vector<128x1xi32>
    %eq3A_360 = vector.broadcast %slice3A_359 : vector<128x1xi32> to vector<128x64xi32>
    %eq3A_361 = arith.cmpi eq, %eq3A_360, %iota3A : vector<128x64xi32>
    %convert_element_type3A_362 = arith.extui %eq3A_361 : vector<128x64xi1> to vector<128x64xi32>
    %convert_element_type3A_363 = arith.sitofp %convert_element_type3A_362 : vector<128x64xi32> to vector<128x64xf32>
    %dot_general3A_364 = arith.constant dense<0.000000e+00> : vector<128x64xf32>
    %dot_general3A_365 = tpu.matmul %convert_element_type3A_6, %convert_element_type3A_363, %dot_general3A_364 {dimension_numbers = #tpu.dot_dimension_numbers<[1], [0], [0], [1], [0, 0, 1, 1], [], []>, transpose_lhs_hint = false} : vector<128x128xf32>, vector<128x64xf32>, vector<128x64xf32> -> vector<128x64xf32>
    %add3A_366 = vector.broadcast %add3A_358 : vector<1x64xf32> to vector<128x64xf32>
    %add3A_367 = arith.addf %dot_general3A_365, %add3A_366 : vector<128x64xf32>
    %add3A_368 = vector.broadcast %sub3A : vector<1x64xf32> to vector<128x64xf32>
    %add3A_369 = arith.addf %add3A_368, %add3A_367 : vector<128x64xf32>
    %mul3A_370 = arith.mulf %convert_element_type3A_363, %add3A_369 : vector<128x64xf32>
    %reduce_sum3A_371 = arith.constant dense<0.000000e+00> : vector<128xf32>
    %reduce_sum3A_372 = vector.multi_reduction <add>, %mul3A_370, %reduce_sum3A_371 [1] : vector<128x64xf32> to vector<128xf32>
    %broadcast_in_dim3A_373 = vector.shape_cast %reduce_sum3A_372 : vector<128xf32> to vector<128x1xf32>
    %reduce_sum3A_374 = arith.constant dense<0.000000e+00> : vector<64xf32>
    %reduce_sum3A_375 = vector.multi_reduction <add>, %convert_element_type3A_363, %reduce_sum3A_374 [0] : vector<128x64xf32> to vector<64xf32>
    %broadcast_in_dim3A_376 = vector.shape_cast %reduce_sum3A_375 : vector<64xf32> to vector<1x64xf32>
    %add3A_377 = arith.addf %add3A_358, %broadcast_in_dim3A_376 : vector<1x64xf32>
    %slice3A_378 = vector.extract_strided_slice %get3A_3 {offsets = [0, 3], sizes = [128, 1], strides = [1, 1]} : vector<128x32xi32> to vector<128x1xi32>
    %eq3A_379 = vector.broadcast %slice3A_378 : vector<128x1xi32> to vector<128x64xi32>
    %eq3A_380 = arith.cmpi eq, %eq3A_379, %iota3A : vector<128x64xi32>
    %convert_element_type3A_381 = arith.extui %eq3A_380 : vector<128x64xi1> to vector<128x64xi32>
    %convert_element_type3A_382 = arith.sitofp %convert_element_type3A_381 : vector<128x64xi32> to vector<128x64xf32>
    %dot_general3A_383 = arith.constant dense<0.000000e+00> : vector<128x64xf32>
    %dot_general3A_384 = tpu.matmul %convert_element_type3A_6, %convert_element_type3A_382, %dot_general3A_383 {dimension_numbers = #tpu.dot_dimension_numbers<[1], [0], [0], [1], [0, 0, 1, 1], [], []>, transpose_lhs_hint = false} : vector<128x128xf32>, vector<128x64xf32>, vector<128x64xf32> -> vector<128x64xf32>
    %add3A_385 = vector.broadcast %add3A_377 : vector<1x64xf32> to vector<128x64xf32>
    %add3A_386 = arith.addf %dot_general3A_384, %add3A_385 : vector<128x64xf32>
    %add3A_387 = vector.broadcast %sub3A : vector<1x64xf32> to vector<128x64xf32>
    %add3A_388 = arith.addf %add3A_387, %add3A_386 : vector<128x64xf32>
    %mul3A_389 = arith.mulf %convert_element_type3A_382, %add3A_388 : vector<128x64xf32>
    %reduce_sum3A_390 = arith.constant dense<0.000000e+00> : vector<128xf32>
    %reduce_sum3A_391 = vector.multi_reduction <add>, %mul3A_389, %reduce_sum3A_390 [1] : vector<128x64xf32> to vector<128xf32>
    %broadcast_in_dim3A_392 = vector.shape_cast %reduce_sum3A_391 : vector<128xf32> to vector<128x1xf32>
    %reduce_sum3A_393 = arith.constant dense<0.000000e+00> : vector<64xf32>
    %reduce_sum3A_394 = vector.multi_reduction <add>, %convert_element_type3A_382, %reduce_sum3A_393 [0] : vector<128x64xf32> to vector<64xf32>
    %broadcast_in_dim3A_395 = vector.shape_cast %reduce_sum3A_394 : vector<64xf32> to vector<1x64xf32>
    %add3A_396 = arith.addf %add3A_377, %broadcast_in_dim3A_395 : vector<1x64xf32>
    %slice3A_397 = vector.extract_strided_slice %get3A_3 {offsets = [0, 4], sizes = [128, 1], strides = [1, 1]} : vector<128x32xi32> to vector<128x1xi32>
    %eq3A_398 = vector.broadcast %slice3A_397 : vector<128x1xi32> to vector<128x64xi32>
    %eq3A_399 = arith.cmpi eq, %eq3A_398, %iota3A : vector<128x64xi32>
    %convert_element_type3A_400 = arith.extui %eq3A_399 : vector<128x64xi1> to vector<128x64xi32>
    %convert_element_type3A_401 = arith.sitofp %convert_element_type3A_400 : vector<128x64xi32> to vector<128x64xf32>
    %dot_general3A_402 = arith.constant dense<0.000000e+00> : vector<128x64xf32>
    %dot_general3A_403 = tpu.matmul %convert_element_type3A_6, %convert_element_type3A_401, %dot_general3A_402 {dimension_numbers = #tpu.dot_dimension_numbers<[1], [0], [0], [1], [0, 0, 1, 1], [], []>, transpose_lhs_hint = false} : vector<128x128xf32>, vector<128x64xf32>, vector<128x64xf32> -> vector<128x64xf32>
    %add3A_404 = vector.broadcast %add3A_396 : vector<1x64xf32> to vector<128x64xf32>
    %add3A_405 = arith.addf %dot_general3A_403, %add3A_404 : vector<128x64xf32>
    %add3A_406 = vector.broadcast %sub3A : vector<1x64xf32> to vector<128x64xf32>
    %add3A_407 = arith.addf %add3A_406, %add3A_405 : vector<128x64xf32>
    %mul3A_408 = arith.mulf %convert_element_type3A_401, %add3A_407 : vector<128x64xf32>
    %reduce_sum3A_409 = arith.constant dense<0.000000e+00> : vector<128xf32>
    %reduce_sum3A_410 = vector.multi_reduction <add>, %mul3A_408, %reduce_sum3A_409 [1] : vector<128x64xf32> to vector<128xf32>
    %broadcast_in_dim3A_411 = vector.shape_cast %reduce_sum3A_410 : vector<128xf32> to vector<128x1xf32>
    %reduce_sum3A_412 = arith.constant dense<0.000000e+00> : vector<64xf32>
    %reduce_sum3A_413 = vector.multi_reduction <add>, %convert_element_type3A_401, %reduce_sum3A_412 [0] : vector<128x64xf32> to vector<64xf32>
    %broadcast_in_dim3A_414 = vector.shape_cast %reduce_sum3A_413 : vector<64xf32> to vector<1x64xf32>
    %add3A_415 = arith.addf %add3A_396, %broadcast_in_dim3A_414 : vector<1x64xf32>
    %slice3A_416 = vector.extract_strided_slice %get3A_3 {offsets = [0, 5], sizes = [128, 1], strides = [1, 1]} : vector<128x32xi32> to vector<128x1xi32>
    %eq3A_417 = vector.broadcast %slice3A_416 : vector<128x1xi32> to vector<128x64xi32>
    %eq3A_418 = arith.cmpi eq, %eq3A_417, %iota3A : vector<128x64xi32>
    %convert_element_type3A_419 = arith.extui %eq3A_418 : vector<128x64xi1> to vector<128x64xi32>
    %convert_element_type3A_420 = arith.sitofp %convert_element_type3A_419 : vector<128x64xi32> to vector<128x64xf32>
    %dot_general3A_421 = arith.constant dense<0.000000e+00> : vector<128x64xf32>
    %dot_general3A_422 = tpu.matmul %convert_element_type3A_6, %convert_element_type3A_420, %dot_general3A_421 {dimension_numbers = #tpu.dot_dimension_numbers<[1], [0], [0], [1], [0, 0, 1, 1], [], []>, transpose_lhs_hint = false} : vector<128x128xf32>, vector<128x64xf32>, vector<128x64xf32> -> vector<128x64xf32>
    %add3A_423 = vector.broadcast %add3A_415 : vector<1x64xf32> to vector<128x64xf32>
    %add3A_424 = arith.addf %dot_general3A_422, %add3A_423 : vector<128x64xf32>
    %add3A_425 = vector.broadcast %sub3A : vector<1x64xf32> to vector<128x64xf32>
    %add3A_426 = arith.addf %add3A_425, %add3A_424 : vector<128x64xf32>
    %mul3A_427 = arith.mulf %convert_element_type3A_420, %add3A_426 : vector<128x64xf32>
    %reduce_sum3A_428 = arith.constant dense<0.000000e+00> : vector<128xf32>
    %reduce_sum3A_429 = vector.multi_reduction <add>, %mul3A_427, %reduce_sum3A_428 [1] : vector<128x64xf32> to vector<128xf32>
    %broadcast_in_dim3A_430 = vector.shape_cast %reduce_sum3A_429 : vector<128xf32> to vector<128x1xf32>
    %reduce_sum3A_431 = arith.constant dense<0.000000e+00> : vector<64xf32>
    %reduce_sum3A_432 = vector.multi_reduction <add>, %convert_element_type3A_420, %reduce_sum3A_431 [0] : vector<128x64xf32> to vector<64xf32>
    %broadcast_in_dim3A_433 = vector.shape_cast %reduce_sum3A_432 : vector<64xf32> to vector<1x64xf32>
    %add3A_434 = arith.addf %add3A_415, %broadcast_in_dim3A_433 : vector<1x64xf32>
    %slice3A_435 = vector.extract_strided_slice %get3A_3 {offsets = [0, 6], sizes = [128, 1], strides = [1, 1]} : vector<128x32xi32> to vector<128x1xi32>
    %eq3A_436 = vector.broadcast %slice3A_435 : vector<128x1xi32> to vector<128x64xi32>
    %eq3A_437 = arith.cmpi eq, %eq3A_436, %iota3A : vector<128x64xi32>
    %convert_element_type3A_438 = arith.extui %eq3A_437 : vector<128x64xi1> to vector<128x64xi32>
    %convert_element_type3A_439 = arith.sitofp %convert_element_type3A_438 : vector<128x64xi32> to vector<128x64xf32>
    %dot_general3A_440 = arith.constant dense<0.000000e+00> : vector<128x64xf32>
    %dot_general3A_441 = tpu.matmul %convert_element_type3A_6, %convert_element_type3A_439, %dot_general3A_440 {dimension_numbers = #tpu.dot_dimension_numbers<[1], [0], [0], [1], [0, 0, 1, 1], [], []>, transpose_lhs_hint = false} : vector<128x128xf32>, vector<128x64xf32>, vector<128x64xf32> -> vector<128x64xf32>
    %add3A_442 = vector.broadcast %add3A_434 : vector<1x64xf32> to vector<128x64xf32>
    %add3A_443 = arith.addf %dot_general3A_441, %add3A_442 : vector<128x64xf32>
    %add3A_444 = vector.broadcast %sub3A : vector<1x64xf32> to vector<128x64xf32>
    %add3A_445 = arith.addf %add3A_444, %add3A_443 : vector<128x64xf32>
    %mul3A_446 = arith.mulf %convert_element_type3A_439, %add3A_445 : vector<128x64xf32>
    %reduce_sum3A_447 = arith.constant dense<0.000000e+00> : vector<128xf32>
    %reduce_sum3A_448 = vector.multi_reduction <add>, %mul3A_446, %reduce_sum3A_447 [1] : vector<128x64xf32> to vector<128xf32>
    %broadcast_in_dim3A_449 = vector.shape_cast %reduce_sum3A_448 : vector<128xf32> to vector<128x1xf32>
    %reduce_sum3A_450 = arith.constant dense<0.000000e+00> : vector<64xf32>
    %reduce_sum3A_451 = vector.multi_reduction <add>, %convert_element_type3A_439, %reduce_sum3A_450 [0] : vector<128x64xf32> to vector<64xf32>
    %broadcast_in_dim3A_452 = vector.shape_cast %reduce_sum3A_451 : vector<64xf32> to vector<1x64xf32>
    %add3A_453 = arith.addf %add3A_434, %broadcast_in_dim3A_452 : vector<1x64xf32>
    %slice3A_454 = vector.extract_strided_slice %get3A_3 {offsets = [0, 7], sizes = [128, 1], strides = [1, 1]} : vector<128x32xi32> to vector<128x1xi32>
    %eq3A_455 = vector.broadcast %slice3A_454 : vector<128x1xi32> to vector<128x64xi32>
    %eq3A_456 = arith.cmpi eq, %eq3A_455, %iota3A : vector<128x64xi32>
    %convert_element_type3A_457 = arith.extui %eq3A_456 : vector<128x64xi1> to vector<128x64xi32>
    %convert_element_type3A_458 = arith.sitofp %convert_element_type3A_457 : vector<128x64xi32> to vector<128x64xf32>
    %dot_general3A_459 = arith.constant dense<0.000000e+00> : vector<128x64xf32>
    %dot_general3A_460 = tpu.matmul %convert_element_type3A_6, %convert_element_type3A_458, %dot_general3A_459 {dimension_numbers = #tpu.dot_dimension_numbers<[1], [0], [0], [1], [0, 0, 1, 1], [], []>, transpose_lhs_hint = false} : vector<128x128xf32>, vector<128x64xf32>, vector<128x64xf32> -> vector<128x64xf32>
    %add3A_461 = vector.broadcast %add3A_453 : vector<1x64xf32> to vector<128x64xf32>
    %add3A_462 = arith.addf %dot_general3A_460, %add3A_461 : vector<128x64xf32>
    %add3A_463 = vector.broadcast %sub3A : vector<1x64xf32> to vector<128x64xf32>
    %add3A_464 = arith.addf %add3A_463, %add3A_462 : vector<128x64xf32>
    %mul3A_465 = arith.mulf %convert_element_type3A_458, %add3A_464 : vector<128x64xf32>
    %reduce_sum3A_466 = arith.constant dense<0.000000e+00> : vector<128xf32>
    %reduce_sum3A_467 = vector.multi_reduction <add>, %mul3A_465, %reduce_sum3A_466 [1] : vector<128x64xf32> to vector<128xf32>
    %broadcast_in_dim3A_468 = vector.shape_cast %reduce_sum3A_467 : vector<128xf32> to vector<128x1xf32>
    %reduce_sum3A_469 = arith.constant dense<0.000000e+00> : vector<64xf32>
    %reduce_sum3A_470 = vector.multi_reduction <add>, %convert_element_type3A_458, %reduce_sum3A_469 [0] : vector<128x64xf32> to vector<64xf32>
    %broadcast_in_dim3A_471 = vector.shape_cast %reduce_sum3A_470 : vector<64xf32> to vector<1x64xf32>
    %add3A_472 = arith.addf %add3A_453, %broadcast_in_dim3A_471 : vector<1x64xf32>
    %slice3A_473 = vector.extract_strided_slice %get3A_3 {offsets = [0, 8], sizes = [128, 1], strides = [1, 1]} : vector<128x32xi32> to vector<128x1xi32>
    %eq3A_474 = vector.broadcast %slice3A_473 : vector<128x1xi32> to vector<128x64xi32>
    %eq3A_475 = arith.cmpi eq, %eq3A_474, %iota3A : vector<128x64xi32>
    %convert_element_type3A_476 = arith.extui %eq3A_475 : vector<128x64xi1> to vector<128x64xi32>
    %convert_element_type3A_477 = arith.sitofp %convert_element_type3A_476 : vector<128x64xi32> to vector<128x64xf32>
    %dot_general3A_478 = arith.constant dense<0.000000e+00> : vector<128x64xf32>
    %dot_general3A_479 = tpu.matmul %convert_element_type3A_6, %convert_element_type3A_477, %dot_general3A_478 {dimension_numbers = #tpu.dot_dimension_numbers<[1], [0], [0], [1], [0, 0, 1, 1], [], []>, transpose_lhs_hint = false} : vector<128x128xf32>, vector<128x64xf32>, vector<128x64xf32> -> vector<128x64xf32>
    %add3A_480 = vector.broadcast %add3A_472 : vector<1x64xf32> to vector<128x64xf32>
    %add3A_481 = arith.addf %dot_general3A_479, %add3A_480 : vector<128x64xf32>
    %add3A_482 = vector.broadcast %sub3A : vector<1x64xf32> to vector<128x64xf32>
    %add3A_483 = arith.addf %add3A_482, %add3A_481 : vector<128x64xf32>
    %mul3A_484 = arith.mulf %convert_element_type3A_477, %add3A_483 : vector<128x64xf32>
    %reduce_sum3A_485 = arith.constant dense<0.000000e+00> : vector<128xf32>
    %reduce_sum3A_486 = vector.multi_reduction <add>, %mul3A_484, %reduce_sum3A_485 [1] : vector<128x64xf32> to vector<128xf32>
    %broadcast_in_dim3A_487 = vector.shape_cast %reduce_sum3A_486 : vector<128xf32> to vector<128x1xf32>
    %reduce_sum3A_488 = arith.constant dense<0.000000e+00> : vector<64xf32>
    %reduce_sum3A_489 = vector.multi_reduction <add>, %convert_element_type3A_477, %reduce_sum3A_488 [0] : vector<128x64xf32> to vector<64xf32>
    %broadcast_in_dim3A_490 = vector.shape_cast %reduce_sum3A_489 : vector<64xf32> to vector<1x64xf32>
    %add3A_491 = arith.addf %add3A_472, %broadcast_in_dim3A_490 : vector<1x64xf32>
    %slice3A_492 = vector.extract_strided_slice %get3A_3 {offsets = [0, 9], sizes = [128, 1], strides = [1, 1]} : vector<128x32xi32> to vector<128x1xi32>
    %eq3A_493 = vector.broadcast %slice3A_492 : vector<128x1xi32> to vector<128x64xi32>
    %eq3A_494 = arith.cmpi eq, %eq3A_493, %iota3A : vector<128x64xi32>
    %convert_element_type3A_495 = arith.extui %eq3A_494 : vector<128x64xi1> to vector<128x64xi32>
    %convert_element_type3A_496 = arith.sitofp %convert_element_type3A_495 : vector<128x64xi32> to vector<128x64xf32>
    %dot_general3A_497 = arith.constant dense<0.000000e+00> : vector<128x64xf32>
    %dot_general3A_498 = tpu.matmul %convert_element_type3A_6, %convert_element_type3A_496, %dot_general3A_497 {dimension_numbers = #tpu.dot_dimension_numbers<[1], [0], [0], [1], [0, 0, 1, 1], [], []>, transpose_lhs_hint = false} : vector<128x128xf32>, vector<128x64xf32>, vector<128x64xf32> -> vector<128x64xf32>
    %add3A_499 = vector.broadcast %add3A_491 : vector<1x64xf32> to vector<128x64xf32>
    %add3A_500 = arith.addf %dot_general3A_498, %add3A_499 : vector<128x64xf32>
    %add3A_501 = vector.broadcast %sub3A : vector<1x64xf32> to vector<128x64xf32>
    %add3A_502 = arith.addf %add3A_501, %add3A_500 : vector<128x64xf32>
    %mul3A_503 = arith.mulf %convert_element_type3A_496, %add3A_502 : vector<128x64xf32>
    %reduce_sum3A_504 = arith.constant dense<0.000000e+00> : vector<128xf32>
    %reduce_sum3A_505 = vector.multi_reduction <add>, %mul3A_503, %reduce_sum3A_504 [1] : vector<128x64xf32> to vector<128xf32>
    %broadcast_in_dim3A_506 = vector.shape_cast %reduce_sum3A_505 : vector<128xf32> to vector<128x1xf32>
    %reduce_sum3A_507 = arith.constant dense<0.000000e+00> : vector<64xf32>
    %reduce_sum3A_508 = vector.multi_reduction <add>, %convert_element_type3A_496, %reduce_sum3A_507 [0] : vector<128x64xf32> to vector<64xf32>
    %broadcast_in_dim3A_509 = vector.shape_cast %reduce_sum3A_508 : vector<64xf32> to vector<1x64xf32>
    %add3A_510 = arith.addf %add3A_491, %broadcast_in_dim3A_509 : vector<1x64xf32>
    %slice3A_511 = vector.extract_strided_slice %get3A_3 {offsets = [0, 10], sizes = [128, 1], strides = [1, 1]} : vector<128x32xi32> to vector<128x1xi32>
    %eq3A_512 = vector.broadcast %slice3A_511 : vector<128x1xi32> to vector<128x64xi32>
    %eq3A_513 = arith.cmpi eq, %eq3A_512, %iota3A : vector<128x64xi32>
    %convert_element_type3A_514 = arith.extui %eq3A_513 : vector<128x64xi1> to vector<128x64xi32>
    %convert_element_type3A_515 = arith.sitofp %convert_element_type3A_514 : vector<128x64xi32> to vector<128x64xf32>
    %dot_general3A_516 = arith.constant dense<0.000000e+00> : vector<128x64xf32>
    %dot_general3A_517 = tpu.matmul %convert_element_type3A_6, %convert_element_type3A_515, %dot_general3A_516 {dimension_numbers = #tpu.dot_dimension_numbers<[1], [0], [0], [1], [0, 0, 1, 1], [], []>, transpose_lhs_hint = false} : vector<128x128xf32>, vector<128x64xf32>, vector<128x64xf32> -> vector<128x64xf32>
    %add3A_518 = vector.broadcast %add3A_510 : vector<1x64xf32> to vector<128x64xf32>
    %add3A_519 = arith.addf %dot_general3A_517, %add3A_518 : vector<128x64xf32>
    %add3A_520 = vector.broadcast %sub3A : vector<1x64xf32> to vector<128x64xf32>
    %add3A_521 = arith.addf %add3A_520, %add3A_519 : vector<128x64xf32>
    %mul3A_522 = arith.mulf %convert_element_type3A_515, %add3A_521 : vector<128x64xf32>
    %reduce_sum3A_523 = arith.constant dense<0.000000e+00> : vector<128xf32>
    %reduce_sum3A_524 = vector.multi_reduction <add>, %mul3A_522, %reduce_sum3A_523 [1] : vector<128x64xf32> to vector<128xf32>
    %broadcast_in_dim3A_525 = vector.shape_cast %reduce_sum3A_524 : vector<128xf32> to vector<128x1xf32>
    %reduce_sum3A_526 = arith.constant dense<0.000000e+00> : vector<64xf32>
    %reduce_sum3A_527 = vector.multi_reduction <add>, %convert_element_type3A_515, %reduce_sum3A_526 [0] : vector<128x64xf32> to vector<64xf32>
    %broadcast_in_dim3A_528 = vector.shape_cast %reduce_sum3A_527 : vector<64xf32> to vector<1x64xf32>
    %add3A_529 = arith.addf %add3A_510, %broadcast_in_dim3A_528 : vector<1x64xf32>
    %slice3A_530 = vector.extract_strided_slice %get3A_3 {offsets = [0, 11], sizes = [128, 1], strides = [1, 1]} : vector<128x32xi32> to vector<128x1xi32>
    %eq3A_531 = vector.broadcast %slice3A_530 : vector<128x1xi32> to vector<128x64xi32>
    %eq3A_532 = arith.cmpi eq, %eq3A_531, %iota3A : vector<128x64xi32>
    %convert_element_type3A_533 = arith.extui %eq3A_532 : vector<128x64xi1> to vector<128x64xi32>
    %convert_element_type3A_534 = arith.sitofp %convert_element_type3A_533 : vector<128x64xi32> to vector<128x64xf32>
    %dot_general3A_535 = arith.constant dense<0.000000e+00> : vector<128x64xf32>
    %dot_general3A_536 = tpu.matmul %convert_element_type3A_6, %convert_element_type3A_534, %dot_general3A_535 {dimension_numbers = #tpu.dot_dimension_numbers<[1], [0], [0], [1], [0, 0, 1, 1], [], []>, transpose_lhs_hint = false} : vector<128x128xf32>, vector<128x64xf32>, vector<128x64xf32> -> vector<128x64xf32>
    %add3A_537 = vector.broadcast %add3A_529 : vector<1x64xf32> to vector<128x64xf32>
    %add3A_538 = arith.addf %dot_general3A_536, %add3A_537 : vector<128x64xf32>
    %add3A_539 = vector.broadcast %sub3A : vector<1x64xf32> to vector<128x64xf32>
    %add3A_540 = arith.addf %add3A_539, %add3A_538 : vector<128x64xf32>
    %mul3A_541 = arith.mulf %convert_element_type3A_534, %add3A_540 : vector<128x64xf32>
    %reduce_sum3A_542 = arith.constant dense<0.000000e+00> : vector<128xf32>
    %reduce_sum3A_543 = vector.multi_reduction <add>, %mul3A_541, %reduce_sum3A_542 [1] : vector<128x64xf32> to vector<128xf32>
    %broadcast_in_dim3A_544 = vector.shape_cast %reduce_sum3A_543 : vector<128xf32> to vector<128x1xf32>
    %reduce_sum3A_545 = arith.constant dense<0.000000e+00> : vector<64xf32>
    %reduce_sum3A_546 = vector.multi_reduction <add>, %convert_element_type3A_534, %reduce_sum3A_545 [0] : vector<128x64xf32> to vector<64xf32>
    %broadcast_in_dim3A_547 = vector.shape_cast %reduce_sum3A_546 : vector<64xf32> to vector<1x64xf32>
    %add3A_548 = arith.addf %add3A_529, %broadcast_in_dim3A_547 : vector<1x64xf32>
    %slice3A_549 = vector.extract_strided_slice %get3A_3 {offsets = [0, 12], sizes = [128, 1], strides = [1, 1]} : vector<128x32xi32> to vector<128x1xi32>
    %eq3A_550 = vector.broadcast %slice3A_549 : vector<128x1xi32> to vector<128x64xi32>
    %eq3A_551 = arith.cmpi eq, %eq3A_550, %iota3A : vector<128x64xi32>
    %convert_element_type3A_552 = arith.extui %eq3A_551 : vector<128x64xi1> to vector<128x64xi32>
    %convert_element_type3A_553 = arith.sitofp %convert_element_type3A_552 : vector<128x64xi32> to vector<128x64xf32>
    %dot_general3A_554 = arith.constant dense<0.000000e+00> : vector<128x64xf32>
    %dot_general3A_555 = tpu.matmul %convert_element_type3A_6, %convert_element_type3A_553, %dot_general3A_554 {dimension_numbers = #tpu.dot_dimension_numbers<[1], [0], [0], [1], [0, 0, 1, 1], [], []>, transpose_lhs_hint = false} : vector<128x128xf32>, vector<128x64xf32>, vector<128x64xf32> -> vector<128x64xf32>
    %add3A_556 = vector.broadcast %add3A_548 : vector<1x64xf32> to vector<128x64xf32>
    %add3A_557 = arith.addf %dot_general3A_555, %add3A_556 : vector<128x64xf32>
    %add3A_558 = vector.broadcast %sub3A : vector<1x64xf32> to vector<128x64xf32>
    %add3A_559 = arith.addf %add3A_558, %add3A_557 : vector<128x64xf32>
    %mul3A_560 = arith.mulf %convert_element_type3A_553, %add3A_559 : vector<128x64xf32>
    %reduce_sum3A_561 = arith.constant dense<0.000000e+00> : vector<128xf32>
    %reduce_sum3A_562 = vector.multi_reduction <add>, %mul3A_560, %reduce_sum3A_561 [1] : vector<128x64xf32> to vector<128xf32>
    %broadcast_in_dim3A_563 = vector.shape_cast %reduce_sum3A_562 : vector<128xf32> to vector<128x1xf32>
    %reduce_sum3A_564 = arith.constant dense<0.000000e+00> : vector<64xf32>
    %reduce_sum3A_565 = vector.multi_reduction <add>, %convert_element_type3A_553, %reduce_sum3A_564 [0] : vector<128x64xf32> to vector<64xf32>
    %broadcast_in_dim3A_566 = vector.shape_cast %reduce_sum3A_565 : vector<64xf32> to vector<1x64xf32>
    %add3A_567 = arith.addf %add3A_548, %broadcast_in_dim3A_566 : vector<1x64xf32>
    %slice3A_568 = vector.extract_strided_slice %get3A_3 {offsets = [0, 13], sizes = [128, 1], strides = [1, 1]} : vector<128x32xi32> to vector<128x1xi32>
    %eq3A_569 = vector.broadcast %slice3A_568 : vector<128x1xi32> to vector<128x64xi32>
    %eq3A_570 = arith.cmpi eq, %eq3A_569, %iota3A : vector<128x64xi32>
    %convert_element_type3A_571 = arith.extui %eq3A_570 : vector<128x64xi1> to vector<128x64xi32>
    %convert_element_type3A_572 = arith.sitofp %convert_element_type3A_571 : vector<128x64xi32> to vector<128x64xf32>
    %dot_general3A_573 = arith.constant dense<0.000000e+00> : vector<128x64xf32>
    %dot_general3A_574 = tpu.matmul %convert_element_type3A_6, %convert_element_type3A_572, %dot_general3A_573 {dimension_numbers = #tpu.dot_dimension_numbers<[1], [0], [0], [1], [0, 0, 1, 1], [], []>, transpose_lhs_hint = false} : vector<128x128xf32>, vector<128x64xf32>, vector<128x64xf32> -> vector<128x64xf32>
    %add3A_575 = vector.broadcast %add3A_567 : vector<1x64xf32> to vector<128x64xf32>
    %add3A_576 = arith.addf %dot_general3A_574, %add3A_575 : vector<128x64xf32>
    %add3A_577 = vector.broadcast %sub3A : vector<1x64xf32> to vector<128x64xf32>
    %add3A_578 = arith.addf %add3A_577, %add3A_576 : vector<128x64xf32>
    %mul3A_579 = arith.mulf %convert_element_type3A_572, %add3A_578 : vector<128x64xf32>
    %reduce_sum3A_580 = arith.constant dense<0.000000e+00> : vector<128xf32>
    %reduce_sum3A_581 = vector.multi_reduction <add>, %mul3A_579, %reduce_sum3A_580 [1] : vector<128x64xf32> to vector<128xf32>
    %broadcast_in_dim3A_582 = vector.shape_cast %reduce_sum3A_581 : vector<128xf32> to vector<128x1xf32>
    %reduce_sum3A_583 = arith.constant dense<0.000000e+00> : vector<64xf32>
    %reduce_sum3A_584 = vector.multi_reduction <add>, %convert_element_type3A_572, %reduce_sum3A_583 [0] : vector<128x64xf32> to vector<64xf32>
    %broadcast_in_dim3A_585 = vector.shape_cast %reduce_sum3A_584 : vector<64xf32> to vector<1x64xf32>
    %add3A_586 = arith.addf %add3A_567, %broadcast_in_dim3A_585 : vector<1x64xf32>
    %slice3A_587 = vector.extract_strided_slice %get3A_3 {offsets = [0, 14], sizes = [128, 1], strides = [1, 1]} : vector<128x32xi32> to vector<128x1xi32>
    %eq3A_588 = vector.broadcast %slice3A_587 : vector<128x1xi32> to vector<128x64xi32>
    %eq3A_589 = arith.cmpi eq, %eq3A_588, %iota3A : vector<128x64xi32>
    %convert_element_type3A_590 = arith.extui %eq3A_589 : vector<128x64xi1> to vector<128x64xi32>
    %convert_element_type3A_591 = arith.sitofp %convert_element_type3A_590 : vector<128x64xi32> to vector<128x64xf32>
    %dot_general3A_592 = arith.constant dense<0.000000e+00> : vector<128x64xf32>
    %dot_general3A_593 = tpu.matmul %convert_element_type3A_6, %convert_element_type3A_591, %dot_general3A_592 {dimension_numbers = #tpu.dot_dimension_numbers<[1], [0], [0], [1], [0, 0, 1, 1], [], []>, transpose_lhs_hint = false} : vector<128x128xf32>, vector<128x64xf32>, vector<128x64xf32> -> vector<128x64xf32>
    %add3A_594 = vector.broadcast %add3A_586 : vector<1x64xf32> to vector<128x64xf32>
    %add3A_595 = arith.addf %dot_general3A_593, %add3A_594 : vector<128x64xf32>
    %add3A_596 = vector.broadcast %sub3A : vector<1x64xf32> to vector<128x64xf32>
    %add3A_597 = arith.addf %add3A_596, %add3A_595 : vector<128x64xf32>
    %mul3A_598 = arith.mulf %convert_element_type3A_591, %add3A_597 : vector<128x64xf32>
    %reduce_sum3A_599 = arith.constant dense<0.000000e+00> : vector<128xf32>
    %reduce_sum3A_600 = vector.multi_reduction <add>, %mul3A_598, %reduce_sum3A_599 [1] : vector<128x64xf32> to vector<128xf32>
    %broadcast_in_dim3A_601 = vector.shape_cast %reduce_sum3A_600 : vector<128xf32> to vector<128x1xf32>
    %reduce_sum3A_602 = arith.constant dense<0.000000e+00> : vector<64xf32>
    %reduce_sum3A_603 = vector.multi_reduction <add>, %convert_element_type3A_591, %reduce_sum3A_602 [0] : vector<128x64xf32> to vector<64xf32>
    %broadcast_in_dim3A_604 = vector.shape_cast %reduce_sum3A_603 : vector<64xf32> to vector<1x64xf32>
    %add3A_605 = arith.addf %add3A_586, %broadcast_in_dim3A_604 : vector<1x64xf32>
    %slice3A_606 = vector.extract_strided_slice %get3A_3 {offsets = [0, 15], sizes = [128, 1], strides = [1, 1]} : vector<128x32xi32> to vector<128x1xi32>
    %eq3A_607 = vector.broadcast %slice3A_606 : vector<128x1xi32> to vector<128x64xi32>
    %eq3A_608 = arith.cmpi eq, %eq3A_607, %iota3A : vector<128x64xi32>
    %convert_element_type3A_609 = arith.extui %eq3A_608 : vector<128x64xi1> to vector<128x64xi32>
    %convert_element_type3A_610 = arith.sitofp %convert_element_type3A_609 : vector<128x64xi32> to vector<128x64xf32>
    %dot_general3A_611 = arith.constant dense<0.000000e+00> : vector<128x64xf32>
    %dot_general3A_612 = tpu.matmul %convert_element_type3A_6, %convert_element_type3A_610, %dot_general3A_611 {dimension_numbers = #tpu.dot_dimension_numbers<[1], [0], [0], [1], [0, 0, 1, 1], [], []>, transpose_lhs_hint = false} : vector<128x128xf32>, vector<128x64xf32>, vector<128x64xf32> -> vector<128x64xf32>
    %add3A_613 = vector.broadcast %add3A_605 : vector<1x64xf32> to vector<128x64xf32>
    %add3A_614 = arith.addf %dot_general3A_612, %add3A_613 : vector<128x64xf32>
    %add3A_615 = vector.broadcast %sub3A : vector<1x64xf32> to vector<128x64xf32>
    %add3A_616 = arith.addf %add3A_615, %add3A_614 : vector<128x64xf32>
    %mul3A_617 = arith.mulf %convert_element_type3A_610, %add3A_616 : vector<128x64xf32>
    %reduce_sum3A_618 = arith.constant dense<0.000000e+00> : vector<128xf32>
    %reduce_sum3A_619 = vector.multi_reduction <add>, %mul3A_617, %reduce_sum3A_618 [1] : vector<128x64xf32> to vector<128xf32>
    %broadcast_in_dim3A_620 = vector.shape_cast %reduce_sum3A_619 : vector<128xf32> to vector<128x1xf32>
    %reduce_sum3A_621 = arith.constant dense<0.000000e+00> : vector<64xf32>
    %reduce_sum3A_622 = vector.multi_reduction <add>, %convert_element_type3A_610, %reduce_sum3A_621 [0] : vector<128x64xf32> to vector<64xf32>
    %broadcast_in_dim3A_623 = vector.shape_cast %reduce_sum3A_622 : vector<64xf32> to vector<1x64xf32>
    %add3A_624 = arith.addf %add3A_605, %broadcast_in_dim3A_623 : vector<1x64xf32>
    %slice3A_625 = vector.extract_strided_slice %get3A_3 {offsets = [0, 16], sizes = [128, 1], strides = [1, 1]} : vector<128x32xi32> to vector<128x1xi32>
    %eq3A_626 = vector.broadcast %slice3A_625 : vector<128x1xi32> to vector<128x64xi32>
    %eq3A_627 = arith.cmpi eq, %eq3A_626, %iota3A : vector<128x64xi32>
    %convert_element_type3A_628 = arith.extui %eq3A_627 : vector<128x64xi1> to vector<128x64xi32>
    %convert_element_type3A_629 = arith.sitofp %convert_element_type3A_628 : vector<128x64xi32> to vector<128x64xf32>
    %dot_general3A_630 = arith.constant dense<0.000000e+00> : vector<128x64xf32>
    %dot_general3A_631 = tpu.matmul %convert_element_type3A_6, %convert_element_type3A_629, %dot_general3A_630 {dimension_numbers = #tpu.dot_dimension_numbers<[1], [0], [0], [1], [0, 0, 1, 1], [], []>, transpose_lhs_hint = false} : vector<128x128xf32>, vector<128x64xf32>, vector<128x64xf32> -> vector<128x64xf32>
    %add3A_632 = vector.broadcast %add3A_624 : vector<1x64xf32> to vector<128x64xf32>
    %add3A_633 = arith.addf %dot_general3A_631, %add3A_632 : vector<128x64xf32>
    %add3A_634 = vector.broadcast %sub3A : vector<1x64xf32> to vector<128x64xf32>
    %add3A_635 = arith.addf %add3A_634, %add3A_633 : vector<128x64xf32>
    %mul3A_636 = arith.mulf %convert_element_type3A_629, %add3A_635 : vector<128x64xf32>
    %reduce_sum3A_637 = arith.constant dense<0.000000e+00> : vector<128xf32>
    %reduce_sum3A_638 = vector.multi_reduction <add>, %mul3A_636, %reduce_sum3A_637 [1] : vector<128x64xf32> to vector<128xf32>
    %broadcast_in_dim3A_639 = vector.shape_cast %reduce_sum3A_638 : vector<128xf32> to vector<128x1xf32>
    %reduce_sum3A_640 = arith.constant dense<0.000000e+00> : vector<64xf32>
    %reduce_sum3A_641 = vector.multi_reduction <add>, %convert_element_type3A_629, %reduce_sum3A_640 [0] : vector<128x64xf32> to vector<64xf32>
    %broadcast_in_dim3A_642 = vector.shape_cast %reduce_sum3A_641 : vector<64xf32> to vector<1x64xf32>
    %add3A_643 = arith.addf %add3A_624, %broadcast_in_dim3A_642 : vector<1x64xf32>
    %slice3A_644 = vector.extract_strided_slice %get3A_3 {offsets = [0, 17], sizes = [128, 1], strides = [1, 1]} : vector<128x32xi32> to vector<128x1xi32>
    %eq3A_645 = vector.broadcast %slice3A_644 : vector<128x1xi32> to vector<128x64xi32>
    %eq3A_646 = arith.cmpi eq, %eq3A_645, %iota3A : vector<128x64xi32>
    %convert_element_type3A_647 = arith.extui %eq3A_646 : vector<128x64xi1> to vector<128x64xi32>
    %convert_element_type3A_648 = arith.sitofp %convert_element_type3A_647 : vector<128x64xi32> to vector<128x64xf32>
    %dot_general3A_649 = arith.constant dense<0.000000e+00> : vector<128x64xf32>
    %dot_general3A_650 = tpu.matmul %convert_element_type3A_6, %convert_element_type3A_648, %dot_general3A_649 {dimension_numbers = #tpu.dot_dimension_numbers<[1], [0], [0], [1], [0, 0, 1, 1], [], []>, transpose_lhs_hint = false} : vector<128x128xf32>, vector<128x64xf32>, vector<128x64xf32> -> vector<128x64xf32>
    %add3A_651 = vector.broadcast %add3A_643 : vector<1x64xf32> to vector<128x64xf32>
    %add3A_652 = arith.addf %dot_general3A_650, %add3A_651 : vector<128x64xf32>
    %add3A_653 = vector.broadcast %sub3A : vector<1x64xf32> to vector<128x64xf32>
    %add3A_654 = arith.addf %add3A_653, %add3A_652 : vector<128x64xf32>
    %mul3A_655 = arith.mulf %convert_element_type3A_648, %add3A_654 : vector<128x64xf32>
    %reduce_sum3A_656 = arith.constant dense<0.000000e+00> : vector<128xf32>
    %reduce_sum3A_657 = vector.multi_reduction <add>, %mul3A_655, %reduce_sum3A_656 [1] : vector<128x64xf32> to vector<128xf32>
    %broadcast_in_dim3A_658 = vector.shape_cast %reduce_sum3A_657 : vector<128xf32> to vector<128x1xf32>
    %reduce_sum3A_659 = arith.constant dense<0.000000e+00> : vector<64xf32>
    %reduce_sum3A_660 = vector.multi_reduction <add>, %convert_element_type3A_648, %reduce_sum3A_659 [0] : vector<128x64xf32> to vector<64xf32>
    %broadcast_in_dim3A_661 = vector.shape_cast %reduce_sum3A_660 : vector<64xf32> to vector<1x64xf32>
    %add3A_662 = arith.addf %add3A_643, %broadcast_in_dim3A_661 : vector<1x64xf32>
    %slice3A_663 = vector.extract_strided_slice %get3A_3 {offsets = [0, 18], sizes = [128, 1], strides = [1, 1]} : vector<128x32xi32> to vector<128x1xi32>
    %eq3A_664 = vector.broadcast %slice3A_663 : vector<128x1xi32> to vector<128x64xi32>
    %eq3A_665 = arith.cmpi eq, %eq3A_664, %iota3A : vector<128x64xi32>
    %convert_element_type3A_666 = arith.extui %eq3A_665 : vector<128x64xi1> to vector<128x64xi32>
    %convert_element_type3A_667 = arith.sitofp %convert_element_type3A_666 : vector<128x64xi32> to vector<128x64xf32>
    %dot_general3A_668 = arith.constant dense<0.000000e+00> : vector<128x64xf32>
    %dot_general3A_669 = tpu.matmul %convert_element_type3A_6, %convert_element_type3A_667, %dot_general3A_668 {dimension_numbers = #tpu.dot_dimension_numbers<[1], [0], [0], [1], [0, 0, 1, 1], [], []>, transpose_lhs_hint = false} : vector<128x128xf32>, vector<128x64xf32>, vector<128x64xf32> -> vector<128x64xf32>
    %add3A_670 = vector.broadcast %add3A_662 : vector<1x64xf32> to vector<128x64xf32>
    %add3A_671 = arith.addf %dot_general3A_669, %add3A_670 : vector<128x64xf32>
    %add3A_672 = vector.broadcast %sub3A : vector<1x64xf32> to vector<128x64xf32>
    %add3A_673 = arith.addf %add3A_672, %add3A_671 : vector<128x64xf32>
    %mul3A_674 = arith.mulf %convert_element_type3A_667, %add3A_673 : vector<128x64xf32>
    %reduce_sum3A_675 = arith.constant dense<0.000000e+00> : vector<128xf32>
    %reduce_sum3A_676 = vector.multi_reduction <add>, %mul3A_674, %reduce_sum3A_675 [1] : vector<128x64xf32> to vector<128xf32>
    %broadcast_in_dim3A_677 = vector.shape_cast %reduce_sum3A_676 : vector<128xf32> to vector<128x1xf32>
    %reduce_sum3A_678 = arith.constant dense<0.000000e+00> : vector<64xf32>
    %reduce_sum3A_679 = vector.multi_reduction <add>, %convert_element_type3A_667, %reduce_sum3A_678 [0] : vector<128x64xf32> to vector<64xf32>
    %broadcast_in_dim3A_680 = vector.shape_cast %reduce_sum3A_679 : vector<64xf32> to vector<1x64xf32>
    %add3A_681 = arith.addf %add3A_662, %broadcast_in_dim3A_680 : vector<1x64xf32>
    %slice3A_682 = vector.extract_strided_slice %get3A_3 {offsets = [0, 19], sizes = [128, 1], strides = [1, 1]} : vector<128x32xi32> to vector<128x1xi32>
    %eq3A_683 = vector.broadcast %slice3A_682 : vector<128x1xi32> to vector<128x64xi32>
    %eq3A_684 = arith.cmpi eq, %eq3A_683, %iota3A : vector<128x64xi32>
    %convert_element_type3A_685 = arith.extui %eq3A_684 : vector<128x64xi1> to vector<128x64xi32>
    %convert_element_type3A_686 = arith.sitofp %convert_element_type3A_685 : vector<128x64xi32> to vector<128x64xf32>
    %dot_general3A_687 = arith.constant dense<0.000000e+00> : vector<128x64xf32>
    %dot_general3A_688 = tpu.matmul %convert_element_type3A_6, %convert_element_type3A_686, %dot_general3A_687 {dimension_numbers = #tpu.dot_dimension_numbers<[1], [0], [0], [1], [0, 0, 1, 1], [], []>, transpose_lhs_hint = false} : vector<128x128xf32>, vector<128x64xf32>, vector<128x64xf32> -> vector<128x64xf32>
    %add3A_689 = vector.broadcast %add3A_681 : vector<1x64xf32> to vector<128x64xf32>
    %add3A_690 = arith.addf %dot_general3A_688, %add3A_689 : vector<128x64xf32>
    %add3A_691 = vector.broadcast %sub3A : vector<1x64xf32> to vector<128x64xf32>
    %add3A_692 = arith.addf %add3A_691, %add3A_690 : vector<128x64xf32>
    %mul3A_693 = arith.mulf %convert_element_type3A_686, %add3A_692 : vector<128x64xf32>
    %reduce_sum3A_694 = arith.constant dense<0.000000e+00> : vector<128xf32>
    %reduce_sum3A_695 = vector.multi_reduction <add>, %mul3A_693, %reduce_sum3A_694 [1] : vector<128x64xf32> to vector<128xf32>
    %broadcast_in_dim3A_696 = vector.shape_cast %reduce_sum3A_695 : vector<128xf32> to vector<128x1xf32>
    %reduce_sum3A_697 = arith.constant dense<0.000000e+00> : vector<64xf32>
    %reduce_sum3A_698 = vector.multi_reduction <add>, %convert_element_type3A_686, %reduce_sum3A_697 [0] : vector<128x64xf32> to vector<64xf32>
    %broadcast_in_dim3A_699 = vector.shape_cast %reduce_sum3A_698 : vector<64xf32> to vector<1x64xf32>
    %add3A_700 = arith.addf %add3A_681, %broadcast_in_dim3A_699 : vector<1x64xf32>
    %slice3A_701 = vector.extract_strided_slice %get3A_3 {offsets = [0, 20], sizes = [128, 1], strides = [1, 1]} : vector<128x32xi32> to vector<128x1xi32>
    %eq3A_702 = vector.broadcast %slice3A_701 : vector<128x1xi32> to vector<128x64xi32>
    %eq3A_703 = arith.cmpi eq, %eq3A_702, %iota3A : vector<128x64xi32>
    %convert_element_type3A_704 = arith.extui %eq3A_703 : vector<128x64xi1> to vector<128x64xi32>
    %convert_element_type3A_705 = arith.sitofp %convert_element_type3A_704 : vector<128x64xi32> to vector<128x64xf32>
    %dot_general3A_706 = arith.constant dense<0.000000e+00> : vector<128x64xf32>
    %dot_general3A_707 = tpu.matmul %convert_element_type3A_6, %convert_element_type3A_705, %dot_general3A_706 {dimension_numbers = #tpu.dot_dimension_numbers<[1], [0], [0], [1], [0, 0, 1, 1], [], []>, transpose_lhs_hint = false} : vector<128x128xf32>, vector<128x64xf32>, vector<128x64xf32> -> vector<128x64xf32>
    %add3A_708 = vector.broadcast %add3A_700 : vector<1x64xf32> to vector<128x64xf32>
    %add3A_709 = arith.addf %dot_general3A_707, %add3A_708 : vector<128x64xf32>
    %add3A_710 = vector.broadcast %sub3A : vector<1x64xf32> to vector<128x64xf32>
    %add3A_711 = arith.addf %add3A_710, %add3A_709 : vector<128x64xf32>
    %mul3A_712 = arith.mulf %convert_element_type3A_705, %add3A_711 : vector<128x64xf32>
    %reduce_sum3A_713 = arith.constant dense<0.000000e+00> : vector<128xf32>
    %reduce_sum3A_714 = vector.multi_reduction <add>, %mul3A_712, %reduce_sum3A_713 [1] : vector<128x64xf32> to vector<128xf32>
    %broadcast_in_dim3A_715 = vector.shape_cast %reduce_sum3A_714 : vector<128xf32> to vector<128x1xf32>
    %reduce_sum3A_716 = arith.constant dense<0.000000e+00> : vector<64xf32>
    %reduce_sum3A_717 = vector.multi_reduction <add>, %convert_element_type3A_705, %reduce_sum3A_716 [0] : vector<128x64xf32> to vector<64xf32>
    %broadcast_in_dim3A_718 = vector.shape_cast %reduce_sum3A_717 : vector<64xf32> to vector<1x64xf32>
    %add3A_719 = arith.addf %add3A_700, %broadcast_in_dim3A_718 : vector<1x64xf32>
    %slice3A_720 = vector.extract_strided_slice %get3A_3 {offsets = [0, 21], sizes = [128, 1], strides = [1, 1]} : vector<128x32xi32> to vector<128x1xi32>
    %eq3A_721 = vector.broadcast %slice3A_720 : vector<128x1xi32> to vector<128x64xi32>
    %eq3A_722 = arith.cmpi eq, %eq3A_721, %iota3A : vector<128x64xi32>
    %convert_element_type3A_723 = arith.extui %eq3A_722 : vector<128x64xi1> to vector<128x64xi32>
    %convert_element_type3A_724 = arith.sitofp %convert_element_type3A_723 : vector<128x64xi32> to vector<128x64xf32>
    %dot_general3A_725 = arith.constant dense<0.000000e+00> : vector<128x64xf32>
    %dot_general3A_726 = tpu.matmul %convert_element_type3A_6, %convert_element_type3A_724, %dot_general3A_725 {dimension_numbers = #tpu.dot_dimension_numbers<[1], [0], [0], [1], [0, 0, 1, 1], [], []>, transpose_lhs_hint = false} : vector<128x128xf32>, vector<128x64xf32>, vector<128x64xf32> -> vector<128x64xf32>
    %add3A_727 = vector.broadcast %add3A_719 : vector<1x64xf32> to vector<128x64xf32>
    %add3A_728 = arith.addf %dot_general3A_726, %add3A_727 : vector<128x64xf32>
    %add3A_729 = vector.broadcast %sub3A : vector<1x64xf32> to vector<128x64xf32>
    %add3A_730 = arith.addf %add3A_729, %add3A_728 : vector<128x64xf32>
    %mul3A_731 = arith.mulf %convert_element_type3A_724, %add3A_730 : vector<128x64xf32>
    %reduce_sum3A_732 = arith.constant dense<0.000000e+00> : vector<128xf32>
    %reduce_sum3A_733 = vector.multi_reduction <add>, %mul3A_731, %reduce_sum3A_732 [1] : vector<128x64xf32> to vector<128xf32>
    %broadcast_in_dim3A_734 = vector.shape_cast %reduce_sum3A_733 : vector<128xf32> to vector<128x1xf32>
    %reduce_sum3A_735 = arith.constant dense<0.000000e+00> : vector<64xf32>
    %reduce_sum3A_736 = vector.multi_reduction <add>, %convert_element_type3A_724, %reduce_sum3A_735 [0] : vector<128x64xf32> to vector<64xf32>
    %broadcast_in_dim3A_737 = vector.shape_cast %reduce_sum3A_736 : vector<64xf32> to vector<1x64xf32>
    %add3A_738 = arith.addf %add3A_719, %broadcast_in_dim3A_737 : vector<1x64xf32>
    %slice3A_739 = vector.extract_strided_slice %get3A_3 {offsets = [0, 22], sizes = [128, 1], strides = [1, 1]} : vector<128x32xi32> to vector<128x1xi32>
    %eq3A_740 = vector.broadcast %slice3A_739 : vector<128x1xi32> to vector<128x64xi32>
    %eq3A_741 = arith.cmpi eq, %eq3A_740, %iota3A : vector<128x64xi32>
    %convert_element_type3A_742 = arith.extui %eq3A_741 : vector<128x64xi1> to vector<128x64xi32>
    %convert_element_type3A_743 = arith.sitofp %convert_element_type3A_742 : vector<128x64xi32> to vector<128x64xf32>
    %dot_general3A_744 = arith.constant dense<0.000000e+00> : vector<128x64xf32>
    %dot_general3A_745 = tpu.matmul %convert_element_type3A_6, %convert_element_type3A_743, %dot_general3A_744 {dimension_numbers = #tpu.dot_dimension_numbers<[1], [0], [0], [1], [0, 0, 1, 1], [], []>, transpose_lhs_hint = false} : vector<128x128xf32>, vector<128x64xf32>, vector<128x64xf32> -> vector<128x64xf32>
    %add3A_746 = vector.broadcast %add3A_738 : vector<1x64xf32> to vector<128x64xf32>
    %add3A_747 = arith.addf %dot_general3A_745, %add3A_746 : vector<128x64xf32>
    %add3A_748 = vector.broadcast %sub3A : vector<1x64xf32> to vector<128x64xf32>
    %add3A_749 = arith.addf %add3A_748, %add3A_747 : vector<128x64xf32>
    %mul3A_750 = arith.mulf %convert_element_type3A_743, %add3A_749 : vector<128x64xf32>
    %reduce_sum3A_751 = arith.constant dense<0.000000e+00> : vector<128xf32>
    %reduce_sum3A_752 = vector.multi_reduction <add>, %mul3A_750, %reduce_sum3A_751 [1] : vector<128x64xf32> to vector<128xf32>
    %broadcast_in_dim3A_753 = vector.shape_cast %reduce_sum3A_752 : vector<128xf32> to vector<128x1xf32>
    %reduce_sum3A_754 = arith.constant dense<0.000000e+00> : vector<64xf32>
    %reduce_sum3A_755 = vector.multi_reduction <add>, %convert_element_type3A_743, %reduce_sum3A_754 [0] : vector<128x64xf32> to vector<64xf32>
    %broadcast_in_dim3A_756 = vector.shape_cast %reduce_sum3A_755 : vector<64xf32> to vector<1x64xf32>
    %add3A_757 = arith.addf %add3A_738, %broadcast_in_dim3A_756 : vector<1x64xf32>
    %slice3A_758 = vector.extract_strided_slice %get3A_3 {offsets = [0, 23], sizes = [128, 1], strides = [1, 1]} : vector<128x32xi32> to vector<128x1xi32>
    %eq3A_759 = vector.broadcast %slice3A_758 : vector<128x1xi32> to vector<128x64xi32>
    %eq3A_760 = arith.cmpi eq, %eq3A_759, %iota3A : vector<128x64xi32>
    %convert_element_type3A_761 = arith.extui %eq3A_760 : vector<128x64xi1> to vector<128x64xi32>
    %convert_element_type3A_762 = arith.sitofp %convert_element_type3A_761 : vector<128x64xi32> to vector<128x64xf32>
    %dot_general3A_763 = arith.constant dense<0.000000e+00> : vector<128x64xf32>
    %dot_general3A_764 = tpu.matmul %convert_element_type3A_6, %convert_element_type3A_762, %dot_general3A_763 {dimension_numbers = #tpu.dot_dimension_numbers<[1], [0], [0], [1], [0, 0, 1, 1], [], []>, transpose_lhs_hint = false} : vector<128x128xf32>, vector<128x64xf32>, vector<128x64xf32> -> vector<128x64xf32>
    %add3A_765 = vector.broadcast %add3A_757 : vector<1x64xf32> to vector<128x64xf32>
    %add3A_766 = arith.addf %dot_general3A_764, %add3A_765 : vector<128x64xf32>
    %add3A_767 = vector.broadcast %sub3A : vector<1x64xf32> to vector<128x64xf32>
    %add3A_768 = arith.addf %add3A_767, %add3A_766 : vector<128x64xf32>
    %mul3A_769 = arith.mulf %convert_element_type3A_762, %add3A_768 : vector<128x64xf32>
    %reduce_sum3A_770 = arith.constant dense<0.000000e+00> : vector<128xf32>
    %reduce_sum3A_771 = vector.multi_reduction <add>, %mul3A_769, %reduce_sum3A_770 [1] : vector<128x64xf32> to vector<128xf32>
    %broadcast_in_dim3A_772 = vector.shape_cast %reduce_sum3A_771 : vector<128xf32> to vector<128x1xf32>
    %reduce_sum3A_773 = arith.constant dense<0.000000e+00> : vector<64xf32>
    %reduce_sum3A_774 = vector.multi_reduction <add>, %convert_element_type3A_762, %reduce_sum3A_773 [0] : vector<128x64xf32> to vector<64xf32>
    %broadcast_in_dim3A_775 = vector.shape_cast %reduce_sum3A_774 : vector<64xf32> to vector<1x64xf32>
    %add3A_776 = arith.addf %add3A_757, %broadcast_in_dim3A_775 : vector<1x64xf32>
    %slice3A_777 = vector.extract_strided_slice %get3A_3 {offsets = [0, 24], sizes = [128, 1], strides = [1, 1]} : vector<128x32xi32> to vector<128x1xi32>
    %eq3A_778 = vector.broadcast %slice3A_777 : vector<128x1xi32> to vector<128x64xi32>
    %eq3A_779 = arith.cmpi eq, %eq3A_778, %iota3A : vector<128x64xi32>
    %convert_element_type3A_780 = arith.extui %eq3A_779 : vector<128x64xi1> to vector<128x64xi32>
    %convert_element_type3A_781 = arith.sitofp %convert_element_type3A_780 : vector<128x64xi32> to vector<128x64xf32>
    %dot_general3A_782 = arith.constant dense<0.000000e+00> : vector<128x64xf32>
    %dot_general3A_783 = tpu.matmul %convert_element_type3A_6, %convert_element_type3A_781, %dot_general3A_782 {dimension_numbers = #tpu.dot_dimension_numbers<[1], [0], [0], [1], [0, 0, 1, 1], [], []>, transpose_lhs_hint = false} : vector<128x128xf32>, vector<128x64xf32>, vector<128x64xf32> -> vector<128x64xf32>
    %add3A_784 = vector.broadcast %add3A_776 : vector<1x64xf32> to vector<128x64xf32>
    %add3A_785 = arith.addf %dot_general3A_783, %add3A_784 : vector<128x64xf32>
    %add3A_786 = vector.broadcast %sub3A : vector<1x64xf32> to vector<128x64xf32>
    %add3A_787 = arith.addf %add3A_786, %add3A_785 : vector<128x64xf32>
    %mul3A_788 = arith.mulf %convert_element_type3A_781, %add3A_787 : vector<128x64xf32>
    %reduce_sum3A_789 = arith.constant dense<0.000000e+00> : vector<128xf32>
    %reduce_sum3A_790 = vector.multi_reduction <add>, %mul3A_788, %reduce_sum3A_789 [1] : vector<128x64xf32> to vector<128xf32>
    %broadcast_in_dim3A_791 = vector.shape_cast %reduce_sum3A_790 : vector<128xf32> to vector<128x1xf32>
    %reduce_sum3A_792 = arith.constant dense<0.000000e+00> : vector<64xf32>
    %reduce_sum3A_793 = vector.multi_reduction <add>, %convert_element_type3A_781, %reduce_sum3A_792 [0] : vector<128x64xf32> to vector<64xf32>
    %broadcast_in_dim3A_794 = vector.shape_cast %reduce_sum3A_793 : vector<64xf32> to vector<1x64xf32>
    %add3A_795 = arith.addf %add3A_776, %broadcast_in_dim3A_794 : vector<1x64xf32>
    %slice3A_796 = vector.extract_strided_slice %get3A_3 {offsets = [0, 25], sizes = [128, 1], strides = [1, 1]} : vector<128x32xi32> to vector<128x1xi32>
    %eq3A_797 = vector.broadcast %slice3A_796 : vector<128x1xi32> to vector<128x64xi32>
    %eq3A_798 = arith.cmpi eq, %eq3A_797, %iota3A : vector<128x64xi32>
    %convert_element_type3A_799 = arith.extui %eq3A_798 : vector<128x64xi1> to vector<128x64xi32>
    %convert_element_type3A_800 = arith.sitofp %convert_element_type3A_799 : vector<128x64xi32> to vector<128x64xf32>
    %dot_general3A_801 = arith.constant dense<0.000000e+00> : vector<128x64xf32>
    %dot_general3A_802 = tpu.matmul %convert_element_type3A_6, %convert_element_type3A_800, %dot_general3A_801 {dimension_numbers = #tpu.dot_dimension_numbers<[1], [0], [0], [1], [0, 0, 1, 1], [], []>, transpose_lhs_hint = false} : vector<128x128xf32>, vector<128x64xf32>, vector<128x64xf32> -> vector<128x64xf32>
    %add3A_803 = vector.broadcast %add3A_795 : vector<1x64xf32> to vector<128x64xf32>
    %add3A_804 = arith.addf %dot_general3A_802, %add3A_803 : vector<128x64xf32>
    %add3A_805 = vector.broadcast %sub3A : vector<1x64xf32> to vector<128x64xf32>
    %add3A_806 = arith.addf %add3A_805, %add3A_804 : vector<128x64xf32>
    %mul3A_807 = arith.mulf %convert_element_type3A_800, %add3A_806 : vector<128x64xf32>
    %reduce_sum3A_808 = arith.constant dense<0.000000e+00> : vector<128xf32>
    %reduce_sum3A_809 = vector.multi_reduction <add>, %mul3A_807, %reduce_sum3A_808 [1] : vector<128x64xf32> to vector<128xf32>
    %broadcast_in_dim3A_810 = vector.shape_cast %reduce_sum3A_809 : vector<128xf32> to vector<128x1xf32>
    %reduce_sum3A_811 = arith.constant dense<0.000000e+00> : vector<64xf32>
    %reduce_sum3A_812 = vector.multi_reduction <add>, %convert_element_type3A_800, %reduce_sum3A_811 [0] : vector<128x64xf32> to vector<64xf32>
    %broadcast_in_dim3A_813 = vector.shape_cast %reduce_sum3A_812 : vector<64xf32> to vector<1x64xf32>
    %add3A_814 = arith.addf %add3A_795, %broadcast_in_dim3A_813 : vector<1x64xf32>
    %slice3A_815 = vector.extract_strided_slice %get3A_3 {offsets = [0, 26], sizes = [128, 1], strides = [1, 1]} : vector<128x32xi32> to vector<128x1xi32>
    %eq3A_816 = vector.broadcast %slice3A_815 : vector<128x1xi32> to vector<128x64xi32>
    %eq3A_817 = arith.cmpi eq, %eq3A_816, %iota3A : vector<128x64xi32>
    %convert_element_type3A_818 = arith.extui %eq3A_817 : vector<128x64xi1> to vector<128x64xi32>
    %convert_element_type3A_819 = arith.sitofp %convert_element_type3A_818 : vector<128x64xi32> to vector<128x64xf32>
    %dot_general3A_820 = arith.constant dense<0.000000e+00> : vector<128x64xf32>
    %dot_general3A_821 = tpu.matmul %convert_element_type3A_6, %convert_element_type3A_819, %dot_general3A_820 {dimension_numbers = #tpu.dot_dimension_numbers<[1], [0], [0], [1], [0, 0, 1, 1], [], []>, transpose_lhs_hint = false} : vector<128x128xf32>, vector<128x64xf32>, vector<128x64xf32> -> vector<128x64xf32>
    %add3A_822 = vector.broadcast %add3A_814 : vector<1x64xf32> to vector<128x64xf32>
    %add3A_823 = arith.addf %dot_general3A_821, %add3A_822 : vector<128x64xf32>
    %add3A_824 = vector.broadcast %sub3A : vector<1x64xf32> to vector<128x64xf32>
    %add3A_825 = arith.addf %add3A_824, %add3A_823 : vector<128x64xf32>
    %mul3A_826 = arith.mulf %convert_element_type3A_819, %add3A_825 : vector<128x64xf32>
    %reduce_sum3A_827 = arith.constant dense<0.000000e+00> : vector<128xf32>
    %reduce_sum3A_828 = vector.multi_reduction <add>, %mul3A_826, %reduce_sum3A_827 [1] : vector<128x64xf32> to vector<128xf32>
    %broadcast_in_dim3A_829 = vector.shape_cast %reduce_sum3A_828 : vector<128xf32> to vector<128x1xf32>
    %reduce_sum3A_830 = arith.constant dense<0.000000e+00> : vector<64xf32>
    %reduce_sum3A_831 = vector.multi_reduction <add>, %convert_element_type3A_819, %reduce_sum3A_830 [0] : vector<128x64xf32> to vector<64xf32>
    %broadcast_in_dim3A_832 = vector.shape_cast %reduce_sum3A_831 : vector<64xf32> to vector<1x64xf32>
    %add3A_833 = arith.addf %add3A_814, %broadcast_in_dim3A_832 : vector<1x64xf32>
    %slice3A_834 = vector.extract_strided_slice %get3A_3 {offsets = [0, 27], sizes = [128, 1], strides = [1, 1]} : vector<128x32xi32> to vector<128x1xi32>
    %eq3A_835 = vector.broadcast %slice3A_834 : vector<128x1xi32> to vector<128x64xi32>
    %eq3A_836 = arith.cmpi eq, %eq3A_835, %iota3A : vector<128x64xi32>
    %convert_element_type3A_837 = arith.extui %eq3A_836 : vector<128x64xi1> to vector<128x64xi32>
    %convert_element_type3A_838 = arith.sitofp %convert_element_type3A_837 : vector<128x64xi32> to vector<128x64xf32>
    %dot_general3A_839 = arith.constant dense<0.000000e+00> : vector<128x64xf32>
    %dot_general3A_840 = tpu.matmul %convert_element_type3A_6, %convert_element_type3A_838, %dot_general3A_839 {dimension_numbers = #tpu.dot_dimension_numbers<[1], [0], [0], [1], [0, 0, 1, 1], [], []>, transpose_lhs_hint = false} : vector<128x128xf32>, vector<128x64xf32>, vector<128x64xf32> -> vector<128x64xf32>
    %add3A_841 = vector.broadcast %add3A_833 : vector<1x64xf32> to vector<128x64xf32>
    %add3A_842 = arith.addf %dot_general3A_840, %add3A_841 : vector<128x64xf32>
    %add3A_843 = vector.broadcast %sub3A : vector<1x64xf32> to vector<128x64xf32>
    %add3A_844 = arith.addf %add3A_843, %add3A_842 : vector<128x64xf32>
    %mul3A_845 = arith.mulf %convert_element_type3A_838, %add3A_844 : vector<128x64xf32>
    %reduce_sum3A_846 = arith.constant dense<0.000000e+00> : vector<128xf32>
    %reduce_sum3A_847 = vector.multi_reduction <add>, %mul3A_845, %reduce_sum3A_846 [1] : vector<128x64xf32> to vector<128xf32>
    %broadcast_in_dim3A_848 = vector.shape_cast %reduce_sum3A_847 : vector<128xf32> to vector<128x1xf32>
    %reduce_sum3A_849 = arith.constant dense<0.000000e+00> : vector<64xf32>
    %reduce_sum3A_850 = vector.multi_reduction <add>, %convert_element_type3A_838, %reduce_sum3A_849 [0] : vector<128x64xf32> to vector<64xf32>
    %broadcast_in_dim3A_851 = vector.shape_cast %reduce_sum3A_850 : vector<64xf32> to vector<1x64xf32>
    %add3A_852 = arith.addf %add3A_833, %broadcast_in_dim3A_851 : vector<1x64xf32>
    %slice3A_853 = vector.extract_strided_slice %get3A_3 {offsets = [0, 28], sizes = [128, 1], strides = [1, 1]} : vector<128x32xi32> to vector<128x1xi32>
    %eq3A_854 = vector.broadcast %slice3A_853 : vector<128x1xi32> to vector<128x64xi32>
    %eq3A_855 = arith.cmpi eq, %eq3A_854, %iota3A : vector<128x64xi32>
    %convert_element_type3A_856 = arith.extui %eq3A_855 : vector<128x64xi1> to vector<128x64xi32>
    %convert_element_type3A_857 = arith.sitofp %convert_element_type3A_856 : vector<128x64xi32> to vector<128x64xf32>
    %dot_general3A_858 = arith.constant dense<0.000000e+00> : vector<128x64xf32>
    %dot_general3A_859 = tpu.matmul %convert_element_type3A_6, %convert_element_type3A_857, %dot_general3A_858 {dimension_numbers = #tpu.dot_dimension_numbers<[1], [0], [0], [1], [0, 0, 1, 1], [], []>, transpose_lhs_hint = false} : vector<128x128xf32>, vector<128x64xf32>, vector<128x64xf32> -> vector<128x64xf32>
    %add3A_860 = vector.broadcast %add3A_852 : vector<1x64xf32> to vector<128x64xf32>
    %add3A_861 = arith.addf %dot_general3A_859, %add3A_860 : vector<128x64xf32>
    %add3A_862 = vector.broadcast %sub3A : vector<1x64xf32> to vector<128x64xf32>
    %add3A_863 = arith.addf %add3A_862, %add3A_861 : vector<128x64xf32>
    %mul3A_864 = arith.mulf %convert_element_type3A_857, %add3A_863 : vector<128x64xf32>
    %reduce_sum3A_865 = arith.constant dense<0.000000e+00> : vector<128xf32>
    %reduce_sum3A_866 = vector.multi_reduction <add>, %mul3A_864, %reduce_sum3A_865 [1] : vector<128x64xf32> to vector<128xf32>
    %broadcast_in_dim3A_867 = vector.shape_cast %reduce_sum3A_866 : vector<128xf32> to vector<128x1xf32>
    %reduce_sum3A_868 = arith.constant dense<0.000000e+00> : vector<64xf32>
    %reduce_sum3A_869 = vector.multi_reduction <add>, %convert_element_type3A_857, %reduce_sum3A_868 [0] : vector<128x64xf32> to vector<64xf32>
    %broadcast_in_dim3A_870 = vector.shape_cast %reduce_sum3A_869 : vector<64xf32> to vector<1x64xf32>
    %add3A_871 = arith.addf %add3A_852, %broadcast_in_dim3A_870 : vector<1x64xf32>
    %slice3A_872 = vector.extract_strided_slice %get3A_3 {offsets = [0, 29], sizes = [128, 1], strides = [1, 1]} : vector<128x32xi32> to vector<128x1xi32>
    %eq3A_873 = vector.broadcast %slice3A_872 : vector<128x1xi32> to vector<128x64xi32>
    %eq3A_874 = arith.cmpi eq, %eq3A_873, %iota3A : vector<128x64xi32>
    %convert_element_type3A_875 = arith.extui %eq3A_874 : vector<128x64xi1> to vector<128x64xi32>
    %convert_element_type3A_876 = arith.sitofp %convert_element_type3A_875 : vector<128x64xi32> to vector<128x64xf32>
    %dot_general3A_877 = arith.constant dense<0.000000e+00> : vector<128x64xf32>
    %dot_general3A_878 = tpu.matmul %convert_element_type3A_6, %convert_element_type3A_876, %dot_general3A_877 {dimension_numbers = #tpu.dot_dimension_numbers<[1], [0], [0], [1], [0, 0, 1, 1], [], []>, transpose_lhs_hint = false} : vector<128x128xf32>, vector<128x64xf32>, vector<128x64xf32> -> vector<128x64xf32>
    %add3A_879 = vector.broadcast %add3A_871 : vector<1x64xf32> to vector<128x64xf32>
    %add3A_880 = arith.addf %dot_general3A_878, %add3A_879 : vector<128x64xf32>
    %add3A_881 = vector.broadcast %sub3A : vector<1x64xf32> to vector<128x64xf32>
    %add3A_882 = arith.addf %add3A_881, %add3A_880 : vector<128x64xf32>
    %mul3A_883 = arith.mulf %convert_element_type3A_876, %add3A_882 : vector<128x64xf32>
    %reduce_sum3A_884 = arith.constant dense<0.000000e+00> : vector<128xf32>
    %reduce_sum3A_885 = vector.multi_reduction <add>, %mul3A_883, %reduce_sum3A_884 [1] : vector<128x64xf32> to vector<128xf32>
    %broadcast_in_dim3A_886 = vector.shape_cast %reduce_sum3A_885 : vector<128xf32> to vector<128x1xf32>
    %reduce_sum3A_887 = arith.constant dense<0.000000e+00> : vector<64xf32>
    %reduce_sum3A_888 = vector.multi_reduction <add>, %convert_element_type3A_876, %reduce_sum3A_887 [0] : vector<128x64xf32> to vector<64xf32>
    %broadcast_in_dim3A_889 = vector.shape_cast %reduce_sum3A_888 : vector<64xf32> to vector<1x64xf32>
    %add3A_890 = arith.addf %add3A_871, %broadcast_in_dim3A_889 : vector<1x64xf32>
    %slice3A_891 = vector.extract_strided_slice %get3A_3 {offsets = [0, 30], sizes = [128, 1], strides = [1, 1]} : vector<128x32xi32> to vector<128x1xi32>
    %eq3A_892 = vector.broadcast %slice3A_891 : vector<128x1xi32> to vector<128x64xi32>
    %eq3A_893 = arith.cmpi eq, %eq3A_892, %iota3A : vector<128x64xi32>
    %convert_element_type3A_894 = arith.extui %eq3A_893 : vector<128x64xi1> to vector<128x64xi32>
    %convert_element_type3A_895 = arith.sitofp %convert_element_type3A_894 : vector<128x64xi32> to vector<128x64xf32>
    %dot_general3A_896 = arith.constant dense<0.000000e+00> : vector<128x64xf32>
    %dot_general3A_897 = tpu.matmul %convert_element_type3A_6, %convert_element_type3A_895, %dot_general3A_896 {dimension_numbers = #tpu.dot_dimension_numbers<[1], [0], [0], [1], [0, 0, 1, 1], [], []>, transpose_lhs_hint = false} : vector<128x128xf32>, vector<128x64xf32>, vector<128x64xf32> -> vector<128x64xf32>
    %add3A_898 = vector.broadcast %add3A_890 : vector<1x64xf32> to vector<128x64xf32>
    %add3A_899 = arith.addf %dot_general3A_897, %add3A_898 : vector<128x64xf32>
    %add3A_900 = vector.broadcast %sub3A : vector<1x64xf32> to vector<128x64xf32>
    %add3A_901 = arith.addf %add3A_900, %add3A_899 : vector<128x64xf32>
    %mul3A_902 = arith.mulf %convert_element_type3A_895, %add3A_901 : vector<128x64xf32>
    %reduce_sum3A_903 = arith.constant dense<0.000000e+00> : vector<128xf32>
    %reduce_sum3A_904 = vector.multi_reduction <add>, %mul3A_902, %reduce_sum3A_903 [1] : vector<128x64xf32> to vector<128xf32>
    %broadcast_in_dim3A_905 = vector.shape_cast %reduce_sum3A_904 : vector<128xf32> to vector<128x1xf32>
    %reduce_sum3A_906 = arith.constant dense<0.000000e+00> : vector<64xf32>
    %reduce_sum3A_907 = vector.multi_reduction <add>, %convert_element_type3A_895, %reduce_sum3A_906 [0] : vector<128x64xf32> to vector<64xf32>
    %broadcast_in_dim3A_908 = vector.shape_cast %reduce_sum3A_907 : vector<64xf32> to vector<1x64xf32>
    %add3A_909 = arith.addf %add3A_890, %broadcast_in_dim3A_908 : vector<1x64xf32>
    %slice3A_910 = vector.extract_strided_slice %get3A_3 {offsets = [0, 31], sizes = [128, 1], strides = [1, 1]} : vector<128x32xi32> to vector<128x1xi32>
    %eq3A_911 = vector.broadcast %slice3A_910 : vector<128x1xi32> to vector<128x64xi32>
    %eq3A_912 = arith.cmpi eq, %eq3A_911, %iota3A : vector<128x64xi32>
    %convert_element_type3A_913 = arith.extui %eq3A_912 : vector<128x64xi1> to vector<128x64xi32>
    %convert_element_type3A_914 = arith.sitofp %convert_element_type3A_913 : vector<128x64xi32> to vector<128x64xf32>
    %dot_general3A_915 = arith.constant dense<0.000000e+00> : vector<128x64xf32>
    %dot_general3A_916 = tpu.matmul %convert_element_type3A_6, %convert_element_type3A_914, %dot_general3A_915 {dimension_numbers = #tpu.dot_dimension_numbers<[1], [0], [0], [1], [0, 0, 1, 1], [], []>, transpose_lhs_hint = false} : vector<128x128xf32>, vector<128x64xf32>, vector<128x64xf32> -> vector<128x64xf32>
    %add3A_917 = vector.broadcast %add3A_909 : vector<1x64xf32> to vector<128x64xf32>
    %add3A_918 = arith.addf %dot_general3A_916, %add3A_917 : vector<128x64xf32>
    %add3A_919 = vector.broadcast %sub3A : vector<1x64xf32> to vector<128x64xf32>
    %add3A_920 = arith.addf %add3A_919, %add3A_918 : vector<128x64xf32>
    %mul3A_921 = arith.mulf %convert_element_type3A_914, %add3A_920 : vector<128x64xf32>
    %reduce_sum3A_922 = arith.constant dense<0.000000e+00> : vector<128xf32>
    %reduce_sum3A_923 = vector.multi_reduction <add>, %mul3A_921, %reduce_sum3A_922 [1] : vector<128x64xf32> to vector<128xf32>
    %broadcast_in_dim3A_924 = vector.shape_cast %reduce_sum3A_923 : vector<128xf32> to vector<128x1xf32>
    %concatenate3A_925 = tpu.concatenate %broadcast_in_dim3A_335, %broadcast_in_dim3A_354, %broadcast_in_dim3A_373, %broadcast_in_dim3A_392, %broadcast_in_dim3A_411, %broadcast_in_dim3A_430, %broadcast_in_dim3A_449, %broadcast_in_dim3A_468, %broadcast_in_dim3A_487, %broadcast_in_dim3A_506, %broadcast_in_dim3A_525, %broadcast_in_dim3A_544, %broadcast_in_dim3A_563, %broadcast_in_dim3A_582, %broadcast_in_dim3A_601, %broadcast_in_dim3A_620, %broadcast_in_dim3A_639, %broadcast_in_dim3A_658, %broadcast_in_dim3A_677, %broadcast_in_dim3A_696, %broadcast_in_dim3A_715, %broadcast_in_dim3A_734, %broadcast_in_dim3A_753, %broadcast_in_dim3A_772, %broadcast_in_dim3A_791, %broadcast_in_dim3A_810, %broadcast_in_dim3A_829, %broadcast_in_dim3A_848, %broadcast_in_dim3A_867, %broadcast_in_dim3A_886, %broadcast_in_dim3A_905, %broadcast_in_dim3A_924 in 1 : vector<128x1xf32>, vector<128x1xf32>, vector<128x1xf32>, vector<128x1xf32>, vector<128x1xf32>, vector<128x1xf32>, vector<128x1xf32>, vector<128x1xf32>, vector<128x1xf32>, vector<128x1xf32>, vector<128x1xf32>, vector<128x1xf32>, vector<128x1xf32>, vector<128x1xf32>, vector<128x1xf32>, vector<128x1xf32>, vector<128x1xf32>, vector<128x1xf32>, vector<128x1xf32>, vector<128x1xf32>, vector<128x1xf32>, vector<128x1xf32>, vector<128x1xf32>, vector<128x1xf32>, vector<128x1xf32>, vector<128x1xf32>, vector<128x1xf32>, vector<128x1xf32>, vector<128x1xf32>, vector<128x1xf32>, vector<128x1xf32>, vector<128x1xf32> -> vector<128x32xf32>
    %convert_element_type3A_926 = arith.fptosi %concatenate3A_925 : vector<128x32xf32> to vector<128x32xi32>
    %swap3A = arith.constant 0 : index
    %swap3A_927 = arith.constant 0 : index
    %swap3A_928 = arith.constant 0 : index
    %swap3A_929 = vector.load %arg2[%swap3A, %swap3A_927, %swap3A_928] : memref<1x128x32xi32, #tpu.memory_space<vmem>>, vector<1x128x32xi32>
    %swap3A_930 = vector.shape_cast %swap3A_929 : vector<1x128x32xi32> to vector<128x32xi32>
    %swap3A_931 = vector.shape_cast %convert_element_type3A_926 : vector<128x32xi32> to vector<1x128x32xi32>
    tpu.vector_store %arg2[%swap3A, %swap3A_927, %swap3A_928], %swap3A_931 {strides = array<i32>} : memref<1x128x32xi32, #tpu.memory_space<vmem>>, vector<1x128x32xi32>,
    return
  }
  func.func @transform_0(%arg0: i32) -> (i32, i32, i32) {
    %c0_i32 = arith.constant 0 : i32
    %c0_i32_0 = arith.constant 0 : i32
    %c0_i32_1 = arith.constant 0 : i32
    return %arg0, %c0_i32, %c0_i32_0 : i32, i32, i32
  }
  func.func @transform_1(%arg0: i32) -> (i32, i32, i32) {
    %c0_i32 = arith.constant 0 : i32
    %c0_i32_0 = arith.constant 0 : i32
    %c0_i32_1 = arith.constant 0 : i32
    return %arg0, %c0_i32, %c0_i32_0 : i32, i32, i32
  }
}

module attributes {stable_mosaic.version = 14 : i64} {
  func.func @_proj_body(%arg0: i32, %arg1: i32, %arg2: memref<1x512x1024xf32, #tpu.memory_space<vmem>>, %arg3: memref<1024x2048xf32, #tpu.memory_space<vmem>>, %arg4: memref<1x2048xf32, #tpu.memory_space<vmem>>, %arg5: memref<1x512x16x128xf32, #tpu.memory_space<vmem>>) attributes {dimension_semantics = [#tpu.dimension_semantics<arbitrary>, #tpu.dimension_semantics<arbitrary>], iteration_bounds = array<i64: 2, 8>, scalar_prefetch = 0 : i64, scratch_operands = 0 : i64, tpu.core_type = #tpu.core_type<tc>, window_params = [{transform_indices = @transform_0, window_bounds = array<i64: 1, 512, 1024>}, {pipeline_mode = #tpu.pipeline_mode<synchronous>, transform_indices = @transform_1, window_bounds = array<i64: 1024, 2048>}, {pipeline_mode = #tpu.pipeline_mode<synchronous>, transform_indices = @transform_2, window_bounds = array<i64: 1, 2048>}, {transform_indices = @transform_3, window_bounds = array<i64: 1, 512, 16, 128>}]} {
    %get3A = arith.constant 0 : index
    %get3A_0 = arith.constant 0 : index
    %get3A_1 = arith.constant 0 : index
    %get3A_2 = vector.load %arg2[%get3A, %get3A_0, %get3A_1] : memref<1x512x1024xf32, #tpu.memory_space<vmem>>, vector<1x512x1024xf32>
    %get3A_3 = vector.shape_cast %get3A_2 : vector<1x512x1024xf32> to vector<512x1024xf32>
    %get3A_4 = arith.constant 0 : index
    %get3A_5 = arith.constant 0 : index
    %get3A_6 = vector.load %arg3[%get3A_4, %get3A_5] : memref<1024x2048xf32, #tpu.memory_space<vmem>>, vector<1024x2048xf32>
    %convert_element_type3A = arith.truncf %get3A_3 : vector<512x1024xf32> to vector<512x1024xbf16>
    %convert_element_type3A_7 = arith.truncf %get3A_6 : vector<1024x2048xf32> to vector<1024x2048xbf16>
    %dot_general3A = arith.constant dense<0.000000e+00> : vector<512x2048xf32>
    %dot_general3A_8 = tpu.matmul %convert_element_type3A, %convert_element_type3A_7, %dot_general3A {dimension_numbers = #tpu.dot_dimension_numbers<[1], [0], [0], [1], [0, 0, 1, 1], [], []>, transpose_lhs_hint = false} : vector<512x1024xbf16>, vector<1024x2048xbf16>, vector<512x2048xf32> -> vector<512x2048xf32>
    %get3A_9 = arith.constant 0 : index
    %get3A_10 = arith.constant 0 : index
    %get3A_11 = vector.load %arg4[%get3A_9, %get3A_10] : memref<1x2048xf32, #tpu.memory_space<vmem>>, vector<1x2048xf32>
    %add3A = vector.broadcast %get3A_11 : vector<1x2048xf32> to vector<512x2048xf32>
    %add3A_12 = arith.addf %dot_general3A_8, %add3A : vector<512x2048xf32>
    %reshape3A = vector.shape_cast %add3A_12 : vector<512x2048xf32> to vector<512x16x128xf32>
    %swap3A = arith.constant 0 : index
    %swap3A_13 = arith.constant 0 : index
    %swap3A_14 = arith.constant 0 : index
    %swap3A_15 = arith.constant 0 : index
    %swap3A_16 = vector.load %arg5[%swap3A, %swap3A_13, %swap3A_14, %swap3A_15] : memref<1x512x16x128xf32, #tpu.memory_space<vmem>>, vector<1x512x16x128xf32>
    %swap3A_17 = vector.shape_cast %swap3A_16 : vector<1x512x16x128xf32> to vector<512x16x128xf32>
    %swap3A_18 = vector.shape_cast %reshape3A : vector<512x16x128xf32> to vector<1x512x16x128xf32>
    tpu.vector_store %arg5[%swap3A, %swap3A_13, %swap3A_14, %swap3A_15], %swap3A_18 {strides = array<i32>} : memref<1x512x16x128xf32, #tpu.memory_space<vmem>>, vector<1x512x16x128xf32>,
    return
  }
  func.func @transform_0(%arg0: i32, %arg1: i32) -> (i32, i32, i32) {
    %c0_i32 = arith.constant 0 : i32
    %c0_i32_0 = arith.constant 0 : i32
    return %arg0, %arg1, %c0_i32 : i32, i32, i32
  }
  func.func @transform_1(%arg0: i32, %arg1: i32) -> (i32, i32) {
    %c0_i32 = arith.constant 0 : i32
    %c0_i32_0 = arith.constant 0 : i32
    %c0_i32_1 = arith.constant 0 : i32
    return %c0_i32, %c0_i32_0 : i32, i32
  }
  func.func @transform_2(%arg0: i32, %arg1: i32) -> (i32, i32) {
    %c0_i32 = arith.constant 0 : i32
    %c0_i32_0 = arith.constant 0 : i32
    %c0_i32_1 = arith.constant 0 : i32
    return %c0_i32, %c0_i32_0 : i32, i32
  }
  func.func @transform_3(%arg0: i32, %arg1: i32) -> (i32, i32, i32, i32) {
    %c0_i32 = arith.constant 0 : i32
    %c0_i32_0 = arith.constant 0 : i32
    %c0_i32_1 = arith.constant 0 : i32
    return %arg0, %arg1, %c0_i32, %c0_i32_0 : i32, i32, i32, i32
  }
}

module attributes {stable_mosaic.version = 14 : i64} {
  func.func @_attn_body(%arg0: i32, %arg1: memref<1x4096x128xf32, #tpu.memory_space<vmem>>, %arg2: memref<1x4096x1xi32, #tpu.memory_space<vmem>>, %arg3: memref<1x1x4096xi32, #tpu.memory_space<vmem>>, %arg4: memref<1x4096x128xf32, #tpu.memory_space<vmem>>) attributes {dimension_semantics = [#tpu.dimension_semantics<arbitrary>], iteration_bounds = array<i64: 64>, scalar_prefetch = 0 : i64, scratch_operands = 0 : i64, tpu.core_type = #tpu.core_type<tc>, window_params = [{transform_indices = @transform_0, window_bounds = array<i64: 1, 4096, 128>}, {transform_indices = @transform_1, window_bounds = array<i64: 1, 4096, 1>}, {transform_indices = @transform_2, window_bounds = array<i64: 1, 1, 4096>}, {transform_indices = @transform_3, window_bounds = array<i64: 1, 4096, 128>}]} {
    %get3A = arith.constant 0 : index
    %get3A_0 = arith.constant 0 : index
    %get3A_1 = arith.constant 0 : index
    %get3A_2 = vector.load %arg1[%get3A, %get3A_0, %get3A_1] : memref<1x4096x128xf32, #tpu.memory_space<vmem>>, vector<1x4096x128xf32>
    %get3A_3 = vector.shape_cast %get3A_2 : vector<1x4096x128xf32> to vector<4096x128xf32>
    %slice3A = vector.extract_strided_slice %get3A_3 {offsets = [0, 0], sizes = [256, 64], strides = [1, 1]} : vector<4096x128xf32> to vector<256x64xf32>
    %slice3A_4 = vector.extract_strided_slice %get3A_3 {offsets = [4032, 0], sizes = [64, 128], strides = [1, 1]} : vector<4096x128xf32> to vector<64x128xf32>
    %slice3A_5 = vector.extract_strided_slice %get3A_3 {offsets = [0, 0], sizes = [256, 128], strides = [1, 1]} : vector<4096x128xf32> to vector<256x128xf32>
    %concatenate3A = tpu.concatenate %slice3A_4, %slice3A_5 in 0 : vector<64x128xf32>, vector<256x128xf32> -> vector<320x128xf32>
    %get3A_6 = arith.constant 0 : index
    %get3A_7 = arith.constant 0 : index
    %get3A_8 = arith.constant 4032 : index
    %get3A_9 = vector.load %arg3[%get3A_6, %get3A_7, %get3A_8] : memref<1x1x4096xi32, #tpu.memory_space<vmem>>, vector<1x1x64xi32>
    %get3A_10 = vector.shape_cast %get3A_9 : vector<1x1x64xi32> to vector<1x64xi32>
    %get3A_11 = arith.constant 0 : index
    %get3A_12 = arith.constant 0 : index
    %get3A_13 = arith.constant 0 : index
    %get3A_14 = vector.load %arg3[%get3A_11, %get3A_12, %get3A_13] : memref<1x1x4096xi32, #tpu.memory_space<vmem>>, vector<1x1x256xi32>
    %get3A_15 = vector.shape_cast %get3A_14 : vector<1x1x256xi32> to vector<1x256xi32>
    %concatenate3A_16 = tpu.concatenate %get3A_10, %get3A_15 in 1 : vector<1x64xi32>, vector<1x256xi32> -> vector<1x320xi32>
    %slice3A_17 = vector.extract_strided_slice %concatenate3A {offsets = [0, 0], sizes = [320, 64], strides = [1, 1]} : vector<320x128xf32> to vector<320x64xf32>
    %slice3A_18 = vector.extract_strided_slice %concatenate3A {offsets = [0, 64], sizes = [320, 64], strides = [1, 1]} : vector<320x128xf32> to vector<320x64xf32>
    %mul3A = arith.mulf %slice3A_17, %slice3A_17 : vector<320x64xf32>
    %reduce_sum3A = arith.constant dense<0.000000e+00> : vector<320xf32>
    %reduce_sum3A_19 = vector.multi_reduction <add>, %mul3A, %reduce_sum3A [1] : vector<320x64xf32> to vector<320xf32>
    %broadcast_in_dim3A = vector.shape_cast %reduce_sum3A_19 : vector<320xf32> to vector<320x1xf32>
    %sqrt3A = math.sqrt %broadcast_in_dim3A : vector<320x1xf32>
    %add3A = arith.constant 9.99999971E-10 : f32
    %add3A_20 = vector.broadcast %add3A : f32 to vector<320x1xf32>
    %add3A_21 = arith.addf %sqrt3A, %add3A_20 : vector<320x1xf32>
    %div3A = vector.broadcast %add3A_21 : vector<320x1xf32> to vector<320x64xf32>
    %div3A_22 = arith.divf %slice3A_17, %div3A : vector<320x64xf32>
    %get3A_23 = arith.constant 0 : index
    %get3A_24 = arith.constant 0 : index
    %get3A_25 = arith.constant 0 : index
    %get3A_26 = vector.load %arg2[%get3A_23, %get3A_24, %get3A_25] : memref<1x4096x1xi32, #tpu.memory_space<vmem>>, vector<1x256x1xi32>
    %get3A_27 = vector.shape_cast %get3A_26 : vector<1x256x1xi32> to vector<256x1xi32>
    %sub3A = vector.broadcast %concatenate3A_16 : vector<1x320xi32> to vector<256x320xi32>
    %sub3A_28 = vector.broadcast %get3A_27 : vector<256x1xi32> to vector<256x320xi32>
    %sub3A_29 = arith.subi %sub3A, %sub3A_28 : vector<256x320xi32>
    %iota3A = tpu.iota {dimensions = array<i32: 0>} : vector<256x320xi32>
    %jit3A = arith.constant 64 : i32
    %div3A_30 = vector.broadcast %jit3A : i32 to vector<256x320xi32>
    %div3A_31 = arith.divsi %iota3A, %div3A_30 : vector<256x320xi32>
    %sign3A = arith.constant 0 : i32
    %sign3A_32 = vector.broadcast %sign3A : i32 to vector<256x320xi32>
    %sign3A_33 = arith.cmpi sgt, %iota3A, %sign3A_32 : vector<256x320xi32>
    %sign3A_34 = arith.extui %sign3A_33 : vector<256x320xi1> to vector<256x320xi32>
    %sign3A_35 = arith.constant 0 : i32
    %sign3A_36 = vector.broadcast %sign3A_35 : i32 to vector<256x320xi32>
    %sign3A_37 = arith.cmpi slt, %iota3A, %sign3A_36 : vector<256x320xi32>
    %sign3A_38 = arith.extui %sign3A_37 : vector<256x320xi1> to vector<256x320xi32>
    %sign3A_39 = arith.subi %sign3A_34, %sign3A_38 : vector<256x320xi32>
    %sign3A_40 = arith.constant 0 : i32
    %sign3A_41 = arith.cmpi sgt, %jit3A, %sign3A_40 : i32
    %sign3A_42 = arith.extui %sign3A_41 : i1 to i32
    %sign3A_43 = arith.constant 0 : i32
    %sign3A_44 = arith.cmpi slt, %jit3A, %sign3A_43 : i32
    %sign3A_45 = arith.extui %sign3A_44 : i1 to i32
    %sign3A_46 = arith.subi %sign3A_42, %sign3A_45 : i32
    %ne3A = vector.broadcast %sign3A_46 : i32 to vector<256x320xi32>
    %ne3A_47 = arith.cmpi ne, %sign3A_39, %ne3A : vector<256x320xi32>
    %rem3A = vector.broadcast %jit3A : i32 to vector<256x320xi32>
    %rem3A_48 = arith.remsi %iota3A, %rem3A : vector<256x320xi32>
    %ne3A_49 = arith.constant 0 : i32
    %ne3A_50 = vector.broadcast %ne3A_49 : i32 to vector<256x320xi32>
    %ne3A_51 = arith.cmpi ne, %rem3A_48, %ne3A_50 : vector<256x320xi32>
    %and3A = arith.andi %ne3A_47, %ne3A_51 : vector<256x320xi1>
    %sub3A_52 = arith.constant 1 : i32
    %sub3A_53 = vector.broadcast %sub3A_52 : i32 to vector<256x320xi32>
    %sub3A_54 = arith.subi %div3A_31, %sub3A_53 : vector<256x320xi32>
    %select_n3A = arith.select %and3A, %sub3A_54, %div3A_31 : vector<256x320xi1>, vector<256x320xi32>
    %iota3A_55 = tpu.iota {dimensions = array<i32: 1>} : vector<256x320xi32>
    %jit3A_56 = arith.constant 64 : i32
    %div3A_57 = vector.broadcast %jit3A_56 : i32 to vector<256x320xi32>
    %div3A_58 = arith.divsi %iota3A_55, %div3A_57 : vector<256x320xi32>
    %sign3A_59 = arith.constant 0 : i32
    %sign3A_60 = vector.broadcast %sign3A_59 : i32 to vector<256x320xi32>
    %sign3A_61 = arith.cmpi sgt, %iota3A_55, %sign3A_60 : vector<256x320xi32>
    %sign3A_62 = arith.extui %sign3A_61 : vector<256x320xi1> to vector<256x320xi32>
    %sign3A_63 = arith.constant 0 : i32
    %sign3A_64 = vector.broadcast %sign3A_63 : i32 to vector<256x320xi32>
    %sign3A_65 = arith.cmpi slt, %iota3A_55, %sign3A_64 : vector<256x320xi32>
    %sign3A_66 = arith.extui %sign3A_65 : vector<256x320xi1> to vector<256x320xi32>
    %sign3A_67 = arith.subi %sign3A_62, %sign3A_66 : vector<256x320xi32>
    %sign3A_68 = arith.constant 0 : i32
    %sign3A_69 = arith.cmpi sgt, %jit3A_56, %sign3A_68 : i32
    %sign3A_70 = arith.extui %sign3A_69 : i1 to i32
    %sign3A_71 = arith.constant 0 : i32
    %sign3A_72 = arith.cmpi slt, %jit3A_56, %sign3A_71 : i32
    %sign3A_73 = arith.extui %sign3A_72 : i1 to i32
    %sign3A_74 = arith.subi %sign3A_70, %sign3A_73 : i32
    %ne3A_75 = vector.broadcast %sign3A_74 : i32 to vector<256x320xi32>
    %ne3A_76 = arith.cmpi ne, %sign3A_67, %ne3A_75 : vector<256x320xi32>
    %rem3A_77 = vector.broadcast %jit3A_56 : i32 to vector<256x320xi32>
    %rem3A_78 = arith.remsi %iota3A_55, %rem3A_77 : vector<256x320xi32>
    %ne3A_79 = arith.constant 0 : i32
    %ne3A_80 = vector.broadcast %ne3A_79 : i32 to vector<256x320xi32>
    %ne3A_81 = arith.cmpi ne, %rem3A_78, %ne3A_80 : vector<256x320xi32>
    %and3A_82 = arith.andi %ne3A_76, %ne3A_81 : vector<256x320xi1>
    %sub3A_83 = arith.constant 1 : i32
    %sub3A_84 = vector.broadcast %sub3A_83 : i32 to vector<256x320xi32>
    %sub3A_85 = arith.subi %div3A_58, %sub3A_84 : vector<256x320xi32>
    %select_n3A_86 = arith.select %and3A_82, %sub3A_85, %div3A_58 : vector<256x320xi1>, vector<256x320xi32>
    %eq3A = arith.cmpi eq, %select_n3A_86, %select_n3A : vector<256x320xi32>
    %add3A_87 = arith.constant 1 : i32
    %add3A_88 = vector.broadcast %add3A_87 : i32 to vector<256x320xi32>
    %add3A_89 = arith.addi %select_n3A, %add3A_88 : vector<256x320xi32>
    %eq3A_90 = arith.cmpi eq, %select_n3A_86, %add3A_89 : vector<256x320xi32>
    %or3A = arith.ori %eq3A, %eq3A_90 : vector<256x320xi1>
    %convert_element_type3A = arith.truncf %slice3A : vector<256x64xf32> to vector<256x64xbf16>
    %convert_element_type3A_91 = arith.truncf %div3A_22 : vector<320x64xf32> to vector<320x64xbf16>
    %dot_general3A = arith.constant dense<0.000000e+00> : vector<256x320xf32>
    %dot_general3A_92 = tpu.matmul %convert_element_type3A, %convert_element_type3A_91, %dot_general3A {dimension_numbers = #tpu.dot_dimension_numbers<[1], [1], [0], [0], [0, 0, 1, 0], [], []>, transpose_lhs_hint = false} : vector<256x64xbf16>, vector<320x64xbf16>, vector<256x320xf32> -> vector<256x320xf32>
    %mul3A_93 = arith.constant 1.250000e-01 : f32
    %mul3A_94 = vector.broadcast %mul3A_93 : f32 to vector<256x320xf32>
    %mul3A_95 = arith.mulf %dot_general3A_92, %mul3A_94 : vector<256x320xf32>
    %gt3A = arith.constant 0 : i32
    %gt3A_96 = vector.broadcast %gt3A : i32 to vector<256x320xi32>
    %gt3A_97 = arith.cmpi sgt, %sub3A_29, %gt3A_96 : vector<256x320xi32>
    %jit3A_98 = arith.constant -1.000000e+09 : f32
    %broadcast_in_dim3A_99 = vector.broadcast %jit3A_98 : f32 to vector<256x320xf32>
    %select_n3A_100 = arith.select %gt3A_97, %broadcast_in_dim3A_99, %mul3A_95 : vector<256x320xi1>, vector<256x320xf32>
    %eq3A_101 = arith.constant 0 : i32
    %eq3A_102 = vector.broadcast %eq3A_101 : i32 to vector<256x320xi32>
    %eq3A_103 = arith.cmpi eq, %sub3A_29, %eq3A_102 : vector<256x320xi32>
    %jit3A_104 = arith.constant -1.000000e+05 : f32
    %broadcast_in_dim3A_105 = vector.broadcast %jit3A_104 : f32 to vector<256x320xf32>
    %select_n3A_106 = arith.select %eq3A_103, %broadcast_in_dim3A_105, %select_n3A_100 : vector<256x320xi1>, vector<256x320xf32>
    %jit3A_107 = arith.constant -3.000000e+38 : f32
    %broadcast_in_dim3A_108 = vector.broadcast %jit3A_107 : f32 to vector<256x320xf32>
    %select_n3A_109 = arith.select %or3A, %select_n3A_106, %broadcast_in_dim3A_108 : vector<256x320xi1>, vector<256x320xf32>
    %reduce_max3A = arith.constant dense<0xFF800000> : vector<256xf32>
    %reduce_max3A_110 = vector.multi_reduction <maximumf>, %select_n3A_109, %reduce_max3A [1] : vector<256x320xf32> to vector<256xf32>
    %broadcast_in_dim3A_111 = vector.shape_cast %reduce_max3A_110 : vector<256xf32> to vector<256x1xf32>
    %sub3A_112 = vector.broadcast %broadcast_in_dim3A_111 : vector<256x1xf32> to vector<256x320xf32>
    %sub3A_113 = arith.subf %select_n3A_109, %sub3A_112 : vector<256x320xf32>
    %exp3A = math.exp %sub3A_113 : vector<256x320xf32>
    %reduce_sum3A_114 = arith.constant dense<0.000000e+00> : vector<256xf32>
    %reduce_sum3A_115 = vector.multi_reduction <add>, %exp3A, %reduce_sum3A_114 [1] : vector<256x320xf32> to vector<256xf32>
    %broadcast_in_dim3A_116 = vector.shape_cast %reduce_sum3A_115 : vector<256xf32> to vector<256x1xf32>
    %div3A_117 = arith.constant 1.000000e+00 : f32
    %div3A_118 = vector.broadcast %div3A_117 : f32 to vector<256x1xf32>
    %div3A_119 = arith.divf %div3A_118, %broadcast_in_dim3A_116 : vector<256x1xf32>
    %mul3A_120 = vector.broadcast %div3A_119 : vector<256x1xf32> to vector<256x320xf32>
    %mul3A_121 = arith.mulf %exp3A, %mul3A_120 : vector<256x320xf32>
    %log3A = math.log %broadcast_in_dim3A_116 : vector<256x1xf32>
    %add3A_122 = arith.addf %broadcast_in_dim3A_111, %log3A : vector<256x1xf32>
    %convert_element_type3A_123 = arith.truncf %mul3A_121 : vector<256x320xf32> to vector<256x320xbf16>
    %convert_element_type3A_124 = arith.truncf %slice3A_18 : vector<320x64xf32> to vector<320x64xbf16>
    %dot_general3A_125 = arith.constant dense<0.000000e+00> : vector<256x64xf32>
    %dot_general3A_126 = tpu.matmul %convert_element_type3A_123, %convert_element_type3A_124, %dot_general3A_125 {dimension_numbers = #tpu.dot_dimension_numbers<[1], [0], [0], [1], [0, 0, 1, 1], [], []>, transpose_lhs_hint = false} : vector<256x320xbf16>, vector<320x64xbf16>, vector<256x64xf32> -> vector<256x64xf32>
    %broadcast_in_dim3A_127 = arith.constant 0.000000e+00 : f32
    %broadcast_in_dim3A_128 = vector.broadcast %broadcast_in_dim3A_127 : f32 to vector<256x63xf32>
    %concatenate3A_129 = tpu.concatenate %dot_general3A_126, %add3A_122, %broadcast_in_dim3A_128 in 1 : vector<256x64xf32>, vector<256x1xf32>, vector<256x63xf32> -> vector<256x128xf32>
    %swap3A = arith.constant 0 : index
    %swap3A_130 = arith.constant 0 : index
    %swap3A_131 = arith.constant 0 : index
    %swap3A_132 = vector.load %arg4[%swap3A, %swap3A_130, %swap3A_131] : memref<1x4096x128xf32, #tpu.memory_space<vmem>>, vector<1x256x128xf32>
    %swap3A_133 = vector.shape_cast %swap3A_132 : vector<1x256x128xf32> to vector<256x128xf32>
    %swap3A_134 = vector.shape_cast %concatenate3A_129 : vector<256x128xf32> to vector<1x256x128xf32>
    tpu.vector_store %arg4[%swap3A, %swap3A_130, %swap3A_131], %swap3A_134 {strides = array<i32>} : memref<1x4096x128xf32, #tpu.memory_space<vmem>>, vector<1x256x128xf32>,
    %slice3A_135 = vector.extract_strided_slice %get3A_3 {offsets = [256, 0], sizes = [256, 64], strides = [1, 1]} : vector<4096x128xf32> to vector<256x64xf32>
    %slice3A_136 = vector.extract_strided_slice %get3A_3 {offsets = [192, 0], sizes = [320, 128], strides = [1, 1]} : vector<4096x128xf32> to vector<320x128xf32>
    %get3A_137 = arith.constant 0 : index
    %get3A_138 = arith.constant 0 : index
    %get3A_139 = arith.constant 192 : index
    %get3A_140 = vector.load %arg3[%get3A_137, %get3A_138, %get3A_139] : memref<1x1x4096xi32, #tpu.memory_space<vmem>>, vector<1x1x320xi32>
    %get3A_141 = vector.shape_cast %get3A_140 : vector<1x1x320xi32> to vector<1x320xi32>
    %slice3A_142 = vector.extract_strided_slice %slice3A_136 {offsets = [0, 0], sizes = [320, 64], strides = [1, 1]} : vector<320x128xf32> to vector<320x64xf32>
    %slice3A_143 = vector.extract_strided_slice %slice3A_136 {offsets = [0, 64], sizes = [320, 64], strides = [1, 1]} : vector<320x128xf32> to vector<320x64xf32>
    %mul3A_144 = arith.mulf %slice3A_142, %slice3A_142 : vector<320x64xf32>
    %reduce_sum3A_145 = arith.constant dense<0.000000e+00> : vector<320xf32>
    %reduce_sum3A_146 = vector.multi_reduction <add>, %mul3A_144, %reduce_sum3A_145 [1] : vector<320x64xf32> to vector<320xf32>
    %broadcast_in_dim3A_147 = vector.shape_cast %reduce_sum3A_146 : vector<320xf32> to vector<320x1xf32>
    %sqrt3A_148 = math.sqrt %broadcast_in_dim3A_147 : vector<320x1xf32>
    %add3A_149 = arith.constant 9.99999971E-10 : f32
    %add3A_150 = vector.broadcast %add3A_149 : f32 to vector<320x1xf32>
    %add3A_151 = arith.addf %sqrt3A_148, %add3A_150 : vector<320x1xf32>
    %div3A_152 = vector.broadcast %add3A_151 : vector<320x1xf32> to vector<320x64xf32>
    %div3A_153 = arith.divf %slice3A_142, %div3A_152 : vector<320x64xf32>
    %get3A_154 = arith.constant 0 : index
    %get3A_155 = arith.constant 256 : index
    %get3A_156 = arith.constant 0 : index
    %get3A_157 = vector.load %arg2[%get3A_154, %get3A_155, %get3A_156] : memref<1x4096x1xi32, #tpu.memory_space<vmem>>, vector<1x256x1xi32>
    %get3A_158 = vector.shape_cast %get3A_157 : vector<1x256x1xi32> to vector<256x1xi32>
    %sub3A_159 = vector.broadcast %get3A_141 : vector<1x320xi32> to vector<256x320xi32>
    %sub3A_160 = vector.broadcast %get3A_158 : vector<256x1xi32> to vector<256x320xi32>
    %sub3A_161 = arith.subi %sub3A_159, %sub3A_160 : vector<256x320xi32>
    %iota3A_162 = tpu.iota {dimensions = array<i32: 0>} : vector<256x320xi32>
    %jit3A_163 = arith.constant 64 : i32
    %div3A_164 = vector.broadcast %jit3A_163 : i32 to vector<256x320xi32>
    %div3A_165 = arith.divsi %iota3A_162, %div3A_164 : vector<256x320xi32>
    %sign3A_166 = arith.constant 0 : i32
    %sign3A_167 = vector.broadcast %sign3A_166 : i32 to vector<256x320xi32>
    %sign3A_168 = arith.cmpi sgt, %iota3A_162, %sign3A_167 : vector<256x320xi32>
    %sign3A_169 = arith.extui %sign3A_168 : vector<256x320xi1> to vector<256x320xi32>
    %sign3A_170 = arith.constant 0 : i32
    %sign3A_171 = vector.broadcast %sign3A_170 : i32 to vector<256x320xi32>
    %sign3A_172 = arith.cmpi slt, %iota3A_162, %sign3A_171 : vector<256x320xi32>
    %sign3A_173 = arith.extui %sign3A_172 : vector<256x320xi1> to vector<256x320xi32>
    %sign3A_174 = arith.subi %sign3A_169, %sign3A_173 : vector<256x320xi32>
    %sign3A_175 = arith.constant 0 : i32
    %sign3A_176 = arith.cmpi sgt, %jit3A_163, %sign3A_175 : i32
    %sign3A_177 = arith.extui %sign3A_176 : i1 to i32
    %sign3A_178 = arith.constant 0 : i32
    %sign3A_179 = arith.cmpi slt, %jit3A_163, %sign3A_178 : i32
    %sign3A_180 = arith.extui %sign3A_179 : i1 to i32
    %sign3A_181 = arith.subi %sign3A_177, %sign3A_180 : i32
    %ne3A_182 = vector.broadcast %sign3A_181 : i32 to vector<256x320xi32>
    %ne3A_183 = arith.cmpi ne, %sign3A_174, %ne3A_182 : vector<256x320xi32>
    %rem3A_184 = vector.broadcast %jit3A_163 : i32 to vector<256x320xi32>
    %rem3A_185 = arith.remsi %iota3A_162, %rem3A_184 : vector<256x320xi32>
    %ne3A_186 = arith.constant 0 : i32
    %ne3A_187 = vector.broadcast %ne3A_186 : i32 to vector<256x320xi32>
    %ne3A_188 = arith.cmpi ne, %rem3A_185, %ne3A_187 : vector<256x320xi32>
    %and3A_189 = arith.andi %ne3A_183, %ne3A_188 : vector<256x320xi1>
    %sub3A_190 = arith.constant 1 : i32
    %sub3A_191 = vector.broadcast %sub3A_190 : i32 to vector<256x320xi32>
    %sub3A_192 = arith.subi %div3A_165, %sub3A_191 : vector<256x320xi32>
    %select_n3A_193 = arith.select %and3A_189, %sub3A_192, %div3A_165 : vector<256x320xi1>, vector<256x320xi32>
    %iota3A_194 = tpu.iota {dimensions = array<i32: 1>} : vector<256x320xi32>
    %jit3A_195 = arith.constant 64 : i32
    %div3A_196 = vector.broadcast %jit3A_195 : i32 to vector<256x320xi32>
    %div3A_197 = arith.divsi %iota3A_194, %div3A_196 : vector<256x320xi32>
    %sign3A_198 = arith.constant 0 : i32
    %sign3A_199 = vector.broadcast %sign3A_198 : i32 to vector<256x320xi32>
    %sign3A_200 = arith.cmpi sgt, %iota3A_194, %sign3A_199 : vector<256x320xi32>
    %sign3A_201 = arith.extui %sign3A_200 : vector<256x320xi1> to vector<256x320xi32>
    %sign3A_202 = arith.constant 0 : i32
    %sign3A_203 = vector.broadcast %sign3A_202 : i32 to vector<256x320xi32>
    %sign3A_204 = arith.cmpi slt, %iota3A_194, %sign3A_203 : vector<256x320xi32>
    %sign3A_205 = arith.extui %sign3A_204 : vector<256x320xi1> to vector<256x320xi32>
    %sign3A_206 = arith.subi %sign3A_201, %sign3A_205 : vector<256x320xi32>
    %sign3A_207 = arith.constant 0 : i32
    %sign3A_208 = arith.cmpi sgt, %jit3A_195, %sign3A_207 : i32
    %sign3A_209 = arith.extui %sign3A_208 : i1 to i32
    %sign3A_210 = arith.constant 0 : i32
    %sign3A_211 = arith.cmpi slt, %jit3A_195, %sign3A_210 : i32
    %sign3A_212 = arith.extui %sign3A_211 : i1 to i32
    %sign3A_213 = arith.subi %sign3A_209, %sign3A_212 : i32
    %ne3A_214 = vector.broadcast %sign3A_213 : i32 to vector<256x320xi32>
    %ne3A_215 = arith.cmpi ne, %sign3A_206, %ne3A_214 : vector<256x320xi32>
    %rem3A_216 = vector.broadcast %jit3A_195 : i32 to vector<256x320xi32>
    %rem3A_217 = arith.remsi %iota3A_194, %rem3A_216 : vector<256x320xi32>
    %ne3A_218 = arith.constant 0 : i32
    %ne3A_219 = vector.broadcast %ne3A_218 : i32 to vector<256x320xi32>
    %ne3A_220 = arith.cmpi ne, %rem3A_217, %ne3A_219 : vector<256x320xi32>
    %and3A_221 = arith.andi %ne3A_215, %ne3A_220 : vector<256x320xi1>
    %sub3A_222 = arith.constant 1 : i32
    %sub3A_223 = vector.broadcast %sub3A_222 : i32 to vector<256x320xi32>
    %sub3A_224 = arith.subi %div3A_197, %sub3A_223 : vector<256x320xi32>
    %select_n3A_225 = arith.select %and3A_221, %sub3A_224, %div3A_197 : vector<256x320xi1>, vector<256x320xi32>
    %eq3A_226 = arith.cmpi eq, %select_n3A_225, %select_n3A_193 : vector<256x320xi32>
    %add3A_227 = arith.constant 1 : i32
    %add3A_228 = vector.broadcast %add3A_227 : i32 to vector<256x320xi32>
    %add3A_229 = arith.addi %select_n3A_193, %add3A_228 : vector<256x320xi32>
    %eq3A_230 = arith.cmpi eq, %select_n3A_225, %add3A_229 : vector<256x320xi32>
    %or3A_231 = arith.ori %eq3A_226, %eq3A_230 : vector<256x320xi1>
    %convert_element_type3A_232 = arith.truncf %slice3A_135 : vector<256x64xf32> to vector<256x64xbf16>
    %convert_element_type3A_233 = arith.truncf %div3A_153 : vector<320x64xf32> to vector<320x64xbf16>
    %dot_general3A_234 = arith.constant dense<0.000000e+00> : vector<256x320xf32>
    %dot_general3A_235 = tpu.matmul %convert_element_type3A_232, %convert_element_type3A_233, %dot_general3A_234 {dimension_numbers = #tpu.dot_dimension_numbers<[1], [1], [0], [0], [0, 0, 1, 0], [], []>, transpose_lhs_hint = false} : vector<256x64xbf16>, vector<320x64xbf16>, vector<256x320xf32> -> vector<256x320xf32>
    %mul3A_236 = arith.constant 1.250000e-01 : f32
    %mul3A_237 = vector.broadcast %mul3A_236 : f32 to vector<256x320xf32>
    %mul3A_238 = arith.mulf %dot_general3A_235, %mul3A_237 : vector<256x320xf32>
    %gt3A_239 = arith.constant 0 : i32
    %gt3A_240 = vector.broadcast %gt3A_239 : i32 to vector<256x320xi32>
    %gt3A_241 = arith.cmpi sgt, %sub3A_161, %gt3A_240 : vector<256x320xi32>
    %jit3A_242 = arith.constant -1.000000e+09 : f32
    %broadcast_in_dim3A_243 = vector.broadcast %jit3A_242 : f32 to vector<256x320xf32>
    %select_n3A_244 = arith.select %gt3A_241, %broadcast_in_dim3A_243, %mul3A_238 : vector<256x320xi1>, vector<256x320xf32>
    %eq3A_245 = arith.constant 0 : i32
    %eq3A_246 = vector.broadcast %eq3A_245 : i32 to vector<256x320xi32>
    %eq3A_247 = arith.cmpi eq, %sub3A_161, %eq3A_246 : vector<256x320xi32>
    %jit3A_248 = arith.constant -1.000000e+05 : f32
    %broadcast_in_dim3A_249 = vector.broadcast %jit3A_248 : f32 to vector<256x320xf32>
    %select_n3A_250 = arith.select %eq3A_247, %broadcast_in_dim3A_249, %select_n3A_244 : vector<256x320xi1>, vector<256x320xf32>
    %jit3A_251 = arith.constant -3.000000e+38 : f32
    %broadcast_in_dim3A_252 = vector.broadcast %jit3A_251 : f32 to vector<256x320xf32>
    %select_n3A_253 = arith.select %or3A_231, %select_n3A_250, %broadcast_in_dim3A_252 : vector<256x320xi1>, vector<256x320xf32>
    %reduce_max3A_254 = arith.constant dense<0xFF800000> : vector<256xf32>
    %reduce_max3A_255 = vector.multi_reduction <maximumf>, %select_n3A_253, %reduce_max3A_254 [1] : vector<256x320xf32> to vector<256xf32>
    %broadcast_in_dim3A_256 = vector.shape_cast %reduce_max3A_255 : vector<256xf32> to vector<256x1xf32>
    %sub3A_257 = vector.broadcast %broadcast_in_dim3A_256 : vector<256x1xf32> to vector<256x320xf32>
    %sub3A_258 = arith.subf %select_n3A_253, %sub3A_257 : vector<256x320xf32>
    %exp3A_259 = math.exp %sub3A_258 : vector<256x320xf32>
    %reduce_sum3A_260 = arith.constant dense<0.000000e+00> : vector<256xf32>
    %reduce_sum3A_261 = vector.multi_reduction <add>, %exp3A_259, %reduce_sum3A_260 [1] : vector<256x320xf32> to vector<256xf32>
    %broadcast_in_dim3A_262 = vector.shape_cast %reduce_sum3A_261 : vector<256xf32> to vector<256x1xf32>
    %div3A_263 = arith.constant 1.000000e+00 : f32
    %div3A_264 = vector.broadcast %div3A_263 : f32 to vector<256x1xf32>
    %div3A_265 = arith.divf %div3A_264, %broadcast_in_dim3A_262 : vector<256x1xf32>
    %mul3A_266 = vector.broadcast %div3A_265 : vector<256x1xf32> to vector<256x320xf32>
    %mul3A_267 = arith.mulf %exp3A_259, %mul3A_266 : vector<256x320xf32>
    %log3A_268 = math.log %broadcast_in_dim3A_262 : vector<256x1xf32>
    %add3A_269 = arith.addf %broadcast_in_dim3A_256, %log3A_268 : vector<256x1xf32>
    %convert_element_type3A_270 = arith.truncf %mul3A_267 : vector<256x320xf32> to vector<256x320xbf16>
    %convert_element_type3A_271 = arith.truncf %slice3A_143 : vector<320x64xf32> to vector<320x64xbf16>
    %dot_general3A_272 = arith.constant dense<0.000000e+00> : vector<256x64xf32>
    %dot_general3A_273 = tpu.matmul %convert_element_type3A_270, %convert_element_type3A_271, %dot_general3A_272 {dimension_numbers = #tpu.dot_dimension_numbers<[1], [0], [0], [1], [0, 0, 1, 1], [], []>, transpose_lhs_hint = false} : vector<256x320xbf16>, vector<320x64xbf16>, vector<256x64xf32> -> vector<256x64xf32>
    %broadcast_in_dim3A_274 = arith.constant 0.000000e+00 : f32
    %broadcast_in_dim3A_275 = vector.broadcast %broadcast_in_dim3A_274 : f32 to vector<256x63xf32>
    %concatenate3A_276 = tpu.concatenate %dot_general3A_273, %add3A_269, %broadcast_in_dim3A_275 in 1 : vector<256x64xf32>, vector<256x1xf32>, vector<256x63xf32> -> vector<256x128xf32>
    %swap3A_277 = arith.constant 0 : index
    %swap3A_278 = arith.constant 256 : index
    %swap3A_279 = arith.constant 0 : index
    %swap3A_280 = vector.load %arg4[%swap3A_277, %swap3A_278, %swap3A_279] : memref<1x4096x128xf32, #tpu.memory_space<vmem>>, vector<1x256x128xf32>
    %swap3A_281 = vector.shape_cast %swap3A_280 : vector<1x256x128xf32> to vector<256x128xf32>
    %swap3A_282 = vector.shape_cast %concatenate3A_276 : vector<256x128xf32> to vector<1x256x128xf32>
    tpu.vector_store %arg4[%swap3A_277, %swap3A_278, %swap3A_279], %swap3A_282 {strides = array<i32>} : memref<1x4096x128xf32, #tpu.memory_space<vmem>>, vector<1x256x128xf32>,
    %slice3A_283 = vector.extract_strided_slice %get3A_3 {offsets = [512, 0], sizes = [256, 64], strides = [1, 1]} : vector<4096x128xf32> to vector<256x64xf32>
    %slice3A_284 = vector.extract_strided_slice %get3A_3 {offsets = [448, 0], sizes = [320, 128], strides = [1, 1]} : vector<4096x128xf32> to vector<320x128xf32>
    %get3A_285 = arith.constant 0 : index
    %get3A_286 = arith.constant 0 : index
    %get3A_287 = arith.constant 448 : index
    %get3A_288 = vector.load %arg3[%get3A_285, %get3A_286, %get3A_287] : memref<1x1x4096xi32, #tpu.memory_space<vmem>>, vector<1x1x320xi32>
    %get3A_289 = vector.shape_cast %get3A_288 : vector<1x1x320xi32> to vector<1x320xi32>
    %slice3A_290 = vector.extract_strided_slice %slice3A_284 {offsets = [0, 0], sizes = [320, 64], strides = [1, 1]} : vector<320x128xf32> to vector<320x64xf32>
    %slice3A_291 = vector.extract_strided_slice %slice3A_284 {offsets = [0, 64], sizes = [320, 64], strides = [1, 1]} : vector<320x128xf32> to vector<320x64xf32>
    %mul3A_292 = arith.mulf %slice3A_290, %slice3A_290 : vector<320x64xf32>
    %reduce_sum3A_293 = arith.constant dense<0.000000e+00> : vector<320xf32>
    %reduce_sum3A_294 = vector.multi_reduction <add>, %mul3A_292, %reduce_sum3A_293 [1] : vector<320x64xf32> to vector<320xf32>
    %broadcast_in_dim3A_295 = vector.shape_cast %reduce_sum3A_294 : vector<320xf32> to vector<320x1xf32>
    %sqrt3A_296 = math.sqrt %broadcast_in_dim3A_295 : vector<320x1xf32>
    %add3A_297 = arith.constant 9.99999971E-10 : f32
    %add3A_298 = vector.broadcast %add3A_297 : f32 to vector<320x1xf32>
    %add3A_299 = arith.addf %sqrt3A_296, %add3A_298 : vector<320x1xf32>
    %div3A_300 = vector.broadcast %add3A_299 : vector<320x1xf32> to vector<320x64xf32>
    %div3A_301 = arith.divf %slice3A_290, %div3A_300 : vector<320x64xf32>
    %get3A_302 = arith.constant 0 : index
    %get3A_303 = arith.constant 512 : index
    %get3A_304 = arith.constant 0 : index
    %get3A_305 = vector.load %arg2[%get3A_302, %get3A_303, %get3A_304] : memref<1x4096x1xi32, #tpu.memory_space<vmem>>, vector<1x256x1xi32>
    %get3A_306 = vector.shape_cast %get3A_305 : vector<1x256x1xi32> to vector<256x1xi32>
    %sub3A_307 = vector.broadcast %get3A_289 : vector<1x320xi32> to vector<256x320xi32>
    %sub3A_308 = vector.broadcast %get3A_306 : vector<256x1xi32> to vector<256x320xi32>
    %sub3A_309 = arith.subi %sub3A_307, %sub3A_308 : vector<256x320xi32>
    %iota3A_310 = tpu.iota {dimensions = array<i32: 0>} : vector<256x320xi32>
    %jit3A_311 = arith.constant 64 : i32
    %div3A_312 = vector.broadcast %jit3A_311 : i32 to vector<256x320xi32>
    %div3A_313 = arith.divsi %iota3A_310, %div3A_312 : vector<256x320xi32>
    %sign3A_314 = arith.constant 0 : i32
    %sign3A_315 = vector.broadcast %sign3A_314 : i32 to vector<256x320xi32>
    %sign3A_316 = arith.cmpi sgt, %iota3A_310, %sign3A_315 : vector<256x320xi32>
    %sign3A_317 = arith.extui %sign3A_316 : vector<256x320xi1> to vector<256x320xi32>
    %sign3A_318 = arith.constant 0 : i32
    %sign3A_319 = vector.broadcast %sign3A_318 : i32 to vector<256x320xi32>
    %sign3A_320 = arith.cmpi slt, %iota3A_310, %sign3A_319 : vector<256x320xi32>
    %sign3A_321 = arith.extui %sign3A_320 : vector<256x320xi1> to vector<256x320xi32>
    %sign3A_322 = arith.subi %sign3A_317, %sign3A_321 : vector<256x320xi32>
    %sign3A_323 = arith.constant 0 : i32
    %sign3A_324 = arith.cmpi sgt, %jit3A_311, %sign3A_323 : i32
    %sign3A_325 = arith.extui %sign3A_324 : i1 to i32
    %sign3A_326 = arith.constant 0 : i32
    %sign3A_327 = arith.cmpi slt, %jit3A_311, %sign3A_326 : i32
    %sign3A_328 = arith.extui %sign3A_327 : i1 to i32
    %sign3A_329 = arith.subi %sign3A_325, %sign3A_328 : i32
    %ne3A_330 = vector.broadcast %sign3A_329 : i32 to vector<256x320xi32>
    %ne3A_331 = arith.cmpi ne, %sign3A_322, %ne3A_330 : vector<256x320xi32>
    %rem3A_332 = vector.broadcast %jit3A_311 : i32 to vector<256x320xi32>
    %rem3A_333 = arith.remsi %iota3A_310, %rem3A_332 : vector<256x320xi32>
    %ne3A_334 = arith.constant 0 : i32
    %ne3A_335 = vector.broadcast %ne3A_334 : i32 to vector<256x320xi32>
    %ne3A_336 = arith.cmpi ne, %rem3A_333, %ne3A_335 : vector<256x320xi32>
    %and3A_337 = arith.andi %ne3A_331, %ne3A_336 : vector<256x320xi1>
    %sub3A_338 = arith.constant 1 : i32
    %sub3A_339 = vector.broadcast %sub3A_338 : i32 to vector<256x320xi32>
    %sub3A_340 = arith.subi %div3A_313, %sub3A_339 : vector<256x320xi32>
    %select_n3A_341 = arith.select %and3A_337, %sub3A_340, %div3A_313 : vector<256x320xi1>, vector<256x320xi32>
    %iota3A_342 = tpu.iota {dimensions = array<i32: 1>} : vector<256x320xi32>
    %jit3A_343 = arith.constant 64 : i32
    %div3A_344 = vector.broadcast %jit3A_343 : i32 to vector<256x320xi32>
    %div3A_345 = arith.divsi %iota3A_342, %div3A_344 : vector<256x320xi32>
    %sign3A_346 = arith.constant 0 : i32
    %sign3A_347 = vector.broadcast %sign3A_346 : i32 to vector<256x320xi32>
    %sign3A_348 = arith.cmpi sgt, %iota3A_342, %sign3A_347 : vector<256x320xi32>
    %sign3A_349 = arith.extui %sign3A_348 : vector<256x320xi1> to vector<256x320xi32>
    %sign3A_350 = arith.constant 0 : i32
    %sign3A_351 = vector.broadcast %sign3A_350 : i32 to vector<256x320xi32>
    %sign3A_352 = arith.cmpi slt, %iota3A_342, %sign3A_351 : vector<256x320xi32>
    %sign3A_353 = arith.extui %sign3A_352 : vector<256x320xi1> to vector<256x320xi32>
    %sign3A_354 = arith.subi %sign3A_349, %sign3A_353 : vector<256x320xi32>
    %sign3A_355 = arith.constant 0 : i32
    %sign3A_356 = arith.cmpi sgt, %jit3A_343, %sign3A_355 : i32
    %sign3A_357 = arith.extui %sign3A_356 : i1 to i32
    %sign3A_358 = arith.constant 0 : i32
    %sign3A_359 = arith.cmpi slt, %jit3A_343, %sign3A_358 : i32
    %sign3A_360 = arith.extui %sign3A_359 : i1 to i32
    %sign3A_361 = arith.subi %sign3A_357, %sign3A_360 : i32
    %ne3A_362 = vector.broadcast %sign3A_361 : i32 to vector<256x320xi32>
    %ne3A_363 = arith.cmpi ne, %sign3A_354, %ne3A_362 : vector<256x320xi32>
    %rem3A_364 = vector.broadcast %jit3A_343 : i32 to vector<256x320xi32>
    %rem3A_365 = arith.remsi %iota3A_342, %rem3A_364 : vector<256x320xi32>
    %ne3A_366 = arith.constant 0 : i32
    %ne3A_367 = vector.broadcast %ne3A_366 : i32 to vector<256x320xi32>
    %ne3A_368 = arith.cmpi ne, %rem3A_365, %ne3A_367 : vector<256x320xi32>
    %and3A_369 = arith.andi %ne3A_363, %ne3A_368 : vector<256x320xi1>
    %sub3A_370 = arith.constant 1 : i32
    %sub3A_371 = vector.broadcast %sub3A_370 : i32 to vector<256x320xi32>
    %sub3A_372 = arith.subi %div3A_345, %sub3A_371 : vector<256x320xi32>
    %select_n3A_373 = arith.select %and3A_369, %sub3A_372, %div3A_345 : vector<256x320xi1>, vector<256x320xi32>
    %eq3A_374 = arith.cmpi eq, %select_n3A_373, %select_n3A_341 : vector<256x320xi32>
    %add3A_375 = arith.constant 1 : i32
    %add3A_376 = vector.broadcast %add3A_375 : i32 to vector<256x320xi32>
    %add3A_377 = arith.addi %select_n3A_341, %add3A_376 : vector<256x320xi32>
    %eq3A_378 = arith.cmpi eq, %select_n3A_373, %add3A_377 : vector<256x320xi32>
    %or3A_379 = arith.ori %eq3A_374, %eq3A_378 : vector<256x320xi1>
    %convert_element_type3A_380 = arith.truncf %slice3A_283 : vector<256x64xf32> to vector<256x64xbf16>
    %convert_element_type3A_381 = arith.truncf %div3A_301 : vector<320x64xf32> to vector<320x64xbf16>
    %dot_general3A_382 = arith.constant dense<0.000000e+00> : vector<256x320xf32>
    %dot_general3A_383 = tpu.matmul %convert_element_type3A_380, %convert_element_type3A_381, %dot_general3A_382 {dimension_numbers = #tpu.dot_dimension_numbers<[1], [1], [0], [0], [0, 0, 1, 0], [], []>, transpose_lhs_hint = false} : vector<256x64xbf16>, vector<320x64xbf16>, vector<256x320xf32> -> vector<256x320xf32>
    %mul3A_384 = arith.constant 1.250000e-01 : f32
    %mul3A_385 = vector.broadcast %mul3A_384 : f32 to vector<256x320xf32>
    %mul3A_386 = arith.mulf %dot_general3A_383, %mul3A_385 : vector<256x320xf32>
    %gt3A_387 = arith.constant 0 : i32
    %gt3A_388 = vector.broadcast %gt3A_387 : i32 to vector<256x320xi32>
    %gt3A_389 = arith.cmpi sgt, %sub3A_309, %gt3A_388 : vector<256x320xi32>
    %jit3A_390 = arith.constant -1.000000e+09 : f32
    %broadcast_in_dim3A_391 = vector.broadcast %jit3A_390 : f32 to vector<256x320xf32>
    %select_n3A_392 = arith.select %gt3A_389, %broadcast_in_dim3A_391, %mul3A_386 : vector<256x320xi1>, vector<256x320xf32>
    %eq3A_393 = arith.constant 0 : i32
    %eq3A_394 = vector.broadcast %eq3A_393 : i32 to vector<256x320xi32>
    %eq3A_395 = arith.cmpi eq, %sub3A_309, %eq3A_394 : vector<256x320xi32>
    %jit3A_396 = arith.constant -1.000000e+05 : f32
    %broadcast_in_dim3A_397 = vector.broadcast %jit3A_396 : f32 to vector<256x320xf32>
    %select_n3A_398 = arith.select %eq3A_395, %broadcast_in_dim3A_397, %select_n3A_392 : vector<256x320xi1>, vector<256x320xf32>
    %jit3A_399 = arith.constant -3.000000e+38 : f32
    %broadcast_in_dim3A_400 = vector.broadcast %jit3A_399 : f32 to vector<256x320xf32>
    %select_n3A_401 = arith.select %or3A_379, %select_n3A_398, %broadcast_in_dim3A_400 : vector<256x320xi1>, vector<256x320xf32>
    %reduce_max3A_402 = arith.constant dense<0xFF800000> : vector<256xf32>
    %reduce_max3A_403 = vector.multi_reduction <maximumf>, %select_n3A_401, %reduce_max3A_402 [1] : vector<256x320xf32> to vector<256xf32>
    %broadcast_in_dim3A_404 = vector.shape_cast %reduce_max3A_403 : vector<256xf32> to vector<256x1xf32>
    %sub3A_405 = vector.broadcast %broadcast_in_dim3A_404 : vector<256x1xf32> to vector<256x320xf32>
    %sub3A_406 = arith.subf %select_n3A_401, %sub3A_405 : vector<256x320xf32>
    %exp3A_407 = math.exp %sub3A_406 : vector<256x320xf32>
    %reduce_sum3A_408 = arith.constant dense<0.000000e+00> : vector<256xf32>
    %reduce_sum3A_409 = vector.multi_reduction <add>, %exp3A_407, %reduce_sum3A_408 [1] : vector<256x320xf32> to vector<256xf32>
    %broadcast_in_dim3A_410 = vector.shape_cast %reduce_sum3A_409 : vector<256xf32> to vector<256x1xf32>
    %div3A_411 = arith.constant 1.000000e+00 : f32
    %div3A_412 = vector.broadcast %div3A_411 : f32 to vector<256x1xf32>
    %div3A_413 = arith.divf %div3A_412, %broadcast_in_dim3A_410 : vector<256x1xf32>
    %mul3A_414 = vector.broadcast %div3A_413 : vector<256x1xf32> to vector<256x320xf32>
    %mul3A_415 = arith.mulf %exp3A_407, %mul3A_414 : vector<256x320xf32>
    %log3A_416 = math.log %broadcast_in_dim3A_410 : vector<256x1xf32>
    %add3A_417 = arith.addf %broadcast_in_dim3A_404, %log3A_416 : vector<256x1xf32>
    %convert_element_type3A_418 = arith.truncf %mul3A_415 : vector<256x320xf32> to vector<256x320xbf16>
    %convert_element_type3A_419 = arith.truncf %slice3A_291 : vector<320x64xf32> to vector<320x64xbf16>
    %dot_general3A_420 = arith.constant dense<0.000000e+00> : vector<256x64xf32>
    %dot_general3A_421 = tpu.matmul %convert_element_type3A_418, %convert_element_type3A_419, %dot_general3A_420 {dimension_numbers = #tpu.dot_dimension_numbers<[1], [0], [0], [1], [0, 0, 1, 1], [], []>, transpose_lhs_hint = false} : vector<256x320xbf16>, vector<320x64xbf16>, vector<256x64xf32> -> vector<256x64xf32>
    %broadcast_in_dim3A_422 = arith.constant 0.000000e+00 : f32
    %broadcast_in_dim3A_423 = vector.broadcast %broadcast_in_dim3A_422 : f32 to vector<256x63xf32>
    %concatenate3A_424 = tpu.concatenate %dot_general3A_421, %add3A_417, %broadcast_in_dim3A_423 in 1 : vector<256x64xf32>, vector<256x1xf32>, vector<256x63xf32> -> vector<256x128xf32>
    %swap3A_425 = arith.constant 0 : index
    %swap3A_426 = arith.constant 512 : index
    %swap3A_427 = arith.constant 0 : index
    %swap3A_428 = vector.load %arg4[%swap3A_425, %swap3A_426, %swap3A_427] : memref<1x4096x128xf32, #tpu.memory_space<vmem>>, vector<1x256x128xf32>
    %swap3A_429 = vector.shape_cast %swap3A_428 : vector<1x256x128xf32> to vector<256x128xf32>
    %swap3A_430 = vector.shape_cast %concatenate3A_424 : vector<256x128xf32> to vector<1x256x128xf32>
    tpu.vector_store %arg4[%swap3A_425, %swap3A_426, %swap3A_427], %swap3A_430 {strides = array<i32>} : memref<1x4096x128xf32, #tpu.memory_space<vmem>>, vector<1x256x128xf32>,
    %slice3A_431 = vector.extract_strided_slice %get3A_3 {offsets = [768, 0], sizes = [256, 64], strides = [1, 1]} : vector<4096x128xf32> to vector<256x64xf32>
    %slice3A_432 = vector.extract_strided_slice %get3A_3 {offsets = [704, 0], sizes = [320, 128], strides = [1, 1]} : vector<4096x128xf32> to vector<320x128xf32>
    %get3A_433 = arith.constant 0 : index
    %get3A_434 = arith.constant 0 : index
    %get3A_435 = arith.constant 704 : index
    %get3A_436 = vector.load %arg3[%get3A_433, %get3A_434, %get3A_435] : memref<1x1x4096xi32, #tpu.memory_space<vmem>>, vector<1x1x320xi32>
    %get3A_437 = vector.shape_cast %get3A_436 : vector<1x1x320xi32> to vector<1x320xi32>
    %slice3A_438 = vector.extract_strided_slice %slice3A_432 {offsets = [0, 0], sizes = [320, 64], strides = [1, 1]} : vector<320x128xf32> to vector<320x64xf32>
    %slice3A_439 = vector.extract_strided_slice %slice3A_432 {offsets = [0, 64], sizes = [320, 64], strides = [1, 1]} : vector<320x128xf32> to vector<320x64xf32>
    %mul3A_440 = arith.mulf %slice3A_438, %slice3A_438 : vector<320x64xf32>
    %reduce_sum3A_441 = arith.constant dense<0.000000e+00> : vector<320xf32>
    %reduce_sum3A_442 = vector.multi_reduction <add>, %mul3A_440, %reduce_sum3A_441 [1] : vector<320x64xf32> to vector<320xf32>
    %broadcast_in_dim3A_443 = vector.shape_cast %reduce_sum3A_442 : vector<320xf32> to vector<320x1xf32>
    %sqrt3A_444 = math.sqrt %broadcast_in_dim3A_443 : vector<320x1xf32>
    %add3A_445 = arith.constant 9.99999971E-10 : f32
    %add3A_446 = vector.broadcast %add3A_445 : f32 to vector<320x1xf32>
    %add3A_447 = arith.addf %sqrt3A_444, %add3A_446 : vector<320x1xf32>
    %div3A_448 = vector.broadcast %add3A_447 : vector<320x1xf32> to vector<320x64xf32>
    %div3A_449 = arith.divf %slice3A_438, %div3A_448 : vector<320x64xf32>
    %get3A_450 = arith.constant 0 : index
    %get3A_451 = arith.constant 768 : index
    %get3A_452 = arith.constant 0 : index
    %get3A_453 = vector.load %arg2[%get3A_450, %get3A_451, %get3A_452] : memref<1x4096x1xi32, #tpu.memory_space<vmem>>, vector<1x256x1xi32>
    %get3A_454 = vector.shape_cast %get3A_453 : vector<1x256x1xi32> to vector<256x1xi32>
    %sub3A_455 = vector.broadcast %get3A_437 : vector<1x320xi32> to vector<256x320xi32>
    %sub3A_456 = vector.broadcast %get3A_454 : vector<256x1xi32> to vector<256x320xi32>
    %sub3A_457 = arith.subi %sub3A_455, %sub3A_456 : vector<256x320xi32>
    %iota3A_458 = tpu.iota {dimensions = array<i32: 0>} : vector<256x320xi32>
    %jit3A_459 = arith.constant 64 : i32
    %div3A_460 = vector.broadcast %jit3A_459 : i32 to vector<256x320xi32>
    %div3A_461 = arith.divsi %iota3A_458, %div3A_460 : vector<256x320xi32>
    %sign3A_462 = arith.constant 0 : i32
    %sign3A_463 = vector.broadcast %sign3A_462 : i32 to vector<256x320xi32>
    %sign3A_464 = arith.cmpi sgt, %iota3A_458, %sign3A_463 : vector<256x320xi32>
    %sign3A_465 = arith.extui %sign3A_464 : vector<256x320xi1> to vector<256x320xi32>
    %sign3A_466 = arith.constant 0 : i32
    %sign3A_467 = vector.broadcast %sign3A_466 : i32 to vector<256x320xi32>
    %sign3A_468 = arith.cmpi slt, %iota3A_458, %sign3A_467 : vector<256x320xi32>
    %sign3A_469 = arith.extui %sign3A_468 : vector<256x320xi1> to vector<256x320xi32>
    %sign3A_470 = arith.subi %sign3A_465, %sign3A_469 : vector<256x320xi32>
    %sign3A_471 = arith.constant 0 : i32
    %sign3A_472 = arith.cmpi sgt, %jit3A_459, %sign3A_471 : i32
    %sign3A_473 = arith.extui %sign3A_472 : i1 to i32
    %sign3A_474 = arith.constant 0 : i32
    %sign3A_475 = arith.cmpi slt, %jit3A_459, %sign3A_474 : i32
    %sign3A_476 = arith.extui %sign3A_475 : i1 to i32
    %sign3A_477 = arith.subi %sign3A_473, %sign3A_476 : i32
    %ne3A_478 = vector.broadcast %sign3A_477 : i32 to vector<256x320xi32>
    %ne3A_479 = arith.cmpi ne, %sign3A_470, %ne3A_478 : vector<256x320xi32>
    %rem3A_480 = vector.broadcast %jit3A_459 : i32 to vector<256x320xi32>
    %rem3A_481 = arith.remsi %iota3A_458, %rem3A_480 : vector<256x320xi32>
    %ne3A_482 = arith.constant 0 : i32
    %ne3A_483 = vector.broadcast %ne3A_482 : i32 to vector<256x320xi32>
    %ne3A_484 = arith.cmpi ne, %rem3A_481, %ne3A_483 : vector<256x320xi32>
    %and3A_485 = arith.andi %ne3A_479, %ne3A_484 : vector<256x320xi1>
    %sub3A_486 = arith.constant 1 : i32
    %sub3A_487 = vector.broadcast %sub3A_486 : i32 to vector<256x320xi32>
    %sub3A_488 = arith.subi %div3A_461, %sub3A_487 : vector<256x320xi32>
    %select_n3A_489 = arith.select %and3A_485, %sub3A_488, %div3A_461 : vector<256x320xi1>, vector<256x320xi32>
    %iota3A_490 = tpu.iota {dimensions = array<i32: 1>} : vector<256x320xi32>
    %jit3A_491 = arith.constant 64 : i32
    %div3A_492 = vector.broadcast %jit3A_491 : i32 to vector<256x320xi32>
    %div3A_493 = arith.divsi %iota3A_490, %div3A_492 : vector<256x320xi32>
    %sign3A_494 = arith.constant 0 : i32
    %sign3A_495 = vector.broadcast %sign3A_494 : i32 to vector<256x320xi32>
    %sign3A_496 = arith.cmpi sgt, %iota3A_490, %sign3A_495 : vector<256x320xi32>
    %sign3A_497 = arith.extui %sign3A_496 : vector<256x320xi1> to vector<256x320xi32>
    %sign3A_498 = arith.constant 0 : i32
    %sign3A_499 = vector.broadcast %sign3A_498 : i32 to vector<256x320xi32>
    %sign3A_500 = arith.cmpi slt, %iota3A_490, %sign3A_499 : vector<256x320xi32>
    %sign3A_501 = arith.extui %sign3A_500 : vector<256x320xi1> to vector<256x320xi32>
    %sign3A_502 = arith.subi %sign3A_497, %sign3A_501 : vector<256x320xi32>
    %sign3A_503 = arith.constant 0 : i32
    %sign3A_504 = arith.cmpi sgt, %jit3A_491, %sign3A_503 : i32
    %sign3A_505 = arith.extui %sign3A_504 : i1 to i32
    %sign3A_506 = arith.constant 0 : i32
    %sign3A_507 = arith.cmpi slt, %jit3A_491, %sign3A_506 : i32
    %sign3A_508 = arith.extui %sign3A_507 : i1 to i32
    %sign3A_509 = arith.subi %sign3A_505, %sign3A_508 : i32
    %ne3A_510 = vector.broadcast %sign3A_509 : i32 to vector<256x320xi32>
    %ne3A_511 = arith.cmpi ne, %sign3A_502, %ne3A_510 : vector<256x320xi32>
    %rem3A_512 = vector.broadcast %jit3A_491 : i32 to vector<256x320xi32>
    %rem3A_513 = arith.remsi %iota3A_490, %rem3A_512 : vector<256x320xi32>
    %ne3A_514 = arith.constant 0 : i32
    %ne3A_515 = vector.broadcast %ne3A_514 : i32 to vector<256x320xi32>
    %ne3A_516 = arith.cmpi ne, %rem3A_513, %ne3A_515 : vector<256x320xi32>
    %and3A_517 = arith.andi %ne3A_511, %ne3A_516 : vector<256x320xi1>
    %sub3A_518 = arith.constant 1 : i32
    %sub3A_519 = vector.broadcast %sub3A_518 : i32 to vector<256x320xi32>
    %sub3A_520 = arith.subi %div3A_493, %sub3A_519 : vector<256x320xi32>
    %select_n3A_521 = arith.select %and3A_517, %sub3A_520, %div3A_493 : vector<256x320xi1>, vector<256x320xi32>
    %eq3A_522 = arith.cmpi eq, %select_n3A_521, %select_n3A_489 : vector<256x320xi32>
    %add3A_523 = arith.constant 1 : i32
    %add3A_524 = vector.broadcast %add3A_523 : i32 to vector<256x320xi32>
    %add3A_525 = arith.addi %select_n3A_489, %add3A_524 : vector<256x320xi32>
    %eq3A_526 = arith.cmpi eq, %select_n3A_521, %add3A_525 : vector<256x320xi32>
    %or3A_527 = arith.ori %eq3A_522, %eq3A_526 : vector<256x320xi1>
    %convert_element_type3A_528 = arith.truncf %slice3A_431 : vector<256x64xf32> to vector<256x64xbf16>
    %convert_element_type3A_529 = arith.truncf %div3A_449 : vector<320x64xf32> to vector<320x64xbf16>
    %dot_general3A_530 = arith.constant dense<0.000000e+00> : vector<256x320xf32>
    %dot_general3A_531 = tpu.matmul %convert_element_type3A_528, %convert_element_type3A_529, %dot_general3A_530 {dimension_numbers = #tpu.dot_dimension_numbers<[1], [1], [0], [0], [0, 0, 1, 0], [], []>, transpose_lhs_hint = false} : vector<256x64xbf16>, vector<320x64xbf16>, vector<256x320xf32> -> vector<256x320xf32>
    %mul3A_532 = arith.constant 1.250000e-01 : f32
    %mul3A_533 = vector.broadcast %mul3A_532 : f32 to vector<256x320xf32>
    %mul3A_534 = arith.mulf %dot_general3A_531, %mul3A_533 : vector<256x320xf32>
    %gt3A_535 = arith.constant 0 : i32
    %gt3A_536 = vector.broadcast %gt3A_535 : i32 to vector<256x320xi32>
    %gt3A_537 = arith.cmpi sgt, %sub3A_457, %gt3A_536 : vector<256x320xi32>
    %jit3A_538 = arith.constant -1.000000e+09 : f32
    %broadcast_in_dim3A_539 = vector.broadcast %jit3A_538 : f32 to vector<256x320xf32>
    %select_n3A_540 = arith.select %gt3A_537, %broadcast_in_dim3A_539, %mul3A_534 : vector<256x320xi1>, vector<256x320xf32>
    %eq3A_541 = arith.constant 0 : i32
    %eq3A_542 = vector.broadcast %eq3A_541 : i32 to vector<256x320xi32>
    %eq3A_543 = arith.cmpi eq, %sub3A_457, %eq3A_542 : vector<256x320xi32>
    %jit3A_544 = arith.constant -1.000000e+05 : f32
    %broadcast_in_dim3A_545 = vector.broadcast %jit3A_544 : f32 to vector<256x320xf32>
    %select_n3A_546 = arith.select %eq3A_543, %broadcast_in_dim3A_545, %select_n3A_540 : vector<256x320xi1>, vector<256x320xf32>
    %jit3A_547 = arith.constant -3.000000e+38 : f32
    %broadcast_in_dim3A_548 = vector.broadcast %jit3A_547 : f32 to vector<256x320xf32>
    %select_n3A_549 = arith.select %or3A_527, %select_n3A_546, %broadcast_in_dim3A_548 : vector<256x320xi1>, vector<256x320xf32>
    %reduce_max3A_550 = arith.constant dense<0xFF800000> : vector<256xf32>
    %reduce_max3A_551 = vector.multi_reduction <maximumf>, %select_n3A_549, %reduce_max3A_550 [1] : vector<256x320xf32> to vector<256xf32>
    %broadcast_in_dim3A_552 = vector.shape_cast %reduce_max3A_551 : vector<256xf32> to vector<256x1xf32>
    %sub3A_553 = vector.broadcast %broadcast_in_dim3A_552 : vector<256x1xf32> to vector<256x320xf32>
    %sub3A_554 = arith.subf %select_n3A_549, %sub3A_553 : vector<256x320xf32>
    %exp3A_555 = math.exp %sub3A_554 : vector<256x320xf32>
    %reduce_sum3A_556 = arith.constant dense<0.000000e+00> : vector<256xf32>
    %reduce_sum3A_557 = vector.multi_reduction <add>, %exp3A_555, %reduce_sum3A_556 [1] : vector<256x320xf32> to vector<256xf32>
    %broadcast_in_dim3A_558 = vector.shape_cast %reduce_sum3A_557 : vector<256xf32> to vector<256x1xf32>
    %div3A_559 = arith.constant 1.000000e+00 : f32
    %div3A_560 = vector.broadcast %div3A_559 : f32 to vector<256x1xf32>
    %div3A_561 = arith.divf %div3A_560, %broadcast_in_dim3A_558 : vector<256x1xf32>
    %mul3A_562 = vector.broadcast %div3A_561 : vector<256x1xf32> to vector<256x320xf32>
    %mul3A_563 = arith.mulf %exp3A_555, %mul3A_562 : vector<256x320xf32>
    %log3A_564 = math.log %broadcast_in_dim3A_558 : vector<256x1xf32>
    %add3A_565 = arith.addf %broadcast_in_dim3A_552, %log3A_564 : vector<256x1xf32>
    %convert_element_type3A_566 = arith.truncf %mul3A_563 : vector<256x320xf32> to vector<256x320xbf16>
    %convert_element_type3A_567 = arith.truncf %slice3A_439 : vector<320x64xf32> to vector<320x64xbf16>
    %dot_general3A_568 = arith.constant dense<0.000000e+00> : vector<256x64xf32>
    %dot_general3A_569 = tpu.matmul %convert_element_type3A_566, %convert_element_type3A_567, %dot_general3A_568 {dimension_numbers = #tpu.dot_dimension_numbers<[1], [0], [0], [1], [0, 0, 1, 1], [], []>, transpose_lhs_hint = false} : vector<256x320xbf16>, vector<320x64xbf16>, vector<256x64xf32> -> vector<256x64xf32>
    %broadcast_in_dim3A_570 = arith.constant 0.000000e+00 : f32
    %broadcast_in_dim3A_571 = vector.broadcast %broadcast_in_dim3A_570 : f32 to vector<256x63xf32>
    %concatenate3A_572 = tpu.concatenate %dot_general3A_569, %add3A_565, %broadcast_in_dim3A_571 in 1 : vector<256x64xf32>, vector<256x1xf32>, vector<256x63xf32> -> vector<256x128xf32>
    %swap3A_573 = arith.constant 0 : index
    %swap3A_574 = arith.constant 768 : index
    %swap3A_575 = arith.constant 0 : index
    %swap3A_576 = vector.load %arg4[%swap3A_573, %swap3A_574, %swap3A_575] : memref<1x4096x128xf32, #tpu.memory_space<vmem>>, vector<1x256x128xf32>
    %swap3A_577 = vector.shape_cast %swap3A_576 : vector<1x256x128xf32> to vector<256x128xf32>
    %swap3A_578 = vector.shape_cast %concatenate3A_572 : vector<256x128xf32> to vector<1x256x128xf32>
    tpu.vector_store %arg4[%swap3A_573, %swap3A_574, %swap3A_575], %swap3A_578 {strides = array<i32>} : memref<1x4096x128xf32, #tpu.memory_space<vmem>>, vector<1x256x128xf32>,
    %slice3A_579 = vector.extract_strided_slice %get3A_3 {offsets = [1024, 0], sizes = [256, 64], strides = [1, 1]} : vector<4096x128xf32> to vector<256x64xf32>
    %slice3A_580 = vector.extract_strided_slice %get3A_3 {offsets = [960, 0], sizes = [320, 128], strides = [1, 1]} : vector<4096x128xf32> to vector<320x128xf32>
    %get3A_581 = arith.constant 0 : index
    %get3A_582 = arith.constant 0 : index
    %get3A_583 = arith.constant 960 : index
    %get3A_584 = vector.load %arg3[%get3A_581, %get3A_582, %get3A_583] : memref<1x1x4096xi32, #tpu.memory_space<vmem>>, vector<1x1x320xi32>
    %get3A_585 = vector.shape_cast %get3A_584 : vector<1x1x320xi32> to vector<1x320xi32>
    %slice3A_586 = vector.extract_strided_slice %slice3A_580 {offsets = [0, 0], sizes = [320, 64], strides = [1, 1]} : vector<320x128xf32> to vector<320x64xf32>
    %slice3A_587 = vector.extract_strided_slice %slice3A_580 {offsets = [0, 64], sizes = [320, 64], strides = [1, 1]} : vector<320x128xf32> to vector<320x64xf32>
    %mul3A_588 = arith.mulf %slice3A_586, %slice3A_586 : vector<320x64xf32>
    %reduce_sum3A_589 = arith.constant dense<0.000000e+00> : vector<320xf32>
    %reduce_sum3A_590 = vector.multi_reduction <add>, %mul3A_588, %reduce_sum3A_589 [1] : vector<320x64xf32> to vector<320xf32>
    %broadcast_in_dim3A_591 = vector.shape_cast %reduce_sum3A_590 : vector<320xf32> to vector<320x1xf32>
    %sqrt3A_592 = math.sqrt %broadcast_in_dim3A_591 : vector<320x1xf32>
    %add3A_593 = arith.constant 9.99999971E-10 : f32
    %add3A_594 = vector.broadcast %add3A_593 : f32 to vector<320x1xf32>
    %add3A_595 = arith.addf %sqrt3A_592, %add3A_594 : vector<320x1xf32>
    %div3A_596 = vector.broadcast %add3A_595 : vector<320x1xf32> to vector<320x64xf32>
    %div3A_597 = arith.divf %slice3A_586, %div3A_596 : vector<320x64xf32>
    %get3A_598 = arith.constant 0 : index
    %get3A_599 = arith.constant 1024 : index
    %get3A_600 = arith.constant 0 : index
    %get3A_601 = vector.load %arg2[%get3A_598, %get3A_599, %get3A_600] : memref<1x4096x1xi32, #tpu.memory_space<vmem>>, vector<1x256x1xi32>
    %get3A_602 = vector.shape_cast %get3A_601 : vector<1x256x1xi32> to vector<256x1xi32>
    %sub3A_603 = vector.broadcast %get3A_585 : vector<1x320xi32> to vector<256x320xi32>
    %sub3A_604 = vector.broadcast %get3A_602 : vector<256x1xi32> to vector<256x320xi32>
    %sub3A_605 = arith.subi %sub3A_603, %sub3A_604 : vector<256x320xi32>
    %iota3A_606 = tpu.iota {dimensions = array<i32: 0>} : vector<256x320xi32>
    %jit3A_607 = arith.constant 64 : i32
    %div3A_608 = vector.broadcast %jit3A_607 : i32 to vector<256x320xi32>
    %div3A_609 = arith.divsi %iota3A_606, %div3A_608 : vector<256x320xi32>
    %sign3A_610 = arith.constant 0 : i32
    %sign3A_611 = vector.broadcast %sign3A_610 : i32 to vector<256x320xi32>
    %sign3A_612 = arith.cmpi sgt, %iota3A_606, %sign3A_611 : vector<256x320xi32>
    %sign3A_613 = arith.extui %sign3A_612 : vector<256x320xi1> to vector<256x320xi32>
    %sign3A_614 = arith.constant 0 : i32
    %sign3A_615 = vector.broadcast %sign3A_614 : i32 to vector<256x320xi32>
    %sign3A_616 = arith.cmpi slt, %iota3A_606, %sign3A_615 : vector<256x320xi32>
    %sign3A_617 = arith.extui %sign3A_616 : vector<256x320xi1> to vector<256x320xi32>
    %sign3A_618 = arith.subi %sign3A_613, %sign3A_617 : vector<256x320xi32>
    %sign3A_619 = arith.constant 0 : i32
    %sign3A_620 = arith.cmpi sgt, %jit3A_607, %sign3A_619 : i32
    %sign3A_621 = arith.extui %sign3A_620 : i1 to i32
    %sign3A_622 = arith.constant 0 : i32
    %sign3A_623 = arith.cmpi slt, %jit3A_607, %sign3A_622 : i32
    %sign3A_624 = arith.extui %sign3A_623 : i1 to i32
    %sign3A_625 = arith.subi %sign3A_621, %sign3A_624 : i32
    %ne3A_626 = vector.broadcast %sign3A_625 : i32 to vector<256x320xi32>
    %ne3A_627 = arith.cmpi ne, %sign3A_618, %ne3A_626 : vector<256x320xi32>
    %rem3A_628 = vector.broadcast %jit3A_607 : i32 to vector<256x320xi32>
    %rem3A_629 = arith.remsi %iota3A_606, %rem3A_628 : vector<256x320xi32>
    %ne3A_630 = arith.constant 0 : i32
    %ne3A_631 = vector.broadcast %ne3A_630 : i32 to vector<256x320xi32>
    %ne3A_632 = arith.cmpi ne, %rem3A_629, %ne3A_631 : vector<256x320xi32>
    %and3A_633 = arith.andi %ne3A_627, %ne3A_632 : vector<256x320xi1>
    %sub3A_634 = arith.constant 1 : i32
    %sub3A_635 = vector.broadcast %sub3A_634 : i32 to vector<256x320xi32>
    %sub3A_636 = arith.subi %div3A_609, %sub3A_635 : vector<256x320xi32>
    %select_n3A_637 = arith.select %and3A_633, %sub3A_636, %div3A_609 : vector<256x320xi1>, vector<256x320xi32>
    %iota3A_638 = tpu.iota {dimensions = array<i32: 1>} : vector<256x320xi32>
    %jit3A_639 = arith.constant 64 : i32
    %div3A_640 = vector.broadcast %jit3A_639 : i32 to vector<256x320xi32>
    %div3A_641 = arith.divsi %iota3A_638, %div3A_640 : vector<256x320xi32>
    %sign3A_642 = arith.constant 0 : i32
    %sign3A_643 = vector.broadcast %sign3A_642 : i32 to vector<256x320xi32>
    %sign3A_644 = arith.cmpi sgt, %iota3A_638, %sign3A_643 : vector<256x320xi32>
    %sign3A_645 = arith.extui %sign3A_644 : vector<256x320xi1> to vector<256x320xi32>
    %sign3A_646 = arith.constant 0 : i32
    %sign3A_647 = vector.broadcast %sign3A_646 : i32 to vector<256x320xi32>
    %sign3A_648 = arith.cmpi slt, %iota3A_638, %sign3A_647 : vector<256x320xi32>
    %sign3A_649 = arith.extui %sign3A_648 : vector<256x320xi1> to vector<256x320xi32>
    %sign3A_650 = arith.subi %sign3A_645, %sign3A_649 : vector<256x320xi32>
    %sign3A_651 = arith.constant 0 : i32
    %sign3A_652 = arith.cmpi sgt, %jit3A_639, %sign3A_651 : i32
    %sign3A_653 = arith.extui %sign3A_652 : i1 to i32
    %sign3A_654 = arith.constant 0 : i32
    %sign3A_655 = arith.cmpi slt, %jit3A_639, %sign3A_654 : i32
    %sign3A_656 = arith.extui %sign3A_655 : i1 to i32
    %sign3A_657 = arith.subi %sign3A_653, %sign3A_656 : i32
    %ne3A_658 = vector.broadcast %sign3A_657 : i32 to vector<256x320xi32>
    %ne3A_659 = arith.cmpi ne, %sign3A_650, %ne3A_658 : vector<256x320xi32>
    %rem3A_660 = vector.broadcast %jit3A_639 : i32 to vector<256x320xi32>
    %rem3A_661 = arith.remsi %iota3A_638, %rem3A_660 : vector<256x320xi32>
    %ne3A_662 = arith.constant 0 : i32
    %ne3A_663 = vector.broadcast %ne3A_662 : i32 to vector<256x320xi32>
    %ne3A_664 = arith.cmpi ne, %rem3A_661, %ne3A_663 : vector<256x320xi32>
    %and3A_665 = arith.andi %ne3A_659, %ne3A_664 : vector<256x320xi1>
    %sub3A_666 = arith.constant 1 : i32
    %sub3A_667 = vector.broadcast %sub3A_666 : i32 to vector<256x320xi32>
    %sub3A_668 = arith.subi %div3A_641, %sub3A_667 : vector<256x320xi32>
    %select_n3A_669 = arith.select %and3A_665, %sub3A_668, %div3A_641 : vector<256x320xi1>, vector<256x320xi32>
    %eq3A_670 = arith.cmpi eq, %select_n3A_669, %select_n3A_637 : vector<256x320xi32>
    %add3A_671 = arith.constant 1 : i32
    %add3A_672 = vector.broadcast %add3A_671 : i32 to vector<256x320xi32>
    %add3A_673 = arith.addi %select_n3A_637, %add3A_672 : vector<256x320xi32>
    %eq3A_674 = arith.cmpi eq, %select_n3A_669, %add3A_673 : vector<256x320xi32>
    %or3A_675 = arith.ori %eq3A_670, %eq3A_674 : vector<256x320xi1>
    %convert_element_type3A_676 = arith.truncf %slice3A_579 : vector<256x64xf32> to vector<256x64xbf16>
    %convert_element_type3A_677 = arith.truncf %div3A_597 : vector<320x64xf32> to vector<320x64xbf16>
    %dot_general3A_678 = arith.constant dense<0.000000e+00> : vector<256x320xf32>
    %dot_general3A_679 = tpu.matmul %convert_element_type3A_676, %convert_element_type3A_677, %dot_general3A_678 {dimension_numbers = #tpu.dot_dimension_numbers<[1], [1], [0], [0], [0, 0, 1, 0], [], []>, transpose_lhs_hint = false} : vector<256x64xbf16>, vector<320x64xbf16>, vector<256x320xf32> -> vector<256x320xf32>
    %mul3A_680 = arith.constant 1.250000e-01 : f32
    %mul3A_681 = vector.broadcast %mul3A_680 : f32 to vector<256x320xf32>
    %mul3A_682 = arith.mulf %dot_general3A_679, %mul3A_681 : vector<256x320xf32>
    %gt3A_683 = arith.constant 0 : i32
    %gt3A_684 = vector.broadcast %gt3A_683 : i32 to vector<256x320xi32>
    %gt3A_685 = arith.cmpi sgt, %sub3A_605, %gt3A_684 : vector<256x320xi32>
    %jit3A_686 = arith.constant -1.000000e+09 : f32
    %broadcast_in_dim3A_687 = vector.broadcast %jit3A_686 : f32 to vector<256x320xf32>
    %select_n3A_688 = arith.select %gt3A_685, %broadcast_in_dim3A_687, %mul3A_682 : vector<256x320xi1>, vector<256x320xf32>
    %eq3A_689 = arith.constant 0 : i32
    %eq3A_690 = vector.broadcast %eq3A_689 : i32 to vector<256x320xi32>
    %eq3A_691 = arith.cmpi eq, %sub3A_605, %eq3A_690 : vector<256x320xi32>
    %jit3A_692 = arith.constant -1.000000e+05 : f32
    %broadcast_in_dim3A_693 = vector.broadcast %jit3A_692 : f32 to vector<256x320xf32>
    %select_n3A_694 = arith.select %eq3A_691, %broadcast_in_dim3A_693, %select_n3A_688 : vector<256x320xi1>, vector<256x320xf32>
    %jit3A_695 = arith.constant -3.000000e+38 : f32
    %broadcast_in_dim3A_696 = vector.broadcast %jit3A_695 : f32 to vector<256x320xf32>
    %select_n3A_697 = arith.select %or3A_675, %select_n3A_694, %broadcast_in_dim3A_696 : vector<256x320xi1>, vector<256x320xf32>
    %reduce_max3A_698 = arith.constant dense<0xFF800000> : vector<256xf32>
    %reduce_max3A_699 = vector.multi_reduction <maximumf>, %select_n3A_697, %reduce_max3A_698 [1] : vector<256x320xf32> to vector<256xf32>
    %broadcast_in_dim3A_700 = vector.shape_cast %reduce_max3A_699 : vector<256xf32> to vector<256x1xf32>
    %sub3A_701 = vector.broadcast %broadcast_in_dim3A_700 : vector<256x1xf32> to vector<256x320xf32>
    %sub3A_702 = arith.subf %select_n3A_697, %sub3A_701 : vector<256x320xf32>
    %exp3A_703 = math.exp %sub3A_702 : vector<256x320xf32>
    %reduce_sum3A_704 = arith.constant dense<0.000000e+00> : vector<256xf32>
    %reduce_sum3A_705 = vector.multi_reduction <add>, %exp3A_703, %reduce_sum3A_704 [1] : vector<256x320xf32> to vector<256xf32>
    %broadcast_in_dim3A_706 = vector.shape_cast %reduce_sum3A_705 : vector<256xf32> to vector<256x1xf32>
    %div3A_707 = arith.constant 1.000000e+00 : f32
    %div3A_708 = vector.broadcast %div3A_707 : f32 to vector<256x1xf32>
    %div3A_709 = arith.divf %div3A_708, %broadcast_in_dim3A_706 : vector<256x1xf32>
    %mul3A_710 = vector.broadcast %div3A_709 : vector<256x1xf32> to vector<256x320xf32>
    %mul3A_711 = arith.mulf %exp3A_703, %mul3A_710 : vector<256x320xf32>
    %log3A_712 = math.log %broadcast_in_dim3A_706 : vector<256x1xf32>
    %add3A_713 = arith.addf %broadcast_in_dim3A_700, %log3A_712 : vector<256x1xf32>
    %convert_element_type3A_714 = arith.truncf %mul3A_711 : vector<256x320xf32> to vector<256x320xbf16>
    %convert_element_type3A_715 = arith.truncf %slice3A_587 : vector<320x64xf32> to vector<320x64xbf16>
    %dot_general3A_716 = arith.constant dense<0.000000e+00> : vector<256x64xf32>
    %dot_general3A_717 = tpu.matmul %convert_element_type3A_714, %convert_element_type3A_715, %dot_general3A_716 {dimension_numbers = #tpu.dot_dimension_numbers<[1], [0], [0], [1], [0, 0, 1, 1], [], []>, transpose_lhs_hint = false} : vector<256x320xbf16>, vector<320x64xbf16>, vector<256x64xf32> -> vector<256x64xf32>
    %broadcast_in_dim3A_718 = arith.constant 0.000000e+00 : f32
    %broadcast_in_dim3A_719 = vector.broadcast %broadcast_in_dim3A_718 : f32 to vector<256x63xf32>
    %concatenate3A_720 = tpu.concatenate %dot_general3A_717, %add3A_713, %broadcast_in_dim3A_719 in 1 : vector<256x64xf32>, vector<256x1xf32>, vector<256x63xf32> -> vector<256x128xf32>
    %swap3A_721 = arith.constant 0 : index
    %swap3A_722 = arith.constant 1024 : index
    %swap3A_723 = arith.constant 0 : index
    %swap3A_724 = vector.load %arg4[%swap3A_721, %swap3A_722, %swap3A_723] : memref<1x4096x128xf32, #tpu.memory_space<vmem>>, vector<1x256x128xf32>
    %swap3A_725 = vector.shape_cast %swap3A_724 : vector<1x256x128xf32> to vector<256x128xf32>
    %swap3A_726 = vector.shape_cast %concatenate3A_720 : vector<256x128xf32> to vector<1x256x128xf32>
    tpu.vector_store %arg4[%swap3A_721, %swap3A_722, %swap3A_723], %swap3A_726 {strides = array<i32>} : memref<1x4096x128xf32, #tpu.memory_space<vmem>>, vector<1x256x128xf32>,
    %slice3A_727 = vector.extract_strided_slice %get3A_3 {offsets = [1280, 0], sizes = [256, 64], strides = [1, 1]} : vector<4096x128xf32> to vector<256x64xf32>
    %slice3A_728 = vector.extract_strided_slice %get3A_3 {offsets = [1216, 0], sizes = [320, 128], strides = [1, 1]} : vector<4096x128xf32> to vector<320x128xf32>
    %get3A_729 = arith.constant 0 : index
    %get3A_730 = arith.constant 0 : index
    %get3A_731 = arith.constant 1216 : index
    %get3A_732 = vector.load %arg3[%get3A_729, %get3A_730, %get3A_731] : memref<1x1x4096xi32, #tpu.memory_space<vmem>>, vector<1x1x320xi32>
    %get3A_733 = vector.shape_cast %get3A_732 : vector<1x1x320xi32> to vector<1x320xi32>
    %slice3A_734 = vector.extract_strided_slice %slice3A_728 {offsets = [0, 0], sizes = [320, 64], strides = [1, 1]} : vector<320x128xf32> to vector<320x64xf32>
    %slice3A_735 = vector.extract_strided_slice %slice3A_728 {offsets = [0, 64], sizes = [320, 64], strides = [1, 1]} : vector<320x128xf32> to vector<320x64xf32>
    %mul3A_736 = arith.mulf %slice3A_734, %slice3A_734 : vector<320x64xf32>
    %reduce_sum3A_737 = arith.constant dense<0.000000e+00> : vector<320xf32>
    %reduce_sum3A_738 = vector.multi_reduction <add>, %mul3A_736, %reduce_sum3A_737 [1] : vector<320x64xf32> to vector<320xf32>
    %broadcast_in_dim3A_739 = vector.shape_cast %reduce_sum3A_738 : vector<320xf32> to vector<320x1xf32>
    %sqrt3A_740 = math.sqrt %broadcast_in_dim3A_739 : vector<320x1xf32>
    %add3A_741 = arith.constant 9.99999971E-10 : f32
    %add3A_742 = vector.broadcast %add3A_741 : f32 to vector<320x1xf32>
    %add3A_743 = arith.addf %sqrt3A_740, %add3A_742 : vector<320x1xf32>
    %div3A_744 = vector.broadcast %add3A_743 : vector<320x1xf32> to vector<320x64xf32>
    %div3A_745 = arith.divf %slice3A_734, %div3A_744 : vector<320x64xf32>
    %get3A_746 = arith.constant 0 : index
    %get3A_747 = arith.constant 1280 : index
    %get3A_748 = arith.constant 0 : index
    %get3A_749 = vector.load %arg2[%get3A_746, %get3A_747, %get3A_748] : memref<1x4096x1xi32, #tpu.memory_space<vmem>>, vector<1x256x1xi32>
    %get3A_750 = vector.shape_cast %get3A_749 : vector<1x256x1xi32> to vector<256x1xi32>
    %sub3A_751 = vector.broadcast %get3A_733 : vector<1x320xi32> to vector<256x320xi32>
    %sub3A_752 = vector.broadcast %get3A_750 : vector<256x1xi32> to vector<256x320xi32>
    %sub3A_753 = arith.subi %sub3A_751, %sub3A_752 : vector<256x320xi32>
    %iota3A_754 = tpu.iota {dimensions = array<i32: 0>} : vector<256x320xi32>
    %jit3A_755 = arith.constant 64 : i32
    %div3A_756 = vector.broadcast %jit3A_755 : i32 to vector<256x320xi32>
    %div3A_757 = arith.divsi %iota3A_754, %div3A_756 : vector<256x320xi32>
    %sign3A_758 = arith.constant 0 : i32
    %sign3A_759 = vector.broadcast %sign3A_758 : i32 to vector<256x320xi32>
    %sign3A_760 = arith.cmpi sgt, %iota3A_754, %sign3A_759 : vector<256x320xi32>
    %sign3A_761 = arith.extui %sign3A_760 : vector<256x320xi1> to vector<256x320xi32>
    %sign3A_762 = arith.constant 0 : i32
    %sign3A_763 = vector.broadcast %sign3A_762 : i32 to vector<256x320xi32>
    %sign3A_764 = arith.cmpi slt, %iota3A_754, %sign3A_763 : vector<256x320xi32>
    %sign3A_765 = arith.extui %sign3A_764 : vector<256x320xi1> to vector<256x320xi32>
    %sign3A_766 = arith.subi %sign3A_761, %sign3A_765 : vector<256x320xi32>
    %sign3A_767 = arith.constant 0 : i32
    %sign3A_768 = arith.cmpi sgt, %jit3A_755, %sign3A_767 : i32
    %sign3A_769 = arith.extui %sign3A_768 : i1 to i32
    %sign3A_770 = arith.constant 0 : i32
    %sign3A_771 = arith.cmpi slt, %jit3A_755, %sign3A_770 : i32
    %sign3A_772 = arith.extui %sign3A_771 : i1 to i32
    %sign3A_773 = arith.subi %sign3A_769, %sign3A_772 : i32
    %ne3A_774 = vector.broadcast %sign3A_773 : i32 to vector<256x320xi32>
    %ne3A_775 = arith.cmpi ne, %sign3A_766, %ne3A_774 : vector<256x320xi32>
    %rem3A_776 = vector.broadcast %jit3A_755 : i32 to vector<256x320xi32>
    %rem3A_777 = arith.remsi %iota3A_754, %rem3A_776 : vector<256x320xi32>
    %ne3A_778 = arith.constant 0 : i32
    %ne3A_779 = vector.broadcast %ne3A_778 : i32 to vector<256x320xi32>
    %ne3A_780 = arith.cmpi ne, %rem3A_777, %ne3A_779 : vector<256x320xi32>
    %and3A_781 = arith.andi %ne3A_775, %ne3A_780 : vector<256x320xi1>
    %sub3A_782 = arith.constant 1 : i32
    %sub3A_783 = vector.broadcast %sub3A_782 : i32 to vector<256x320xi32>
    %sub3A_784 = arith.subi %div3A_757, %sub3A_783 : vector<256x320xi32>
    %select_n3A_785 = arith.select %and3A_781, %sub3A_784, %div3A_757 : vector<256x320xi1>, vector<256x320xi32>
    %iota3A_786 = tpu.iota {dimensions = array<i32: 1>} : vector<256x320xi32>
    %jit3A_787 = arith.constant 64 : i32
    %div3A_788 = vector.broadcast %jit3A_787 : i32 to vector<256x320xi32>
    %div3A_789 = arith.divsi %iota3A_786, %div3A_788 : vector<256x320xi32>
    %sign3A_790 = arith.constant 0 : i32
    %sign3A_791 = vector.broadcast %sign3A_790 : i32 to vector<256x320xi32>
    %sign3A_792 = arith.cmpi sgt, %iota3A_786, %sign3A_791 : vector<256x320xi32>
    %sign3A_793 = arith.extui %sign3A_792 : vector<256x320xi1> to vector<256x320xi32>
    %sign3A_794 = arith.constant 0 : i32
    %sign3A_795 = vector.broadcast %sign3A_794 : i32 to vector<256x320xi32>
    %sign3A_796 = arith.cmpi slt, %iota3A_786, %sign3A_795 : vector<256x320xi32>
    %sign3A_797 = arith.extui %sign3A_796 : vector<256x320xi1> to vector<256x320xi32>
    %sign3A_798 = arith.subi %sign3A_793, %sign3A_797 : vector<256x320xi32>
    %sign3A_799 = arith.constant 0 : i32
    %sign3A_800 = arith.cmpi sgt, %jit3A_787, %sign3A_799 : i32
    %sign3A_801 = arith.extui %sign3A_800 : i1 to i32
    %sign3A_802 = arith.constant 0 : i32
    %sign3A_803 = arith.cmpi slt, %jit3A_787, %sign3A_802 : i32
    %sign3A_804 = arith.extui %sign3A_803 : i1 to i32
    %sign3A_805 = arith.subi %sign3A_801, %sign3A_804 : i32
    %ne3A_806 = vector.broadcast %sign3A_805 : i32 to vector<256x320xi32>
    %ne3A_807 = arith.cmpi ne, %sign3A_798, %ne3A_806 : vector<256x320xi32>
    %rem3A_808 = vector.broadcast %jit3A_787 : i32 to vector<256x320xi32>
    %rem3A_809 = arith.remsi %iota3A_786, %rem3A_808 : vector<256x320xi32>
    %ne3A_810 = arith.constant 0 : i32
    %ne3A_811 = vector.broadcast %ne3A_810 : i32 to vector<256x320xi32>
    %ne3A_812 = arith.cmpi ne, %rem3A_809, %ne3A_811 : vector<256x320xi32>
    %and3A_813 = arith.andi %ne3A_807, %ne3A_812 : vector<256x320xi1>
    %sub3A_814 = arith.constant 1 : i32
    %sub3A_815 = vector.broadcast %sub3A_814 : i32 to vector<256x320xi32>
    %sub3A_816 = arith.subi %div3A_789, %sub3A_815 : vector<256x320xi32>
    %select_n3A_817 = arith.select %and3A_813, %sub3A_816, %div3A_789 : vector<256x320xi1>, vector<256x320xi32>
    %eq3A_818 = arith.cmpi eq, %select_n3A_817, %select_n3A_785 : vector<256x320xi32>
    %add3A_819 = arith.constant 1 : i32
    %add3A_820 = vector.broadcast %add3A_819 : i32 to vector<256x320xi32>
    %add3A_821 = arith.addi %select_n3A_785, %add3A_820 : vector<256x320xi32>
    %eq3A_822 = arith.cmpi eq, %select_n3A_817, %add3A_821 : vector<256x320xi32>
    %or3A_823 = arith.ori %eq3A_818, %eq3A_822 : vector<256x320xi1>
    %convert_element_type3A_824 = arith.truncf %slice3A_727 : vector<256x64xf32> to vector<256x64xbf16>
    %convert_element_type3A_825 = arith.truncf %div3A_745 : vector<320x64xf32> to vector<320x64xbf16>
    %dot_general3A_826 = arith.constant dense<0.000000e+00> : vector<256x320xf32>
    %dot_general3A_827 = tpu.matmul %convert_element_type3A_824, %convert_element_type3A_825, %dot_general3A_826 {dimension_numbers = #tpu.dot_dimension_numbers<[1], [1], [0], [0], [0, 0, 1, 0], [], []>, transpose_lhs_hint = false} : vector<256x64xbf16>, vector<320x64xbf16>, vector<256x320xf32> -> vector<256x320xf32>
    %mul3A_828 = arith.constant 1.250000e-01 : f32
    %mul3A_829 = vector.broadcast %mul3A_828 : f32 to vector<256x320xf32>
    %mul3A_830 = arith.mulf %dot_general3A_827, %mul3A_829 : vector<256x320xf32>
    %gt3A_831 = arith.constant 0 : i32
    %gt3A_832 = vector.broadcast %gt3A_831 : i32 to vector<256x320xi32>
    %gt3A_833 = arith.cmpi sgt, %sub3A_753, %gt3A_832 : vector<256x320xi32>
    %jit3A_834 = arith.constant -1.000000e+09 : f32
    %broadcast_in_dim3A_835 = vector.broadcast %jit3A_834 : f32 to vector<256x320xf32>
    %select_n3A_836 = arith.select %gt3A_833, %broadcast_in_dim3A_835, %mul3A_830 : vector<256x320xi1>, vector<256x320xf32>
    %eq3A_837 = arith.constant 0 : i32
    %eq3A_838 = vector.broadcast %eq3A_837 : i32 to vector<256x320xi32>
    %eq3A_839 = arith.cmpi eq, %sub3A_753, %eq3A_838 : vector<256x320xi32>
    %jit3A_840 = arith.constant -1.000000e+05 : f32
    %broadcast_in_dim3A_841 = vector.broadcast %jit3A_840 : f32 to vector<256x320xf32>
    %select_n3A_842 = arith.select %eq3A_839, %broadcast_in_dim3A_841, %select_n3A_836 : vector<256x320xi1>, vector<256x320xf32>
    %jit3A_843 = arith.constant -3.000000e+38 : f32
    %broadcast_in_dim3A_844 = vector.broadcast %jit3A_843 : f32 to vector<256x320xf32>
    %select_n3A_845 = arith.select %or3A_823, %select_n3A_842, %broadcast_in_dim3A_844 : vector<256x320xi1>, vector<256x320xf32>
    %reduce_max3A_846 = arith.constant dense<0xFF800000> : vector<256xf32>
    %reduce_max3A_847 = vector.multi_reduction <maximumf>, %select_n3A_845, %reduce_max3A_846 [1] : vector<256x320xf32> to vector<256xf32>
    %broadcast_in_dim3A_848 = vector.shape_cast %reduce_max3A_847 : vector<256xf32> to vector<256x1xf32>
    %sub3A_849 = vector.broadcast %broadcast_in_dim3A_848 : vector<256x1xf32> to vector<256x320xf32>
    %sub3A_850 = arith.subf %select_n3A_845, %sub3A_849 : vector<256x320xf32>
    %exp3A_851 = math.exp %sub3A_850 : vector<256x320xf32>
    %reduce_sum3A_852 = arith.constant dense<0.000000e+00> : vector<256xf32>
    %reduce_sum3A_853 = vector.multi_reduction <add>, %exp3A_851, %reduce_sum3A_852 [1] : vector<256x320xf32> to vector<256xf32>
    %broadcast_in_dim3A_854 = vector.shape_cast %reduce_sum3A_853 : vector<256xf32> to vector<256x1xf32>
    %div3A_855 = arith.constant 1.000000e+00 : f32
    %div3A_856 = vector.broadcast %div3A_855 : f32 to vector<256x1xf32>
    %div3A_857 = arith.divf %div3A_856, %broadcast_in_dim3A_854 : vector<256x1xf32>
    %mul3A_858 = vector.broadcast %div3A_857 : vector<256x1xf32> to vector<256x320xf32>
    %mul3A_859 = arith.mulf %exp3A_851, %mul3A_858 : vector<256x320xf32>
    %log3A_860 = math.log %broadcast_in_dim3A_854 : vector<256x1xf32>
    %add3A_861 = arith.addf %broadcast_in_dim3A_848, %log3A_860 : vector<256x1xf32>
    %convert_element_type3A_862 = arith.truncf %mul3A_859 : vector<256x320xf32> to vector<256x320xbf16>
    %convert_element_type3A_863 = arith.truncf %slice3A_735 : vector<320x64xf32> to vector<320x64xbf16>
    %dot_general3A_864 = arith.constant dense<0.000000e+00> : vector<256x64xf32>
    %dot_general3A_865 = tpu.matmul %convert_element_type3A_862, %convert_element_type3A_863, %dot_general3A_864 {dimension_numbers = #tpu.dot_dimension_numbers<[1], [0], [0], [1], [0, 0, 1, 1], [], []>, transpose_lhs_hint = false} : vector<256x320xbf16>, vector<320x64xbf16>, vector<256x64xf32> -> vector<256x64xf32>
    %broadcast_in_dim3A_866 = arith.constant 0.000000e+00 : f32
    %broadcast_in_dim3A_867 = vector.broadcast %broadcast_in_dim3A_866 : f32 to vector<256x63xf32>
    %concatenate3A_868 = tpu.concatenate %dot_general3A_865, %add3A_861, %broadcast_in_dim3A_867 in 1 : vector<256x64xf32>, vector<256x1xf32>, vector<256x63xf32> -> vector<256x128xf32>
    %swap3A_869 = arith.constant 0 : index
    %swap3A_870 = arith.constant 1280 : index
    %swap3A_871 = arith.constant 0 : index
    %swap3A_872 = vector.load %arg4[%swap3A_869, %swap3A_870, %swap3A_871] : memref<1x4096x128xf32, #tpu.memory_space<vmem>>, vector<1x256x128xf32>
    %swap3A_873 = vector.shape_cast %swap3A_872 : vector<1x256x128xf32> to vector<256x128xf32>
    %swap3A_874 = vector.shape_cast %concatenate3A_868 : vector<256x128xf32> to vector<1x256x128xf32>
    tpu.vector_store %arg4[%swap3A_869, %swap3A_870, %swap3A_871], %swap3A_874 {strides = array<i32>} : memref<1x4096x128xf32, #tpu.memory_space<vmem>>, vector<1x256x128xf32>,
    %slice3A_875 = vector.extract_strided_slice %get3A_3 {offsets = [1536, 0], sizes = [256, 64], strides = [1, 1]} : vector<4096x128xf32> to vector<256x64xf32>
    %slice3A_876 = vector.extract_strided_slice %get3A_3 {offsets = [1472, 0], sizes = [320, 128], strides = [1, 1]} : vector<4096x128xf32> to vector<320x128xf32>
    %get3A_877 = arith.constant 0 : index
    %get3A_878 = arith.constant 0 : index
    %get3A_879 = arith.constant 1472 : index
    %get3A_880 = vector.load %arg3[%get3A_877, %get3A_878, %get3A_879] : memref<1x1x4096xi32, #tpu.memory_space<vmem>>, vector<1x1x320xi32>
    %get3A_881 = vector.shape_cast %get3A_880 : vector<1x1x320xi32> to vector<1x320xi32>
    %slice3A_882 = vector.extract_strided_slice %slice3A_876 {offsets = [0, 0], sizes = [320, 64], strides = [1, 1]} : vector<320x128xf32> to vector<320x64xf32>
    %slice3A_883 = vector.extract_strided_slice %slice3A_876 {offsets = [0, 64], sizes = [320, 64], strides = [1, 1]} : vector<320x128xf32> to vector<320x64xf32>
    %mul3A_884 = arith.mulf %slice3A_882, %slice3A_882 : vector<320x64xf32>
    %reduce_sum3A_885 = arith.constant dense<0.000000e+00> : vector<320xf32>
    %reduce_sum3A_886 = vector.multi_reduction <add>, %mul3A_884, %reduce_sum3A_885 [1] : vector<320x64xf32> to vector<320xf32>
    %broadcast_in_dim3A_887 = vector.shape_cast %reduce_sum3A_886 : vector<320xf32> to vector<320x1xf32>
    %sqrt3A_888 = math.sqrt %broadcast_in_dim3A_887 : vector<320x1xf32>
    %add3A_889 = arith.constant 9.99999971E-10 : f32
    %add3A_890 = vector.broadcast %add3A_889 : f32 to vector<320x1xf32>
    %add3A_891 = arith.addf %sqrt3A_888, %add3A_890 : vector<320x1xf32>
    %div3A_892 = vector.broadcast %add3A_891 : vector<320x1xf32> to vector<320x64xf32>
    %div3A_893 = arith.divf %slice3A_882, %div3A_892 : vector<320x64xf32>
    %get3A_894 = arith.constant 0 : index
    %get3A_895 = arith.constant 1536 : index
    %get3A_896 = arith.constant 0 : index
    %get3A_897 = vector.load %arg2[%get3A_894, %get3A_895, %get3A_896] : memref<1x4096x1xi32, #tpu.memory_space<vmem>>, vector<1x256x1xi32>
    %get3A_898 = vector.shape_cast %get3A_897 : vector<1x256x1xi32> to vector<256x1xi32>
    %sub3A_899 = vector.broadcast %get3A_881 : vector<1x320xi32> to vector<256x320xi32>
    %sub3A_900 = vector.broadcast %get3A_898 : vector<256x1xi32> to vector<256x320xi32>
    %sub3A_901 = arith.subi %sub3A_899, %sub3A_900 : vector<256x320xi32>
    %iota3A_902 = tpu.iota {dimensions = array<i32: 0>} : vector<256x320xi32>
    %jit3A_903 = arith.constant 64 : i32
    %div3A_904 = vector.broadcast %jit3A_903 : i32 to vector<256x320xi32>
    %div3A_905 = arith.divsi %iota3A_902, %div3A_904 : vector<256x320xi32>
    %sign3A_906 = arith.constant 0 : i32
    %sign3A_907 = vector.broadcast %sign3A_906 : i32 to vector<256x320xi32>
    %sign3A_908 = arith.cmpi sgt, %iota3A_902, %sign3A_907 : vector<256x320xi32>
    %sign3A_909 = arith.extui %sign3A_908 : vector<256x320xi1> to vector<256x320xi32>
    %sign3A_910 = arith.constant 0 : i32
    %sign3A_911 = vector.broadcast %sign3A_910 : i32 to vector<256x320xi32>
    %sign3A_912 = arith.cmpi slt, %iota3A_902, %sign3A_911 : vector<256x320xi32>
    %sign3A_913 = arith.extui %sign3A_912 : vector<256x320xi1> to vector<256x320xi32>
    %sign3A_914 = arith.subi %sign3A_909, %sign3A_913 : vector<256x320xi32>
    %sign3A_915 = arith.constant 0 : i32
    %sign3A_916 = arith.cmpi sgt, %jit3A_903, %sign3A_915 : i32
    %sign3A_917 = arith.extui %sign3A_916 : i1 to i32
    %sign3A_918 = arith.constant 0 : i32
    %sign3A_919 = arith.cmpi slt, %jit3A_903, %sign3A_918 : i32
    %sign3A_920 = arith.extui %sign3A_919 : i1 to i32
    %sign3A_921 = arith.subi %sign3A_917, %sign3A_920 : i32
    %ne3A_922 = vector.broadcast %sign3A_921 : i32 to vector<256x320xi32>
    %ne3A_923 = arith.cmpi ne, %sign3A_914, %ne3A_922 : vector<256x320xi32>
    %rem3A_924 = vector.broadcast %jit3A_903 : i32 to vector<256x320xi32>
    %rem3A_925 = arith.remsi %iota3A_902, %rem3A_924 : vector<256x320xi32>
    %ne3A_926 = arith.constant 0 : i32
    %ne3A_927 = vector.broadcast %ne3A_926 : i32 to vector<256x320xi32>
    %ne3A_928 = arith.cmpi ne, %rem3A_925, %ne3A_927 : vector<256x320xi32>
    %and3A_929 = arith.andi %ne3A_923, %ne3A_928 : vector<256x320xi1>
    %sub3A_930 = arith.constant 1 : i32
    %sub3A_931 = vector.broadcast %sub3A_930 : i32 to vector<256x320xi32>
    %sub3A_932 = arith.subi %div3A_905, %sub3A_931 : vector<256x320xi32>
    %select_n3A_933 = arith.select %and3A_929, %sub3A_932, %div3A_905 : vector<256x320xi1>, vector<256x320xi32>
    %iota3A_934 = tpu.iota {dimensions = array<i32: 1>} : vector<256x320xi32>
    %jit3A_935 = arith.constant 64 : i32
    %div3A_936 = vector.broadcast %jit3A_935 : i32 to vector<256x320xi32>
    %div3A_937 = arith.divsi %iota3A_934, %div3A_936 : vector<256x320xi32>
    %sign3A_938 = arith.constant 0 : i32
    %sign3A_939 = vector.broadcast %sign3A_938 : i32 to vector<256x320xi32>
    %sign3A_940 = arith.cmpi sgt, %iota3A_934, %sign3A_939 : vector<256x320xi32>
    %sign3A_941 = arith.extui %sign3A_940 : vector<256x320xi1> to vector<256x320xi32>
    %sign3A_942 = arith.constant 0 : i32
    %sign3A_943 = vector.broadcast %sign3A_942 : i32 to vector<256x320xi32>
    %sign3A_944 = arith.cmpi slt, %iota3A_934, %sign3A_943 : vector<256x320xi32>
    %sign3A_945 = arith.extui %sign3A_944 : vector<256x320xi1> to vector<256x320xi32>
    %sign3A_946 = arith.subi %sign3A_941, %sign3A_945 : vector<256x320xi32>
    %sign3A_947 = arith.constant 0 : i32
    %sign3A_948 = arith.cmpi sgt, %jit3A_935, %sign3A_947 : i32
    %sign3A_949 = arith.extui %sign3A_948 : i1 to i32
    %sign3A_950 = arith.constant 0 : i32
    %sign3A_951 = arith.cmpi slt, %jit3A_935, %sign3A_950 : i32
    %sign3A_952 = arith.extui %sign3A_951 : i1 to i32
    %sign3A_953 = arith.subi %sign3A_949, %sign3A_952 : i32
    %ne3A_954 = vector.broadcast %sign3A_953 : i32 to vector<256x320xi32>
    %ne3A_955 = arith.cmpi ne, %sign3A_946, %ne3A_954 : vector<256x320xi32>
    %rem3A_956 = vector.broadcast %jit3A_935 : i32 to vector<256x320xi32>
    %rem3A_957 = arith.remsi %iota3A_934, %rem3A_956 : vector<256x320xi32>
    %ne3A_958 = arith.constant 0 : i32
    %ne3A_959 = vector.broadcast %ne3A_958 : i32 to vector<256x320xi32>
    %ne3A_960 = arith.cmpi ne, %rem3A_957, %ne3A_959 : vector<256x320xi32>
    %and3A_961 = arith.andi %ne3A_955, %ne3A_960 : vector<256x320xi1>
    %sub3A_962 = arith.constant 1 : i32
    %sub3A_963 = vector.broadcast %sub3A_962 : i32 to vector<256x320xi32>
    %sub3A_964 = arith.subi %div3A_937, %sub3A_963 : vector<256x320xi32>
    %select_n3A_965 = arith.select %and3A_961, %sub3A_964, %div3A_937 : vector<256x320xi1>, vector<256x320xi32>
    %eq3A_966 = arith.cmpi eq, %select_n3A_965, %select_n3A_933 : vector<256x320xi32>
    %add3A_967 = arith.constant 1 : i32
    %add3A_968 = vector.broadcast %add3A_967 : i32 to vector<256x320xi32>
    %add3A_969 = arith.addi %select_n3A_933, %add3A_968 : vector<256x320xi32>
    %eq3A_970 = arith.cmpi eq, %select_n3A_965, %add3A_969 : vector<256x320xi32>
    %or3A_971 = arith.ori %eq3A_966, %eq3A_970 : vector<256x320xi1>
    %convert_element_type3A_972 = arith.truncf %slice3A_875 : vector<256x64xf32> to vector<256x64xbf16>
    %convert_element_type3A_973 = arith.truncf %div3A_893 : vector<320x64xf32> to vector<320x64xbf16>
    %dot_general3A_974 = arith.constant dense<0.000000e+00> : vector<256x320xf32>
    %dot_general3A_975 = tpu.matmul %convert_element_type3A_972, %convert_element_type3A_973, %dot_general3A_974 {dimension_numbers = #tpu.dot_dimension_numbers<[1], [1], [0], [0], [0, 0, 1, 0], [], []>, transpose_lhs_hint = false} : vector<256x64xbf16>, vector<320x64xbf16>, vector<256x320xf32> -> vector<256x320xf32>
    %mul3A_976 = arith.constant 1.250000e-01 : f32
    %mul3A_977 = vector.broadcast %mul3A_976 : f32 to vector<256x320xf32>
    %mul3A_978 = arith.mulf %dot_general3A_975, %mul3A_977 : vector<256x320xf32>
    %gt3A_979 = arith.constant 0 : i32
    %gt3A_980 = vector.broadcast %gt3A_979 : i32 to vector<256x320xi32>
    %gt3A_981 = arith.cmpi sgt, %sub3A_901, %gt3A_980 : vector<256x320xi32>
    %jit3A_982 = arith.constant -1.000000e+09 : f32
    %broadcast_in_dim3A_983 = vector.broadcast %jit3A_982 : f32 to vector<256x320xf32>
    %select_n3A_984 = arith.select %gt3A_981, %broadcast_in_dim3A_983, %mul3A_978 : vector<256x320xi1>, vector<256x320xf32>
    %eq3A_985 = arith.constant 0 : i32
    %eq3A_986 = vector.broadcast %eq3A_985 : i32 to vector<256x320xi32>
    %eq3A_987 = arith.cmpi eq, %sub3A_901, %eq3A_986 : vector<256x320xi32>
    %jit3A_988 = arith.constant -1.000000e+05 : f32
    %broadcast_in_dim3A_989 = vector.broadcast %jit3A_988 : f32 to vector<256x320xf32>
    %select_n3A_990 = arith.select %eq3A_987, %broadcast_in_dim3A_989, %select_n3A_984 : vector<256x320xi1>, vector<256x320xf32>
    %jit3A_991 = arith.constant -3.000000e+38 : f32
    %broadcast_in_dim3A_992 = vector.broadcast %jit3A_991 : f32 to vector<256x320xf32>
    %select_n3A_993 = arith.select %or3A_971, %select_n3A_990, %broadcast_in_dim3A_992 : vector<256x320xi1>, vector<256x320xf32>
    %reduce_max3A_994 = arith.constant dense<0xFF800000> : vector<256xf32>
    %reduce_max3A_995 = vector.multi_reduction <maximumf>, %select_n3A_993, %reduce_max3A_994 [1] : vector<256x320xf32> to vector<256xf32>
    %broadcast_in_dim3A_996 = vector.shape_cast %reduce_max3A_995 : vector<256xf32> to vector<256x1xf32>
    %sub3A_997 = vector.broadcast %broadcast_in_dim3A_996 : vector<256x1xf32> to vector<256x320xf32>
    %sub3A_998 = arith.subf %select_n3A_993, %sub3A_997 : vector<256x320xf32>
    %exp3A_999 = math.exp %sub3A_998 : vector<256x320xf32>
    %reduce_sum3A_1000 = arith.constant dense<0.000000e+00> : vector<256xf32>
    %reduce_sum3A_1001 = vector.multi_reduction <add>, %exp3A_999, %reduce_sum3A_1000 [1] : vector<256x320xf32> to vector<256xf32>
    %broadcast_in_dim3A_1002 = vector.shape_cast %reduce_sum3A_1001 : vector<256xf32> to vector<256x1xf32>
    %div3A_1003 = arith.constant 1.000000e+00 : f32
    %div3A_1004 = vector.broadcast %div3A_1003 : f32 to vector<256x1xf32>
    %div3A_1005 = arith.divf %div3A_1004, %broadcast_in_dim3A_1002 : vector<256x1xf32>
    %mul3A_1006 = vector.broadcast %div3A_1005 : vector<256x1xf32> to vector<256x320xf32>
    %mul3A_1007 = arith.mulf %exp3A_999, %mul3A_1006 : vector<256x320xf32>
    %log3A_1008 = math.log %broadcast_in_dim3A_1002 : vector<256x1xf32>
    %add3A_1009 = arith.addf %broadcast_in_dim3A_996, %log3A_1008 : vector<256x1xf32>
    %convert_element_type3A_1010 = arith.truncf %mul3A_1007 : vector<256x320xf32> to vector<256x320xbf16>
    %convert_element_type3A_1011 = arith.truncf %slice3A_883 : vector<320x64xf32> to vector<320x64xbf16>
    %dot_general3A_1012 = arith.constant dense<0.000000e+00> : vector<256x64xf32>
    %dot_general3A_1013 = tpu.matmul %convert_element_type3A_1010, %convert_element_type3A_1011, %dot_general3A_1012 {dimension_numbers = #tpu.dot_dimension_numbers<[1], [0], [0], [1], [0, 0, 1, 1], [], []>, transpose_lhs_hint = false} : vector<256x320xbf16>, vector<320x64xbf16>, vector<256x64xf32> -> vector<256x64xf32>
    %broadcast_in_dim3A_1014 = arith.constant 0.000000e+00 : f32
    %broadcast_in_dim3A_1015 = vector.broadcast %broadcast_in_dim3A_1014 : f32 to vector<256x63xf32>
    %concatenate3A_1016 = tpu.concatenate %dot_general3A_1013, %add3A_1009, %broadcast_in_dim3A_1015 in 1 : vector<256x64xf32>, vector<256x1xf32>, vector<256x63xf32> -> vector<256x128xf32>
    %swap3A_1017 = arith.constant 0 : index
    %swap3A_1018 = arith.constant 1536 : index
    %swap3A_1019 = arith.constant 0 : index
    %swap3A_1020 = vector.load %arg4[%swap3A_1017, %swap3A_1018, %swap3A_1019] : memref<1x4096x128xf32, #tpu.memory_space<vmem>>, vector<1x256x128xf32>
    %swap3A_1021 = vector.shape_cast %swap3A_1020 : vector<1x256x128xf32> to vector<256x128xf32>
    %swap3A_1022 = vector.shape_cast %concatenate3A_1016 : vector<256x128xf32> to vector<1x256x128xf32>
    tpu.vector_store %arg4[%swap3A_1017, %swap3A_1018, %swap3A_1019], %swap3A_1022 {strides = array<i32>} : memref<1x4096x128xf32, #tpu.memory_space<vmem>>, vector<1x256x128xf32>,
    %slice3A_1023 = vector.extract_strided_slice %get3A_3 {offsets = [1792, 0], sizes = [256, 64], strides = [1, 1]} : vector<4096x128xf32> to vector<256x64xf32>
    %slice3A_1024 = vector.extract_strided_slice %get3A_3 {offsets = [1728, 0], sizes = [320, 128], strides = [1, 1]} : vector<4096x128xf32> to vector<320x128xf32>
    %get3A_1025 = arith.constant 0 : index
    %get3A_1026 = arith.constant 0 : index
    %get3A_1027 = arith.constant 1728 : index
    %get3A_1028 = vector.load %arg3[%get3A_1025, %get3A_1026, %get3A_1027] : memref<1x1x4096xi32, #tpu.memory_space<vmem>>, vector<1x1x320xi32>
    %get3A_1029 = vector.shape_cast %get3A_1028 : vector<1x1x320xi32> to vector<1x320xi32>
    %slice3A_1030 = vector.extract_strided_slice %slice3A_1024 {offsets = [0, 0], sizes = [320, 64], strides = [1, 1]} : vector<320x128xf32> to vector<320x64xf32>
    %slice3A_1031 = vector.extract_strided_slice %slice3A_1024 {offsets = [0, 64], sizes = [320, 64], strides = [1, 1]} : vector<320x128xf32> to vector<320x64xf32>
    %mul3A_1032 = arith.mulf %slice3A_1030, %slice3A_1030 : vector<320x64xf32>
    %reduce_sum3A_1033 = arith.constant dense<0.000000e+00> : vector<320xf32>
    %reduce_sum3A_1034 = vector.multi_reduction <add>, %mul3A_1032, %reduce_sum3A_1033 [1] : vector<320x64xf32> to vector<320xf32>
    %broadcast_in_dim3A_1035 = vector.shape_cast %reduce_sum3A_1034 : vector<320xf32> to vector<320x1xf32>
    %sqrt3A_1036 = math.sqrt %broadcast_in_dim3A_1035 : vector<320x1xf32>
    %add3A_1037 = arith.constant 9.99999971E-10 : f32
    %add3A_1038 = vector.broadcast %add3A_1037 : f32 to vector<320x1xf32>
    %add3A_1039 = arith.addf %sqrt3A_1036, %add3A_1038 : vector<320x1xf32>
    %div3A_1040 = vector.broadcast %add3A_1039 : vector<320x1xf32> to vector<320x64xf32>
    %div3A_1041 = arith.divf %slice3A_1030, %div3A_1040 : vector<320x64xf32>
    %get3A_1042 = arith.constant 0 : index
    %get3A_1043 = arith.constant 1792 : index
    %get3A_1044 = arith.constant 0 : index
    %get3A_1045 = vector.load %arg2[%get3A_1042, %get3A_1043, %get3A_1044] : memref<1x4096x1xi32, #tpu.memory_space<vmem>>, vector<1x256x1xi32>
    %get3A_1046 = vector.shape_cast %get3A_1045 : vector<1x256x1xi32> to vector<256x1xi32>
    %sub3A_1047 = vector.broadcast %get3A_1029 : vector<1x320xi32> to vector<256x320xi32>
    %sub3A_1048 = vector.broadcast %get3A_1046 : vector<256x1xi32> to vector<256x320xi32>
    %sub3A_1049 = arith.subi %sub3A_1047, %sub3A_1048 : vector<256x320xi32>
    %iota3A_1050 = tpu.iota {dimensions = array<i32: 0>} : vector<256x320xi32>
    %jit3A_1051 = arith.constant 64 : i32
    %div3A_1052 = vector.broadcast %jit3A_1051 : i32 to vector<256x320xi32>
    %div3A_1053 = arith.divsi %iota3A_1050, %div3A_1052 : vector<256x320xi32>
    %sign3A_1054 = arith.constant 0 : i32
    %sign3A_1055 = vector.broadcast %sign3A_1054 : i32 to vector<256x320xi32>
    %sign3A_1056 = arith.cmpi sgt, %iota3A_1050, %sign3A_1055 : vector<256x320xi32>
    %sign3A_1057 = arith.extui %sign3A_1056 : vector<256x320xi1> to vector<256x320xi32>
    %sign3A_1058 = arith.constant 0 : i32
    %sign3A_1059 = vector.broadcast %sign3A_1058 : i32 to vector<256x320xi32>
    %sign3A_1060 = arith.cmpi slt, %iota3A_1050, %sign3A_1059 : vector<256x320xi32>
    %sign3A_1061 = arith.extui %sign3A_1060 : vector<256x320xi1> to vector<256x320xi32>
    %sign3A_1062 = arith.subi %sign3A_1057, %sign3A_1061 : vector<256x320xi32>
    %sign3A_1063 = arith.constant 0 : i32
    %sign3A_1064 = arith.cmpi sgt, %jit3A_1051, %sign3A_1063 : i32
    %sign3A_1065 = arith.extui %sign3A_1064 : i1 to i32
    %sign3A_1066 = arith.constant 0 : i32
    %sign3A_1067 = arith.cmpi slt, %jit3A_1051, %sign3A_1066 : i32
    %sign3A_1068 = arith.extui %sign3A_1067 : i1 to i32
    %sign3A_1069 = arith.subi %sign3A_1065, %sign3A_1068 : i32
    %ne3A_1070 = vector.broadcast %sign3A_1069 : i32 to vector<256x320xi32>
    %ne3A_1071 = arith.cmpi ne, %sign3A_1062, %ne3A_1070 : vector<256x320xi32>
    %rem3A_1072 = vector.broadcast %jit3A_1051 : i32 to vector<256x320xi32>
    %rem3A_1073 = arith.remsi %iota3A_1050, %rem3A_1072 : vector<256x320xi32>
    %ne3A_1074 = arith.constant 0 : i32
    %ne3A_1075 = vector.broadcast %ne3A_1074 : i32 to vector<256x320xi32>
    %ne3A_1076 = arith.cmpi ne, %rem3A_1073, %ne3A_1075 : vector<256x320xi32>
    %and3A_1077 = arith.andi %ne3A_1071, %ne3A_1076 : vector<256x320xi1>
    %sub3A_1078 = arith.constant 1 : i32
    %sub3A_1079 = vector.broadcast %sub3A_1078 : i32 to vector<256x320xi32>
    %sub3A_1080 = arith.subi %div3A_1053, %sub3A_1079 : vector<256x320xi32>
    %select_n3A_1081 = arith.select %and3A_1077, %sub3A_1080, %div3A_1053 : vector<256x320xi1>, vector<256x320xi32>
    %iota3A_1082 = tpu.iota {dimensions = array<i32: 1>} : vector<256x320xi32>
    %jit3A_1083 = arith.constant 64 : i32
    %div3A_1084 = vector.broadcast %jit3A_1083 : i32 to vector<256x320xi32>
    %div3A_1085 = arith.divsi %iota3A_1082, %div3A_1084 : vector<256x320xi32>
    %sign3A_1086 = arith.constant 0 : i32
    %sign3A_1087 = vector.broadcast %sign3A_1086 : i32 to vector<256x320xi32>
    %sign3A_1088 = arith.cmpi sgt, %iota3A_1082, %sign3A_1087 : vector<256x320xi32>
    %sign3A_1089 = arith.extui %sign3A_1088 : vector<256x320xi1> to vector<256x320xi32>
    %sign3A_1090 = arith.constant 0 : i32
    %sign3A_1091 = vector.broadcast %sign3A_1090 : i32 to vector<256x320xi32>
    %sign3A_1092 = arith.cmpi slt, %iota3A_1082, %sign3A_1091 : vector<256x320xi32>
    %sign3A_1093 = arith.extui %sign3A_1092 : vector<256x320xi1> to vector<256x320xi32>
    %sign3A_1094 = arith.subi %sign3A_1089, %sign3A_1093 : vector<256x320xi32>
    %sign3A_1095 = arith.constant 0 : i32
    %sign3A_1096 = arith.cmpi sgt, %jit3A_1083, %sign3A_1095 : i32
    %sign3A_1097 = arith.extui %sign3A_1096 : i1 to i32
    %sign3A_1098 = arith.constant 0 : i32
    %sign3A_1099 = arith.cmpi slt, %jit3A_1083, %sign3A_1098 : i32
    %sign3A_1100 = arith.extui %sign3A_1099 : i1 to i32
    %sign3A_1101 = arith.subi %sign3A_1097, %sign3A_1100 : i32
    %ne3A_1102 = vector.broadcast %sign3A_1101 : i32 to vector<256x320xi32>
    %ne3A_1103 = arith.cmpi ne, %sign3A_1094, %ne3A_1102 : vector<256x320xi32>
    %rem3A_1104 = vector.broadcast %jit3A_1083 : i32 to vector<256x320xi32>
    %rem3A_1105 = arith.remsi %iota3A_1082, %rem3A_1104 : vector<256x320xi32>
    %ne3A_1106 = arith.constant 0 : i32
    %ne3A_1107 = vector.broadcast %ne3A_1106 : i32 to vector<256x320xi32>
    %ne3A_1108 = arith.cmpi ne, %rem3A_1105, %ne3A_1107 : vector<256x320xi32>
    %and3A_1109 = arith.andi %ne3A_1103, %ne3A_1108 : vector<256x320xi1>
    %sub3A_1110 = arith.constant 1 : i32
    %sub3A_1111 = vector.broadcast %sub3A_1110 : i32 to vector<256x320xi32>
    %sub3A_1112 = arith.subi %div3A_1085, %sub3A_1111 : vector<256x320xi32>
    %select_n3A_1113 = arith.select %and3A_1109, %sub3A_1112, %div3A_1085 : vector<256x320xi1>, vector<256x320xi32>
    %eq3A_1114 = arith.cmpi eq, %select_n3A_1113, %select_n3A_1081 : vector<256x320xi32>
    %add3A_1115 = arith.constant 1 : i32
    %add3A_1116 = vector.broadcast %add3A_1115 : i32 to vector<256x320xi32>
    %add3A_1117 = arith.addi %select_n3A_1081, %add3A_1116 : vector<256x320xi32>
    %eq3A_1118 = arith.cmpi eq, %select_n3A_1113, %add3A_1117 : vector<256x320xi32>
    %or3A_1119 = arith.ori %eq3A_1114, %eq3A_1118 : vector<256x320xi1>
    %convert_element_type3A_1120 = arith.truncf %slice3A_1023 : vector<256x64xf32> to vector<256x64xbf16>
    %convert_element_type3A_1121 = arith.truncf %div3A_1041 : vector<320x64xf32> to vector<320x64xbf16>
    %dot_general3A_1122 = arith.constant dense<0.000000e+00> : vector<256x320xf32>
    %dot_general3A_1123 = tpu.matmul %convert_element_type3A_1120, %convert_element_type3A_1121, %dot_general3A_1122 {dimension_numbers = #tpu.dot_dimension_numbers<[1], [1], [0], [0], [0, 0, 1, 0], [], []>, transpose_lhs_hint = false} : vector<256x64xbf16>, vector<320x64xbf16>, vector<256x320xf32> -> vector<256x320xf32>
    %mul3A_1124 = arith.constant 1.250000e-01 : f32
    %mul3A_1125 = vector.broadcast %mul3A_1124 : f32 to vector<256x320xf32>
    %mul3A_1126 = arith.mulf %dot_general3A_1123, %mul3A_1125 : vector<256x320xf32>
    %gt3A_1127 = arith.constant 0 : i32
    %gt3A_1128 = vector.broadcast %gt3A_1127 : i32 to vector<256x320xi32>
    %gt3A_1129 = arith.cmpi sgt, %sub3A_1049, %gt3A_1128 : vector<256x320xi32>
    %jit3A_1130 = arith.constant -1.000000e+09 : f32
    %broadcast_in_dim3A_1131 = vector.broadcast %jit3A_1130 : f32 to vector<256x320xf32>
    %select_n3A_1132 = arith.select %gt3A_1129, %broadcast_in_dim3A_1131, %mul3A_1126 : vector<256x320xi1>, vector<256x320xf32>
    %eq3A_1133 = arith.constant 0 : i32
    %eq3A_1134 = vector.broadcast %eq3A_1133 : i32 to vector<256x320xi32>
    %eq3A_1135 = arith.cmpi eq, %sub3A_1049, %eq3A_1134 : vector<256x320xi32>
    %jit3A_1136 = arith.constant -1.000000e+05 : f32
    %broadcast_in_dim3A_1137 = vector.broadcast %jit3A_1136 : f32 to vector<256x320xf32>
    %select_n3A_1138 = arith.select %eq3A_1135, %broadcast_in_dim3A_1137, %select_n3A_1132 : vector<256x320xi1>, vector<256x320xf32>
    %jit3A_1139 = arith.constant -3.000000e+38 : f32
    %broadcast_in_dim3A_1140 = vector.broadcast %jit3A_1139 : f32 to vector<256x320xf32>
    %select_n3A_1141 = arith.select %or3A_1119, %select_n3A_1138, %broadcast_in_dim3A_1140 : vector<256x320xi1>, vector<256x320xf32>
    %reduce_max3A_1142 = arith.constant dense<0xFF800000> : vector<256xf32>
    %reduce_max3A_1143 = vector.multi_reduction <maximumf>, %select_n3A_1141, %reduce_max3A_1142 [1] : vector<256x320xf32> to vector<256xf32>
    %broadcast_in_dim3A_1144 = vector.shape_cast %reduce_max3A_1143 : vector<256xf32> to vector<256x1xf32>
    %sub3A_1145 = vector.broadcast %broadcast_in_dim3A_1144 : vector<256x1xf32> to vector<256x320xf32>
    %sub3A_1146 = arith.subf %select_n3A_1141, %sub3A_1145 : vector<256x320xf32>
    %exp3A_1147 = math.exp %sub3A_1146 : vector<256x320xf32>
    %reduce_sum3A_1148 = arith.constant dense<0.000000e+00> : vector<256xf32>
    %reduce_sum3A_1149 = vector.multi_reduction <add>, %exp3A_1147, %reduce_sum3A_1148 [1] : vector<256x320xf32> to vector<256xf32>
    %broadcast_in_dim3A_1150 = vector.shape_cast %reduce_sum3A_1149 : vector<256xf32> to vector<256x1xf32>
    %div3A_1151 = arith.constant 1.000000e+00 : f32
    %div3A_1152 = vector.broadcast %div3A_1151 : f32 to vector<256x1xf32>
    %div3A_1153 = arith.divf %div3A_1152, %broadcast_in_dim3A_1150 : vector<256x1xf32>
    %mul3A_1154 = vector.broadcast %div3A_1153 : vector<256x1xf32> to vector<256x320xf32>
    %mul3A_1155 = arith.mulf %exp3A_1147, %mul3A_1154 : vector<256x320xf32>
    %log3A_1156 = math.log %broadcast_in_dim3A_1150 : vector<256x1xf32>
    %add3A_1157 = arith.addf %broadcast_in_dim3A_1144, %log3A_1156 : vector<256x1xf32>
    %convert_element_type3A_1158 = arith.truncf %mul3A_1155 : vector<256x320xf32> to vector<256x320xbf16>
    %convert_element_type3A_1159 = arith.truncf %slice3A_1031 : vector<320x64xf32> to vector<320x64xbf16>
    %dot_general3A_1160 = arith.constant dense<0.000000e+00> : vector<256x64xf32>
    %dot_general3A_1161 = tpu.matmul %convert_element_type3A_1158, %convert_element_type3A_1159, %dot_general3A_1160 {dimension_numbers = #tpu.dot_dimension_numbers<[1], [0], [0], [1], [0, 0, 1, 1], [], []>, transpose_lhs_hint = false} : vector<256x320xbf16>, vector<320x64xbf16>, vector<256x64xf32> -> vector<256x64xf32>
    %broadcast_in_dim3A_1162 = arith.constant 0.000000e+00 : f32
    %broadcast_in_dim3A_1163 = vector.broadcast %broadcast_in_dim3A_1162 : f32 to vector<256x63xf32>
    %concatenate3A_1164 = tpu.concatenate %dot_general3A_1161, %add3A_1157, %broadcast_in_dim3A_1163 in 1 : vector<256x64xf32>, vector<256x1xf32>, vector<256x63xf32> -> vector<256x128xf32>
    %swap3A_1165 = arith.constant 0 : index
    %swap3A_1166 = arith.constant 1792 : index
    %swap3A_1167 = arith.constant 0 : index
    %swap3A_1168 = vector.load %arg4[%swap3A_1165, %swap3A_1166, %swap3A_1167] : memref<1x4096x128xf32, #tpu.memory_space<vmem>>, vector<1x256x128xf32>
    %swap3A_1169 = vector.shape_cast %swap3A_1168 : vector<1x256x128xf32> to vector<256x128xf32>
    %swap3A_1170 = vector.shape_cast %concatenate3A_1164 : vector<256x128xf32> to vector<1x256x128xf32>
    tpu.vector_store %arg4[%swap3A_1165, %swap3A_1166, %swap3A_1167], %swap3A_1170 {strides = array<i32>} : memref<1x4096x128xf32, #tpu.memory_space<vmem>>, vector<1x256x128xf32>,
    %slice3A_1171 = vector.extract_strided_slice %get3A_3 {offsets = [2048, 0], sizes = [256, 64], strides = [1, 1]} : vector<4096x128xf32> to vector<256x64xf32>
    %slice3A_1172 = vector.extract_strided_slice %get3A_3 {offsets = [1984, 0], sizes = [320, 128], strides = [1, 1]} : vector<4096x128xf32> to vector<320x128xf32>
    %get3A_1173 = arith.constant 0 : index
    %get3A_1174 = arith.constant 0 : index
    %get3A_1175 = arith.constant 1984 : index
    %get3A_1176 = vector.load %arg3[%get3A_1173, %get3A_1174, %get3A_1175] : memref<1x1x4096xi32, #tpu.memory_space<vmem>>, vector<1x1x320xi32>
    %get3A_1177 = vector.shape_cast %get3A_1176 : vector<1x1x320xi32> to vector<1x320xi32>
    %slice3A_1178 = vector.extract_strided_slice %slice3A_1172 {offsets = [0, 0], sizes = [320, 64], strides = [1, 1]} : vector<320x128xf32> to vector<320x64xf32>
    %slice3A_1179 = vector.extract_strided_slice %slice3A_1172 {offsets = [0, 64], sizes = [320, 64], strides = [1, 1]} : vector<320x128xf32> to vector<320x64xf32>
    %mul3A_1180 = arith.mulf %slice3A_1178, %slice3A_1178 : vector<320x64xf32>
    %reduce_sum3A_1181 = arith.constant dense<0.000000e+00> : vector<320xf32>
    %reduce_sum3A_1182 = vector.multi_reduction <add>, %mul3A_1180, %reduce_sum3A_1181 [1] : vector<320x64xf32> to vector<320xf32>
    %broadcast_in_dim3A_1183 = vector.shape_cast %reduce_sum3A_1182 : vector<320xf32> to vector<320x1xf32>
    %sqrt3A_1184 = math.sqrt %broadcast_in_dim3A_1183 : vector<320x1xf32>
    %add3A_1185 = arith.constant 9.99999971E-10 : f32
    %add3A_1186 = vector.broadcast %add3A_1185 : f32 to vector<320x1xf32>
    %add3A_1187 = arith.addf %sqrt3A_1184, %add3A_1186 : vector<320x1xf32>
    %div3A_1188 = vector.broadcast %add3A_1187 : vector<320x1xf32> to vector<320x64xf32>
    %div3A_1189 = arith.divf %slice3A_1178, %div3A_1188 : vector<320x64xf32>
    %get3A_1190 = arith.constant 0 : index
    %get3A_1191 = arith.constant 2048 : index
    %get3A_1192 = arith.constant 0 : index
    %get3A_1193 = vector.load %arg2[%get3A_1190, %get3A_1191, %get3A_1192] : memref<1x4096x1xi32, #tpu.memory_space<vmem>>, vector<1x256x1xi32>
    %get3A_1194 = vector.shape_cast %get3A_1193 : vector<1x256x1xi32> to vector<256x1xi32>
    %sub3A_1195 = vector.broadcast %get3A_1177 : vector<1x320xi32> to vector<256x320xi32>
    %sub3A_1196 = vector.broadcast %get3A_1194 : vector<256x1xi32> to vector<256x320xi32>
    %sub3A_1197 = arith.subi %sub3A_1195, %sub3A_1196 : vector<256x320xi32>
    %iota3A_1198 = tpu.iota {dimensions = array<i32: 0>} : vector<256x320xi32>
    %jit3A_1199 = arith.constant 64 : i32
    %div3A_1200 = vector.broadcast %jit3A_1199 : i32 to vector<256x320xi32>
    %div3A_1201 = arith.divsi %iota3A_1198, %div3A_1200 : vector<256x320xi32>
    %sign3A_1202 = arith.constant 0 : i32
    %sign3A_1203 = vector.broadcast %sign3A_1202 : i32 to vector<256x320xi32>
    %sign3A_1204 = arith.cmpi sgt, %iota3A_1198, %sign3A_1203 : vector<256x320xi32>
    %sign3A_1205 = arith.extui %sign3A_1204 : vector<256x320xi1> to vector<256x320xi32>
    %sign3A_1206 = arith.constant 0 : i32
    %sign3A_1207 = vector.broadcast %sign3A_1206 : i32 to vector<256x320xi32>
    %sign3A_1208 = arith.cmpi slt, %iota3A_1198, %sign3A_1207 : vector<256x320xi32>
    %sign3A_1209 = arith.extui %sign3A_1208 : vector<256x320xi1> to vector<256x320xi32>
    %sign3A_1210 = arith.subi %sign3A_1205, %sign3A_1209 : vector<256x320xi32>
    %sign3A_1211 = arith.constant 0 : i32
    %sign3A_1212 = arith.cmpi sgt, %jit3A_1199, %sign3A_1211 : i32
    %sign3A_1213 = arith.extui %sign3A_1212 : i1 to i32
    %sign3A_1214 = arith.constant 0 : i32
    %sign3A_1215 = arith.cmpi slt, %jit3A_1199, %sign3A_1214 : i32
    %sign3A_1216 = arith.extui %sign3A_1215 : i1 to i32
    %sign3A_1217 = arith.subi %sign3A_1213, %sign3A_1216 : i32
    %ne3A_1218 = vector.broadcast %sign3A_1217 : i32 to vector<256x320xi32>
    %ne3A_1219 = arith.cmpi ne, %sign3A_1210, %ne3A_1218 : vector<256x320xi32>
    %rem3A_1220 = vector.broadcast %jit3A_1199 : i32 to vector<256x320xi32>
    %rem3A_1221 = arith.remsi %iota3A_1198, %rem3A_1220 : vector<256x320xi32>
    %ne3A_1222 = arith.constant 0 : i32
    %ne3A_1223 = vector.broadcast %ne3A_1222 : i32 to vector<256x320xi32>
    %ne3A_1224 = arith.cmpi ne, %rem3A_1221, %ne3A_1223 : vector<256x320xi32>
    %and3A_1225 = arith.andi %ne3A_1219, %ne3A_1224 : vector<256x320xi1>
    %sub3A_1226 = arith.constant 1 : i32
    %sub3A_1227 = vector.broadcast %sub3A_1226 : i32 to vector<256x320xi32>
    %sub3A_1228 = arith.subi %div3A_1201, %sub3A_1227 : vector<256x320xi32>
    %select_n3A_1229 = arith.select %and3A_1225, %sub3A_1228, %div3A_1201 : vector<256x320xi1>, vector<256x320xi32>
    %iota3A_1230 = tpu.iota {dimensions = array<i32: 1>} : vector<256x320xi32>
    %jit3A_1231 = arith.constant 64 : i32
    %div3A_1232 = vector.broadcast %jit3A_1231 : i32 to vector<256x320xi32>
    %div3A_1233 = arith.divsi %iota3A_1230, %div3A_1232 : vector<256x320xi32>
    %sign3A_1234 = arith.constant 0 : i32
    %sign3A_1235 = vector.broadcast %sign3A_1234 : i32 to vector<256x320xi32>
    %sign3A_1236 = arith.cmpi sgt, %iota3A_1230, %sign3A_1235 : vector<256x320xi32>
    %sign3A_1237 = arith.extui %sign3A_1236 : vector<256x320xi1> to vector<256x320xi32>
    %sign3A_1238 = arith.constant 0 : i32
    %sign3A_1239 = vector.broadcast %sign3A_1238 : i32 to vector<256x320xi32>
    %sign3A_1240 = arith.cmpi slt, %iota3A_1230, %sign3A_1239 : vector<256x320xi32>
    %sign3A_1241 = arith.extui %sign3A_1240 : vector<256x320xi1> to vector<256x320xi32>
    %sign3A_1242 = arith.subi %sign3A_1237, %sign3A_1241 : vector<256x320xi32>
    %sign3A_1243 = arith.constant 0 : i32
    %sign3A_1244 = arith.cmpi sgt, %jit3A_1231, %sign3A_1243 : i32
    %sign3A_1245 = arith.extui %sign3A_1244 : i1 to i32
    %sign3A_1246 = arith.constant 0 : i32
    %sign3A_1247 = arith.cmpi slt, %jit3A_1231, %sign3A_1246 : i32
    %sign3A_1248 = arith.extui %sign3A_1247 : i1 to i32
    %sign3A_1249 = arith.subi %sign3A_1245, %sign3A_1248 : i32
    %ne3A_1250 = vector.broadcast %sign3A_1249 : i32 to vector<256x320xi32>
    %ne3A_1251 = arith.cmpi ne, %sign3A_1242, %ne3A_1250 : vector<256x320xi32>
    %rem3A_1252 = vector.broadcast %jit3A_1231 : i32 to vector<256x320xi32>
    %rem3A_1253 = arith.remsi %iota3A_1230, %rem3A_1252 : vector<256x320xi32>
    %ne3A_1254 = arith.constant 0 : i32
    %ne3A_1255 = vector.broadcast %ne3A_1254 : i32 to vector<256x320xi32>
    %ne3A_1256 = arith.cmpi ne, %rem3A_1253, %ne3A_1255 : vector<256x320xi32>
    %and3A_1257 = arith.andi %ne3A_1251, %ne3A_1256 : vector<256x320xi1>
    %sub3A_1258 = arith.constant 1 : i32
    %sub3A_1259 = vector.broadcast %sub3A_1258 : i32 to vector<256x320xi32>
    %sub3A_1260 = arith.subi %div3A_1233, %sub3A_1259 : vector<256x320xi32>
    %select_n3A_1261 = arith.select %and3A_1257, %sub3A_1260, %div3A_1233 : vector<256x320xi1>, vector<256x320xi32>
    %eq3A_1262 = arith.cmpi eq, %select_n3A_1261, %select_n3A_1229 : vector<256x320xi32>
    %add3A_1263 = arith.constant 1 : i32
    %add3A_1264 = vector.broadcast %add3A_1263 : i32 to vector<256x320xi32>
    %add3A_1265 = arith.addi %select_n3A_1229, %add3A_1264 : vector<256x320xi32>
    %eq3A_1266 = arith.cmpi eq, %select_n3A_1261, %add3A_1265 : vector<256x320xi32>
    %or3A_1267 = arith.ori %eq3A_1262, %eq3A_1266 : vector<256x320xi1>
    %convert_element_type3A_1268 = arith.truncf %slice3A_1171 : vector<256x64xf32> to vector<256x64xbf16>
    %convert_element_type3A_1269 = arith.truncf %div3A_1189 : vector<320x64xf32> to vector<320x64xbf16>
    %dot_general3A_1270 = arith.constant dense<0.000000e+00> : vector<256x320xf32>
    %dot_general3A_1271 = tpu.matmul %convert_element_type3A_1268, %convert_element_type3A_1269, %dot_general3A_1270 {dimension_numbers = #tpu.dot_dimension_numbers<[1], [1], [0], [0], [0, 0, 1, 0], [], []>, transpose_lhs_hint = false} : vector<256x64xbf16>, vector<320x64xbf16>, vector<256x320xf32> -> vector<256x320xf32>
    %mul3A_1272 = arith.constant 1.250000e-01 : f32
    %mul3A_1273 = vector.broadcast %mul3A_1272 : f32 to vector<256x320xf32>
    %mul3A_1274 = arith.mulf %dot_general3A_1271, %mul3A_1273 : vector<256x320xf32>
    %gt3A_1275 = arith.constant 0 : i32
    %gt3A_1276 = vector.broadcast %gt3A_1275 : i32 to vector<256x320xi32>
    %gt3A_1277 = arith.cmpi sgt, %sub3A_1197, %gt3A_1276 : vector<256x320xi32>
    %jit3A_1278 = arith.constant -1.000000e+09 : f32
    %broadcast_in_dim3A_1279 = vector.broadcast %jit3A_1278 : f32 to vector<256x320xf32>
    %select_n3A_1280 = arith.select %gt3A_1277, %broadcast_in_dim3A_1279, %mul3A_1274 : vector<256x320xi1>, vector<256x320xf32>
    %eq3A_1281 = arith.constant 0 : i32
    %eq3A_1282 = vector.broadcast %eq3A_1281 : i32 to vector<256x320xi32>
    %eq3A_1283 = arith.cmpi eq, %sub3A_1197, %eq3A_1282 : vector<256x320xi32>
    %jit3A_1284 = arith.constant -1.000000e+05 : f32
    %broadcast_in_dim3A_1285 = vector.broadcast %jit3A_1284 : f32 to vector<256x320xf32>
    %select_n3A_1286 = arith.select %eq3A_1283, %broadcast_in_dim3A_1285, %select_n3A_1280 : vector<256x320xi1>, vector<256x320xf32>
    %jit3A_1287 = arith.constant -3.000000e+38 : f32
    %broadcast_in_dim3A_1288 = vector.broadcast %jit3A_1287 : f32 to vector<256x320xf32>
    %select_n3A_1289 = arith.select %or3A_1267, %select_n3A_1286, %broadcast_in_dim3A_1288 : vector<256x320xi1>, vector<256x320xf32>
    %reduce_max3A_1290 = arith.constant dense<0xFF800000> : vector<256xf32>
    %reduce_max3A_1291 = vector.multi_reduction <maximumf>, %select_n3A_1289, %reduce_max3A_1290 [1] : vector<256x320xf32> to vector<256xf32>
    %broadcast_in_dim3A_1292 = vector.shape_cast %reduce_max3A_1291 : vector<256xf32> to vector<256x1xf32>
    %sub3A_1293 = vector.broadcast %broadcast_in_dim3A_1292 : vector<256x1xf32> to vector<256x320xf32>
    %sub3A_1294 = arith.subf %select_n3A_1289, %sub3A_1293 : vector<256x320xf32>
    %exp3A_1295 = math.exp %sub3A_1294 : vector<256x320xf32>
    %reduce_sum3A_1296 = arith.constant dense<0.000000e+00> : vector<256xf32>
    %reduce_sum3A_1297 = vector.multi_reduction <add>, %exp3A_1295, %reduce_sum3A_1296 [1] : vector<256x320xf32> to vector<256xf32>
    %broadcast_in_dim3A_1298 = vector.shape_cast %reduce_sum3A_1297 : vector<256xf32> to vector<256x1xf32>
    %div3A_1299 = arith.constant 1.000000e+00 : f32
    %div3A_1300 = vector.broadcast %div3A_1299 : f32 to vector<256x1xf32>
    %div3A_1301 = arith.divf %div3A_1300, %broadcast_in_dim3A_1298 : vector<256x1xf32>
    %mul3A_1302 = vector.broadcast %div3A_1301 : vector<256x1xf32> to vector<256x320xf32>
    %mul3A_1303 = arith.mulf %exp3A_1295, %mul3A_1302 : vector<256x320xf32>
    %log3A_1304 = math.log %broadcast_in_dim3A_1298 : vector<256x1xf32>
    %add3A_1305 = arith.addf %broadcast_in_dim3A_1292, %log3A_1304 : vector<256x1xf32>
    %convert_element_type3A_1306 = arith.truncf %mul3A_1303 : vector<256x320xf32> to vector<256x320xbf16>
    %convert_element_type3A_1307 = arith.truncf %slice3A_1179 : vector<320x64xf32> to vector<320x64xbf16>
    %dot_general3A_1308 = arith.constant dense<0.000000e+00> : vector<256x64xf32>
    %dot_general3A_1309 = tpu.matmul %convert_element_type3A_1306, %convert_element_type3A_1307, %dot_general3A_1308 {dimension_numbers = #tpu.dot_dimension_numbers<[1], [0], [0], [1], [0, 0, 1, 1], [], []>, transpose_lhs_hint = false} : vector<256x320xbf16>, vector<320x64xbf16>, vector<256x64xf32> -> vector<256x64xf32>
    %broadcast_in_dim3A_1310 = arith.constant 0.000000e+00 : f32
    %broadcast_in_dim3A_1311 = vector.broadcast %broadcast_in_dim3A_1310 : f32 to vector<256x63xf32>
    %concatenate3A_1312 = tpu.concatenate %dot_general3A_1309, %add3A_1305, %broadcast_in_dim3A_1311 in 1 : vector<256x64xf32>, vector<256x1xf32>, vector<256x63xf32> -> vector<256x128xf32>
    %swap3A_1313 = arith.constant 0 : index
    %swap3A_1314 = arith.constant 2048 : index
    %swap3A_1315 = arith.constant 0 : index
    %swap3A_1316 = vector.load %arg4[%swap3A_1313, %swap3A_1314, %swap3A_1315] : memref<1x4096x128xf32, #tpu.memory_space<vmem>>, vector<1x256x128xf32>
    %swap3A_1317 = vector.shape_cast %swap3A_1316 : vector<1x256x128xf32> to vector<256x128xf32>
    %swap3A_1318 = vector.shape_cast %concatenate3A_1312 : vector<256x128xf32> to vector<1x256x128xf32>
    tpu.vector_store %arg4[%swap3A_1313, %swap3A_1314, %swap3A_1315], %swap3A_1318 {strides = array<i32>} : memref<1x4096x128xf32, #tpu.memory_space<vmem>>, vector<1x256x128xf32>,
    %slice3A_1319 = vector.extract_strided_slice %get3A_3 {offsets = [2304, 0], sizes = [256, 64], strides = [1, 1]} : vector<4096x128xf32> to vector<256x64xf32>
    %slice3A_1320 = vector.extract_strided_slice %get3A_3 {offsets = [2240, 0], sizes = [320, 128], strides = [1, 1]} : vector<4096x128xf32> to vector<320x128xf32>
    %get3A_1321 = arith.constant 0 : index
    %get3A_1322 = arith.constant 0 : index
    %get3A_1323 = arith.constant 2240 : index
    %get3A_1324 = vector.load %arg3[%get3A_1321, %get3A_1322, %get3A_1323] : memref<1x1x4096xi32, #tpu.memory_space<vmem>>, vector<1x1x320xi32>
    %get3A_1325 = vector.shape_cast %get3A_1324 : vector<1x1x320xi32> to vector<1x320xi32>
    %slice3A_1326 = vector.extract_strided_slice %slice3A_1320 {offsets = [0, 0], sizes = [320, 64], strides = [1, 1]} : vector<320x128xf32> to vector<320x64xf32>
    %slice3A_1327 = vector.extract_strided_slice %slice3A_1320 {offsets = [0, 64], sizes = [320, 64], strides = [1, 1]} : vector<320x128xf32> to vector<320x64xf32>
    %mul3A_1328 = arith.mulf %slice3A_1326, %slice3A_1326 : vector<320x64xf32>
    %reduce_sum3A_1329 = arith.constant dense<0.000000e+00> : vector<320xf32>
    %reduce_sum3A_1330 = vector.multi_reduction <add>, %mul3A_1328, %reduce_sum3A_1329 [1] : vector<320x64xf32> to vector<320xf32>
    %broadcast_in_dim3A_1331 = vector.shape_cast %reduce_sum3A_1330 : vector<320xf32> to vector<320x1xf32>
    %sqrt3A_1332 = math.sqrt %broadcast_in_dim3A_1331 : vector<320x1xf32>
    %add3A_1333 = arith.constant 9.99999971E-10 : f32
    %add3A_1334 = vector.broadcast %add3A_1333 : f32 to vector<320x1xf32>
    %add3A_1335 = arith.addf %sqrt3A_1332, %add3A_1334 : vector<320x1xf32>
    %div3A_1336 = vector.broadcast %add3A_1335 : vector<320x1xf32> to vector<320x64xf32>
    %div3A_1337 = arith.divf %slice3A_1326, %div3A_1336 : vector<320x64xf32>
    %get3A_1338 = arith.constant 0 : index
    %get3A_1339 = arith.constant 2304 : index
    %get3A_1340 = arith.constant 0 : index
    %get3A_1341 = vector.load %arg2[%get3A_1338, %get3A_1339, %get3A_1340] : memref<1x4096x1xi32, #tpu.memory_space<vmem>>, vector<1x256x1xi32>
    %get3A_1342 = vector.shape_cast %get3A_1341 : vector<1x256x1xi32> to vector<256x1xi32>
    %sub3A_1343 = vector.broadcast %get3A_1325 : vector<1x320xi32> to vector<256x320xi32>
    %sub3A_1344 = vector.broadcast %get3A_1342 : vector<256x1xi32> to vector<256x320xi32>
    %sub3A_1345 = arith.subi %sub3A_1343, %sub3A_1344 : vector<256x320xi32>
    %iota3A_1346 = tpu.iota {dimensions = array<i32: 0>} : vector<256x320xi32>
    %jit3A_1347 = arith.constant 64 : i32
    %div3A_1348 = vector.broadcast %jit3A_1347 : i32 to vector<256x320xi32>
    %div3A_1349 = arith.divsi %iota3A_1346, %div3A_1348 : vector<256x320xi32>
    %sign3A_1350 = arith.constant 0 : i32
    %sign3A_1351 = vector.broadcast %sign3A_1350 : i32 to vector<256x320xi32>
    %sign3A_1352 = arith.cmpi sgt, %iota3A_1346, %sign3A_1351 : vector<256x320xi32>
    %sign3A_1353 = arith.extui %sign3A_1352 : vector<256x320xi1> to vector<256x320xi32>
    %sign3A_1354 = arith.constant 0 : i32
    %sign3A_1355 = vector.broadcast %sign3A_1354 : i32 to vector<256x320xi32>
    %sign3A_1356 = arith.cmpi slt, %iota3A_1346, %sign3A_1355 : vector<256x320xi32>
    %sign3A_1357 = arith.extui %sign3A_1356 : vector<256x320xi1> to vector<256x320xi32>
    %sign3A_1358 = arith.subi %sign3A_1353, %sign3A_1357 : vector<256x320xi32>
    %sign3A_1359 = arith.constant 0 : i32
    %sign3A_1360 = arith.cmpi sgt, %jit3A_1347, %sign3A_1359 : i32
    %sign3A_1361 = arith.extui %sign3A_1360 : i1 to i32
    %sign3A_1362 = arith.constant 0 : i32
    %sign3A_1363 = arith.cmpi slt, %jit3A_1347, %sign3A_1362 : i32
    %sign3A_1364 = arith.extui %sign3A_1363 : i1 to i32
    %sign3A_1365 = arith.subi %sign3A_1361, %sign3A_1364 : i32
    %ne3A_1366 = vector.broadcast %sign3A_1365 : i32 to vector<256x320xi32>
    %ne3A_1367 = arith.cmpi ne, %sign3A_1358, %ne3A_1366 : vector<256x320xi32>
    %rem3A_1368 = vector.broadcast %jit3A_1347 : i32 to vector<256x320xi32>
    %rem3A_1369 = arith.remsi %iota3A_1346, %rem3A_1368 : vector<256x320xi32>
    %ne3A_1370 = arith.constant 0 : i32
    %ne3A_1371 = vector.broadcast %ne3A_1370 : i32 to vector<256x320xi32>
    %ne3A_1372 = arith.cmpi ne, %rem3A_1369, %ne3A_1371 : vector<256x320xi32>
    %and3A_1373 = arith.andi %ne3A_1367, %ne3A_1372 : vector<256x320xi1>
    %sub3A_1374 = arith.constant 1 : i32
    %sub3A_1375 = vector.broadcast %sub3A_1374 : i32 to vector<256x320xi32>
    %sub3A_1376 = arith.subi %div3A_1349, %sub3A_1375 : vector<256x320xi32>
    %select_n3A_1377 = arith.select %and3A_1373, %sub3A_1376, %div3A_1349 : vector<256x320xi1>, vector<256x320xi32>
    %iota3A_1378 = tpu.iota {dimensions = array<i32: 1>} : vector<256x320xi32>
    %jit3A_1379 = arith.constant 64 : i32
    %div3A_1380 = vector.broadcast %jit3A_1379 : i32 to vector<256x320xi32>
    %div3A_1381 = arith.divsi %iota3A_1378, %div3A_1380 : vector<256x320xi32>
    %sign3A_1382 = arith.constant 0 : i32
    %sign3A_1383 = vector.broadcast %sign3A_1382 : i32 to vector<256x320xi32>
    %sign3A_1384 = arith.cmpi sgt, %iota3A_1378, %sign3A_1383 : vector<256x320xi32>
    %sign3A_1385 = arith.extui %sign3A_1384 : vector<256x320xi1> to vector<256x320xi32>
    %sign3A_1386 = arith.constant 0 : i32
    %sign3A_1387 = vector.broadcast %sign3A_1386 : i32 to vector<256x320xi32>
    %sign3A_1388 = arith.cmpi slt, %iota3A_1378, %sign3A_1387 : vector<256x320xi32>
    %sign3A_1389 = arith.extui %sign3A_1388 : vector<256x320xi1> to vector<256x320xi32>
    %sign3A_1390 = arith.subi %sign3A_1385, %sign3A_1389 : vector<256x320xi32>
    %sign3A_1391 = arith.constant 0 : i32
    %sign3A_1392 = arith.cmpi sgt, %jit3A_1379, %sign3A_1391 : i32
    %sign3A_1393 = arith.extui %sign3A_1392 : i1 to i32
    %sign3A_1394 = arith.constant 0 : i32
    %sign3A_1395 = arith.cmpi slt, %jit3A_1379, %sign3A_1394 : i32
    %sign3A_1396 = arith.extui %sign3A_1395 : i1 to i32
    %sign3A_1397 = arith.subi %sign3A_1393, %sign3A_1396 : i32
    %ne3A_1398 = vector.broadcast %sign3A_1397 : i32 to vector<256x320xi32>
    %ne3A_1399 = arith.cmpi ne, %sign3A_1390, %ne3A_1398 : vector<256x320xi32>
    %rem3A_1400 = vector.broadcast %jit3A_1379 : i32 to vector<256x320xi32>
    %rem3A_1401 = arith.remsi %iota3A_1378, %rem3A_1400 : vector<256x320xi32>
    %ne3A_1402 = arith.constant 0 : i32
    %ne3A_1403 = vector.broadcast %ne3A_1402 : i32 to vector<256x320xi32>
    %ne3A_1404 = arith.cmpi ne, %rem3A_1401, %ne3A_1403 : vector<256x320xi32>
    %and3A_1405 = arith.andi %ne3A_1399, %ne3A_1404 : vector<256x320xi1>
    %sub3A_1406 = arith.constant 1 : i32
    %sub3A_1407 = vector.broadcast %sub3A_1406 : i32 to vector<256x320xi32>
    %sub3A_1408 = arith.subi %div3A_1381, %sub3A_1407 : vector<256x320xi32>
    %select_n3A_1409 = arith.select %and3A_1405, %sub3A_1408, %div3A_1381 : vector<256x320xi1>, vector<256x320xi32>
    %eq3A_1410 = arith.cmpi eq, %select_n3A_1409, %select_n3A_1377 : vector<256x320xi32>
    %add3A_1411 = arith.constant 1 : i32
    %add3A_1412 = vector.broadcast %add3A_1411 : i32 to vector<256x320xi32>
    %add3A_1413 = arith.addi %select_n3A_1377, %add3A_1412 : vector<256x320xi32>
    %eq3A_1414 = arith.cmpi eq, %select_n3A_1409, %add3A_1413 : vector<256x320xi32>
    %or3A_1415 = arith.ori %eq3A_1410, %eq3A_1414 : vector<256x320xi1>
    %convert_element_type3A_1416 = arith.truncf %slice3A_1319 : vector<256x64xf32> to vector<256x64xbf16>
    %convert_element_type3A_1417 = arith.truncf %div3A_1337 : vector<320x64xf32> to vector<320x64xbf16>
    %dot_general3A_1418 = arith.constant dense<0.000000e+00> : vector<256x320xf32>
    %dot_general3A_1419 = tpu.matmul %convert_element_type3A_1416, %convert_element_type3A_1417, %dot_general3A_1418 {dimension_numbers = #tpu.dot_dimension_numbers<[1], [1], [0], [0], [0, 0, 1, 0], [], []>, transpose_lhs_hint = false} : vector<256x64xbf16>, vector<320x64xbf16>, vector<256x320xf32> -> vector<256x320xf32>
    %mul3A_1420 = arith.constant 1.250000e-01 : f32
    %mul3A_1421 = vector.broadcast %mul3A_1420 : f32 to vector<256x320xf32>
    %mul3A_1422 = arith.mulf %dot_general3A_1419, %mul3A_1421 : vector<256x320xf32>
    %gt3A_1423 = arith.constant 0 : i32
    %gt3A_1424 = vector.broadcast %gt3A_1423 : i32 to vector<256x320xi32>
    %gt3A_1425 = arith.cmpi sgt, %sub3A_1345, %gt3A_1424 : vector<256x320xi32>
    %jit3A_1426 = arith.constant -1.000000e+09 : f32
    %broadcast_in_dim3A_1427 = vector.broadcast %jit3A_1426 : f32 to vector<256x320xf32>
    %select_n3A_1428 = arith.select %gt3A_1425, %broadcast_in_dim3A_1427, %mul3A_1422 : vector<256x320xi1>, vector<256x320xf32>
    %eq3A_1429 = arith.constant 0 : i32
    %eq3A_1430 = vector.broadcast %eq3A_1429 : i32 to vector<256x320xi32>
    %eq3A_1431 = arith.cmpi eq, %sub3A_1345, %eq3A_1430 : vector<256x320xi32>
    %jit3A_1432 = arith.constant -1.000000e+05 : f32
    %broadcast_in_dim3A_1433 = vector.broadcast %jit3A_1432 : f32 to vector<256x320xf32>
    %select_n3A_1434 = arith.select %eq3A_1431, %broadcast_in_dim3A_1433, %select_n3A_1428 : vector<256x320xi1>, vector<256x320xf32>
    %jit3A_1435 = arith.constant -3.000000e+38 : f32
    %broadcast_in_dim3A_1436 = vector.broadcast %jit3A_1435 : f32 to vector<256x320xf32>
    %select_n3A_1437 = arith.select %or3A_1415, %select_n3A_1434, %broadcast_in_dim3A_1436 : vector<256x320xi1>, vector<256x320xf32>
    %reduce_max3A_1438 = arith.constant dense<0xFF800000> : vector<256xf32>
    %reduce_max3A_1439 = vector.multi_reduction <maximumf>, %select_n3A_1437, %reduce_max3A_1438 [1] : vector<256x320xf32> to vector<256xf32>
    %broadcast_in_dim3A_1440 = vector.shape_cast %reduce_max3A_1439 : vector<256xf32> to vector<256x1xf32>
    %sub3A_1441 = vector.broadcast %broadcast_in_dim3A_1440 : vector<256x1xf32> to vector<256x320xf32>
    %sub3A_1442 = arith.subf %select_n3A_1437, %sub3A_1441 : vector<256x320xf32>
    %exp3A_1443 = math.exp %sub3A_1442 : vector<256x320xf32>
    %reduce_sum3A_1444 = arith.constant dense<0.000000e+00> : vector<256xf32>
    %reduce_sum3A_1445 = vector.multi_reduction <add>, %exp3A_1443, %reduce_sum3A_1444 [1] : vector<256x320xf32> to vector<256xf32>
    %broadcast_in_dim3A_1446 = vector.shape_cast %reduce_sum3A_1445 : vector<256xf32> to vector<256x1xf32>
    %div3A_1447 = arith.constant 1.000000e+00 : f32
    %div3A_1448 = vector.broadcast %div3A_1447 : f32 to vector<256x1xf32>
    %div3A_1449 = arith.divf %div3A_1448, %broadcast_in_dim3A_1446 : vector<256x1xf32>
    %mul3A_1450 = vector.broadcast %div3A_1449 : vector<256x1xf32> to vector<256x320xf32>
    %mul3A_1451 = arith.mulf %exp3A_1443, %mul3A_1450 : vector<256x320xf32>
    %log3A_1452 = math.log %broadcast_in_dim3A_1446 : vector<256x1xf32>
    %add3A_1453 = arith.addf %broadcast_in_dim3A_1440, %log3A_1452 : vector<256x1xf32>
    %convert_element_type3A_1454 = arith.truncf %mul3A_1451 : vector<256x320xf32> to vector<256x320xbf16>
    %convert_element_type3A_1455 = arith.truncf %slice3A_1327 : vector<320x64xf32> to vector<320x64xbf16>
    %dot_general3A_1456 = arith.constant dense<0.000000e+00> : vector<256x64xf32>
    %dot_general3A_1457 = tpu.matmul %convert_element_type3A_1454, %convert_element_type3A_1455, %dot_general3A_1456 {dimension_numbers = #tpu.dot_dimension_numbers<[1], [0], [0], [1], [0, 0, 1, 1], [], []>, transpose_lhs_hint = false} : vector<256x320xbf16>, vector<320x64xbf16>, vector<256x64xf32> -> vector<256x64xf32>
    %broadcast_in_dim3A_1458 = arith.constant 0.000000e+00 : f32
    %broadcast_in_dim3A_1459 = vector.broadcast %broadcast_in_dim3A_1458 : f32 to vector<256x63xf32>
    %concatenate3A_1460 = tpu.concatenate %dot_general3A_1457, %add3A_1453, %broadcast_in_dim3A_1459 in 1 : vector<256x64xf32>, vector<256x1xf32>, vector<256x63xf32> -> vector<256x128xf32>
    %swap3A_1461 = arith.constant 0 : index
    %swap3A_1462 = arith.constant 2304 : index
    %swap3A_1463 = arith.constant 0 : index
    %swap3A_1464 = vector.load %arg4[%swap3A_1461, %swap3A_1462, %swap3A_1463] : memref<1x4096x128xf32, #tpu.memory_space<vmem>>, vector<1x256x128xf32>
    %swap3A_1465 = vector.shape_cast %swap3A_1464 : vector<1x256x128xf32> to vector<256x128xf32>
    %swap3A_1466 = vector.shape_cast %concatenate3A_1460 : vector<256x128xf32> to vector<1x256x128xf32>
    tpu.vector_store %arg4[%swap3A_1461, %swap3A_1462, %swap3A_1463], %swap3A_1466 {strides = array<i32>} : memref<1x4096x128xf32, #tpu.memory_space<vmem>>, vector<1x256x128xf32>,
    %slice3A_1467 = vector.extract_strided_slice %get3A_3 {offsets = [2560, 0], sizes = [256, 64], strides = [1, 1]} : vector<4096x128xf32> to vector<256x64xf32>
    %slice3A_1468 = vector.extract_strided_slice %get3A_3 {offsets = [2496, 0], sizes = [320, 128], strides = [1, 1]} : vector<4096x128xf32> to vector<320x128xf32>
    %get3A_1469 = arith.constant 0 : index
    %get3A_1470 = arith.constant 0 : index
    %get3A_1471 = arith.constant 2496 : index
    %get3A_1472 = vector.load %arg3[%get3A_1469, %get3A_1470, %get3A_1471] : memref<1x1x4096xi32, #tpu.memory_space<vmem>>, vector<1x1x320xi32>
    %get3A_1473 = vector.shape_cast %get3A_1472 : vector<1x1x320xi32> to vector<1x320xi32>
    %slice3A_1474 = vector.extract_strided_slice %slice3A_1468 {offsets = [0, 0], sizes = [320, 64], strides = [1, 1]} : vector<320x128xf32> to vector<320x64xf32>
    %slice3A_1475 = vector.extract_strided_slice %slice3A_1468 {offsets = [0, 64], sizes = [320, 64], strides = [1, 1]} : vector<320x128xf32> to vector<320x64xf32>
    %mul3A_1476 = arith.mulf %slice3A_1474, %slice3A_1474 : vector<320x64xf32>
    %reduce_sum3A_1477 = arith.constant dense<0.000000e+00> : vector<320xf32>
    %reduce_sum3A_1478 = vector.multi_reduction <add>, %mul3A_1476, %reduce_sum3A_1477 [1] : vector<320x64xf32> to vector<320xf32>
    %broadcast_in_dim3A_1479 = vector.shape_cast %reduce_sum3A_1478 : vector<320xf32> to vector<320x1xf32>
    %sqrt3A_1480 = math.sqrt %broadcast_in_dim3A_1479 : vector<320x1xf32>
    %add3A_1481 = arith.constant 9.99999971E-10 : f32
    %add3A_1482 = vector.broadcast %add3A_1481 : f32 to vector<320x1xf32>
    %add3A_1483 = arith.addf %sqrt3A_1480, %add3A_1482 : vector<320x1xf32>
    %div3A_1484 = vector.broadcast %add3A_1483 : vector<320x1xf32> to vector<320x64xf32>
    %div3A_1485 = arith.divf %slice3A_1474, %div3A_1484 : vector<320x64xf32>
    %get3A_1486 = arith.constant 0 : index
    %get3A_1487 = arith.constant 2560 : index
    %get3A_1488 = arith.constant 0 : index
    %get3A_1489 = vector.load %arg2[%get3A_1486, %get3A_1487, %get3A_1488] : memref<1x4096x1xi32, #tpu.memory_space<vmem>>, vector<1x256x1xi32>
    %get3A_1490 = vector.shape_cast %get3A_1489 : vector<1x256x1xi32> to vector<256x1xi32>
    %sub3A_1491 = vector.broadcast %get3A_1473 : vector<1x320xi32> to vector<256x320xi32>
    %sub3A_1492 = vector.broadcast %get3A_1490 : vector<256x1xi32> to vector<256x320xi32>
    %sub3A_1493 = arith.subi %sub3A_1491, %sub3A_1492 : vector<256x320xi32>
    %iota3A_1494 = tpu.iota {dimensions = array<i32: 0>} : vector<256x320xi32>
    %jit3A_1495 = arith.constant 64 : i32
    %div3A_1496 = vector.broadcast %jit3A_1495 : i32 to vector<256x320xi32>
    %div3A_1497 = arith.divsi %iota3A_1494, %div3A_1496 : vector<256x320xi32>
    %sign3A_1498 = arith.constant 0 : i32
    %sign3A_1499 = vector.broadcast %sign3A_1498 : i32 to vector<256x320xi32>
    %sign3A_1500 = arith.cmpi sgt, %iota3A_1494, %sign3A_1499 : vector<256x320xi32>
    %sign3A_1501 = arith.extui %sign3A_1500 : vector<256x320xi1> to vector<256x320xi32>
    %sign3A_1502 = arith.constant 0 : i32
    %sign3A_1503 = vector.broadcast %sign3A_1502 : i32 to vector<256x320xi32>
    %sign3A_1504 = arith.cmpi slt, %iota3A_1494, %sign3A_1503 : vector<256x320xi32>
    %sign3A_1505 = arith.extui %sign3A_1504 : vector<256x320xi1> to vector<256x320xi32>
    %sign3A_1506 = arith.subi %sign3A_1501, %sign3A_1505 : vector<256x320xi32>
    %sign3A_1507 = arith.constant 0 : i32
    %sign3A_1508 = arith.cmpi sgt, %jit3A_1495, %sign3A_1507 : i32
    %sign3A_1509 = arith.extui %sign3A_1508 : i1 to i32
    %sign3A_1510 = arith.constant 0 : i32
    %sign3A_1511 = arith.cmpi slt, %jit3A_1495, %sign3A_1510 : i32
    %sign3A_1512 = arith.extui %sign3A_1511 : i1 to i32
    %sign3A_1513 = arith.subi %sign3A_1509, %sign3A_1512 : i32
    %ne3A_1514 = vector.broadcast %sign3A_1513 : i32 to vector<256x320xi32>
    %ne3A_1515 = arith.cmpi ne, %sign3A_1506, %ne3A_1514 : vector<256x320xi32>
    %rem3A_1516 = vector.broadcast %jit3A_1495 : i32 to vector<256x320xi32>
    %rem3A_1517 = arith.remsi %iota3A_1494, %rem3A_1516 : vector<256x320xi32>
    %ne3A_1518 = arith.constant 0 : i32
    %ne3A_1519 = vector.broadcast %ne3A_1518 : i32 to vector<256x320xi32>
    %ne3A_1520 = arith.cmpi ne, %rem3A_1517, %ne3A_1519 : vector<256x320xi32>
    %and3A_1521 = arith.andi %ne3A_1515, %ne3A_1520 : vector<256x320xi1>
    %sub3A_1522 = arith.constant 1 : i32
    %sub3A_1523 = vector.broadcast %sub3A_1522 : i32 to vector<256x320xi32>
    %sub3A_1524 = arith.subi %div3A_1497, %sub3A_1523 : vector<256x320xi32>
    %select_n3A_1525 = arith.select %and3A_1521, %sub3A_1524, %div3A_1497 : vector<256x320xi1>, vector<256x320xi32>
    %iota3A_1526 = tpu.iota {dimensions = array<i32: 1>} : vector<256x320xi32>
    %jit3A_1527 = arith.constant 64 : i32
    %div3A_1528 = vector.broadcast %jit3A_1527 : i32 to vector<256x320xi32>
    %div3A_1529 = arith.divsi %iota3A_1526, %div3A_1528 : vector<256x320xi32>
    %sign3A_1530 = arith.constant 0 : i32
    %sign3A_1531 = vector.broadcast %sign3A_1530 : i32 to vector<256x320xi32>
    %sign3A_1532 = arith.cmpi sgt, %iota3A_1526, %sign3A_1531 : vector<256x320xi32>
    %sign3A_1533 = arith.extui %sign3A_1532 : vector<256x320xi1> to vector<256x320xi32>
    %sign3A_1534 = arith.constant 0 : i32
    %sign3A_1535 = vector.broadcast %sign3A_1534 : i32 to vector<256x320xi32>
    %sign3A_1536 = arith.cmpi slt, %iota3A_1526, %sign3A_1535 : vector<256x320xi32>
    %sign3A_1537 = arith.extui %sign3A_1536 : vector<256x320xi1> to vector<256x320xi32>
    %sign3A_1538 = arith.subi %sign3A_1533, %sign3A_1537 : vector<256x320xi32>
    %sign3A_1539 = arith.constant 0 : i32
    %sign3A_1540 = arith.cmpi sgt, %jit3A_1527, %sign3A_1539 : i32
    %sign3A_1541 = arith.extui %sign3A_1540 : i1 to i32
    %sign3A_1542 = arith.constant 0 : i32
    %sign3A_1543 = arith.cmpi slt, %jit3A_1527, %sign3A_1542 : i32
    %sign3A_1544 = arith.extui %sign3A_1543 : i1 to i32
    %sign3A_1545 = arith.subi %sign3A_1541, %sign3A_1544 : i32
    %ne3A_1546 = vector.broadcast %sign3A_1545 : i32 to vector<256x320xi32>
    %ne3A_1547 = arith.cmpi ne, %sign3A_1538, %ne3A_1546 : vector<256x320xi32>
    %rem3A_1548 = vector.broadcast %jit3A_1527 : i32 to vector<256x320xi32>
    %rem3A_1549 = arith.remsi %iota3A_1526, %rem3A_1548 : vector<256x320xi32>
    %ne3A_1550 = arith.constant 0 : i32
    %ne3A_1551 = vector.broadcast %ne3A_1550 : i32 to vector<256x320xi32>
    %ne3A_1552 = arith.cmpi ne, %rem3A_1549, %ne3A_1551 : vector<256x320xi32>
    %and3A_1553 = arith.andi %ne3A_1547, %ne3A_1552 : vector<256x320xi1>
    %sub3A_1554 = arith.constant 1 : i32
    %sub3A_1555 = vector.broadcast %sub3A_1554 : i32 to vector<256x320xi32>
    %sub3A_1556 = arith.subi %div3A_1529, %sub3A_1555 : vector<256x320xi32>
    %select_n3A_1557 = arith.select %and3A_1553, %sub3A_1556, %div3A_1529 : vector<256x320xi1>, vector<256x320xi32>
    %eq3A_1558 = arith.cmpi eq, %select_n3A_1557, %select_n3A_1525 : vector<256x320xi32>
    %add3A_1559 = arith.constant 1 : i32
    %add3A_1560 = vector.broadcast %add3A_1559 : i32 to vector<256x320xi32>
    %add3A_1561 = arith.addi %select_n3A_1525, %add3A_1560 : vector<256x320xi32>
    %eq3A_1562 = arith.cmpi eq, %select_n3A_1557, %add3A_1561 : vector<256x320xi32>
    %or3A_1563 = arith.ori %eq3A_1558, %eq3A_1562 : vector<256x320xi1>
    %convert_element_type3A_1564 = arith.truncf %slice3A_1467 : vector<256x64xf32> to vector<256x64xbf16>
    %convert_element_type3A_1565 = arith.truncf %div3A_1485 : vector<320x64xf32> to vector<320x64xbf16>
    %dot_general3A_1566 = arith.constant dense<0.000000e+00> : vector<256x320xf32>
    %dot_general3A_1567 = tpu.matmul %convert_element_type3A_1564, %convert_element_type3A_1565, %dot_general3A_1566 {dimension_numbers = #tpu.dot_dimension_numbers<[1], [1], [0], [0], [0, 0, 1, 0], [], []>, transpose_lhs_hint = false} : vector<256x64xbf16>, vector<320x64xbf16>, vector<256x320xf32> -> vector<256x320xf32>
    %mul3A_1568 = arith.constant 1.250000e-01 : f32
    %mul3A_1569 = vector.broadcast %mul3A_1568 : f32 to vector<256x320xf32>
    %mul3A_1570 = arith.mulf %dot_general3A_1567, %mul3A_1569 : vector<256x320xf32>
    %gt3A_1571 = arith.constant 0 : i32
    %gt3A_1572 = vector.broadcast %gt3A_1571 : i32 to vector<256x320xi32>
    %gt3A_1573 = arith.cmpi sgt, %sub3A_1493, %gt3A_1572 : vector<256x320xi32>
    %jit3A_1574 = arith.constant -1.000000e+09 : f32
    %broadcast_in_dim3A_1575 = vector.broadcast %jit3A_1574 : f32 to vector<256x320xf32>
    %select_n3A_1576 = arith.select %gt3A_1573, %broadcast_in_dim3A_1575, %mul3A_1570 : vector<256x320xi1>, vector<256x320xf32>
    %eq3A_1577 = arith.constant 0 : i32
    %eq3A_1578 = vector.broadcast %eq3A_1577 : i32 to vector<256x320xi32>
    %eq3A_1579 = arith.cmpi eq, %sub3A_1493, %eq3A_1578 : vector<256x320xi32>
    %jit3A_1580 = arith.constant -1.000000e+05 : f32
    %broadcast_in_dim3A_1581 = vector.broadcast %jit3A_1580 : f32 to vector<256x320xf32>
    %select_n3A_1582 = arith.select %eq3A_1579, %broadcast_in_dim3A_1581, %select_n3A_1576 : vector<256x320xi1>, vector<256x320xf32>
    %jit3A_1583 = arith.constant -3.000000e+38 : f32
    %broadcast_in_dim3A_1584 = vector.broadcast %jit3A_1583 : f32 to vector<256x320xf32>
    %select_n3A_1585 = arith.select %or3A_1563, %select_n3A_1582, %broadcast_in_dim3A_1584 : vector<256x320xi1>, vector<256x320xf32>
    %reduce_max3A_1586 = arith.constant dense<0xFF800000> : vector<256xf32>
    %reduce_max3A_1587 = vector.multi_reduction <maximumf>, %select_n3A_1585, %reduce_max3A_1586 [1] : vector<256x320xf32> to vector<256xf32>
    %broadcast_in_dim3A_1588 = vector.shape_cast %reduce_max3A_1587 : vector<256xf32> to vector<256x1xf32>
    %sub3A_1589 = vector.broadcast %broadcast_in_dim3A_1588 : vector<256x1xf32> to vector<256x320xf32>
    %sub3A_1590 = arith.subf %select_n3A_1585, %sub3A_1589 : vector<256x320xf32>
    %exp3A_1591 = math.exp %sub3A_1590 : vector<256x320xf32>
    %reduce_sum3A_1592 = arith.constant dense<0.000000e+00> : vector<256xf32>
    %reduce_sum3A_1593 = vector.multi_reduction <add>, %exp3A_1591, %reduce_sum3A_1592 [1] : vector<256x320xf32> to vector<256xf32>
    %broadcast_in_dim3A_1594 = vector.shape_cast %reduce_sum3A_1593 : vector<256xf32> to vector<256x1xf32>
    %div3A_1595 = arith.constant 1.000000e+00 : f32
    %div3A_1596 = vector.broadcast %div3A_1595 : f32 to vector<256x1xf32>
    %div3A_1597 = arith.divf %div3A_1596, %broadcast_in_dim3A_1594 : vector<256x1xf32>
    %mul3A_1598 = vector.broadcast %div3A_1597 : vector<256x1xf32> to vector<256x320xf32>
    %mul3A_1599 = arith.mulf %exp3A_1591, %mul3A_1598 : vector<256x320xf32>
    %log3A_1600 = math.log %broadcast_in_dim3A_1594 : vector<256x1xf32>
    %add3A_1601 = arith.addf %broadcast_in_dim3A_1588, %log3A_1600 : vector<256x1xf32>
    %convert_element_type3A_1602 = arith.truncf %mul3A_1599 : vector<256x320xf32> to vector<256x320xbf16>
    %convert_element_type3A_1603 = arith.truncf %slice3A_1475 : vector<320x64xf32> to vector<320x64xbf16>
    %dot_general3A_1604 = arith.constant dense<0.000000e+00> : vector<256x64xf32>
    %dot_general3A_1605 = tpu.matmul %convert_element_type3A_1602, %convert_element_type3A_1603, %dot_general3A_1604 {dimension_numbers = #tpu.dot_dimension_numbers<[1], [0], [0], [1], [0, 0, 1, 1], [], []>, transpose_lhs_hint = false} : vector<256x320xbf16>, vector<320x64xbf16>, vector<256x64xf32> -> vector<256x64xf32>
    %broadcast_in_dim3A_1606 = arith.constant 0.000000e+00 : f32
    %broadcast_in_dim3A_1607 = vector.broadcast %broadcast_in_dim3A_1606 : f32 to vector<256x63xf32>
    %concatenate3A_1608 = tpu.concatenate %dot_general3A_1605, %add3A_1601, %broadcast_in_dim3A_1607 in 1 : vector<256x64xf32>, vector<256x1xf32>, vector<256x63xf32> -> vector<256x128xf32>
    %swap3A_1609 = arith.constant 0 : index
    %swap3A_1610 = arith.constant 2560 : index
    %swap3A_1611 = arith.constant 0 : index
    %swap3A_1612 = vector.load %arg4[%swap3A_1609, %swap3A_1610, %swap3A_1611] : memref<1x4096x128xf32, #tpu.memory_space<vmem>>, vector<1x256x128xf32>
    %swap3A_1613 = vector.shape_cast %swap3A_1612 : vector<1x256x128xf32> to vector<256x128xf32>
    %swap3A_1614 = vector.shape_cast %concatenate3A_1608 : vector<256x128xf32> to vector<1x256x128xf32>
    tpu.vector_store %arg4[%swap3A_1609, %swap3A_1610, %swap3A_1611], %swap3A_1614 {strides = array<i32>} : memref<1x4096x128xf32, #tpu.memory_space<vmem>>, vector<1x256x128xf32>,
    %slice3A_1615 = vector.extract_strided_slice %get3A_3 {offsets = [2816, 0], sizes = [256, 64], strides = [1, 1]} : vector<4096x128xf32> to vector<256x64xf32>
    %slice3A_1616 = vector.extract_strided_slice %get3A_3 {offsets = [2752, 0], sizes = [320, 128], strides = [1, 1]} : vector<4096x128xf32> to vector<320x128xf32>
    %get3A_1617 = arith.constant 0 : index
    %get3A_1618 = arith.constant 0 : index
    %get3A_1619 = arith.constant 2752 : index
    %get3A_1620 = vector.load %arg3[%get3A_1617, %get3A_1618, %get3A_1619] : memref<1x1x4096xi32, #tpu.memory_space<vmem>>, vector<1x1x320xi32>
    %get3A_1621 = vector.shape_cast %get3A_1620 : vector<1x1x320xi32> to vector<1x320xi32>
    %slice3A_1622 = vector.extract_strided_slice %slice3A_1616 {offsets = [0, 0], sizes = [320, 64], strides = [1, 1]} : vector<320x128xf32> to vector<320x64xf32>
    %slice3A_1623 = vector.extract_strided_slice %slice3A_1616 {offsets = [0, 64], sizes = [320, 64], strides = [1, 1]} : vector<320x128xf32> to vector<320x64xf32>
    %mul3A_1624 = arith.mulf %slice3A_1622, %slice3A_1622 : vector<320x64xf32>
    %reduce_sum3A_1625 = arith.constant dense<0.000000e+00> : vector<320xf32>
    %reduce_sum3A_1626 = vector.multi_reduction <add>, %mul3A_1624, %reduce_sum3A_1625 [1] : vector<320x64xf32> to vector<320xf32>
    %broadcast_in_dim3A_1627 = vector.shape_cast %reduce_sum3A_1626 : vector<320xf32> to vector<320x1xf32>
    %sqrt3A_1628 = math.sqrt %broadcast_in_dim3A_1627 : vector<320x1xf32>
    %add3A_1629 = arith.constant 9.99999971E-10 : f32
    %add3A_1630 = vector.broadcast %add3A_1629 : f32 to vector<320x1xf32>
    %add3A_1631 = arith.addf %sqrt3A_1628, %add3A_1630 : vector<320x1xf32>
    %div3A_1632 = vector.broadcast %add3A_1631 : vector<320x1xf32> to vector<320x64xf32>
    %div3A_1633 = arith.divf %slice3A_1622, %div3A_1632 : vector<320x64xf32>
    %get3A_1634 = arith.constant 0 : index
    %get3A_1635 = arith.constant 2816 : index
    %get3A_1636 = arith.constant 0 : index
    %get3A_1637 = vector.load %arg2[%get3A_1634, %get3A_1635, %get3A_1636] : memref<1x4096x1xi32, #tpu.memory_space<vmem>>, vector<1x256x1xi32>
    %get3A_1638 = vector.shape_cast %get3A_1637 : vector<1x256x1xi32> to vector<256x1xi32>
    %sub3A_1639 = vector.broadcast %get3A_1621 : vector<1x320xi32> to vector<256x320xi32>
    %sub3A_1640 = vector.broadcast %get3A_1638 : vector<256x1xi32> to vector<256x320xi32>
    %sub3A_1641 = arith.subi %sub3A_1639, %sub3A_1640 : vector<256x320xi32>
    %iota3A_1642 = tpu.iota {dimensions = array<i32: 0>} : vector<256x320xi32>
    %jit3A_1643 = arith.constant 64 : i32
    %div3A_1644 = vector.broadcast %jit3A_1643 : i32 to vector<256x320xi32>
    %div3A_1645 = arith.divsi %iota3A_1642, %div3A_1644 : vector<256x320xi32>
    %sign3A_1646 = arith.constant 0 : i32
    %sign3A_1647 = vector.broadcast %sign3A_1646 : i32 to vector<256x320xi32>
    %sign3A_1648 = arith.cmpi sgt, %iota3A_1642, %sign3A_1647 : vector<256x320xi32>
    %sign3A_1649 = arith.extui %sign3A_1648 : vector<256x320xi1> to vector<256x320xi32>
    %sign3A_1650 = arith.constant 0 : i32
    %sign3A_1651 = vector.broadcast %sign3A_1650 : i32 to vector<256x320xi32>
    %sign3A_1652 = arith.cmpi slt, %iota3A_1642, %sign3A_1651 : vector<256x320xi32>
    %sign3A_1653 = arith.extui %sign3A_1652 : vector<256x320xi1> to vector<256x320xi32>
    %sign3A_1654 = arith.subi %sign3A_1649, %sign3A_1653 : vector<256x320xi32>
    %sign3A_1655 = arith.constant 0 : i32
    %sign3A_1656 = arith.cmpi sgt, %jit3A_1643, %sign3A_1655 : i32
    %sign3A_1657 = arith.extui %sign3A_1656 : i1 to i32
    %sign3A_1658 = arith.constant 0 : i32
    %sign3A_1659 = arith.cmpi slt, %jit3A_1643, %sign3A_1658 : i32
    %sign3A_1660 = arith.extui %sign3A_1659 : i1 to i32
    %sign3A_1661 = arith.subi %sign3A_1657, %sign3A_1660 : i32
    %ne3A_1662 = vector.broadcast %sign3A_1661 : i32 to vector<256x320xi32>
    %ne3A_1663 = arith.cmpi ne, %sign3A_1654, %ne3A_1662 : vector<256x320xi32>
    %rem3A_1664 = vector.broadcast %jit3A_1643 : i32 to vector<256x320xi32>
    %rem3A_1665 = arith.remsi %iota3A_1642, %rem3A_1664 : vector<256x320xi32>
    %ne3A_1666 = arith.constant 0 : i32
    %ne3A_1667 = vector.broadcast %ne3A_1666 : i32 to vector<256x320xi32>
    %ne3A_1668 = arith.cmpi ne, %rem3A_1665, %ne3A_1667 : vector<256x320xi32>
    %and3A_1669 = arith.andi %ne3A_1663, %ne3A_1668 : vector<256x320xi1>
    %sub3A_1670 = arith.constant 1 : i32
    %sub3A_1671 = vector.broadcast %sub3A_1670 : i32 to vector<256x320xi32>
    %sub3A_1672 = arith.subi %div3A_1645, %sub3A_1671 : vector<256x320xi32>
    %select_n3A_1673 = arith.select %and3A_1669, %sub3A_1672, %div3A_1645 : vector<256x320xi1>, vector<256x320xi32>
    %iota3A_1674 = tpu.iota {dimensions = array<i32: 1>} : vector<256x320xi32>
    %jit3A_1675 = arith.constant 64 : i32
    %div3A_1676 = vector.broadcast %jit3A_1675 : i32 to vector<256x320xi32>
    %div3A_1677 = arith.divsi %iota3A_1674, %div3A_1676 : vector<256x320xi32>
    %sign3A_1678 = arith.constant 0 : i32
    %sign3A_1679 = vector.broadcast %sign3A_1678 : i32 to vector<256x320xi32>
    %sign3A_1680 = arith.cmpi sgt, %iota3A_1674, %sign3A_1679 : vector<256x320xi32>
    %sign3A_1681 = arith.extui %sign3A_1680 : vector<256x320xi1> to vector<256x320xi32>
    %sign3A_1682 = arith.constant 0 : i32
    %sign3A_1683 = vector.broadcast %sign3A_1682 : i32 to vector<256x320xi32>
    %sign3A_1684 = arith.cmpi slt, %iota3A_1674, %sign3A_1683 : vector<256x320xi32>
    %sign3A_1685 = arith.extui %sign3A_1684 : vector<256x320xi1> to vector<256x320xi32>
    %sign3A_1686 = arith.subi %sign3A_1681, %sign3A_1685 : vector<256x320xi32>
    %sign3A_1687 = arith.constant 0 : i32
    %sign3A_1688 = arith.cmpi sgt, %jit3A_1675, %sign3A_1687 : i32
    %sign3A_1689 = arith.extui %sign3A_1688 : i1 to i32
    %sign3A_1690 = arith.constant 0 : i32
    %sign3A_1691 = arith.cmpi slt, %jit3A_1675, %sign3A_1690 : i32
    %sign3A_1692 = arith.extui %sign3A_1691 : i1 to i32
    %sign3A_1693 = arith.subi %sign3A_1689, %sign3A_1692 : i32
    %ne3A_1694 = vector.broadcast %sign3A_1693 : i32 to vector<256x320xi32>
    %ne3A_1695 = arith.cmpi ne, %sign3A_1686, %ne3A_1694 : vector<256x320xi32>
    %rem3A_1696 = vector.broadcast %jit3A_1675 : i32 to vector<256x320xi32>
    %rem3A_1697 = arith.remsi %iota3A_1674, %rem3A_1696 : vector<256x320xi32>
    %ne3A_1698 = arith.constant 0 : i32
    %ne3A_1699 = vector.broadcast %ne3A_1698 : i32 to vector<256x320xi32>
    %ne3A_1700 = arith.cmpi ne, %rem3A_1697, %ne3A_1699 : vector<256x320xi32>
    %and3A_1701 = arith.andi %ne3A_1695, %ne3A_1700 : vector<256x320xi1>
    %sub3A_1702 = arith.constant 1 : i32
    %sub3A_1703 = vector.broadcast %sub3A_1702 : i32 to vector<256x320xi32>
    %sub3A_1704 = arith.subi %div3A_1677, %sub3A_1703 : vector<256x320xi32>
    %select_n3A_1705 = arith.select %and3A_1701, %sub3A_1704, %div3A_1677 : vector<256x320xi1>, vector<256x320xi32>
    %eq3A_1706 = arith.cmpi eq, %select_n3A_1705, %select_n3A_1673 : vector<256x320xi32>
    %add3A_1707 = arith.constant 1 : i32
    %add3A_1708 = vector.broadcast %add3A_1707 : i32 to vector<256x320xi32>
    %add3A_1709 = arith.addi %select_n3A_1673, %add3A_1708 : vector<256x320xi32>
    %eq3A_1710 = arith.cmpi eq, %select_n3A_1705, %add3A_1709 : vector<256x320xi32>
    %or3A_1711 = arith.ori %eq3A_1706, %eq3A_1710 : vector<256x320xi1>
    %convert_element_type3A_1712 = arith.truncf %slice3A_1615 : vector<256x64xf32> to vector<256x64xbf16>
    %convert_element_type3A_1713 = arith.truncf %div3A_1633 : vector<320x64xf32> to vector<320x64xbf16>
    %dot_general3A_1714 = arith.constant dense<0.000000e+00> : vector<256x320xf32>
    %dot_general3A_1715 = tpu.matmul %convert_element_type3A_1712, %convert_element_type3A_1713, %dot_general3A_1714 {dimension_numbers = #tpu.dot_dimension_numbers<[1], [1], [0], [0], [0, 0, 1, 0], [], []>, transpose_lhs_hint = false} : vector<256x64xbf16>, vector<320x64xbf16>, vector<256x320xf32> -> vector<256x320xf32>
    %mul3A_1716 = arith.constant 1.250000e-01 : f32
    %mul3A_1717 = vector.broadcast %mul3A_1716 : f32 to vector<256x320xf32>
    %mul3A_1718 = arith.mulf %dot_general3A_1715, %mul3A_1717 : vector<256x320xf32>
    %gt3A_1719 = arith.constant 0 : i32
    %gt3A_1720 = vector.broadcast %gt3A_1719 : i32 to vector<256x320xi32>
    %gt3A_1721 = arith.cmpi sgt, %sub3A_1641, %gt3A_1720 : vector<256x320xi32>
    %jit3A_1722 = arith.constant -1.000000e+09 : f32
    %broadcast_in_dim3A_1723 = vector.broadcast %jit3A_1722 : f32 to vector<256x320xf32>
    %select_n3A_1724 = arith.select %gt3A_1721, %broadcast_in_dim3A_1723, %mul3A_1718 : vector<256x320xi1>, vector<256x320xf32>
    %eq3A_1725 = arith.constant 0 : i32
    %eq3A_1726 = vector.broadcast %eq3A_1725 : i32 to vector<256x320xi32>
    %eq3A_1727 = arith.cmpi eq, %sub3A_1641, %eq3A_1726 : vector<256x320xi32>
    %jit3A_1728 = arith.constant -1.000000e+05 : f32
    %broadcast_in_dim3A_1729 = vector.broadcast %jit3A_1728 : f32 to vector<256x320xf32>
    %select_n3A_1730 = arith.select %eq3A_1727, %broadcast_in_dim3A_1729, %select_n3A_1724 : vector<256x320xi1>, vector<256x320xf32>
    %jit3A_1731 = arith.constant -3.000000e+38 : f32
    %broadcast_in_dim3A_1732 = vector.broadcast %jit3A_1731 : f32 to vector<256x320xf32>
    %select_n3A_1733 = arith.select %or3A_1711, %select_n3A_1730, %broadcast_in_dim3A_1732 : vector<256x320xi1>, vector<256x320xf32>
    %reduce_max3A_1734 = arith.constant dense<0xFF800000> : vector<256xf32>
    %reduce_max3A_1735 = vector.multi_reduction <maximumf>, %select_n3A_1733, %reduce_max3A_1734 [1] : vector<256x320xf32> to vector<256xf32>
    %broadcast_in_dim3A_1736 = vector.shape_cast %reduce_max3A_1735 : vector<256xf32> to vector<256x1xf32>
    %sub3A_1737 = vector.broadcast %broadcast_in_dim3A_1736 : vector<256x1xf32> to vector<256x320xf32>
    %sub3A_1738 = arith.subf %select_n3A_1733, %sub3A_1737 : vector<256x320xf32>
    %exp3A_1739 = math.exp %sub3A_1738 : vector<256x320xf32>
    %reduce_sum3A_1740 = arith.constant dense<0.000000e+00> : vector<256xf32>
    %reduce_sum3A_1741 = vector.multi_reduction <add>, %exp3A_1739, %reduce_sum3A_1740 [1] : vector<256x320xf32> to vector<256xf32>
    %broadcast_in_dim3A_1742 = vector.shape_cast %reduce_sum3A_1741 : vector<256xf32> to vector<256x1xf32>
    %div3A_1743 = arith.constant 1.000000e+00 : f32
    %div3A_1744 = vector.broadcast %div3A_1743 : f32 to vector<256x1xf32>
    %div3A_1745 = arith.divf %div3A_1744, %broadcast_in_dim3A_1742 : vector<256x1xf32>
    %mul3A_1746 = vector.broadcast %div3A_1745 : vector<256x1xf32> to vector<256x320xf32>
    %mul3A_1747 = arith.mulf %exp3A_1739, %mul3A_1746 : vector<256x320xf32>
    %log3A_1748 = math.log %broadcast_in_dim3A_1742 : vector<256x1xf32>
    %add3A_1749 = arith.addf %broadcast_in_dim3A_1736, %log3A_1748 : vector<256x1xf32>
    %convert_element_type3A_1750 = arith.truncf %mul3A_1747 : vector<256x320xf32> to vector<256x320xbf16>
    %convert_element_type3A_1751 = arith.truncf %slice3A_1623 : vector<320x64xf32> to vector<320x64xbf16>
    %dot_general3A_1752 = arith.constant dense<0.000000e+00> : vector<256x64xf32>
    %dot_general3A_1753 = tpu.matmul %convert_element_type3A_1750, %convert_element_type3A_1751, %dot_general3A_1752 {dimension_numbers = #tpu.dot_dimension_numbers<[1], [0], [0], [1], [0, 0, 1, 1], [], []>, transpose_lhs_hint = false} : vector<256x320xbf16>, vector<320x64xbf16>, vector<256x64xf32> -> vector<256x64xf32>
    %broadcast_in_dim3A_1754 = arith.constant 0.000000e+00 : f32
    %broadcast_in_dim3A_1755 = vector.broadcast %broadcast_in_dim3A_1754 : f32 to vector<256x63xf32>
    %concatenate3A_1756 = tpu.concatenate %dot_general3A_1753, %add3A_1749, %broadcast_in_dim3A_1755 in 1 : vector<256x64xf32>, vector<256x1xf32>, vector<256x63xf32> -> vector<256x128xf32>
    %swap3A_1757 = arith.constant 0 : index
    %swap3A_1758 = arith.constant 2816 : index
    %swap3A_1759 = arith.constant 0 : index
    %swap3A_1760 = vector.load %arg4[%swap3A_1757, %swap3A_1758, %swap3A_1759] : memref<1x4096x128xf32, #tpu.memory_space<vmem>>, vector<1x256x128xf32>
    %swap3A_1761 = vector.shape_cast %swap3A_1760 : vector<1x256x128xf32> to vector<256x128xf32>
    %swap3A_1762 = vector.shape_cast %concatenate3A_1756 : vector<256x128xf32> to vector<1x256x128xf32>
    tpu.vector_store %arg4[%swap3A_1757, %swap3A_1758, %swap3A_1759], %swap3A_1762 {strides = array<i32>} : memref<1x4096x128xf32, #tpu.memory_space<vmem>>, vector<1x256x128xf32>,
    %slice3A_1763 = vector.extract_strided_slice %get3A_3 {offsets = [3072, 0], sizes = [256, 64], strides = [1, 1]} : vector<4096x128xf32> to vector<256x64xf32>
    %slice3A_1764 = vector.extract_strided_slice %get3A_3 {offsets = [3008, 0], sizes = [320, 128], strides = [1, 1]} : vector<4096x128xf32> to vector<320x128xf32>
    %get3A_1765 = arith.constant 0 : index
    %get3A_1766 = arith.constant 0 : index
    %get3A_1767 = arith.constant 3008 : index
    %get3A_1768 = vector.load %arg3[%get3A_1765, %get3A_1766, %get3A_1767] : memref<1x1x4096xi32, #tpu.memory_space<vmem>>, vector<1x1x320xi32>
    %get3A_1769 = vector.shape_cast %get3A_1768 : vector<1x1x320xi32> to vector<1x320xi32>
    %slice3A_1770 = vector.extract_strided_slice %slice3A_1764 {offsets = [0, 0], sizes = [320, 64], strides = [1, 1]} : vector<320x128xf32> to vector<320x64xf32>
    %slice3A_1771 = vector.extract_strided_slice %slice3A_1764 {offsets = [0, 64], sizes = [320, 64], strides = [1, 1]} : vector<320x128xf32> to vector<320x64xf32>
    %mul3A_1772 = arith.mulf %slice3A_1770, %slice3A_1770 : vector<320x64xf32>
    %reduce_sum3A_1773 = arith.constant dense<0.000000e+00> : vector<320xf32>
    %reduce_sum3A_1774 = vector.multi_reduction <add>, %mul3A_1772, %reduce_sum3A_1773 [1] : vector<320x64xf32> to vector<320xf32>
    %broadcast_in_dim3A_1775 = vector.shape_cast %reduce_sum3A_1774 : vector<320xf32> to vector<320x1xf32>
    %sqrt3A_1776 = math.sqrt %broadcast_in_dim3A_1775 : vector<320x1xf32>
    %add3A_1777 = arith.constant 9.99999971E-10 : f32
    %add3A_1778 = vector.broadcast %add3A_1777 : f32 to vector<320x1xf32>
    %add3A_1779 = arith.addf %sqrt3A_1776, %add3A_1778 : vector<320x1xf32>
    %div3A_1780 = vector.broadcast %add3A_1779 : vector<320x1xf32> to vector<320x64xf32>
    %div3A_1781 = arith.divf %slice3A_1770, %div3A_1780 : vector<320x64xf32>
    %get3A_1782 = arith.constant 0 : index
    %get3A_1783 = arith.constant 3072 : index
    %get3A_1784 = arith.constant 0 : index
    %get3A_1785 = vector.load %arg2[%get3A_1782, %get3A_1783, %get3A_1784] : memref<1x4096x1xi32, #tpu.memory_space<vmem>>, vector<1x256x1xi32>
    %get3A_1786 = vector.shape_cast %get3A_1785 : vector<1x256x1xi32> to vector<256x1xi32>
    %sub3A_1787 = vector.broadcast %get3A_1769 : vector<1x320xi32> to vector<256x320xi32>
    %sub3A_1788 = vector.broadcast %get3A_1786 : vector<256x1xi32> to vector<256x320xi32>
    %sub3A_1789 = arith.subi %sub3A_1787, %sub3A_1788 : vector<256x320xi32>
    %iota3A_1790 = tpu.iota {dimensions = array<i32: 0>} : vector<256x320xi32>
    %jit3A_1791 = arith.constant 64 : i32
    %div3A_1792 = vector.broadcast %jit3A_1791 : i32 to vector<256x320xi32>
    %div3A_1793 = arith.divsi %iota3A_1790, %div3A_1792 : vector<256x320xi32>
    %sign3A_1794 = arith.constant 0 : i32
    %sign3A_1795 = vector.broadcast %sign3A_1794 : i32 to vector<256x320xi32>
    %sign3A_1796 = arith.cmpi sgt, %iota3A_1790, %sign3A_1795 : vector<256x320xi32>
    %sign3A_1797 = arith.extui %sign3A_1796 : vector<256x320xi1> to vector<256x320xi32>
    %sign3A_1798 = arith.constant 0 : i32
    %sign3A_1799 = vector.broadcast %sign3A_1798 : i32 to vector<256x320xi32>
    %sign3A_1800 = arith.cmpi slt, %iota3A_1790, %sign3A_1799 : vector<256x320xi32>
    %sign3A_1801 = arith.extui %sign3A_1800 : vector<256x320xi1> to vector<256x320xi32>
    %sign3A_1802 = arith.subi %sign3A_1797, %sign3A_1801 : vector<256x320xi32>
    %sign3A_1803 = arith.constant 0 : i32
    %sign3A_1804 = arith.cmpi sgt, %jit3A_1791, %sign3A_1803 : i32
    %sign3A_1805 = arith.extui %sign3A_1804 : i1 to i32
    %sign3A_1806 = arith.constant 0 : i32
    %sign3A_1807 = arith.cmpi slt, %jit3A_1791, %sign3A_1806 : i32
    %sign3A_1808 = arith.extui %sign3A_1807 : i1 to i32
    %sign3A_1809 = arith.subi %sign3A_1805, %sign3A_1808 : i32
    %ne3A_1810 = vector.broadcast %sign3A_1809 : i32 to vector<256x320xi32>
    %ne3A_1811 = arith.cmpi ne, %sign3A_1802, %ne3A_1810 : vector<256x320xi32>
    %rem3A_1812 = vector.broadcast %jit3A_1791 : i32 to vector<256x320xi32>
    %rem3A_1813 = arith.remsi %iota3A_1790, %rem3A_1812 : vector<256x320xi32>
    %ne3A_1814 = arith.constant 0 : i32
    %ne3A_1815 = vector.broadcast %ne3A_1814 : i32 to vector<256x320xi32>
    %ne3A_1816 = arith.cmpi ne, %rem3A_1813, %ne3A_1815 : vector<256x320xi32>
    %and3A_1817 = arith.andi %ne3A_1811, %ne3A_1816 : vector<256x320xi1>
    %sub3A_1818 = arith.constant 1 : i32
    %sub3A_1819 = vector.broadcast %sub3A_1818 : i32 to vector<256x320xi32>
    %sub3A_1820 = arith.subi %div3A_1793, %sub3A_1819 : vector<256x320xi32>
    %select_n3A_1821 = arith.select %and3A_1817, %sub3A_1820, %div3A_1793 : vector<256x320xi1>, vector<256x320xi32>
    %iota3A_1822 = tpu.iota {dimensions = array<i32: 1>} : vector<256x320xi32>
    %jit3A_1823 = arith.constant 64 : i32
    %div3A_1824 = vector.broadcast %jit3A_1823 : i32 to vector<256x320xi32>
    %div3A_1825 = arith.divsi %iota3A_1822, %div3A_1824 : vector<256x320xi32>
    %sign3A_1826 = arith.constant 0 : i32
    %sign3A_1827 = vector.broadcast %sign3A_1826 : i32 to vector<256x320xi32>
    %sign3A_1828 = arith.cmpi sgt, %iota3A_1822, %sign3A_1827 : vector<256x320xi32>
    %sign3A_1829 = arith.extui %sign3A_1828 : vector<256x320xi1> to vector<256x320xi32>
    %sign3A_1830 = arith.constant 0 : i32
    %sign3A_1831 = vector.broadcast %sign3A_1830 : i32 to vector<256x320xi32>
    %sign3A_1832 = arith.cmpi slt, %iota3A_1822, %sign3A_1831 : vector<256x320xi32>
    %sign3A_1833 = arith.extui %sign3A_1832 : vector<256x320xi1> to vector<256x320xi32>
    %sign3A_1834 = arith.subi %sign3A_1829, %sign3A_1833 : vector<256x320xi32>
    %sign3A_1835 = arith.constant 0 : i32
    %sign3A_1836 = arith.cmpi sgt, %jit3A_1823, %sign3A_1835 : i32
    %sign3A_1837 = arith.extui %sign3A_1836 : i1 to i32
    %sign3A_1838 = arith.constant 0 : i32
    %sign3A_1839 = arith.cmpi slt, %jit3A_1823, %sign3A_1838 : i32
    %sign3A_1840 = arith.extui %sign3A_1839 : i1 to i32
    %sign3A_1841 = arith.subi %sign3A_1837, %sign3A_1840 : i32
    %ne3A_1842 = vector.broadcast %sign3A_1841 : i32 to vector<256x320xi32>
    %ne3A_1843 = arith.cmpi ne, %sign3A_1834, %ne3A_1842 : vector<256x320xi32>
    %rem3A_1844 = vector.broadcast %jit3A_1823 : i32 to vector<256x320xi32>
    %rem3A_1845 = arith.remsi %iota3A_1822, %rem3A_1844 : vector<256x320xi32>
    %ne3A_1846 = arith.constant 0 : i32
    %ne3A_1847 = vector.broadcast %ne3A_1846 : i32 to vector<256x320xi32>
    %ne3A_1848 = arith.cmpi ne, %rem3A_1845, %ne3A_1847 : vector<256x320xi32>
    %and3A_1849 = arith.andi %ne3A_1843, %ne3A_1848 : vector<256x320xi1>
    %sub3A_1850 = arith.constant 1 : i32
    %sub3A_1851 = vector.broadcast %sub3A_1850 : i32 to vector<256x320xi32>
    %sub3A_1852 = arith.subi %div3A_1825, %sub3A_1851 : vector<256x320xi32>
    %select_n3A_1853 = arith.select %and3A_1849, %sub3A_1852, %div3A_1825 : vector<256x320xi1>, vector<256x320xi32>
    %eq3A_1854 = arith.cmpi eq, %select_n3A_1853, %select_n3A_1821 : vector<256x320xi32>
    %add3A_1855 = arith.constant 1 : i32
    %add3A_1856 = vector.broadcast %add3A_1855 : i32 to vector<256x320xi32>
    %add3A_1857 = arith.addi %select_n3A_1821, %add3A_1856 : vector<256x320xi32>
    %eq3A_1858 = arith.cmpi eq, %select_n3A_1853, %add3A_1857 : vector<256x320xi32>
    %or3A_1859 = arith.ori %eq3A_1854, %eq3A_1858 : vector<256x320xi1>
    %convert_element_type3A_1860 = arith.truncf %slice3A_1763 : vector<256x64xf32> to vector<256x64xbf16>
    %convert_element_type3A_1861 = arith.truncf %div3A_1781 : vector<320x64xf32> to vector<320x64xbf16>
    %dot_general3A_1862 = arith.constant dense<0.000000e+00> : vector<256x320xf32>
    %dot_general3A_1863 = tpu.matmul %convert_element_type3A_1860, %convert_element_type3A_1861, %dot_general3A_1862 {dimension_numbers = #tpu.dot_dimension_numbers<[1], [1], [0], [0], [0, 0, 1, 0], [], []>, transpose_lhs_hint = false} : vector<256x64xbf16>, vector<320x64xbf16>, vector<256x320xf32> -> vector<256x320xf32>
    %mul3A_1864 = arith.constant 1.250000e-01 : f32
    %mul3A_1865 = vector.broadcast %mul3A_1864 : f32 to vector<256x320xf32>
    %mul3A_1866 = arith.mulf %dot_general3A_1863, %mul3A_1865 : vector<256x320xf32>
    %gt3A_1867 = arith.constant 0 : i32
    %gt3A_1868 = vector.broadcast %gt3A_1867 : i32 to vector<256x320xi32>
    %gt3A_1869 = arith.cmpi sgt, %sub3A_1789, %gt3A_1868 : vector<256x320xi32>
    %jit3A_1870 = arith.constant -1.000000e+09 : f32
    %broadcast_in_dim3A_1871 = vector.broadcast %jit3A_1870 : f32 to vector<256x320xf32>
    %select_n3A_1872 = arith.select %gt3A_1869, %broadcast_in_dim3A_1871, %mul3A_1866 : vector<256x320xi1>, vector<256x320xf32>
    %eq3A_1873 = arith.constant 0 : i32
    %eq3A_1874 = vector.broadcast %eq3A_1873 : i32 to vector<256x320xi32>
    %eq3A_1875 = arith.cmpi eq, %sub3A_1789, %eq3A_1874 : vector<256x320xi32>
    %jit3A_1876 = arith.constant -1.000000e+05 : f32
    %broadcast_in_dim3A_1877 = vector.broadcast %jit3A_1876 : f32 to vector<256x320xf32>
    %select_n3A_1878 = arith.select %eq3A_1875, %broadcast_in_dim3A_1877, %select_n3A_1872 : vector<256x320xi1>, vector<256x320xf32>
    %jit3A_1879 = arith.constant -3.000000e+38 : f32
    %broadcast_in_dim3A_1880 = vector.broadcast %jit3A_1879 : f32 to vector<256x320xf32>
    %select_n3A_1881 = arith.select %or3A_1859, %select_n3A_1878, %broadcast_in_dim3A_1880 : vector<256x320xi1>, vector<256x320xf32>
    %reduce_max3A_1882 = arith.constant dense<0xFF800000> : vector<256xf32>
    %reduce_max3A_1883 = vector.multi_reduction <maximumf>, %select_n3A_1881, %reduce_max3A_1882 [1] : vector<256x320xf32> to vector<256xf32>
    %broadcast_in_dim3A_1884 = vector.shape_cast %reduce_max3A_1883 : vector<256xf32> to vector<256x1xf32>
    %sub3A_1885 = vector.broadcast %broadcast_in_dim3A_1884 : vector<256x1xf32> to vector<256x320xf32>
    %sub3A_1886 = arith.subf %select_n3A_1881, %sub3A_1885 : vector<256x320xf32>
    %exp3A_1887 = math.exp %sub3A_1886 : vector<256x320xf32>
    %reduce_sum3A_1888 = arith.constant dense<0.000000e+00> : vector<256xf32>
    %reduce_sum3A_1889 = vector.multi_reduction <add>, %exp3A_1887, %reduce_sum3A_1888 [1] : vector<256x320xf32> to vector<256xf32>
    %broadcast_in_dim3A_1890 = vector.shape_cast %reduce_sum3A_1889 : vector<256xf32> to vector<256x1xf32>
    %div3A_1891 = arith.constant 1.000000e+00 : f32
    %div3A_1892 = vector.broadcast %div3A_1891 : f32 to vector<256x1xf32>
    %div3A_1893 = arith.divf %div3A_1892, %broadcast_in_dim3A_1890 : vector<256x1xf32>
    %mul3A_1894 = vector.broadcast %div3A_1893 : vector<256x1xf32> to vector<256x320xf32>
    %mul3A_1895 = arith.mulf %exp3A_1887, %mul3A_1894 : vector<256x320xf32>
    %log3A_1896 = math.log %broadcast_in_dim3A_1890 : vector<256x1xf32>
    %add3A_1897 = arith.addf %broadcast_in_dim3A_1884, %log3A_1896 : vector<256x1xf32>
    %convert_element_type3A_1898 = arith.truncf %mul3A_1895 : vector<256x320xf32> to vector<256x320xbf16>
    %convert_element_type3A_1899 = arith.truncf %slice3A_1771 : vector<320x64xf32> to vector<320x64xbf16>
    %dot_general3A_1900 = arith.constant dense<0.000000e+00> : vector<256x64xf32>
    %dot_general3A_1901 = tpu.matmul %convert_element_type3A_1898, %convert_element_type3A_1899, %dot_general3A_1900 {dimension_numbers = #tpu.dot_dimension_numbers<[1], [0], [0], [1], [0, 0, 1, 1], [], []>, transpose_lhs_hint = false} : vector<256x320xbf16>, vector<320x64xbf16>, vector<256x64xf32> -> vector<256x64xf32>
    %broadcast_in_dim3A_1902 = arith.constant 0.000000e+00 : f32
    %broadcast_in_dim3A_1903 = vector.broadcast %broadcast_in_dim3A_1902 : f32 to vector<256x63xf32>
    %concatenate3A_1904 = tpu.concatenate %dot_general3A_1901, %add3A_1897, %broadcast_in_dim3A_1903 in 1 : vector<256x64xf32>, vector<256x1xf32>, vector<256x63xf32> -> vector<256x128xf32>
    %swap3A_1905 = arith.constant 0 : index
    %swap3A_1906 = arith.constant 3072 : index
    %swap3A_1907 = arith.constant 0 : index
    %swap3A_1908 = vector.load %arg4[%swap3A_1905, %swap3A_1906, %swap3A_1907] : memref<1x4096x128xf32, #tpu.memory_space<vmem>>, vector<1x256x128xf32>
    %swap3A_1909 = vector.shape_cast %swap3A_1908 : vector<1x256x128xf32> to vector<256x128xf32>
    %swap3A_1910 = vector.shape_cast %concatenate3A_1904 : vector<256x128xf32> to vector<1x256x128xf32>
    tpu.vector_store %arg4[%swap3A_1905, %swap3A_1906, %swap3A_1907], %swap3A_1910 {strides = array<i32>} : memref<1x4096x128xf32, #tpu.memory_space<vmem>>, vector<1x256x128xf32>,
    %slice3A_1911 = vector.extract_strided_slice %get3A_3 {offsets = [3328, 0], sizes = [256, 64], strides = [1, 1]} : vector<4096x128xf32> to vector<256x64xf32>
    %slice3A_1912 = vector.extract_strided_slice %get3A_3 {offsets = [3264, 0], sizes = [320, 128], strides = [1, 1]} : vector<4096x128xf32> to vector<320x128xf32>
    %get3A_1913 = arith.constant 0 : index
    %get3A_1914 = arith.constant 0 : index
    %get3A_1915 = arith.constant 3264 : index
    %get3A_1916 = vector.load %arg3[%get3A_1913, %get3A_1914, %get3A_1915] : memref<1x1x4096xi32, #tpu.memory_space<vmem>>, vector<1x1x320xi32>
    %get3A_1917 = vector.shape_cast %get3A_1916 : vector<1x1x320xi32> to vector<1x320xi32>
    %slice3A_1918 = vector.extract_strided_slice %slice3A_1912 {offsets = [0, 0], sizes = [320, 64], strides = [1, 1]} : vector<320x128xf32> to vector<320x64xf32>
    %slice3A_1919 = vector.extract_strided_slice %slice3A_1912 {offsets = [0, 64], sizes = [320, 64], strides = [1, 1]} : vector<320x128xf32> to vector<320x64xf32>
    %mul3A_1920 = arith.mulf %slice3A_1918, %slice3A_1918 : vector<320x64xf32>
    %reduce_sum3A_1921 = arith.constant dense<0.000000e+00> : vector<320xf32>
    %reduce_sum3A_1922 = vector.multi_reduction <add>, %mul3A_1920, %reduce_sum3A_1921 [1] : vector<320x64xf32> to vector<320xf32>
    %broadcast_in_dim3A_1923 = vector.shape_cast %reduce_sum3A_1922 : vector<320xf32> to vector<320x1xf32>
    %sqrt3A_1924 = math.sqrt %broadcast_in_dim3A_1923 : vector<320x1xf32>
    %add3A_1925 = arith.constant 9.99999971E-10 : f32
    %add3A_1926 = vector.broadcast %add3A_1925 : f32 to vector<320x1xf32>
    %add3A_1927 = arith.addf %sqrt3A_1924, %add3A_1926 : vector<320x1xf32>
    %div3A_1928 = vector.broadcast %add3A_1927 : vector<320x1xf32> to vector<320x64xf32>
    %div3A_1929 = arith.divf %slice3A_1918, %div3A_1928 : vector<320x64xf32>
    %get3A_1930 = arith.constant 0 : index
    %get3A_1931 = arith.constant 3328 : index
    %get3A_1932 = arith.constant 0 : index
    %get3A_1933 = vector.load %arg2[%get3A_1930, %get3A_1931, %get3A_1932] : memref<1x4096x1xi32, #tpu.memory_space<vmem>>, vector<1x256x1xi32>
    %get3A_1934 = vector.shape_cast %get3A_1933 : vector<1x256x1xi32> to vector<256x1xi32>
    %sub3A_1935 = vector.broadcast %get3A_1917 : vector<1x320xi32> to vector<256x320xi32>
    %sub3A_1936 = vector.broadcast %get3A_1934 : vector<256x1xi32> to vector<256x320xi32>
    %sub3A_1937 = arith.subi %sub3A_1935, %sub3A_1936 : vector<256x320xi32>
    %iota3A_1938 = tpu.iota {dimensions = array<i32: 0>} : vector<256x320xi32>
    %jit3A_1939 = arith.constant 64 : i32
    %div3A_1940 = vector.broadcast %jit3A_1939 : i32 to vector<256x320xi32>
    %div3A_1941 = arith.divsi %iota3A_1938, %div3A_1940 : vector<256x320xi32>
    %sign3A_1942 = arith.constant 0 : i32
    %sign3A_1943 = vector.broadcast %sign3A_1942 : i32 to vector<256x320xi32>
    %sign3A_1944 = arith.cmpi sgt, %iota3A_1938, %sign3A_1943 : vector<256x320xi32>
    %sign3A_1945 = arith.extui %sign3A_1944 : vector<256x320xi1> to vector<256x320xi32>
    %sign3A_1946 = arith.constant 0 : i32
    %sign3A_1947 = vector.broadcast %sign3A_1946 : i32 to vector<256x320xi32>
    %sign3A_1948 = arith.cmpi slt, %iota3A_1938, %sign3A_1947 : vector<256x320xi32>
    %sign3A_1949 = arith.extui %sign3A_1948 : vector<256x320xi1> to vector<256x320xi32>
    %sign3A_1950 = arith.subi %sign3A_1945, %sign3A_1949 : vector<256x320xi32>
    %sign3A_1951 = arith.constant 0 : i32
    %sign3A_1952 = arith.cmpi sgt, %jit3A_1939, %sign3A_1951 : i32
    %sign3A_1953 = arith.extui %sign3A_1952 : i1 to i32
    %sign3A_1954 = arith.constant 0 : i32
    %sign3A_1955 = arith.cmpi slt, %jit3A_1939, %sign3A_1954 : i32
    %sign3A_1956 = arith.extui %sign3A_1955 : i1 to i32
    %sign3A_1957 = arith.subi %sign3A_1953, %sign3A_1956 : i32
    %ne3A_1958 = vector.broadcast %sign3A_1957 : i32 to vector<256x320xi32>
    %ne3A_1959 = arith.cmpi ne, %sign3A_1950, %ne3A_1958 : vector<256x320xi32>
    %rem3A_1960 = vector.broadcast %jit3A_1939 : i32 to vector<256x320xi32>
    %rem3A_1961 = arith.remsi %iota3A_1938, %rem3A_1960 : vector<256x320xi32>
    %ne3A_1962 = arith.constant 0 : i32
    %ne3A_1963 = vector.broadcast %ne3A_1962 : i32 to vector<256x320xi32>
    %ne3A_1964 = arith.cmpi ne, %rem3A_1961, %ne3A_1963 : vector<256x320xi32>
    %and3A_1965 = arith.andi %ne3A_1959, %ne3A_1964 : vector<256x320xi1>
    %sub3A_1966 = arith.constant 1 : i32
    %sub3A_1967 = vector.broadcast %sub3A_1966 : i32 to vector<256x320xi32>
    %sub3A_1968 = arith.subi %div3A_1941, %sub3A_1967 : vector<256x320xi32>
    %select_n3A_1969 = arith.select %and3A_1965, %sub3A_1968, %div3A_1941 : vector<256x320xi1>, vector<256x320xi32>
    %iota3A_1970 = tpu.iota {dimensions = array<i32: 1>} : vector<256x320xi32>
    %jit3A_1971 = arith.constant 64 : i32
    %div3A_1972 = vector.broadcast %jit3A_1971 : i32 to vector<256x320xi32>
    %div3A_1973 = arith.divsi %iota3A_1970, %div3A_1972 : vector<256x320xi32>
    %sign3A_1974 = arith.constant 0 : i32
    %sign3A_1975 = vector.broadcast %sign3A_1974 : i32 to vector<256x320xi32>
    %sign3A_1976 = arith.cmpi sgt, %iota3A_1970, %sign3A_1975 : vector<256x320xi32>
    %sign3A_1977 = arith.extui %sign3A_1976 : vector<256x320xi1> to vector<256x320xi32>
    %sign3A_1978 = arith.constant 0 : i32
    %sign3A_1979 = vector.broadcast %sign3A_1978 : i32 to vector<256x320xi32>
    %sign3A_1980 = arith.cmpi slt, %iota3A_1970, %sign3A_1979 : vector<256x320xi32>
    %sign3A_1981 = arith.extui %sign3A_1980 : vector<256x320xi1> to vector<256x320xi32>
    %sign3A_1982 = arith.subi %sign3A_1977, %sign3A_1981 : vector<256x320xi32>
    %sign3A_1983 = arith.constant 0 : i32
    %sign3A_1984 = arith.cmpi sgt, %jit3A_1971, %sign3A_1983 : i32
    %sign3A_1985 = arith.extui %sign3A_1984 : i1 to i32
    %sign3A_1986 = arith.constant 0 : i32
    %sign3A_1987 = arith.cmpi slt, %jit3A_1971, %sign3A_1986 : i32
    %sign3A_1988 = arith.extui %sign3A_1987 : i1 to i32
    %sign3A_1989 = arith.subi %sign3A_1985, %sign3A_1988 : i32
    %ne3A_1990 = vector.broadcast %sign3A_1989 : i32 to vector<256x320xi32>
    %ne3A_1991 = arith.cmpi ne, %sign3A_1982, %ne3A_1990 : vector<256x320xi32>
    %rem3A_1992 = vector.broadcast %jit3A_1971 : i32 to vector<256x320xi32>
    %rem3A_1993 = arith.remsi %iota3A_1970, %rem3A_1992 : vector<256x320xi32>
    %ne3A_1994 = arith.constant 0 : i32
    %ne3A_1995 = vector.broadcast %ne3A_1994 : i32 to vector<256x320xi32>
    %ne3A_1996 = arith.cmpi ne, %rem3A_1993, %ne3A_1995 : vector<256x320xi32>
    %and3A_1997 = arith.andi %ne3A_1991, %ne3A_1996 : vector<256x320xi1>
    %sub3A_1998 = arith.constant 1 : i32
    %sub3A_1999 = vector.broadcast %sub3A_1998 : i32 to vector<256x320xi32>
    %sub3A_2000 = arith.subi %div3A_1973, %sub3A_1999 : vector<256x320xi32>
    %select_n3A_2001 = arith.select %and3A_1997, %sub3A_2000, %div3A_1973 : vector<256x320xi1>, vector<256x320xi32>
    %eq3A_2002 = arith.cmpi eq, %select_n3A_2001, %select_n3A_1969 : vector<256x320xi32>
    %add3A_2003 = arith.constant 1 : i32
    %add3A_2004 = vector.broadcast %add3A_2003 : i32 to vector<256x320xi32>
    %add3A_2005 = arith.addi %select_n3A_1969, %add3A_2004 : vector<256x320xi32>
    %eq3A_2006 = arith.cmpi eq, %select_n3A_2001, %add3A_2005 : vector<256x320xi32>
    %or3A_2007 = arith.ori %eq3A_2002, %eq3A_2006 : vector<256x320xi1>
    %convert_element_type3A_2008 = arith.truncf %slice3A_1911 : vector<256x64xf32> to vector<256x64xbf16>
    %convert_element_type3A_2009 = arith.truncf %div3A_1929 : vector<320x64xf32> to vector<320x64xbf16>
    %dot_general3A_2010 = arith.constant dense<0.000000e+00> : vector<256x320xf32>
    %dot_general3A_2011 = tpu.matmul %convert_element_type3A_2008, %convert_element_type3A_2009, %dot_general3A_2010 {dimension_numbers = #tpu.dot_dimension_numbers<[1], [1], [0], [0], [0, 0, 1, 0], [], []>, transpose_lhs_hint = false} : vector<256x64xbf16>, vector<320x64xbf16>, vector<256x320xf32> -> vector<256x320xf32>
    %mul3A_2012 = arith.constant 1.250000e-01 : f32
    %mul3A_2013 = vector.broadcast %mul3A_2012 : f32 to vector<256x320xf32>
    %mul3A_2014 = arith.mulf %dot_general3A_2011, %mul3A_2013 : vector<256x320xf32>
    %gt3A_2015 = arith.constant 0 : i32
    %gt3A_2016 = vector.broadcast %gt3A_2015 : i32 to vector<256x320xi32>
    %gt3A_2017 = arith.cmpi sgt, %sub3A_1937, %gt3A_2016 : vector<256x320xi32>
    %jit3A_2018 = arith.constant -1.000000e+09 : f32
    %broadcast_in_dim3A_2019 = vector.broadcast %jit3A_2018 : f32 to vector<256x320xf32>
    %select_n3A_2020 = arith.select %gt3A_2017, %broadcast_in_dim3A_2019, %mul3A_2014 : vector<256x320xi1>, vector<256x320xf32>
    %eq3A_2021 = arith.constant 0 : i32
    %eq3A_2022 = vector.broadcast %eq3A_2021 : i32 to vector<256x320xi32>
    %eq3A_2023 = arith.cmpi eq, %sub3A_1937, %eq3A_2022 : vector<256x320xi32>
    %jit3A_2024 = arith.constant -1.000000e+05 : f32
    %broadcast_in_dim3A_2025 = vector.broadcast %jit3A_2024 : f32 to vector<256x320xf32>
    %select_n3A_2026 = arith.select %eq3A_2023, %broadcast_in_dim3A_2025, %select_n3A_2020 : vector<256x320xi1>, vector<256x320xf32>
    %jit3A_2027 = arith.constant -3.000000e+38 : f32
    %broadcast_in_dim3A_2028 = vector.broadcast %jit3A_2027 : f32 to vector<256x320xf32>
    %select_n3A_2029 = arith.select %or3A_2007, %select_n3A_2026, %broadcast_in_dim3A_2028 : vector<256x320xi1>, vector<256x320xf32>
    %reduce_max3A_2030 = arith.constant dense<0xFF800000> : vector<256xf32>
    %reduce_max3A_2031 = vector.multi_reduction <maximumf>, %select_n3A_2029, %reduce_max3A_2030 [1] : vector<256x320xf32> to vector<256xf32>
    %broadcast_in_dim3A_2032 = vector.shape_cast %reduce_max3A_2031 : vector<256xf32> to vector<256x1xf32>
    %sub3A_2033 = vector.broadcast %broadcast_in_dim3A_2032 : vector<256x1xf32> to vector<256x320xf32>
    %sub3A_2034 = arith.subf %select_n3A_2029, %sub3A_2033 : vector<256x320xf32>
    %exp3A_2035 = math.exp %sub3A_2034 : vector<256x320xf32>
    %reduce_sum3A_2036 = arith.constant dense<0.000000e+00> : vector<256xf32>
    %reduce_sum3A_2037 = vector.multi_reduction <add>, %exp3A_2035, %reduce_sum3A_2036 [1] : vector<256x320xf32> to vector<256xf32>
    %broadcast_in_dim3A_2038 = vector.shape_cast %reduce_sum3A_2037 : vector<256xf32> to vector<256x1xf32>
    %div3A_2039 = arith.constant 1.000000e+00 : f32
    %div3A_2040 = vector.broadcast %div3A_2039 : f32 to vector<256x1xf32>
    %div3A_2041 = arith.divf %div3A_2040, %broadcast_in_dim3A_2038 : vector<256x1xf32>
    %mul3A_2042 = vector.broadcast %div3A_2041 : vector<256x1xf32> to vector<256x320xf32>
    %mul3A_2043 = arith.mulf %exp3A_2035, %mul3A_2042 : vector<256x320xf32>
    %log3A_2044 = math.log %broadcast_in_dim3A_2038 : vector<256x1xf32>
    %add3A_2045 = arith.addf %broadcast_in_dim3A_2032, %log3A_2044 : vector<256x1xf32>
    %convert_element_type3A_2046 = arith.truncf %mul3A_2043 : vector<256x320xf32> to vector<256x320xbf16>
    %convert_element_type3A_2047 = arith.truncf %slice3A_1919 : vector<320x64xf32> to vector<320x64xbf16>
    %dot_general3A_2048 = arith.constant dense<0.000000e+00> : vector<256x64xf32>
    %dot_general3A_2049 = tpu.matmul %convert_element_type3A_2046, %convert_element_type3A_2047, %dot_general3A_2048 {dimension_numbers = #tpu.dot_dimension_numbers<[1], [0], [0], [1], [0, 0, 1, 1], [], []>, transpose_lhs_hint = false} : vector<256x320xbf16>, vector<320x64xbf16>, vector<256x64xf32> -> vector<256x64xf32>
    %broadcast_in_dim3A_2050 = arith.constant 0.000000e+00 : f32
    %broadcast_in_dim3A_2051 = vector.broadcast %broadcast_in_dim3A_2050 : f32 to vector<256x63xf32>
    %concatenate3A_2052 = tpu.concatenate %dot_general3A_2049, %add3A_2045, %broadcast_in_dim3A_2051 in 1 : vector<256x64xf32>, vector<256x1xf32>, vector<256x63xf32> -> vector<256x128xf32>
    %swap3A_2053 = arith.constant 0 : index
    %swap3A_2054 = arith.constant 3328 : index
    %swap3A_2055 = arith.constant 0 : index
    %swap3A_2056 = vector.load %arg4[%swap3A_2053, %swap3A_2054, %swap3A_2055] : memref<1x4096x128xf32, #tpu.memory_space<vmem>>, vector<1x256x128xf32>
    %swap3A_2057 = vector.shape_cast %swap3A_2056 : vector<1x256x128xf32> to vector<256x128xf32>
    %swap3A_2058 = vector.shape_cast %concatenate3A_2052 : vector<256x128xf32> to vector<1x256x128xf32>
    tpu.vector_store %arg4[%swap3A_2053, %swap3A_2054, %swap3A_2055], %swap3A_2058 {strides = array<i32>} : memref<1x4096x128xf32, #tpu.memory_space<vmem>>, vector<1x256x128xf32>,
    %slice3A_2059 = vector.extract_strided_slice %get3A_3 {offsets = [3584, 0], sizes = [256, 64], strides = [1, 1]} : vector<4096x128xf32> to vector<256x64xf32>
    %slice3A_2060 = vector.extract_strided_slice %get3A_3 {offsets = [3520, 0], sizes = [320, 128], strides = [1, 1]} : vector<4096x128xf32> to vector<320x128xf32>
    %get3A_2061 = arith.constant 0 : index
    %get3A_2062 = arith.constant 0 : index
    %get3A_2063 = arith.constant 3520 : index
    %get3A_2064 = vector.load %arg3[%get3A_2061, %get3A_2062, %get3A_2063] : memref<1x1x4096xi32, #tpu.memory_space<vmem>>, vector<1x1x320xi32>
    %get3A_2065 = vector.shape_cast %get3A_2064 : vector<1x1x320xi32> to vector<1x320xi32>
    %slice3A_2066 = vector.extract_strided_slice %slice3A_2060 {offsets = [0, 0], sizes = [320, 64], strides = [1, 1]} : vector<320x128xf32> to vector<320x64xf32>
    %slice3A_2067 = vector.extract_strided_slice %slice3A_2060 {offsets = [0, 64], sizes = [320, 64], strides = [1, 1]} : vector<320x128xf32> to vector<320x64xf32>
    %mul3A_2068 = arith.mulf %slice3A_2066, %slice3A_2066 : vector<320x64xf32>
    %reduce_sum3A_2069 = arith.constant dense<0.000000e+00> : vector<320xf32>
    %reduce_sum3A_2070 = vector.multi_reduction <add>, %mul3A_2068, %reduce_sum3A_2069 [1] : vector<320x64xf32> to vector<320xf32>
    %broadcast_in_dim3A_2071 = vector.shape_cast %reduce_sum3A_2070 : vector<320xf32> to vector<320x1xf32>
    %sqrt3A_2072 = math.sqrt %broadcast_in_dim3A_2071 : vector<320x1xf32>
    %add3A_2073 = arith.constant 9.99999971E-10 : f32
    %add3A_2074 = vector.broadcast %add3A_2073 : f32 to vector<320x1xf32>
    %add3A_2075 = arith.addf %sqrt3A_2072, %add3A_2074 : vector<320x1xf32>
    %div3A_2076 = vector.broadcast %add3A_2075 : vector<320x1xf32> to vector<320x64xf32>
    %div3A_2077 = arith.divf %slice3A_2066, %div3A_2076 : vector<320x64xf32>
    %get3A_2078 = arith.constant 0 : index
    %get3A_2079 = arith.constant 3584 : index
    %get3A_2080 = arith.constant 0 : index
    %get3A_2081 = vector.load %arg2[%get3A_2078, %get3A_2079, %get3A_2080] : memref<1x4096x1xi32, #tpu.memory_space<vmem>>, vector<1x256x1xi32>
    %get3A_2082 = vector.shape_cast %get3A_2081 : vector<1x256x1xi32> to vector<256x1xi32>
    %sub3A_2083 = vector.broadcast %get3A_2065 : vector<1x320xi32> to vector<256x320xi32>
    %sub3A_2084 = vector.broadcast %get3A_2082 : vector<256x1xi32> to vector<256x320xi32>
    %sub3A_2085 = arith.subi %sub3A_2083, %sub3A_2084 : vector<256x320xi32>
    %iota3A_2086 = tpu.iota {dimensions = array<i32: 0>} : vector<256x320xi32>
    %jit3A_2087 = arith.constant 64 : i32
    %div3A_2088 = vector.broadcast %jit3A_2087 : i32 to vector<256x320xi32>
    %div3A_2089 = arith.divsi %iota3A_2086, %div3A_2088 : vector<256x320xi32>
    %sign3A_2090 = arith.constant 0 : i32
    %sign3A_2091 = vector.broadcast %sign3A_2090 : i32 to vector<256x320xi32>
    %sign3A_2092 = arith.cmpi sgt, %iota3A_2086, %sign3A_2091 : vector<256x320xi32>
    %sign3A_2093 = arith.extui %sign3A_2092 : vector<256x320xi1> to vector<256x320xi32>
    %sign3A_2094 = arith.constant 0 : i32
    %sign3A_2095 = vector.broadcast %sign3A_2094 : i32 to vector<256x320xi32>
    %sign3A_2096 = arith.cmpi slt, %iota3A_2086, %sign3A_2095 : vector<256x320xi32>
    %sign3A_2097 = arith.extui %sign3A_2096 : vector<256x320xi1> to vector<256x320xi32>
    %sign3A_2098 = arith.subi %sign3A_2093, %sign3A_2097 : vector<256x320xi32>
    %sign3A_2099 = arith.constant 0 : i32
    %sign3A_2100 = arith.cmpi sgt, %jit3A_2087, %sign3A_2099 : i32
    %sign3A_2101 = arith.extui %sign3A_2100 : i1 to i32
    %sign3A_2102 = arith.constant 0 : i32
    %sign3A_2103 = arith.cmpi slt, %jit3A_2087, %sign3A_2102 : i32
    %sign3A_2104 = arith.extui %sign3A_2103 : i1 to i32
    %sign3A_2105 = arith.subi %sign3A_2101, %sign3A_2104 : i32
    %ne3A_2106 = vector.broadcast %sign3A_2105 : i32 to vector<256x320xi32>
    %ne3A_2107 = arith.cmpi ne, %sign3A_2098, %ne3A_2106 : vector<256x320xi32>
    %rem3A_2108 = vector.broadcast %jit3A_2087 : i32 to vector<256x320xi32>
    %rem3A_2109 = arith.remsi %iota3A_2086, %rem3A_2108 : vector<256x320xi32>
    %ne3A_2110 = arith.constant 0 : i32
    %ne3A_2111 = vector.broadcast %ne3A_2110 : i32 to vector<256x320xi32>
    %ne3A_2112 = arith.cmpi ne, %rem3A_2109, %ne3A_2111 : vector<256x320xi32>
    %and3A_2113 = arith.andi %ne3A_2107, %ne3A_2112 : vector<256x320xi1>
    %sub3A_2114 = arith.constant 1 : i32
    %sub3A_2115 = vector.broadcast %sub3A_2114 : i32 to vector<256x320xi32>
    %sub3A_2116 = arith.subi %div3A_2089, %sub3A_2115 : vector<256x320xi32>
    %select_n3A_2117 = arith.select %and3A_2113, %sub3A_2116, %div3A_2089 : vector<256x320xi1>, vector<256x320xi32>
    %iota3A_2118 = tpu.iota {dimensions = array<i32: 1>} : vector<256x320xi32>
    %jit3A_2119 = arith.constant 64 : i32
    %div3A_2120 = vector.broadcast %jit3A_2119 : i32 to vector<256x320xi32>
    %div3A_2121 = arith.divsi %iota3A_2118, %div3A_2120 : vector<256x320xi32>
    %sign3A_2122 = arith.constant 0 : i32
    %sign3A_2123 = vector.broadcast %sign3A_2122 : i32 to vector<256x320xi32>
    %sign3A_2124 = arith.cmpi sgt, %iota3A_2118, %sign3A_2123 : vector<256x320xi32>
    %sign3A_2125 = arith.extui %sign3A_2124 : vector<256x320xi1> to vector<256x320xi32>
    %sign3A_2126 = arith.constant 0 : i32
    %sign3A_2127 = vector.broadcast %sign3A_2126 : i32 to vector<256x320xi32>
    %sign3A_2128 = arith.cmpi slt, %iota3A_2118, %sign3A_2127 : vector<256x320xi32>
    %sign3A_2129 = arith.extui %sign3A_2128 : vector<256x320xi1> to vector<256x320xi32>
    %sign3A_2130 = arith.subi %sign3A_2125, %sign3A_2129 : vector<256x320xi32>
    %sign3A_2131 = arith.constant 0 : i32
    %sign3A_2132 = arith.cmpi sgt, %jit3A_2119, %sign3A_2131 : i32
    %sign3A_2133 = arith.extui %sign3A_2132 : i1 to i32
    %sign3A_2134 = arith.constant 0 : i32
    %sign3A_2135 = arith.cmpi slt, %jit3A_2119, %sign3A_2134 : i32
    %sign3A_2136 = arith.extui %sign3A_2135 : i1 to i32
    %sign3A_2137 = arith.subi %sign3A_2133, %sign3A_2136 : i32
    %ne3A_2138 = vector.broadcast %sign3A_2137 : i32 to vector<256x320xi32>
    %ne3A_2139 = arith.cmpi ne, %sign3A_2130, %ne3A_2138 : vector<256x320xi32>
    %rem3A_2140 = vector.broadcast %jit3A_2119 : i32 to vector<256x320xi32>
    %rem3A_2141 = arith.remsi %iota3A_2118, %rem3A_2140 : vector<256x320xi32>
    %ne3A_2142 = arith.constant 0 : i32
    %ne3A_2143 = vector.broadcast %ne3A_2142 : i32 to vector<256x320xi32>
    %ne3A_2144 = arith.cmpi ne, %rem3A_2141, %ne3A_2143 : vector<256x320xi32>
    %and3A_2145 = arith.andi %ne3A_2139, %ne3A_2144 : vector<256x320xi1>
    %sub3A_2146 = arith.constant 1 : i32
    %sub3A_2147 = vector.broadcast %sub3A_2146 : i32 to vector<256x320xi32>
    %sub3A_2148 = arith.subi %div3A_2121, %sub3A_2147 : vector<256x320xi32>
    %select_n3A_2149 = arith.select %and3A_2145, %sub3A_2148, %div3A_2121 : vector<256x320xi1>, vector<256x320xi32>
    %eq3A_2150 = arith.cmpi eq, %select_n3A_2149, %select_n3A_2117 : vector<256x320xi32>
    %add3A_2151 = arith.constant 1 : i32
    %add3A_2152 = vector.broadcast %add3A_2151 : i32 to vector<256x320xi32>
    %add3A_2153 = arith.addi %select_n3A_2117, %add3A_2152 : vector<256x320xi32>
    %eq3A_2154 = arith.cmpi eq, %select_n3A_2149, %add3A_2153 : vector<256x320xi32>
    %or3A_2155 = arith.ori %eq3A_2150, %eq3A_2154 : vector<256x320xi1>
    %convert_element_type3A_2156 = arith.truncf %slice3A_2059 : vector<256x64xf32> to vector<256x64xbf16>
    %convert_element_type3A_2157 = arith.truncf %div3A_2077 : vector<320x64xf32> to vector<320x64xbf16>
    %dot_general3A_2158 = arith.constant dense<0.000000e+00> : vector<256x320xf32>
    %dot_general3A_2159 = tpu.matmul %convert_element_type3A_2156, %convert_element_type3A_2157, %dot_general3A_2158 {dimension_numbers = #tpu.dot_dimension_numbers<[1], [1], [0], [0], [0, 0, 1, 0], [], []>, transpose_lhs_hint = false} : vector<256x64xbf16>, vector<320x64xbf16>, vector<256x320xf32> -> vector<256x320xf32>
    %mul3A_2160 = arith.constant 1.250000e-01 : f32
    %mul3A_2161 = vector.broadcast %mul3A_2160 : f32 to vector<256x320xf32>
    %mul3A_2162 = arith.mulf %dot_general3A_2159, %mul3A_2161 : vector<256x320xf32>
    %gt3A_2163 = arith.constant 0 : i32
    %gt3A_2164 = vector.broadcast %gt3A_2163 : i32 to vector<256x320xi32>
    %gt3A_2165 = arith.cmpi sgt, %sub3A_2085, %gt3A_2164 : vector<256x320xi32>
    %jit3A_2166 = arith.constant -1.000000e+09 : f32
    %broadcast_in_dim3A_2167 = vector.broadcast %jit3A_2166 : f32 to vector<256x320xf32>
    %select_n3A_2168 = arith.select %gt3A_2165, %broadcast_in_dim3A_2167, %mul3A_2162 : vector<256x320xi1>, vector<256x320xf32>
    %eq3A_2169 = arith.constant 0 : i32
    %eq3A_2170 = vector.broadcast %eq3A_2169 : i32 to vector<256x320xi32>
    %eq3A_2171 = arith.cmpi eq, %sub3A_2085, %eq3A_2170 : vector<256x320xi32>
    %jit3A_2172 = arith.constant -1.000000e+05 : f32
    %broadcast_in_dim3A_2173 = vector.broadcast %jit3A_2172 : f32 to vector<256x320xf32>
    %select_n3A_2174 = arith.select %eq3A_2171, %broadcast_in_dim3A_2173, %select_n3A_2168 : vector<256x320xi1>, vector<256x320xf32>
    %jit3A_2175 = arith.constant -3.000000e+38 : f32
    %broadcast_in_dim3A_2176 = vector.broadcast %jit3A_2175 : f32 to vector<256x320xf32>
    %select_n3A_2177 = arith.select %or3A_2155, %select_n3A_2174, %broadcast_in_dim3A_2176 : vector<256x320xi1>, vector<256x320xf32>
    %reduce_max3A_2178 = arith.constant dense<0xFF800000> : vector<256xf32>
    %reduce_max3A_2179 = vector.multi_reduction <maximumf>, %select_n3A_2177, %reduce_max3A_2178 [1] : vector<256x320xf32> to vector<256xf32>
    %broadcast_in_dim3A_2180 = vector.shape_cast %reduce_max3A_2179 : vector<256xf32> to vector<256x1xf32>
    %sub3A_2181 = vector.broadcast %broadcast_in_dim3A_2180 : vector<256x1xf32> to vector<256x320xf32>
    %sub3A_2182 = arith.subf %select_n3A_2177, %sub3A_2181 : vector<256x320xf32>
    %exp3A_2183 = math.exp %sub3A_2182 : vector<256x320xf32>
    %reduce_sum3A_2184 = arith.constant dense<0.000000e+00> : vector<256xf32>
    %reduce_sum3A_2185 = vector.multi_reduction <add>, %exp3A_2183, %reduce_sum3A_2184 [1] : vector<256x320xf32> to vector<256xf32>
    %broadcast_in_dim3A_2186 = vector.shape_cast %reduce_sum3A_2185 : vector<256xf32> to vector<256x1xf32>
    %div3A_2187 = arith.constant 1.000000e+00 : f32
    %div3A_2188 = vector.broadcast %div3A_2187 : f32 to vector<256x1xf32>
    %div3A_2189 = arith.divf %div3A_2188, %broadcast_in_dim3A_2186 : vector<256x1xf32>
    %mul3A_2190 = vector.broadcast %div3A_2189 : vector<256x1xf32> to vector<256x320xf32>
    %mul3A_2191 = arith.mulf %exp3A_2183, %mul3A_2190 : vector<256x320xf32>
    %log3A_2192 = math.log %broadcast_in_dim3A_2186 : vector<256x1xf32>
    %add3A_2193 = arith.addf %broadcast_in_dim3A_2180, %log3A_2192 : vector<256x1xf32>
    %convert_element_type3A_2194 = arith.truncf %mul3A_2191 : vector<256x320xf32> to vector<256x320xbf16>
    %convert_element_type3A_2195 = arith.truncf %slice3A_2067 : vector<320x64xf32> to vector<320x64xbf16>
    %dot_general3A_2196 = arith.constant dense<0.000000e+00> : vector<256x64xf32>
    %dot_general3A_2197 = tpu.matmul %convert_element_type3A_2194, %convert_element_type3A_2195, %dot_general3A_2196 {dimension_numbers = #tpu.dot_dimension_numbers<[1], [0], [0], [1], [0, 0, 1, 1], [], []>, transpose_lhs_hint = false} : vector<256x320xbf16>, vector<320x64xbf16>, vector<256x64xf32> -> vector<256x64xf32>
    %broadcast_in_dim3A_2198 = arith.constant 0.000000e+00 : f32
    %broadcast_in_dim3A_2199 = vector.broadcast %broadcast_in_dim3A_2198 : f32 to vector<256x63xf32>
    %concatenate3A_2200 = tpu.concatenate %dot_general3A_2197, %add3A_2193, %broadcast_in_dim3A_2199 in 1 : vector<256x64xf32>, vector<256x1xf32>, vector<256x63xf32> -> vector<256x128xf32>
    %swap3A_2201 = arith.constant 0 : index
    %swap3A_2202 = arith.constant 3584 : index
    %swap3A_2203 = arith.constant 0 : index
    %swap3A_2204 = vector.load %arg4[%swap3A_2201, %swap3A_2202, %swap3A_2203] : memref<1x4096x128xf32, #tpu.memory_space<vmem>>, vector<1x256x128xf32>
    %swap3A_2205 = vector.shape_cast %swap3A_2204 : vector<1x256x128xf32> to vector<256x128xf32>
    %swap3A_2206 = vector.shape_cast %concatenate3A_2200 : vector<256x128xf32> to vector<1x256x128xf32>
    tpu.vector_store %arg4[%swap3A_2201, %swap3A_2202, %swap3A_2203], %swap3A_2206 {strides = array<i32>} : memref<1x4096x128xf32, #tpu.memory_space<vmem>>, vector<1x256x128xf32>,
    %slice3A_2207 = vector.extract_strided_slice %get3A_3 {offsets = [3840, 0], sizes = [256, 64], strides = [1, 1]} : vector<4096x128xf32> to vector<256x64xf32>
    %slice3A_2208 = vector.extract_strided_slice %get3A_3 {offsets = [3776, 0], sizes = [320, 128], strides = [1, 1]} : vector<4096x128xf32> to vector<320x128xf32>
    %get3A_2209 = arith.constant 0 : index
    %get3A_2210 = arith.constant 0 : index
    %get3A_2211 = arith.constant 3776 : index
    %get3A_2212 = vector.load %arg3[%get3A_2209, %get3A_2210, %get3A_2211] : memref<1x1x4096xi32, #tpu.memory_space<vmem>>, vector<1x1x320xi32>
    %get3A_2213 = vector.shape_cast %get3A_2212 : vector<1x1x320xi32> to vector<1x320xi32>
    %slice3A_2214 = vector.extract_strided_slice %slice3A_2208 {offsets = [0, 0], sizes = [320, 64], strides = [1, 1]} : vector<320x128xf32> to vector<320x64xf32>
    %slice3A_2215 = vector.extract_strided_slice %slice3A_2208 {offsets = [0, 64], sizes = [320, 64], strides = [1, 1]} : vector<320x128xf32> to vector<320x64xf32>
    %mul3A_2216 = arith.mulf %slice3A_2214, %slice3A_2214 : vector<320x64xf32>
    %reduce_sum3A_2217 = arith.constant dense<0.000000e+00> : vector<320xf32>
    %reduce_sum3A_2218 = vector.multi_reduction <add>, %mul3A_2216, %reduce_sum3A_2217 [1] : vector<320x64xf32> to vector<320xf32>
    %broadcast_in_dim3A_2219 = vector.shape_cast %reduce_sum3A_2218 : vector<320xf32> to vector<320x1xf32>
    %sqrt3A_2220 = math.sqrt %broadcast_in_dim3A_2219 : vector<320x1xf32>
    %add3A_2221 = arith.constant 9.99999971E-10 : f32
    %add3A_2222 = vector.broadcast %add3A_2221 : f32 to vector<320x1xf32>
    %add3A_2223 = arith.addf %sqrt3A_2220, %add3A_2222 : vector<320x1xf32>
    %div3A_2224 = vector.broadcast %add3A_2223 : vector<320x1xf32> to vector<320x64xf32>
    %div3A_2225 = arith.divf %slice3A_2214, %div3A_2224 : vector<320x64xf32>
    %get3A_2226 = arith.constant 0 : index
    %get3A_2227 = arith.constant 3840 : index
    %get3A_2228 = arith.constant 0 : index
    %get3A_2229 = vector.load %arg2[%get3A_2226, %get3A_2227, %get3A_2228] : memref<1x4096x1xi32, #tpu.memory_space<vmem>>, vector<1x256x1xi32>
    %get3A_2230 = vector.shape_cast %get3A_2229 : vector<1x256x1xi32> to vector<256x1xi32>
    %sub3A_2231 = vector.broadcast %get3A_2213 : vector<1x320xi32> to vector<256x320xi32>
    %sub3A_2232 = vector.broadcast %get3A_2230 : vector<256x1xi32> to vector<256x320xi32>
    %sub3A_2233 = arith.subi %sub3A_2231, %sub3A_2232 : vector<256x320xi32>
    %iota3A_2234 = tpu.iota {dimensions = array<i32: 0>} : vector<256x320xi32>
    %jit3A_2235 = arith.constant 64 : i32
    %div3A_2236 = vector.broadcast %jit3A_2235 : i32 to vector<256x320xi32>
    %div3A_2237 = arith.divsi %iota3A_2234, %div3A_2236 : vector<256x320xi32>
    %sign3A_2238 = arith.constant 0 : i32
    %sign3A_2239 = vector.broadcast %sign3A_2238 : i32 to vector<256x320xi32>
    %sign3A_2240 = arith.cmpi sgt, %iota3A_2234, %sign3A_2239 : vector<256x320xi32>
    %sign3A_2241 = arith.extui %sign3A_2240 : vector<256x320xi1> to vector<256x320xi32>
    %sign3A_2242 = arith.constant 0 : i32
    %sign3A_2243 = vector.broadcast %sign3A_2242 : i32 to vector<256x320xi32>
    %sign3A_2244 = arith.cmpi slt, %iota3A_2234, %sign3A_2243 : vector<256x320xi32>
    %sign3A_2245 = arith.extui %sign3A_2244 : vector<256x320xi1> to vector<256x320xi32>
    %sign3A_2246 = arith.subi %sign3A_2241, %sign3A_2245 : vector<256x320xi32>
    %sign3A_2247 = arith.constant 0 : i32
    %sign3A_2248 = arith.cmpi sgt, %jit3A_2235, %sign3A_2247 : i32
    %sign3A_2249 = arith.extui %sign3A_2248 : i1 to i32
    %sign3A_2250 = arith.constant 0 : i32
    %sign3A_2251 = arith.cmpi slt, %jit3A_2235, %sign3A_2250 : i32
    %sign3A_2252 = arith.extui %sign3A_2251 : i1 to i32
    %sign3A_2253 = arith.subi %sign3A_2249, %sign3A_2252 : i32
    %ne3A_2254 = vector.broadcast %sign3A_2253 : i32 to vector<256x320xi32>
    %ne3A_2255 = arith.cmpi ne, %sign3A_2246, %ne3A_2254 : vector<256x320xi32>
    %rem3A_2256 = vector.broadcast %jit3A_2235 : i32 to vector<256x320xi32>
    %rem3A_2257 = arith.remsi %iota3A_2234, %rem3A_2256 : vector<256x320xi32>
    %ne3A_2258 = arith.constant 0 : i32
    %ne3A_2259 = vector.broadcast %ne3A_2258 : i32 to vector<256x320xi32>
    %ne3A_2260 = arith.cmpi ne, %rem3A_2257, %ne3A_2259 : vector<256x320xi32>
    %and3A_2261 = arith.andi %ne3A_2255, %ne3A_2260 : vector<256x320xi1>
    %sub3A_2262 = arith.constant 1 : i32
    %sub3A_2263 = vector.broadcast %sub3A_2262 : i32 to vector<256x320xi32>
    %sub3A_2264 = arith.subi %div3A_2237, %sub3A_2263 : vector<256x320xi32>
    %select_n3A_2265 = arith.select %and3A_2261, %sub3A_2264, %div3A_2237 : vector<256x320xi1>, vector<256x320xi32>
    %iota3A_2266 = tpu.iota {dimensions = array<i32: 1>} : vector<256x320xi32>
    %jit3A_2267 = arith.constant 64 : i32
    %div3A_2268 = vector.broadcast %jit3A_2267 : i32 to vector<256x320xi32>
    %div3A_2269 = arith.divsi %iota3A_2266, %div3A_2268 : vector<256x320xi32>
    %sign3A_2270 = arith.constant 0 : i32
    %sign3A_2271 = vector.broadcast %sign3A_2270 : i32 to vector<256x320xi32>
    %sign3A_2272 = arith.cmpi sgt, %iota3A_2266, %sign3A_2271 : vector<256x320xi32>
    %sign3A_2273 = arith.extui %sign3A_2272 : vector<256x320xi1> to vector<256x320xi32>
    %sign3A_2274 = arith.constant 0 : i32
    %sign3A_2275 = vector.broadcast %sign3A_2274 : i32 to vector<256x320xi32>
    %sign3A_2276 = arith.cmpi slt, %iota3A_2266, %sign3A_2275 : vector<256x320xi32>
    %sign3A_2277 = arith.extui %sign3A_2276 : vector<256x320xi1> to vector<256x320xi32>
    %sign3A_2278 = arith.subi %sign3A_2273, %sign3A_2277 : vector<256x320xi32>
    %sign3A_2279 = arith.constant 0 : i32
    %sign3A_2280 = arith.cmpi sgt, %jit3A_2267, %sign3A_2279 : i32
    %sign3A_2281 = arith.extui %sign3A_2280 : i1 to i32
    %sign3A_2282 = arith.constant 0 : i32
    %sign3A_2283 = arith.cmpi slt, %jit3A_2267, %sign3A_2282 : i32
    %sign3A_2284 = arith.extui %sign3A_2283 : i1 to i32
    %sign3A_2285 = arith.subi %sign3A_2281, %sign3A_2284 : i32
    %ne3A_2286 = vector.broadcast %sign3A_2285 : i32 to vector<256x320xi32>
    %ne3A_2287 = arith.cmpi ne, %sign3A_2278, %ne3A_2286 : vector<256x320xi32>
    %rem3A_2288 = vector.broadcast %jit3A_2267 : i32 to vector<256x320xi32>
    %rem3A_2289 = arith.remsi %iota3A_2266, %rem3A_2288 : vector<256x320xi32>
    %ne3A_2290 = arith.constant 0 : i32
    %ne3A_2291 = vector.broadcast %ne3A_2290 : i32 to vector<256x320xi32>
    %ne3A_2292 = arith.cmpi ne, %rem3A_2289, %ne3A_2291 : vector<256x320xi32>
    %and3A_2293 = arith.andi %ne3A_2287, %ne3A_2292 : vector<256x320xi1>
    %sub3A_2294 = arith.constant 1 : i32
    %sub3A_2295 = vector.broadcast %sub3A_2294 : i32 to vector<256x320xi32>
    %sub3A_2296 = arith.subi %div3A_2269, %sub3A_2295 : vector<256x320xi32>
    %select_n3A_2297 = arith.select %and3A_2293, %sub3A_2296, %div3A_2269 : vector<256x320xi1>, vector<256x320xi32>
    %eq3A_2298 = arith.cmpi eq, %select_n3A_2297, %select_n3A_2265 : vector<256x320xi32>
    %add3A_2299 = arith.constant 1 : i32
    %add3A_2300 = vector.broadcast %add3A_2299 : i32 to vector<256x320xi32>
    %add3A_2301 = arith.addi %select_n3A_2265, %add3A_2300 : vector<256x320xi32>
    %eq3A_2302 = arith.cmpi eq, %select_n3A_2297, %add3A_2301 : vector<256x320xi32>
    %or3A_2303 = arith.ori %eq3A_2298, %eq3A_2302 : vector<256x320xi1>
    %convert_element_type3A_2304 = arith.truncf %slice3A_2207 : vector<256x64xf32> to vector<256x64xbf16>
    %convert_element_type3A_2305 = arith.truncf %div3A_2225 : vector<320x64xf32> to vector<320x64xbf16>
    %dot_general3A_2306 = arith.constant dense<0.000000e+00> : vector<256x320xf32>
    %dot_general3A_2307 = tpu.matmul %convert_element_type3A_2304, %convert_element_type3A_2305, %dot_general3A_2306 {dimension_numbers = #tpu.dot_dimension_numbers<[1], [1], [0], [0], [0, 0, 1, 0], [], []>, transpose_lhs_hint = false} : vector<256x64xbf16>, vector<320x64xbf16>, vector<256x320xf32> -> vector<256x320xf32>
    %mul3A_2308 = arith.constant 1.250000e-01 : f32
    %mul3A_2309 = vector.broadcast %mul3A_2308 : f32 to vector<256x320xf32>
    %mul3A_2310 = arith.mulf %dot_general3A_2307, %mul3A_2309 : vector<256x320xf32>
    %gt3A_2311 = arith.constant 0 : i32
    %gt3A_2312 = vector.broadcast %gt3A_2311 : i32 to vector<256x320xi32>
    %gt3A_2313 = arith.cmpi sgt, %sub3A_2233, %gt3A_2312 : vector<256x320xi32>
    %jit3A_2314 = arith.constant -1.000000e+09 : f32
    %broadcast_in_dim3A_2315 = vector.broadcast %jit3A_2314 : f32 to vector<256x320xf32>
    %select_n3A_2316 = arith.select %gt3A_2313, %broadcast_in_dim3A_2315, %mul3A_2310 : vector<256x320xi1>, vector<256x320xf32>
    %eq3A_2317 = arith.constant 0 : i32
    %eq3A_2318 = vector.broadcast %eq3A_2317 : i32 to vector<256x320xi32>
    %eq3A_2319 = arith.cmpi eq, %sub3A_2233, %eq3A_2318 : vector<256x320xi32>
    %jit3A_2320 = arith.constant -1.000000e+05 : f32
    %broadcast_in_dim3A_2321 = vector.broadcast %jit3A_2320 : f32 to vector<256x320xf32>
    %select_n3A_2322 = arith.select %eq3A_2319, %broadcast_in_dim3A_2321, %select_n3A_2316 : vector<256x320xi1>, vector<256x320xf32>
    %jit3A_2323 = arith.constant -3.000000e+38 : f32
    %broadcast_in_dim3A_2324 = vector.broadcast %jit3A_2323 : f32 to vector<256x320xf32>
    %select_n3A_2325 = arith.select %or3A_2303, %select_n3A_2322, %broadcast_in_dim3A_2324 : vector<256x320xi1>, vector<256x320xf32>
    %reduce_max3A_2326 = arith.constant dense<0xFF800000> : vector<256xf32>
    %reduce_max3A_2327 = vector.multi_reduction <maximumf>, %select_n3A_2325, %reduce_max3A_2326 [1] : vector<256x320xf32> to vector<256xf32>
    %broadcast_in_dim3A_2328 = vector.shape_cast %reduce_max3A_2327 : vector<256xf32> to vector<256x1xf32>
    %sub3A_2329 = vector.broadcast %broadcast_in_dim3A_2328 : vector<256x1xf32> to vector<256x320xf32>
    %sub3A_2330 = arith.subf %select_n3A_2325, %sub3A_2329 : vector<256x320xf32>
    %exp3A_2331 = math.exp %sub3A_2330 : vector<256x320xf32>
    %reduce_sum3A_2332 = arith.constant dense<0.000000e+00> : vector<256xf32>
    %reduce_sum3A_2333 = vector.multi_reduction <add>, %exp3A_2331, %reduce_sum3A_2332 [1] : vector<256x320xf32> to vector<256xf32>
    %broadcast_in_dim3A_2334 = vector.shape_cast %reduce_sum3A_2333 : vector<256xf32> to vector<256x1xf32>
    %div3A_2335 = arith.constant 1.000000e+00 : f32
    %div3A_2336 = vector.broadcast %div3A_2335 : f32 to vector<256x1xf32>
    %div3A_2337 = arith.divf %div3A_2336, %broadcast_in_dim3A_2334 : vector<256x1xf32>
    %mul3A_2338 = vector.broadcast %div3A_2337 : vector<256x1xf32> to vector<256x320xf32>
    %mul3A_2339 = arith.mulf %exp3A_2331, %mul3A_2338 : vector<256x320xf32>
    %log3A_2340 = math.log %broadcast_in_dim3A_2334 : vector<256x1xf32>
    %add3A_2341 = arith.addf %broadcast_in_dim3A_2328, %log3A_2340 : vector<256x1xf32>
    %convert_element_type3A_2342 = arith.truncf %mul3A_2339 : vector<256x320xf32> to vector<256x320xbf16>
    %convert_element_type3A_2343 = arith.truncf %slice3A_2215 : vector<320x64xf32> to vector<320x64xbf16>
    %dot_general3A_2344 = arith.constant dense<0.000000e+00> : vector<256x64xf32>
    %dot_general3A_2345 = tpu.matmul %convert_element_type3A_2342, %convert_element_type3A_2343, %dot_general3A_2344 {dimension_numbers = #tpu.dot_dimension_numbers<[1], [0], [0], [1], [0, 0, 1, 1], [], []>, transpose_lhs_hint = false} : vector<256x320xbf16>, vector<320x64xbf16>, vector<256x64xf32> -> vector<256x64xf32>
    %broadcast_in_dim3A_2346 = arith.constant 0.000000e+00 : f32
    %broadcast_in_dim3A_2347 = vector.broadcast %broadcast_in_dim3A_2346 : f32 to vector<256x63xf32>
    %concatenate3A_2348 = tpu.concatenate %dot_general3A_2345, %add3A_2341, %broadcast_in_dim3A_2347 in 1 : vector<256x64xf32>, vector<256x1xf32>, vector<256x63xf32> -> vector<256x128xf32>
    %swap3A_2349 = arith.constant 0 : index
    %swap3A_2350 = arith.constant 3840 : index
    %swap3A_2351 = arith.constant 0 : index
    %swap3A_2352 = vector.load %arg4[%swap3A_2349, %swap3A_2350, %swap3A_2351] : memref<1x4096x128xf32, #tpu.memory_space<vmem>>, vector<1x256x128xf32>
    %swap3A_2353 = vector.shape_cast %swap3A_2352 : vector<1x256x128xf32> to vector<256x128xf32>
    %swap3A_2354 = vector.shape_cast %concatenate3A_2348 : vector<256x128xf32> to vector<1x256x128xf32>
    tpu.vector_store %arg4[%swap3A_2349, %swap3A_2350, %swap3A_2351], %swap3A_2354 {strides = array<i32>} : memref<1x4096x128xf32, #tpu.memory_space<vmem>>, vector<1x256x128xf32>,
    return
  }
  func.func @transform_0(%arg0: i32) -> (i32, i32, i32) {
    %c0_i32 = arith.constant 0 : i32
    %c0_i32_0 = arith.constant 0 : i32
    %c0_i32_1 = arith.constant 0 : i32
    return %arg0, %c0_i32, %c0_i32_0 : i32, i32, i32
  }
  func.func @transform_1(%arg0: i32) -> (i32, i32, i32) {
    %c0_i32 = arith.constant 0 : i32
    %c0_i32_0 = arith.constant 0 : i32
    %c0_i32_1 = arith.constant 0 : i32
    return %arg0, %c0_i32, %c0_i32_0 : i32, i32, i32
  }
  func.func @transform_2(%arg0: i32) -> (i32, i32, i32) {
    %c0_i32 = arith.constant 0 : i32
    %c0_i32_0 = arith.constant 0 : i32
    %c0_i32_1 = arith.constant 0 : i32
    return %arg0, %c0_i32, %c0_i32_0 : i32, i32, i32
  }
  func.func @transform_3(%arg0: i32) -> (i32, i32, i32) {
    %c0_i32 = arith.constant 0 : i32
    %c0_i32_0 = arith.constant 0 : i32
    %c0_i32_1 = arith.constant 0 : i32
    return %arg0, %c0_i32, %c0_i32_0 : i32, i32, i32
  }
}

module attributes {stable_mosaic.version = 14 : i64} {
  func.func @_ffn_body(%arg0: i32, %arg1: i32, %arg2: memref<1x256x1024xf32, #tpu.memory_space<vmem>>, %arg3: memref<1x256x1024xf32, #tpu.memory_space<vmem>>, %arg4: memref<1024x4096xf32, #tpu.memory_space<vmem>>, %arg5: memref<1x4096xf32, #tpu.memory_space<vmem>>, %arg6: memref<4096x1024xf32, #tpu.memory_space<vmem>>, %arg7: memref<1x1024xf32, #tpu.memory_space<vmem>>, %arg8: memref<2x1024xf32, #tpu.memory_space<vmem>>, %arg9: memref<1x256x1024xf32, #tpu.memory_space<vmem>>) attributes {dimension_semantics = [#tpu.dimension_semantics<arbitrary>, #tpu.dimension_semantics<arbitrary>], iteration_bounds = array<i64: 2, 16>, scalar_prefetch = 0 : i64, scratch_operands = 0 : i64, tpu.core_type = #tpu.core_type<tc>, window_params = [{transform_indices = @transform_0, window_bounds = array<i64: 1, 256, 1024>}, {transform_indices = @transform_1, window_bounds = array<i64: 1, 256, 1024>}, {pipeline_mode = #tpu.pipeline_mode<synchronous>, transform_indices = @transform_2, window_bounds = array<i64: 1024, 4096>}, {pipeline_mode = #tpu.pipeline_mode<synchronous>, transform_indices = @transform_3, window_bounds = array<i64: 1, 4096>}, {pipeline_mode = #tpu.pipeline_mode<synchronous>, transform_indices = @transform_4, window_bounds = array<i64: 4096, 1024>}, {pipeline_mode = #tpu.pipeline_mode<synchronous>, transform_indices = @transform_5, window_bounds = array<i64: 1, 1024>}, {pipeline_mode = #tpu.pipeline_mode<synchronous>, transform_indices = @transform_6, window_bounds = array<i64: 2, 1024>}, {transform_indices = @transform_7, window_bounds = array<i64: 1, 256, 1024>}]} {
    %get3A = arith.constant 0 : index
    %get3A_0 = arith.constant 0 : index
    %get3A_1 = arith.constant 0 : index
    %get3A_2 = vector.load %arg2[%get3A, %get3A_0, %get3A_1] : memref<1x256x1024xf32, #tpu.memory_space<vmem>>, vector<1x256x1024xf32>
    %get3A_3 = vector.shape_cast %get3A_2 : vector<1x256x1024xf32> to vector<256x1024xf32>
    %get3A_4 = arith.constant 0 : index
    %get3A_5 = arith.constant 0 : index
    %get3A_6 = vector.load %arg4[%get3A_4, %get3A_5] : memref<1024x4096xf32, #tpu.memory_space<vmem>>, vector<1024x4096xf32>
    %convert_element_type3A = arith.truncf %get3A_3 : vector<256x1024xf32> to vector<256x1024xbf16>
    %convert_element_type3A_7 = arith.truncf %get3A_6 : vector<1024x4096xf32> to vector<1024x4096xbf16>
    %dot_general3A = arith.constant dense<0.000000e+00> : vector<256x4096xf32>
    %dot_general3A_8 = tpu.matmul %convert_element_type3A, %convert_element_type3A_7, %dot_general3A {dimension_numbers = #tpu.dot_dimension_numbers<[1], [0], [0], [1], [0, 0, 1, 1], [], []>, transpose_lhs_hint = false} : vector<256x1024xbf16>, vector<1024x4096xbf16>, vector<256x4096xf32> -> vector<256x4096xf32>
    %get3A_9 = arith.constant 0 : index
    %get3A_10 = arith.constant 0 : index
    %get3A_11 = vector.load %arg5[%get3A_9, %get3A_10] : memref<1x4096xf32, #tpu.memory_space<vmem>>, vector<1x4096xf32>
    %add3A = vector.broadcast %get3A_11 : vector<1x4096xf32> to vector<256x4096xf32>
    %add3A_12 = arith.addf %dot_general3A_8, %add3A : vector<256x4096xf32>
    %max3A = arith.constant 0.000000e+00 : f32
    %max3A_13 = vector.broadcast %max3A : f32 to vector<256x4096xf32>
    %max3A_14 = arith.maximumf %add3A_12, %max3A_13 : vector<256x4096xf32>
    %get3A_15 = arith.constant 0 : index
    %get3A_16 = arith.constant 0 : index
    %get3A_17 = vector.load %arg6[%get3A_15, %get3A_16] : memref<4096x1024xf32, #tpu.memory_space<vmem>>, vector<4096x1024xf32>
    %convert_element_type3A_18 = arith.truncf %max3A_14 : vector<256x4096xf32> to vector<256x4096xbf16>
    %convert_element_type3A_19 = arith.truncf %get3A_17 : vector<4096x1024xf32> to vector<4096x1024xbf16>
    %dot_general3A_20 = arith.constant dense<0.000000e+00> : vector<256x1024xf32>
    %dot_general3A_21 = tpu.matmul %convert_element_type3A_18, %convert_element_type3A_19, %dot_general3A_20 {dimension_numbers = #tpu.dot_dimension_numbers<[1], [0], [0], [1], [0, 0, 1, 1], [], []>, transpose_lhs_hint = false} : vector<256x4096xbf16>, vector<4096x1024xbf16>, vector<256x1024xf32> -> vector<256x1024xf32>
    %get3A_22 = arith.constant 0 : index
    %get3A_23 = arith.constant 0 : index
    %get3A_24 = vector.load %arg7[%get3A_22, %get3A_23] : memref<1x1024xf32, #tpu.memory_space<vmem>>, vector<1x1024xf32>
    %add3A_25 = vector.broadcast %get3A_24 : vector<1x1024xf32> to vector<256x1024xf32>
    %add3A_26 = arith.addf %dot_general3A_21, %add3A_25 : vector<256x1024xf32>
    %get3A_27 = arith.constant 0 : index
    %get3A_28 = arith.constant 0 : index
    %get3A_29 = arith.constant 0 : index
    %get3A_30 = vector.load %arg3[%get3A_27, %get3A_28, %get3A_29] : memref<1x256x1024xf32, #tpu.memory_space<vmem>>, vector<1x256x1024xf32>
    %get3A_31 = vector.shape_cast %get3A_30 : vector<1x256x1024xf32> to vector<256x1024xf32>
    %get3A_32 = arith.constant 0 : index
    %get3A_33 = arith.constant 0 : index
    %get3A_34 = vector.load %arg8[%get3A_32, %get3A_33] : memref<2x1024xf32, #tpu.memory_space<vmem>>, vector<1x1024xf32>
    %get3A_35 = arith.constant 1 : index
    %get3A_36 = arith.constant 0 : index
    %get3A_37 = vector.load %arg8[%get3A_35, %get3A_36] : memref<2x1024xf32, #tpu.memory_space<vmem>>, vector<1x1024xf32>
    %reduce_sum3A = arith.constant dense<0.000000e+00> : vector<256xf32>
    %reduce_sum3A_38 = vector.multi_reduction <add>, %add3A_26, %reduce_sum3A [1] : vector<256x1024xf32> to vector<256xf32>
    %broadcast_in_dim3A = vector.shape_cast %reduce_sum3A_38 : vector<256xf32> to vector<256x1xf32>
    %div3A = arith.constant 1.024000e+03 : f32
    %div3A_39 = vector.broadcast %div3A : f32 to vector<256x1xf32>
    %div3A_40 = arith.divf %broadcast_in_dim3A, %div3A_39 : vector<256x1xf32>
    %sub3A = vector.broadcast %div3A_40 : vector<256x1xf32> to vector<256x1024xf32>
    %sub3A_41 = arith.subf %add3A_26, %sub3A : vector<256x1024xf32>
    %integer_pow3A = arith.mulf %sub3A_41, %sub3A_41 : vector<256x1024xf32>
    %reduce_sum3A_42 = arith.constant dense<0.000000e+00> : vector<256xf32>
    %reduce_sum3A_43 = vector.multi_reduction <add>, %integer_pow3A, %reduce_sum3A_42 [1] : vector<256x1024xf32> to vector<256xf32>
    %broadcast_in_dim3A_44 = vector.shape_cast %reduce_sum3A_43 : vector<256xf32> to vector<256x1xf32>
    %div3A_45 = arith.constant 1.024000e+03 : f32
    %div3A_46 = vector.broadcast %div3A_45 : f32 to vector<256x1xf32>
    %div3A_47 = arith.divf %broadcast_in_dim3A_44, %div3A_46 : vector<256x1xf32>
    %sub3A_48 = vector.broadcast %div3A_40 : vector<256x1xf32> to vector<256x1024xf32>
    %sub3A_49 = arith.subf %add3A_26, %sub3A_48 : vector<256x1024xf32>
    %add3A_50 = arith.constant 9.99999974E-6 : f32
    %add3A_51 = vector.broadcast %add3A_50 : f32 to vector<256x1xf32>
    %add3A_52 = arith.addf %div3A_47, %add3A_51 : vector<256x1xf32>
    %sqrt3A = math.sqrt %add3A_52 : vector<256x1xf32>
    %div3A_53 = vector.broadcast %sqrt3A : vector<256x1xf32> to vector<256x1024xf32>
    %div3A_54 = arith.divf %sub3A_49, %div3A_53 : vector<256x1024xf32>
    %mul3A = vector.broadcast %get3A_34 : vector<1x1024xf32> to vector<256x1024xf32>
    %mul3A_55 = arith.mulf %div3A_54, %mul3A : vector<256x1024xf32>
    %add3A_56 = vector.broadcast %get3A_37 : vector<1x1024xf32> to vector<256x1024xf32>
    %add3A_57 = arith.addf %mul3A_55, %add3A_56 : vector<256x1024xf32>
    %add3A_58 = arith.addf %get3A_31, %add3A_57 : vector<256x1024xf32>
    %swap3A = arith.constant 0 : index
    %swap3A_59 = arith.constant 0 : index
    %swap3A_60 = arith.constant 0 : index
    %swap3A_61 = vector.load %arg9[%swap3A, %swap3A_59, %swap3A_60] : memref<1x256x1024xf32, #tpu.memory_space<vmem>>, vector<1x256x1024xf32>
    %swap3A_62 = vector.shape_cast %swap3A_61 : vector<1x256x1024xf32> to vector<256x1024xf32>
    %swap3A_63 = vector.shape_cast %add3A_58 : vector<256x1024xf32> to vector<1x256x1024xf32>
    tpu.vector_store %arg9[%swap3A, %swap3A_59, %swap3A_60], %swap3A_63 {strides = array<i32>} : memref<1x256x1024xf32, #tpu.memory_space<vmem>>, vector<1x256x1024xf32>,
    return
  }
  func.func @transform_0(%arg0: i32, %arg1: i32) -> (i32, i32, i32) {
    %c0_i32 = arith.constant 0 : i32
    %c0_i32_0 = arith.constant 0 : i32
    return %arg0, %arg1, %c0_i32 : i32, i32, i32
  }
  func.func @transform_1(%arg0: i32, %arg1: i32) -> (i32, i32, i32) {
    %c0_i32 = arith.constant 0 : i32
    %c0_i32_0 = arith.constant 0 : i32
    return %arg0, %arg1, %c0_i32 : i32, i32, i32
  }
  func.func @transform_2(%arg0: i32, %arg1: i32) -> (i32, i32) {
    %c0_i32 = arith.constant 0 : i32
    %c0_i32_0 = arith.constant 0 : i32
    %c0_i32_1 = arith.constant 0 : i32
    return %c0_i32, %c0_i32_0 : i32, i32
  }
  func.func @transform_3(%arg0: i32, %arg1: i32) -> (i32, i32) {
    %c0_i32 = arith.constant 0 : i32
    %c0_i32_0 = arith.constant 0 : i32
    %c0_i32_1 = arith.constant 0 : i32
    return %c0_i32, %c0_i32_0 : i32, i32
  }
  func.func @transform_4(%arg0: i32, %arg1: i32) -> (i32, i32) {
    %c0_i32 = arith.constant 0 : i32
    %c0_i32_0 = arith.constant 0 : i32
    %c0_i32_1 = arith.constant 0 : i32
    return %c0_i32, %c0_i32_0 : i32, i32
  }
  func.func @transform_5(%arg0: i32, %arg1: i32) -> (i32, i32) {
    %c0_i32 = arith.constant 0 : i32
    %c0_i32_0 = arith.constant 0 : i32
    %c0_i32_1 = arith.constant 0 : i32
    return %c0_i32, %c0_i32_0 : i32, i32
  }
  func.func @transform_6(%arg0: i32, %arg1: i32) -> (i32, i32) {
    %c0_i32 = arith.constant 0 : i32
    %c0_i32_0 = arith.constant 0 : i32
    %c0_i32_1 = arith.constant 0 : i32
    return %c0_i32, %c0_i32_0 : i32, i32
  }
  func.func @transform_7(%arg0: i32, %arg1: i32) -> (i32, i32, i32) {
    %c0_i32 = arith.constant 0 : i32
    %c0_i32_0 = arith.constant 0 : i32
    return %arg0, %arg1, %c0_i32 : i32, i32, i32
  }
}

module attributes {stable_mosaic.version = 14 : i64} {
  func.func @_comb_body(%arg0: i32, %arg1: i32, %arg2: memref<2x1x256x16x128xf32, #tpu.memory_space<vmem>>, %arg3: memref<1x256x1024xf32, #tpu.memory_space<vmem>>, %arg4: memref<1024x1024xf32, #tpu.memory_space<vmem>>, %arg5: memref<1x1024xf32, #tpu.memory_space<vmem>>, %arg6: memref<2x1024xf32, #tpu.memory_space<vmem>>, %arg7: memref<1x256x1024xf32, #tpu.memory_space<vmem>>) attributes {dimension_semantics = [#tpu.dimension_semantics<arbitrary>, #tpu.dimension_semantics<arbitrary>], iteration_bounds = array<i64: 2, 16>, scalar_prefetch = 0 : i64, scratch_operands = 0 : i64, tpu.core_type = #tpu.core_type<tc>, window_params = [{transform_indices = @transform_0, window_bounds = array<i64: 2, 1, 256, 16, 128>}, {transform_indices = @transform_1, window_bounds = array<i64: 1, 256, 1024>}, {pipeline_mode = #tpu.pipeline_mode<synchronous>, transform_indices = @transform_2, window_bounds = array<i64: 1024, 1024>}, {pipeline_mode = #tpu.pipeline_mode<synchronous>, transform_indices = @transform_3, window_bounds = array<i64: 1, 1024>}, {pipeline_mode = #tpu.pipeline_mode<synchronous>, transform_indices = @transform_4, window_bounds = array<i64: 2, 1024>}, {transform_indices = @transform_5, window_bounds = array<i64: 1, 256, 1024>}]} {
    %get3A = arith.constant 0 : index
    %get3A_0 = arith.constant 0 : index
    %get3A_1 = arith.constant 0 : index
    %get3A_2 = arith.constant 0 : index
    %get3A_3 = arith.constant 0 : index
    %get3A_4 = vector.load %arg2[%get3A, %get3A_0, %get3A_1, %get3A_2, %get3A_3] : memref<2x1x256x16x128xf32, #tpu.memory_space<vmem>>, vector<1x1x256x16x128xf32>
    %get3A_5 = vector.shape_cast %get3A_4 : vector<1x1x256x16x128xf32> to vector<256x16x128xf32>
    %get3A_6 = arith.constant 1 : index
    %get3A_7 = arith.constant 0 : index
    %get3A_8 = arith.constant 0 : index
    %get3A_9 = arith.constant 0 : index
    %get3A_10 = arith.constant 0 : index
    %get3A_11 = vector.load %arg2[%get3A_6, %get3A_7, %get3A_8, %get3A_9, %get3A_10] : memref<2x1x256x16x128xf32, #tpu.memory_space<vmem>>, vector<1x1x256x16x128xf32>
    %get3A_12 = vector.shape_cast %get3A_11 : vector<1x1x256x16x128xf32> to vector<256x16x128xf32>
    %slice3A = vector.extract_strided_slice %get3A_5 {offsets = [0, 0, 64], sizes = [256, 16, 1], strides = [1, 1, 1]} : vector<256x16x128xf32> to vector<256x16x1xf32>
    %slice3A_13 = vector.extract_strided_slice %get3A_12 {offsets = [0, 0, 64], sizes = [256, 16, 1], strides = [1, 1, 1]} : vector<256x16x128xf32> to vector<256x16x1xf32>
    %max3A = arith.maximumf %slice3A, %slice3A_13 : vector<256x16x1xf32>
    %sub3A = arith.subf %slice3A, %max3A : vector<256x16x1xf32>
    %exp3A = math.exp %sub3A : vector<256x16x1xf32>
    %sub3A_14 = arith.subf %slice3A_13, %max3A : vector<256x16x1xf32>
    %exp3A_15 = math.exp %sub3A_14 : vector<256x16x1xf32>
    %slice3A_16 = vector.extract_strided_slice %get3A_5 {offsets = [0, 0, 0], sizes = [256, 16, 64], strides = [1, 1, 1]} : vector<256x16x128xf32> to vector<256x16x64xf32>
    %mul3A = vector.broadcast %exp3A : vector<256x16x1xf32> to vector<256x16x64xf32>
    %mul3A_17 = arith.mulf %mul3A, %slice3A_16 : vector<256x16x64xf32>
    %slice3A_18 = vector.extract_strided_slice %get3A_12 {offsets = [0, 0, 0], sizes = [256, 16, 64], strides = [1, 1, 1]} : vector<256x16x128xf32> to vector<256x16x64xf32>
    %mul3A_19 = vector.broadcast %exp3A_15 : vector<256x16x1xf32> to vector<256x16x64xf32>
    %mul3A_20 = arith.mulf %mul3A_19, %slice3A_18 : vector<256x16x64xf32>
    %add3A = arith.addf %mul3A_17, %mul3A_20 : vector<256x16x64xf32>
    %add3A_21 = arith.addf %exp3A, %exp3A_15 : vector<256x16x1xf32>
    %div3A = vector.broadcast %add3A_21 : vector<256x16x1xf32> to vector<256x16x64xf32>
    %div3A_22 = arith.divf %add3A, %div3A : vector<256x16x64xf32>
    %reshape3A = vector.shape_cast %div3A_22 : vector<256x16x64xf32> to vector<256x1024xf32>
    %get3A_23 = arith.constant 0 : index
    %get3A_24 = arith.constant 0 : index
    %get3A_25 = vector.load %arg4[%get3A_23, %get3A_24] : memref<1024x1024xf32, #tpu.memory_space<vmem>>, vector<1024x1024xf32>
    %convert_element_type3A = arith.truncf %reshape3A : vector<256x1024xf32> to vector<256x1024xbf16>
    %convert_element_type3A_26 = arith.truncf %get3A_25 : vector<1024x1024xf32> to vector<1024x1024xbf16>
    %dot_general3A = arith.constant dense<0.000000e+00> : vector<256x1024xf32>
    %dot_general3A_27 = tpu.matmul %convert_element_type3A, %convert_element_type3A_26, %dot_general3A {dimension_numbers = #tpu.dot_dimension_numbers<[1], [0], [0], [1], [0, 0, 1, 1], [], []>, transpose_lhs_hint = false} : vector<256x1024xbf16>, vector<1024x1024xbf16>, vector<256x1024xf32> -> vector<256x1024xf32>
    %get3A_28 = arith.constant 0 : index
    %get3A_29 = arith.constant 0 : index
    %get3A_30 = vector.load %arg5[%get3A_28, %get3A_29] : memref<1x1024xf32, #tpu.memory_space<vmem>>, vector<1x1024xf32>
    %add3A_31 = vector.broadcast %get3A_30 : vector<1x1024xf32> to vector<256x1024xf32>
    %add3A_32 = arith.addf %dot_general3A_27, %add3A_31 : vector<256x1024xf32>
    %get3A_33 = arith.constant 0 : index
    %get3A_34 = arith.constant 0 : index
    %get3A_35 = arith.constant 0 : index
    %get3A_36 = vector.load %arg3[%get3A_33, %get3A_34, %get3A_35] : memref<1x256x1024xf32, #tpu.memory_space<vmem>>, vector<1x256x1024xf32>
    %get3A_37 = vector.shape_cast %get3A_36 : vector<1x256x1024xf32> to vector<256x1024xf32>
    %get3A_38 = arith.constant 0 : index
    %get3A_39 = arith.constant 0 : index
    %get3A_40 = vector.load %arg6[%get3A_38, %get3A_39] : memref<2x1024xf32, #tpu.memory_space<vmem>>, vector<1x1024xf32>
    %get3A_41 = arith.constant 1 : index
    %get3A_42 = arith.constant 0 : index
    %get3A_43 = vector.load %arg6[%get3A_41, %get3A_42] : memref<2x1024xf32, #tpu.memory_space<vmem>>, vector<1x1024xf32>
    %reduce_sum3A = arith.constant dense<0.000000e+00> : vector<256xf32>
    %reduce_sum3A_44 = vector.multi_reduction <add>, %add3A_32, %reduce_sum3A [1] : vector<256x1024xf32> to vector<256xf32>
    %broadcast_in_dim3A = vector.shape_cast %reduce_sum3A_44 : vector<256xf32> to vector<256x1xf32>
    %div3A_45 = arith.constant 1.024000e+03 : f32
    %div3A_46 = vector.broadcast %div3A_45 : f32 to vector<256x1xf32>
    %div3A_47 = arith.divf %broadcast_in_dim3A, %div3A_46 : vector<256x1xf32>
    %sub3A_48 = vector.broadcast %div3A_47 : vector<256x1xf32> to vector<256x1024xf32>
    %sub3A_49 = arith.subf %add3A_32, %sub3A_48 : vector<256x1024xf32>
    %integer_pow3A = arith.mulf %sub3A_49, %sub3A_49 : vector<256x1024xf32>
    %reduce_sum3A_50 = arith.constant dense<0.000000e+00> : vector<256xf32>
    %reduce_sum3A_51 = vector.multi_reduction <add>, %integer_pow3A, %reduce_sum3A_50 [1] : vector<256x1024xf32> to vector<256xf32>
    %broadcast_in_dim3A_52 = vector.shape_cast %reduce_sum3A_51 : vector<256xf32> to vector<256x1xf32>
    %div3A_53 = arith.constant 1.024000e+03 : f32
    %div3A_54 = vector.broadcast %div3A_53 : f32 to vector<256x1xf32>
    %div3A_55 = arith.divf %broadcast_in_dim3A_52, %div3A_54 : vector<256x1xf32>
    %sub3A_56 = vector.broadcast %div3A_47 : vector<256x1xf32> to vector<256x1024xf32>
    %sub3A_57 = arith.subf %add3A_32, %sub3A_56 : vector<256x1024xf32>
    %add3A_58 = arith.constant 9.99999974E-6 : f32
    %add3A_59 = vector.broadcast %add3A_58 : f32 to vector<256x1xf32>
    %add3A_60 = arith.addf %div3A_55, %add3A_59 : vector<256x1xf32>
    %sqrt3A = math.sqrt %add3A_60 : vector<256x1xf32>
    %div3A_61 = vector.broadcast %sqrt3A : vector<256x1xf32> to vector<256x1024xf32>
    %div3A_62 = arith.divf %sub3A_57, %div3A_61 : vector<256x1024xf32>
    %mul3A_63 = vector.broadcast %get3A_40 : vector<1x1024xf32> to vector<256x1024xf32>
    %mul3A_64 = arith.mulf %div3A_62, %mul3A_63 : vector<256x1024xf32>
    %add3A_65 = vector.broadcast %get3A_43 : vector<1x1024xf32> to vector<256x1024xf32>
    %add3A_66 = arith.addf %mul3A_64, %add3A_65 : vector<256x1024xf32>
    %add3A_67 = arith.addf %get3A_37, %add3A_66 : vector<256x1024xf32>
    %swap3A = arith.constant 0 : index
    %swap3A_68 = arith.constant 0 : index
    %swap3A_69 = arith.constant 0 : index
    %swap3A_70 = vector.load %arg7[%swap3A, %swap3A_68, %swap3A_69] : memref<1x256x1024xf32, #tpu.memory_space<vmem>>, vector<1x256x1024xf32>
    %swap3A_71 = vector.shape_cast %swap3A_70 : vector<1x256x1024xf32> to vector<256x1024xf32>
    %swap3A_72 = vector.shape_cast %add3A_67 : vector<256x1024xf32> to vector<1x256x1024xf32>
    tpu.vector_store %arg7[%swap3A, %swap3A_68, %swap3A_69], %swap3A_72 {strides = array<i32>} : memref<1x256x1024xf32, #tpu.memory_space<vmem>>, vector<1x256x1024xf32>,
    return
  }
  func.func @transform_0(%arg0: i32, %arg1: i32) -> (i32, i32, i32, i32, i32) {
    %c0_i32 = arith.constant 0 : i32
    %c0_i32_0 = arith.constant 0 : i32
    %c0_i32_1 = arith.constant 0 : i32
    %c0_i32_2 = arith.constant 0 : i32
    return %c0_i32, %arg0, %arg1, %c0_i32_0, %c0_i32_1 : i32, i32, i32, i32, i32
  }
  func.func @transform_1(%arg0: i32, %arg1: i32) -> (i32, i32, i32) {
    %c0_i32 = arith.constant 0 : i32
    %c0_i32_0 = arith.constant 0 : i32
    return %arg0, %arg1, %c0_i32 : i32, i32, i32
  }
  func.func @transform_2(%arg0: i32, %arg1: i32) -> (i32, i32) {
    %c0_i32 = arith.constant 0 : i32
    %c0_i32_0 = arith.constant 0 : i32
    %c0_i32_1 = arith.constant 0 : i32
    return %c0_i32, %c0_i32_0 : i32, i32
  }
  func.func @transform_3(%arg0: i32, %arg1: i32) -> (i32, i32) {
    %c0_i32 = arith.constant 0 : i32
    %c0_i32_0 = arith.constant 0 : i32
    %c0_i32_1 = arith.constant 0 : i32
    return %c0_i32, %c0_i32_0 : i32, i32
  }
  func.func @transform_4(%arg0: i32, %arg1: i32) -> (i32, i32) {
    %c0_i32 = arith.constant 0 : i32
    %c0_i32_0 = arith.constant 0 : i32
    %c0_i32_1 = arith.constant 0 : i32
    return %c0_i32, %c0_i32_0 : i32, i32
  }
  func.func @transform_5(%arg0: i32, %arg1: i32) -> (i32, i32, i32) {
    %c0_i32 = arith.constant 0 : i32
    %c0_i32_0 = arith.constant 0 : i32
    return %arg0, %arg1, %c0_i32 : i32, i32, i32
  }
}

</mosaic_0001>

<sc_bundles>
// kernel: kernel.14.cloned.1.call-start
scs
__scs_entry_jumppad:
0x0: {  	(pc) =	sbr.rel $0x88, $3  }
0x1: {  	(tag) =	ssettag $0x0;
	lr =	simm.s32 $0x1  }
0x2: {  	[smem:$0x3F91] =	sst lr;
	_ =	strace $0xD0000000  }
0x3: {  	_ = 	snop  }
0x4: {  	_ = 	snop  }
0x5: {  	_ = 	snop  }
0x6: {  	_ = 	snop  }
0x7: {  	_ = 	snop  }
__scs_overlays_trampoline_lowered:
0x8: {  	[smem:$0x3FA0] =	sst s0  }
0x9: {  	[smem:$0x3FA1] =	sst s1  }
0xa: {  	[smem:$0x3FA2] =	sst s2  }
0xb: {  	[smem:$0x3FA3] =	sst s3  }
0xc: {  	[smem:$0x3FA4] =	sst s4  }
0xd: {  	[smem:$0x3FA5] =	sst s5  }
0xe: {  	[smem:$0x3FA6] =	sst s6  }
0xf: {  	[smem:$0x3FA7] =	sst s7  }
0x10: {  	[smem:$0x3FA8] =	sst s8  }
0x11: {  	[smem:$0x3FA9] =	sst s9;
	s0 =	simm.s32 @!p0 $0x0  }
0x12: {  	s1 =	sld [smem:$0x3F8F];
	s0 =	simm.s32 @p0 $0x1  }
0x13: {  	[smem:$0x3FAA] =	sst s0;
	s0 =	simm.s32 @!p1 $0x0  }
0x14: {  	s2 =	sld [smem:$0x3F8E];
	s0 =	simm.s32 @p1 $0x1  }
0x15: {  	[smem:$0x3FAB] =	sst s0;
	s0 =	simm.s32 @!p2 $0x0  }
0x16: {  	s3 =	sld [smem:$0x3FDB];
	s0 =	simm.s32 @p2 $0x1  }
0x17: {  	s4 =	simm.s32 $0x1BF5;
	[smem:$0x3FAD] =	sst s0  }
0x18: {  	s0 =	sld [smem:$0x3F90];
	_ =	swait.ge [sflag:s4], $0x0  }
0x19: {  	s7 =	sld [smem:$0x3F91]  }
0x1a: {  	s8 =	sadd.s32 $0xFFFFE003, lr  }
0x1b: {  	s9 =	sadd.s32 $0xFFFFFEF7, lr;
	s5 =	simm.s32 $0xFFFFFFFF;
	p2 =	slt.u32 s8, $0xFFFFF086  }
0x1c: {  	p1 =	slt.u32 s9, $0xF7A;
	s5 =	simm.s32 @!p2 $0x0  }
0x1d: {  	s5 =	simm.s32 @p1 $0x1;
	p0 =	seq.s32 s7, s2  }
0x1e: {  	s7 =	smul.u32 @!p0 $0xF7A, s2;
	p2 =	seq.s32 @!p0 s5, $0x0  }
0x1f: {  	s9 =	smul.u32 $0xF7A, s1;
	s8 =	simm.s32 @!p0 $0x1BF5;
	p2 =	por !p2, p0  }
0x20: {  	[sflag:s8] =	ssyncset.s32 @!p0 $0xFFFFF086;
	s6 =	sadd.s32 @!p0 s3, s7;
	s7 =	simm.s32 @!p0 $0x108  }
0x21: {  	s3 =	sadd.s32 s3, s9;
	s6 =	sadd.s32 @!p0 $0x88, s6;
	s7 =	simm.s32 @p2 $0x1082  }
0x22: {  	[simem:s7], [sflag:s8] =	dma.local @!p0 [hbm:s6], $0xF7A  }
0x23: {  	s9 =	sor.u32 $0xD0000000, s2;
	s6 =	simm.s32 $0x108;
	_ =	swait.ge @!p0 [sflag:s8], $0x0  }
0x24: {  	s3 =	sadd.s32 $0x88, s3;
	s6 =	simm.s32 @!p1 $0x1082;
	[sflag:s4] =	ssyncset.s32 $0xFFFFF086  }
0x25: {  	[simem:s6], [sflag:s4] =	dma.local [hbm:s3], $0xF7A  }
0x26: {  	[smem:$0x3F91] =	sst s1;
	(tag) =	ssettag s2;
	_ =	strace s9  }
0x27: {  	s1 =	sld [smem:$0x3FA1]  }
0x28: {  	s2 =	sld [smem:$0x3FA2]  }
0x29: {  	s4 =	sld [smem:$0x3FA4]  }
0x2a: {  	p0 =	seq.s32 s5, $0x0;
	s5 =	sld [smem:$0x3FA5]  }
0x2b: {  	s6 =	sld [smem:$0x3FA6]  }
0x2c: {  	s7 =	sld [smem:$0x3FA7]  }
0x2d: {  	s3 =	simm.s32 $0x108;
	s8 =	sld [smem:$0x3FA8]  }
0x2e: {  	s3 =	simm.s32 @!p0 $0x1082;
	s9 =	sld [smem:$0x3FA9]  }
0x2f: {  	lr =	sadd.s32 s0, s3;
	s0 =	sld [smem:$0x3FA0]  }
0x30: {  	s3 =	sld [smem:$0x3FA3]  }
0x31: {  	[smem:$0x3FAC] =	sst s10  }
0x32: {  	s10 =	sld [smem:$0x3FAA];
	_ =	sdelay $0x3  }
0x33: {  	p0 =	seq.s32 s10, $0x1;
	s10 =	sld [smem:$0x3FAC];
	_ =	sdelay $0x3  }
0x34: {  	[smem:$0x3FAC] =	sst s10  }
0x35: {  	s10 =	sld [smem:$0x3FAB];
	_ =	sdelay $0x3  }
0x36: {  	p1 =	seq.s32 s10, $0x1;
	s10 =	sld [smem:$0x3FAC];
	_ =	sdelay $0x3  }
0x37: {  	[smem:$0x3FAC] =	sst s10  }
0x38: {  	s10 =	sld [smem:$0x3FAD]  }
0x39: {  	_ = 	snop;
	(pc) =	sbr.ind lr, $3  }
0x3a: {  	_ = 	snop  }
0x3b: {  	_ = 	snop  }
0x3c: {  	p2 =	seq.s32 s10, $0x1;
	s10 =	sld [smem:$0x3FAC]  }
0x3d: {  	_ =	shalt  }
0x3e: {  	_ =	shalt  }
0x3f: {  	_ =	shalt  }
0x40: {  	_ =	shalt  }
0x41: {  	_ =	shalt  }
0x42: {  	_ =	shalt  }
0x43: {  	_ =	shalt  }
0x44: {  	_ =	shalt  }
0x45: {  	_ =	shalt  }
0x46: {  	_ =	shalt  }
0x47: {  	_ =	shalt  }
0x48: {  	_ =	shalt  }
0x49: {  	_ =	shalt  }
0x4a: {  	_ =	shalt  }
0x4b: {  	_ =	shalt  }
0x4c: {  	_ =	shalt  }
0x4d: {  	_ =	shalt  }
0x4e: {  	_ =	shalt  }
0x4f: {  	_ =	shalt  }
0x50: {  	_ =	shalt  }
0x51: {  	_ =	shalt  }
0x52: {  	_ =	shalt  }
0x53: {  	_ =	shalt  }
0x54: {  	_ =	shalt  }
0x55: {  	_ =	shalt  }
0x56: {  	_ =	shalt  }
0x57: {  	_ =	shalt  }
0x58: {  	_ =	shalt  }
0x59: {  	_ =	shalt  }
0x5a: {  	_ =	shalt  }
0x5b: {  	_ =	shalt  }
0x5c: {  	_ =	shalt  }
0x5d: {  	_ =	shalt  }
0x5e: {  	_ =	shalt  }
0x5f: {  	_ =	shalt  }
0x60: {  	_ =	shalt  }
0x61: {  	_ =	shalt  }
0x62: {  	_ =	shalt  }
0x63: {  	_ =	shalt  }
0x64: {  	_ =	shalt  }
0x65: {  	_ =	shalt  }
0x66: {  	_ =	shalt  }
0x67: {  	_ =	shalt  }
0x68: {  	_ =	shalt  }
0x69: {  	_ =	shalt  }
0x6a: {  	_ =	shalt  }
0x6b: {  	_ =	shalt  }
0x6c: {  	_ =	shalt  }
0x6d: {  	_ =	shalt  }
0x6e: {  	_ =	shalt  }
0x6f: {  	_ =	shalt  }
0x70: {  	_ =	shalt  }
0x71: {  	_ =	shalt  }
0x72: {  	_ =	shalt  }
0x73: {  	_ =	shalt  }
0x74: {  	_ =	shalt  }
0x75: {  	_ =	shalt  }
0x76: {  	_ =	shalt  }
0x77: {  	_ =	shalt  }
0x78: {  	_ =	shalt  }
0x79: {  	_ =	shalt  }
0x7a: {  	_ =	shalt  }
0x7b: {  	_ =	shalt  }
0x7c: {  	_ =	shalt  }
0x7d: {  	_ =	shalt  }
0x7e: {  	_ =	shalt  }
0x7f: {  	_ =	shalt  }
0x80: {  	_ =	shalt  }
0x81: {  	_ =	shalt  }
0x82: {  	_ =	shalt  }
0x83: {  	_ =	shalt  }
0x84: {  	_ =	shalt  }
0x85: {  	_ =	shalt  }
0x86: {  	_ =	shalt  }
0x87: {  	_ =	shalt  }
.Lfunc_end0:
.L_simem_size_0:
called_computation.1_lowered:
.L_overlay_start_0:
0x88: {  	s2 =	sld [smem:$0x3FD9]  }
0x89: {  	s3 =	sld [smem:$0x3FFE];
	_ =	sdelay $0x1  }
0x8a: {  	s1 =	srdreg.scid  }
0x8b: {  	s0 =	sand.u32 $0x1, s1  }
0x8c: {  	s14 =	sshll.u32 s0, $0xA;
	s2 =	sadd.s32 s3, s2  }
0x8d: {  	s2 =	sadd.s32 s2, s14  }
0x8e: {  	[smem:$0x3FB8] =	sst s2  }
0x8f: {  	_ = 	snop  }
0x90: {  	s2 =	sld [smem:$0x3FD0];
	_ =	sdelay $0x2  }
0x91: {  	s15 =	simm.s32 $0xA;
	s4 =	simm.s32 $0x10  }
0x92: {  	[smem:s4], [sflag:s15] =	dma.local [hbm:s2], $0x1  }
0x93: {  	_ =	swait.eq [sflag:s15], $0x1  }
0x94: {  	[sflag:s15] =	ssyncset.done $0x0  }
0x95: {  	[sflag:s15] =	ssyncadd.s32 $0xFFFFFFFF  }
0x96: {  	s16 =	sld [smem:$0x10];
	(tm) =	ssettm $0x1  }
0x97: {  	s17 =	sld [smem:$0x3FFB];
	_ =	sdelay $0x3  }
0x98: {  	_ =	strace s17  }
0x99: {  	s3 =	sld [smem:$0x3FFC];
	_ =	sdelay $0x3  }
0x9a: {  	_ =	strace s3  }
0x9b: {  	s3 =	sld [smem:$0x3FFD];
	_ =	sdelay $0x3  }
0x9c: {  	_ =	strace s3  }
0x9d: {  	_ =	strace $0x8FFFFFFF  }
0x9e: {  	s18 =	sld [smem:$0x3FDB];
	_ =	sdelay $0x1  }
0x9f: {  	s19 =	simm.s32 $_scs_section_size  }
0xa0: {  	s5 =	simm.s32 $_size__tile_overlayer_lowered;
	s6 =	simm.s32 $_tile_overlayer_lowered  }
0xa1: {  	s22 =	simm.s32 $0x1BFF;
	s21 =	sshll.u32 s6, $0x1;
	s3 =	sadd.s32 s19, s18  }
0xa2: {  	s7 =	simm.s32 $0x0;
	s20 =	sshll.u32 s5, $0x1;
	s5 =	sadd.s32 s21, s3  }
0xa3: {  	[timem:s7], [sflag:s22] =	dma.local [hbm:s5], s20  }
0xa4: {  	_ =	swait.ge [sflag:s22], s20  }
0xa5: {  	s4 =	ssub.s32 $0x0, s20;
	[sflag:s22] =	ssyncset.done $0x0  }
0xa6: {  	[sflag:s22] =	ssyncadd.s32 s4;
	_ =	sdelay $0x1  }
0xa7: {  	s23 =	simm.s32 $0x1B8B  }
0xa8: {  	_ =	swait.ge [sflag:s23], $0x1  }
0xa9: {  	[sflag:s23] =	ssyncset.done $0x0  }
0xaa: {  	s25 =	simm.s32 $0x1B8E;
	s24 =	sld [smem:$0x3FFE];
	[sflag:s23] =	ssyncadd.s32 $0xFFFFFFFF  }
0xab: {  	s26 =	simm.s32 $execute0_lowered;
	[smem:$0x3FD2] =	sst s25  }
0xac: {  	s5 =	sshll.u32 s26, $0x1;
	_ =	strace $0x80000049;
	[dreg:$0x1] =	wrdreg $0xFFFFFFFF  }
0xad: {  	s28 =	simm.s32 $_size_execute0_lowered;
	s3 =	sadd.s32 s3, s5;
	[dreg:$0x0] =	wrdreg $0x0  }
0xae: {  	s5 =	sshll.u32 s28, $0x1;
	[dreg:$0x2] =	wrdreg s3  }
0xaf: {  	[dreg:$0x3] =	wrdreg s5  }
0xb0: {  	[dreg:$0x4] =	wrdreg $0xC0  }
0xb1: {  	_ =	task [dreg:s7], $0x5FFFF  }
0xb2: {  	[dreg:$0x1] =	wrdreg $0xFFFFFFFF  }
0xb3: {  	[dreg:$0x0] =	wrdreg $0x60  }
0xb4: {  	[dreg:$0x2] =	wrdreg s24  }
0xb5: {  	[dreg:$0x3] =	wrdreg s16  }
0xb6: {  	[dreg:$0x4] =	wrdreg $0x9  }
0xb7: {  	_ =	task.clear_ibuf [dreg:s7], $0x5FFFF;
	_ =	strace $0x90000049  }
0xb8: {  	s29 =	simm.s32 $0x9;
	_ =	strace $0x8000004B  }
0xb9: {  	_ =	swait.ge [sflag:s29], $0x1  }
0xba: {  	[sflag:s29] =	ssyncadd.s32 $0xFFFFFFFF  }
0xbb: {  	_ =	strace $0x9000004B  }
0xbc: {  	_ =	sfence  }
0xbd: {  	s30 =	sld [smem:$0x0];
	_ =	sdelay $0x2  }
0xbe: {  	s31 =	sshll.u32 s1, $0xD;
	s1 =	sshrl.u32 s1, $0x2  }
0xbf: {  	s3 =	sand.u32 $0x4000, s31;
	s1 =	sadd.s32 s1, s30  }
0xc0: {  	s0 =	sor.u32 s3, s0;
	s1 =	sshll.u32 s1, $0x11  }
0xc1: {  	s0 =	sor.u32 s1, s0  }
0xc2: {  	s0 =	sadd.s32 $0x8F2B, s0  }
0xc3: {  	[sflag:s0] =	ssyncadd.remote.s32 $0x1  }
0xc4: {  	_ =	sfence.sel $0xFFFF  }
0xc5: {  	[dreg:$0x0] =	wrdreg $0xFFFFFFFF;
	(pc) =	sbr.abs _section_cstart, $3  }
0xc6: {  	[dreg:$0x1] =	wrdreg $0xFFFFFFFF  }
0xc7: {  	_ =	task.clear_ibuf [dreg:s7], $0x2FFFF;
	_ =	strace $0x9FFFFFFF  }
0xc8: {  	(tm) =	ssettm $0x7FFFFFFF  }
0xc9: {  	_ =	shalt  }
tec
execute0_lowered:
.L_overlay_start_1:
0x0: {  	(tag) =	ssettag $0x1  }
0x1: {  	s0 =	rddreg [dreg:$0x0]  }
0x2: {  	s2 =	rddreg [dreg:$0x1];
	s1 =	simm.s32 $0x0  }
0x3: {  	s3 =	srdreg.scid;
	s11 =	stileid.u32;
	s28 =	simm.s32 $0x6  }
0x4: {  	s30 =	simm.s32 $0x8;
	s31 =	simm.s32 $0x0;
	[smem:$0x7FF] =	sst s1  }
0x5: {  	s4 =	sadd.s32 $0xA02000, s0;
	s5 =	sand.u32 $0x1, s3;
	s7 =	sshll.u32 s11, $0x2  }
0x6: {  	s3 =	sadd.s32 $0x2000, s0;
	s13 =	sshll.u32 s11, $0x15;
	_ =	strace $0x8000004A  }
0x7: {  	s6 =	ssub.s32 $0x2, s5;
	s8 =	sshll.u32 s5, $0x1;
	s5 =	sshll.u32 s5, $0x14  }
0x8: {  	s25 =	sshrl.u32 s6, $0x1;
	s7 =	sor.u32 s8, s7;
	s12 =	sor.u32 s5, s13  }
0x9: {  	s8 =	sshll.u32 s7, $0xC;
	s9 =	sor.u32 $0x1, s7;
	s10 =	sshll.u32 s7, $0x7  }
0xa: {  	s0 =	ssub.s32 s6, s25;
	s14 =	sor.u32 $0xC000, s12;
	s16 =	sor.u32 $0x8000, s12  }
0xb: {  	s18 =	sor.u32 $0x4000, s12;
	s20 =	sor.u32 $0x8C000, s12;
	s21 =	sshrl.u32 s12, $0x3  }
0xc: {  	s22 =	sor.u32 $0x88000, s12;
	s23 =	sor.u32 $0x84000, s12;
	s24 =	sor.u32 $0x80000, s12  }
0xd: {  	s26 =	sor.u32 s9, s8;
	s10 =	sor.u32 s10, s8;
	s7 =	sor.u32 s7, s8  }
0xe: {  	s9 =	sshll.u32 s9, $0x7;
	s0 =	smax.u32 s0, $0x1;
	s15 =	sshrl.u32 s14, $0x3  }
0xf: {  	s17 =	sshrl.u32 s16, $0x3;
	s19 =	sshrl.u32 s18, $0x3;
	s25 =	sshrl.u32 s23, $0x3  }
0x10: {  	s18 =	simm.s32 $0x2000;
	s23 =	simm.s32 $0x2;
	s10 =	sand.u32 $0x38300, s10  }
0x11: {  	s7 =	sand.u32 $0x3000E, s7;
	s8 =	sor.u32 s8, s9;
	s29 =	sand.u32 $0x3000F, s26  }
0x12: {  	[dreg:$0x5] =	wrdreg s0;
	s0 =	sadd.s32 s15, s4;
	s6 =	sadd.s32 s17, s4  }
0x13: {  	s9 =	sadd.s32 s19, s4;
	s26 =	sshrl.u32 s24, $0x3;
	s13 =	sadd.s32 s25, s4  }
0x14: {  	s15 =	simm.s32 $0x80;
	s17 =	simm.s32 $0x9;
	s19 =	simm.s32 $0x6000  }
0x15: {  	s24 =	simm.s32 $0x3;
	s25 =	simm.s32 $0x4;
	s10 =	sshrl.u32 s10, $0x3  }
0x16: {  	s8 =	sand.u32 $0x38380, s8;
	[dreg:$0x6] =	wrdreg s0;
	s0 =	sshrl.u32 s22, $0x3  }
0x17: {  	s14 =	sadd.s32 s26, s4;
	s22 =	simm.s32 $0x1;
	s26 =	simm.s32 $0x5  }
0x18: {  	v1 =	vmov s29;
	s29 =	simm.s32 $0x7;
	s10 =	sadd.s32 s2, s10;
	s8 =	sshrl.u32 s8, $0x3  }
0x19: {  	s12 =	sadd.s32 s0, s4;
	[dreg:$0x3] =	wrdreg s10;
	s2 =	sadd.s32 s2, s8  }
0x1a: {  	s10 =	sadd.s32 s21, s4;
	[dreg:$0x4] =	wrdreg s2;
	s2 =	sshrl.u32 s20, $0x3  }
0x1b: {  	v0 =	vmov s7;
	s21 =	simm.s32 $0xE000;
	s20 =	simm.s32 $0xA000;
	s11 =	sadd.s32 s2, s4  }
.LBB2_1:
0x1c: {  	s0 =	rddreg [dreg:$0x3];
	s2 =	simm.s32 $0x400  }
0x1d: {  	[tilespmem:s1], [sflag:$0x9] =	stream.strided.gather [hbm4b:s0+s15], $0x1000, s2, s15, $0x38;
	[tilespmem:$0x12000] =	vst v63  }
0x1e: {  	_ =	swait.ge [sflag:s17], $0x1000  }
0x1f: {  	s7 =	simm.s32 $0x0;
	s4 =	simm.s32 $0x10;
	[sflag:s17] =	ssyncset.done $0x0  }
0x20: {  	s0 =	simm.s32 $0x0;
	s2 =	simm.s32 $0x0;
	[sflag:s17] =	ssyncadd.s32 $0xFFFFF000  }
.LBB2_2:
0x21: {  	p0 =	sne.s32 s4, $0xFF0;
	v2 =	vld [tilespmem:s7+$0x0];
	_ =	sdelay $0x2  }
.Ltmp0:
0x22: {  	(pc) =	sbr.rel @p0 .LBB2_2-.Ltmp0, $4  }
0x23: {  	s7 =	sand.u32 $0x3E00, s0  }
0x24: {  	s8 =	sand.u32 $0x70, s2;
	s2 =	smov.u32 s4;
	s7 =	sshrl.u32 s7, $0x2;
	v2 =	vshll.u32 v2, $0x4  }
0x25: {  	s0 =	sadd.s32 $0x40, s0;
	s8 =	sor.u32 s8, s7;
	v2 =	vadd.s32 v0, v2  }
0x26: {  	s4 =	sadd.s32 $0x10, s4;
	s7 =	sshra.s32 s0, $0x2;
	[tilespmem:s8+$0x1000] =	vst v2  }
0x27: {  	v2 =	vld [tilespmem:s7+$0x0];
	_ =	sdelay $0x3  }
0x28: {  	s0 =	sand.u32 $0x3E00, s0  }
0x29: {  	s2 =	sand.u32 $0x70, s2;
	s0 =	sshrl.u32 s0, $0x2;
	v2 =	vshll.u32 v2, $0x4  }
0x2a: {  	s0 =	sor.u32 s2, s0;
	v2 =	vadd.s32 v0, v2  }
0x2b: {  	[tilespmem:s0+$0x1000] =	vst v2  }
0x2c: {  	[tilespmem:s18], [sflag:$0x1] =	stream.linear.gather [hbm4b:s10+s1], $0x4000, $0x38;
	[tilespmem:$0x12000] =	vst v63  }
0x2d: {  	_ = 	snop  }
0x2e: {  	[tilespmem:s19], [sflag:$0x2] =	stream.linear.gather [hbm4b:s9+s1], $0x4000, $0x38;
	[tilespmem:$0x12000] =	vst v63  }
0x2f: {  	_ = 	snop  }
0x30: {  	[tilespmem:s20], [sflag:$0x3] =	stream.linear.gather [hbm4b:s6+s1], $0x4000, $0x38;
	[tilespmem:$0x12000] =	vst v63  }
0x31: {  	s7 =	rddreg [dreg:$0x6]  }
0x32: {  	[tilespmem:s21], [sflag:$0x4] =	stream.linear.gather [hbm4b:s7+s1], $0x4000, $0x38;
	[tilespmem:$0x12000] =	vst v63  }
0x33: {  	_ =	swait.ge [sflag:s22], $0x4000  }
0x34: {  	[sflag:s22] =	ssyncset.done $0x0  }
0x35: {  	s4 =	simm.s32 $0x1000;
	[sflag:s22] =	ssyncadd.s32 $0xFFFFC000  }
0x36: {  	[hbm4b:s3+s15] =	stream.indirect.scatter [tilespmem:s18], [sflag:$0x5], $0x80, s4, s15, $0xb8;
	[tilespmem:$0x12000] =	vst v63  }
0x37: {  	_ =	swait.ge [sflag:s23], $0x4000  }
0x38: {  	[sflag:s23] =	ssyncset.done $0x0  }
0x39: {  	s5 =	simm.s32 $0x1080;
	[sflag:s23] =	ssyncadd.s32 $0xFFFFC000  }
0x3a: {  	[hbm4b:s3+s15] =	stream.indirect.scatter [tilespmem:s19], [sflag:$0x6], $0x80, s5, s15, $0xb8;
	[tilespmem:$0x12000] =	vst v63  }
0x3b: {  	_ =	swait.ge [sflag:s24], $0x4000  }
0x3c: {  	[sflag:s24] =	ssyncset.done $0x0  }
0x3d: {  	s8 =	simm.s32 $0x1100;
	[sflag:s24] =	ssyncadd.s32 $0xFFFFC000  }
0x3e: {  	[hbm4b:s3+s15] =	stream.indirect.scatter [tilespmem:s20], [sflag:$0x7], $0x80, s8, s15, $0xb8;
	[tilespmem:$0x12000] =	vst v63  }
0x3f: {  	_ =	swait.ge [sflag:s25], $0x4000  }
0x40: {  	[sflag:s25] =	ssyncset.done $0x0  }
0x41: {  	s16 =	simm.s32 $0x1180;
	[sflag:s25] =	ssyncadd.s32 $0xFFFFC000  }
0x42: {  	[hbm4b:s3+s15] =	stream.indirect.scatter [tilespmem:s21], [sflag:$0x8], $0x80, s16, s15, $0xb8;
	[tilespmem:$0x12000] =	vst v63  }
0x43: {  	_ =	swait.ge [sflag:s26], $0x4000  }
0x44: {  	[sflag:s26] =	ssyncset.done $0x0  }
0x45: {  	[sflag:s26] =	ssyncadd.s32 $0xFFFFC000  }
0x46: {  	_ =	swait.ge [sflag:s28], $0x4000  }
0x47: {  	[sflag:s28] =	ssyncset.done $0x0  }
0x48: {  	[sflag:s28] =	ssyncadd.s32 $0xFFFFC000  }
0x49: {  	_ =	swait.ge [sflag:s29], $0x4000  }
0x4a: {  	[sflag:s29] =	ssyncset.done $0x0  }
0x4b: {  	[sflag:s29] =	ssyncadd.s32 $0xFFFFC000  }
0x4c: {  	s2 =	sadd.s32 $0x2000, s9;
	s0 =	simm.s32 $0x800;
	_ =	swait.ge [sflag:s30], $0x4000  }
0x4d: {  	s4 =	sadd.s32 $0x2000, s10;
	s8 =	smov.u32 s6;
	[sflag:s30] =	ssyncset.done $0x0  }
.LBB2_4:
0x4e: {  	[sflag:s30] =	ssyncadd.s32 $0xFFFFC000;
	s7 =	sadd.s32 $0x2000, s7;
	s8 =	sadd.s32 $0x2000, s8  }
0x4f: {  	[tilespmem:s18], [sflag:$0x1] =	stream.linear.gather [hbm4b:s4+s1], $0x4000, $0x38;
	[tilespmem:$0x12000] =	vst v63  }
0x50: {  	p0 =	sne.s32 s0, $0x3800;
	s16 =	smov.u32 s0;
	s0 =	sadd.s32 $0x800, s0  }
0x51: {  	[tilespmem:s19], [sflag:$0x2] =	stream.linear.gather [hbm4b:s2+s1], $0x4000, $0x38;
	[tilespmem:$0x12000] =	vst v63  }
0x52: {  	_ = 	snop  }
0x53: {  	[tilespmem:s20], [sflag:$0x3] =	stream.linear.gather [hbm4b:s8+s1], $0x4000, $0x38;
	[tilespmem:$0x12000] =	vst v63  }
0x54: {  	_ = 	snop  }
0x55: {  	[tilespmem:s21], [sflag:$0x4] =	stream.linear.gather [hbm4b:s7+s1], $0x4000, $0x38;
	[tilespmem:$0x12000] =	vst v63  }
0x56: {  	_ =	swait.ge [sflag:s22], $0x4000  }
0x57: {  	s16 =	sshra.s32 s16, $0x2;
	[sflag:s22] =	ssyncset.done $0x0  }
0x58: {  	s5 =	sadd.s32 $0x1000, s16;
	[sflag:s22] =	ssyncadd.s32 $0xFFFFC000  }
0x59: {  	[hbm4b:s3+s15] =	stream.indirect.scatter [tilespmem:s18], [sflag:$0x5], $0x80, s5, s15, $0xb8;
	[tilespmem:$0x12000] =	vst v63  }
0x5a: {  	_ =	swait.ge [sflag:s23], $0x4000  }
0x5b: {  	[sflag:s23] =	ssyncset.done $0x0  }
0x5c: {  	s5 =	sadd.s32 $0x1080, s16;
	[sflag:s23] =	ssyncadd.s32 $0xFFFFC000  }
0x5d: {  	[hbm4b:s3+s15] =	stream.indirect.scatter [tilespmem:s19], [sflag:$0x6], $0x80, s5, s15, $0xb8;
	[tilespmem:$0x12000] =	vst v63  }
0x5e: {  	_ =	swait.ge [sflag:s24], $0x4000  }
0x5f: {  	[sflag:s24] =	ssyncset.done $0x0  }
0x60: {  	s5 =	sadd.s32 $0x1100, s16;
	[sflag:s24] =	ssyncadd.s32 $0xFFFFC000  }
0x61: {  	[hbm4b:s3+s15] =	stream.indirect.scatter [tilespmem:s20], [sflag:$0x7], $0x80, s5, s15, $0xb8;
	[tilespmem:$0x12000] =	vst v63  }
0x62: {  	_ =	swait.ge [sflag:s25], $0x4000  }
0x63: {  	[sflag:s25] =	ssyncset.done $0x0  }
0x64: {  	s5 =	sadd.s32 $0x1180, s16;
	[sflag:s25] =	ssyncadd.s32 $0xFFFFC000  }
0x65: {  	[hbm4b:s3+s15] =	stream.indirect.scatter [tilespmem:s21], [sflag:$0x8], $0x80, s5, s15, $0xb8;
	[tilespmem:$0x12000] =	vst v63  }
0x66: {  	_ =	swait.ge [sflag:s26], $0x4000  }
0x67: {  	[sflag:s26] =	ssyncset.done $0x0  }
0x68: {  	[sflag:s26] =	ssyncadd.s32 $0xFFFFC000  }
0x69: {  	_ =	swait.ge [sflag:s28], $0x4000  }
0x6a: {  	[sflag:s28] =	ssyncset.done $0x0  }
0x6b: {  	[sflag:s28] =	ssyncadd.s32 $0xFFFFC000  }
.Ltmp1:
0x6c: {  	_ =	swait.ge [sflag:s29], $0x4000;
	(pc) =	sbr.rel @p0 .LBB2_4-.Ltmp1, $4  }
0x6d: {  	[sflag:s29] =	ssyncset.done $0x0  }
0x6e: {  	[sflag:s29] =	ssyncadd.s32 $0xFFFFC000  }
0x6f: {  	_ =	swait.ge [sflag:s30], $0x4000  }
0x70: {  	s4 =	sadd.s32 $0x2000, s4;
	s2 =	sadd.s32 $0x2000, s2;
	[sflag:s30] =	ssyncset.done $0x0  }
0x71: {  	[sflag:s30] =	ssyncadd.s32 $0xFFFFC000  }
0x72: {  	s0 =	simm.s32 $0x0;
	s2 =	rddreg [dreg:$0x4];
	s4 =	simm.s32 $0x400  }
0x73: {  	[tilespmem:s0], [sflag:$0x9] =	stream.strided.gather [hbm4b:s2+s15], $0x1000, s4, s15, $0x38;
	[tilespmem:$0x12000] =	vst v63  }
0x74: {  	_ =	swait.ge [sflag:s17], $0x1000  }
0x75: {  	s7 =	simm.s32 $0x0;
	[sflag:s17] =	ssyncset.done $0x0  }
0x76: {  	s4 =	simm.s32 $0x10;
	s2 =	simm.s32 $0x0;
	[sflag:s17] =	ssyncadd.s32 $0xFFFFF000  }
.LBB2_6:
0x77: {  	p0 =	sne.s32 s4, $0xFF0;
	v2 =	vld [tilespmem:s7+$0x0];
	_ =	sdelay $0x2  }
.Ltmp2:
0x78: {  	(pc) =	sbr.rel @p0 .LBB2_6-.Ltmp2, $4  }
0x79: {  	s5 =	sand.u32 $0x3E00, s0  }
0x7a: {  	s7 =	sand.u32 $0x70, s2;
	s2 =	smov.u32 s4;
	s5 =	sshrl.u32 s5, $0x2;
	v2 =	vshll.u32 v2, $0x4  }
0x7b: {  	s0 =	sadd.s32 $0x40, s0;
	s5 =	sor.u32 s7, s5;
	v2 =	vadd.s32 v1, v2  }
0x7c: {  	s4 =	sadd.s32 $0x10, s4;
	s7 =	sshra.s32 s0, $0x2;
	[tilespmem:s5+$0x1000] =	vst v2  }
0x7d: {  	v2 =	vld [tilespmem:s7+$0x0];
	_ =	sdelay $0x3  }
0x7e: {  	s0 =	sand.u32 $0x3E00, s0  }
0x7f: {  	s2 =	sand.u32 $0x70, s2;
	s0 =	sshrl.u32 s0, $0x2;
	v2 =	vshll.u32 v2, $0x4  }
0x80: {  	s0 =	sor.u32 s2, s0;
	v2 =	vadd.s32 v1, v2  }
0x81: {  	[tilespmem:s0+$0x1000] =	vst v2  }
0x82: {  	[tilespmem:s18], [sflag:$0x1] =	stream.linear.gather [hbm4b:s14+s1], $0x4000, $0x38;
	[tilespmem:$0x12000] =	vst v63  }
0x83: {  	_ = 	snop  }
0x84: {  	[tilespmem:s19], [sflag:$0x2] =	stream.linear.gather [hbm4b:s13+s1], $0x4000, $0x38;
	[tilespmem:$0x12000] =	vst v63  }
0x85: {  	_ = 	snop  }
0x86: {  	[tilespmem:s20], [sflag:$0x3] =	stream.linear.gather [hbm4b:s12+s1], $0x4000, $0x38;
	[tilespmem:$0x12000] =	vst v63  }
0x87: {  	_ = 	snop  }
0x88: {  	[tilespmem:s21], [sflag:$0x4] =	stream.linear.gather [hbm4b:s11+s1], $0x4000, $0x38;
	[tilespmem:$0x12000] =	vst v63  }
0x89: {  	_ =	swait.ge [sflag:s22], $0x4000  }
0x8a: {  	[sflag:s22] =	ssyncset.done $0x0  }
0x8b: {  	s5 =	simm.s32 $0x1000;
	[sflag:s22] =	ssyncadd.s32 $0xFFFFC000  }
0x8c: {  	[hbm4b:s3+s15] =	stream.indirect.scatter [tilespmem:s18], [sflag:$0x5], $0x80, s5, s15, $0xb8;
	[tilespmem:$0x12000] =	vst v63  }
0x8d: {  	_ =	swait.ge [sflag:s23], $0x4000  }
0x8e: {  	[sflag:s23] =	ssyncset.done $0x0  }
0x8f: {  	s7 =	simm.s32 $0x1080;
	[sflag:s23] =	ssyncadd.s32 $0xFFFFC000  }
0x90: {  	[hbm4b:s3+s15] =	stream.indirect.scatter [tilespmem:s19], [sflag:$0x6], $0x80, s7, s15, $0xb8;
	[tilespmem:$0x12000] =	vst v63  }
0x91: {  	_ =	swait.ge [sflag:s24], $0x4000  }
0x92: {  	[sflag:s24] =	ssyncset.done $0x0  }
0x93: {  	s8 =	simm.s32 $0x1100;
	[sflag:s24] =	ssyncadd.s32 $0xFFFFC000  }
0x94: {  	[hbm4b:s3+s15] =	stream.indirect.scatter [tilespmem:s20], [sflag:$0x7], $0x80, s8, s15, $0xb8;
	[tilespmem:$0x12000] =	vst v63  }
0x95: {  	_ =	swait.ge [sflag:s25], $0x4000  }
0x96: {  	[sflag:s25] =	ssyncset.done $0x0  }
0x97: {  	s16 =	simm.s32 $0x1180;
	[sflag:s25] =	ssyncadd.s32 $0xFFFFC000  }
0x98: {  	[hbm4b:s3+s15] =	stream.indirect.scatter [tilespmem:s21], [sflag:$0x8], $0x80, s16, s15, $0xb8;
	[tilespmem:$0x12000] =	vst v63  }
0x99: {  	_ =	swait.ge [sflag:s26], $0x4000  }
0x9a: {  	[sflag:s26] =	ssyncset.done $0x0  }
0x9b: {  	[sflag:s26] =	ssyncadd.s32 $0xFFFFC000  }
0x9c: {  	_ =	swait.ge [sflag:s28], $0x4000  }
0x9d: {  	[sflag:s28] =	ssyncset.done $0x0  }
0x9e: {  	[sflag:s28] =	ssyncadd.s32 $0xFFFFC000  }
0x9f: {  	_ =	swait.ge [sflag:s29], $0x4000  }
0xa0: {  	[sflag:s29] =	ssyncset.done $0x0  }
0xa1: {  	s4 =	sadd.s32 $0x2000, s14;
	[sflag:s29] =	ssyncadd.s32 $0xFFFFC000  }
0xa2: {  	s2 =	sadd.s32 $0x2000, s13;
	s0 =	simm.s32 $0x800;
	_ =	swait.ge [sflag:s30], $0x4000  }
0xa3: {  	s7 =	smov.u32 s11;
	s8 =	smov.u32 s12;
	[sflag:s30] =	ssyncset.done $0x0  }
.LBB2_8:
0xa4: {  	[sflag:s30] =	ssyncadd.s32 $0xFFFFC000;
	s7 =	sadd.s32 $0x2000, s7;
	s8 =	sadd.s32 $0x2000, s8  }
0xa5: {  	[tilespmem:s18], [sflag:$0x1] =	stream.linear.gather [hbm4b:s4+s1], $0x4000, $0x38;
	[tilespmem:$0x12000] =	vst v63  }
0xa6: {  	p0 =	sne.s32 s0, $0x3800;
	s5 =	smov.u32 s0;
	s0 =	sadd.s32 $0x800, s0  }
0xa7: {  	[tilespmem:s19], [sflag:$0x2] =	stream.linear.gather [hbm4b:s2+s1], $0x4000, $0x38;
	[tilespmem:$0x12000] =	vst v63  }
0xa8: {  	_ = 	snop  }
0xa9: {  	[tilespmem:s20], [sflag:$0x3] =	stream.linear.gather [hbm4b:s8+s1], $0x4000, $0x38;
	[tilespmem:$0x12000] =	vst v63  }
0xaa: {  	_ = 	snop  }
0xab: {  	[tilespmem:s21], [sflag:$0x4] =	stream.linear.gather [hbm4b:s7+s1], $0x4000, $0x38;
	[tilespmem:$0x12000] =	vst v63  }
0xac: {  	_ =	swait.ge [sflag:s22], $0x4000  }
0xad: {  	s5 =	sshra.s32 s5, $0x2;
	[sflag:s22] =	ssyncset.done $0x0  }
0xae: {  	s16 =	sadd.s32 $0x1000, s5;
	[sflag:s22] =	ssyncadd.s32 $0xFFFFC000  }
0xaf: {  	[hbm4b:s3+s15] =	stream.indirect.scatter [tilespmem:s18], [sflag:$0x5], $0x80, s16, s15, $0xb8;
	[tilespmem:$0x12000] =	vst v63  }
0xb0: {  	_ =	swait.ge [sflag:s23], $0x4000  }
0xb1: {  	[sflag:s23] =	ssyncset.done $0x0  }
0xb2: {  	s16 =	sadd.s32 $0x1080, s5;
	[sflag:s23] =	ssyncadd.s32 $0xFFFFC000  }
0xb3: {  	[hbm4b:s3+s15] =	stream.indirect.scatter [tilespmem:s19], [sflag:$0x6], $0x80, s16, s15, $0xb8;
	[tilespmem:$0x12000] =	vst v63  }
0xb4: {  	_ =	swait.ge [sflag:s24], $0x4000  }
0xb5: {  	[sflag:s24] =	ssyncset.done $0x0  }
0xb6: {  	s16 =	sadd.s32 $0x1100, s5;
	[sflag:s24] =	ssyncadd.s32 $0xFFFFC000  }
0xb7: {  	[hbm4b:s3+s15] =	stream.indirect.scatter [tilespmem:s20], [sflag:$0x7], $0x80, s16, s15, $0xb8;
	[tilespmem:$0x12000] =	vst v63  }
0xb8: {  	_ =	swait.ge [sflag:s25], $0x4000  }
0xb9: {  	[sflag:s25] =	ssyncset.done $0x0  }
0xba: {  	s5 =	sadd.s32 $0x1180, s5;
	[sflag:s25] =	ssyncadd.s32 $0xFFFFC000  }
0xbb: {  	[hbm4b:s3+s15] =	stream.indirect.scatter [tilespmem:s21], [sflag:$0x8], $0x80, s5, s15, $0xb8;
	[tilespmem:$0x12000] =	vst v63  }
0xbc: {  	_ =	swait.ge [sflag:s26], $0x4000  }
0xbd: {  	[sflag:s26] =	ssyncset.done $0x0  }
0xbe: {  	[sflag:s26] =	ssyncadd.s32 $0xFFFFC000  }
0xbf: {  	_ =	swait.ge [sflag:s28], $0x4000  }
0xc0: {  	[sflag:s28] =	ssyncset.done $0x0  }
0xc1: {  	[sflag:s28] =	ssyncadd.s32 $0xFFFFC000  }
.Ltmp3:
0xc2: {  	_ =	swait.ge [sflag:s29], $0x4000;
	(pc) =	sbr.rel @p0 .LBB2_8-.Ltmp3, $4  }
0xc3: {  	[sflag:s29] =	ssyncset.done $0x0  }
0xc4: {  	[sflag:s29] =	ssyncadd.s32 $0xFFFFC000  }
0xc5: {  	_ =	swait.ge [sflag:s30], $0x4000  }
0xc6: {  	s4 =	sadd.s32 $0x2000, s4;
	s2 =	sadd.s32 $0x2000, s2;
	[sflag:s30] =	ssyncset.done $0x0  }
0xc7: {  	s31 =	sadd.s32 $0x1, s31;
	s0 =	rddreg [dreg:$0x5]  }
0xc8: {  	p0 =	sne.s32 s31, s0  }
.Ltmp4:
0xc9: {  	_ = 	snop;
	(pc) =	sbr.rel @p0 .LBB2_1-.Ltmp4, $2  }
0xca: {  	_ =	sdelay $0x2  }
0xcb: {  	[sflag:s30] =	ssyncadd.s32 $0xFFFFC000  }
0xcc: {  	_ =	sfence.sel $0x180000  }
0xcd: {  	[bflag:$0x0] =	sbarrier.arrive $0xFFFF  }
0xce: {  	_ =	strace $0x9000004A  }
0xcf: {  	s0 =	stileid.u32;
	[bflag:$0x2] =	sbarrier.arrive $0xFFFF  }
0xd0: {  	p0 =	sne.s32 s0, $0x0;
	s0 =	rddreg [dreg:$0x2]  }
0xd1: {  	s0 =	sadd.s32 @!p0 $0x100000, s0  }
0xd2: {  	[sflag:s0] =	ssyncadd.tile.s32 @!p0 $0x1;
	_ =	shalt  }
.Lfunc_end2:
_tile_overlayer_lowered:
.L_overlay_start_2:
0xd3: {  	(tag) =	ssettag $0x2  }
0xd4: {  	s0 =	rddreg [dreg:$0x0];
	s2 =	stileid.u32  }
0xd5: {  	s1 =	rddreg [dreg:$0x1];
	p0 =	sne.s32 s2, $0x0  }
0xd6: {  	s3 =	rddreg [dreg:$0x2];
	[bflag:$0x3] =	sbarrier.arrive $0xFFFF;
	s2 =	simm.s32 @!p0 $0x1C09  }
0xd7: {  	[timem:s3], [sflag:s2] =	dma.local @!p0 [hbm:s0], s1  }
0xd8: {  	s0 =	simm.s32 @!p0 $0x9  }
0xd9: {  	_ =	swait.ge @!p0 [sflag:s0], s1  }
0xda: {  	s1 =	ssub.s32 @!p0 $0x0, s1;
	[sflag:s0] =	ssyncset.done @!p0 $0x0  }
0xdb: {  	[sflag:s0] =	ssyncadd.s32 @!p0 s1  }
0xdc: {  	[bflag:$0x3] =	sbarrier.arrive $0xFFFF  }
0xdd: {  	_ =	shalt  }

// kernel: kernel.9.cloned.1.call-start
scs
__scs_entry_jumppad:
0x0: {  	(pc) =	sbr.rel $0x88, $3  }
0x1: {  	(tag) =	ssettag $0x0;
	lr =	simm.s32 $0x1  }
0x2: {  	[smem:$0x3F91] =	sst lr;
	_ =	strace $0xD0000000  }
0x3: {  	_ = 	snop  }
0x4: {  	_ = 	snop  }
0x5: {  	_ = 	snop  }
0x6: {  	_ = 	snop  }
0x7: {  	_ = 	snop  }
__scs_overlays_trampoline_lowered:
0x8: {  	[smem:$0x3FA0] =	sst s0  }
0x9: {  	[smem:$0x3FA1] =	sst s1  }
0xa: {  	[smem:$0x3FA2] =	sst s2  }
0xb: {  	[smem:$0x3FA3] =	sst s3  }
0xc: {  	[smem:$0x3FA4] =	sst s4  }
0xd: {  	[smem:$0x3FA5] =	sst s5  }
0xe: {  	[smem:$0x3FA6] =	sst s6  }
0xf: {  	[smem:$0x3FA7] =	sst s7  }
0x10: {  	[smem:$0x3FA8] =	sst s8  }
0x11: {  	[smem:$0x3FA9] =	sst s9;
	s0 =	simm.s32 @!p0 $0x0  }
0x12: {  	s1 =	sld [smem:$0x3F8F];
	s0 =	simm.s32 @p0 $0x1  }
0x13: {  	[smem:$0x3FAA] =	sst s0;
	s0 =	simm.s32 @!p1 $0x0  }
0x14: {  	s2 =	sld [smem:$0x3F8E];
	s0 =	simm.s32 @p1 $0x1  }
0x15: {  	[smem:$0x3FAB] =	sst s0;
	s0 =	simm.s32 @!p2 $0x0  }
0x16: {  	s3 =	sld [smem:$0x3FDB];
	s0 =	simm.s32 @p2 $0x1  }
0x17: {  	s4 =	simm.s32 $0x1BF5;
	[smem:$0x3FAD] =	sst s0  }
0x18: {  	s0 =	sld [smem:$0x3F90];
	_ =	swait.ge [sflag:s4], $0x0  }
0x19: {  	s7 =	sld [smem:$0x3F91]  }
0x1a: {  	s8 =	sadd.s32 $0xFFFFE003, lr  }
0x1b: {  	s9 =	sadd.s32 $0xFFFFFEF7, lr;
	s5 =	simm.s32 $0xFFFFFFFF;
	p2 =	slt.u32 s8, $0xFFFFF086  }
0x1c: {  	p1 =	slt.u32 s9, $0xF7A;
	s5 =	simm.s32 @!p2 $0x0  }
0x1d: {  	s5 =	simm.s32 @p1 $0x1;
	p0 =	seq.s32 s7, s2  }
0x1e: {  	s7 =	smul.u32 @!p0 $0xF7A, s2;
	p2 =	seq.s32 @!p0 s5, $0x0  }
0x1f: {  	s9 =	smul.u32 $0xF7A, s1;
	s8 =	simm.s32 @!p0 $0x1BF5;
	p2 =	por !p2, p0  }
0x20: {  	[sflag:s8] =	ssyncset.s32 @!p0 $0xFFFFF086;
	s6 =	sadd.s32 @!p0 s3, s7;
	s7 =	simm.s32 @!p0 $0x108  }
0x21: {  	s3 =	sadd.s32 s3, s9;
	s6 =	sadd.s32 @!p0 $0x88, s6;
	s7 =	simm.s32 @p2 $0x1082  }
0x22: {  	[simem:s7], [sflag:s8] =	dma.local @!p0 [hbm:s6], $0xF7A  }
0x23: {  	s9 =	sor.u32 $0xD0000000, s2;
	s6 =	simm.s32 $0x108;
	_ =	swait.ge @!p0 [sflag:s8], $0x0  }
0x24: {  	s3 =	sadd.s32 $0x88, s3;
	s6 =	simm.s32 @!p1 $0x1082;
	[sflag:s4] =	ssyncset.s32 $0xFFFFF086  }
0x25: {  	[simem:s6], [sflag:s4] =	dma.local [hbm:s3], $0xF7A  }
0x26: {  	[smem:$0x3F91] =	sst s1;
	(tag) =	ssettag s2;
	_ =	strace s9  }
0x27: {  	s1 =	sld [smem:$0x3FA1]  }
0x28: {  	s2 =	sld [smem:$0x3FA2]  }
0x29: {  	s4 =	sld [smem:$0x3FA4]  }
0x2a: {  	p0 =	seq.s32 s5, $0x0;
	s5 =	sld [smem:$0x3FA5]  }
0x2b: {  	s6 =	sld [smem:$0x3FA6]  }
0x2c: {  	s7 =	sld [smem:$0x3FA7]  }
0x2d: {  	s3 =	simm.s32 $0x108;
	s8 =	sld [smem:$0x3FA8]  }
0x2e: {  	s3 =	simm.s32 @!p0 $0x1082;
	s9 =	sld [smem:$0x3FA9]  }
0x2f: {  	lr =	sadd.s32 s0, s3;
	s0 =	sld [smem:$0x3FA0]  }
0x30: {  	s3 =	sld [smem:$0x3FA3]  }
0x31: {  	[smem:$0x3FAC] =	sst s10  }
0x32: {  	s10 =	sld [smem:$0x3FAA];
	_ =	sdelay $0x3  }
0x33: {  	p0 =	seq.s32 s10, $0x1;
	s10 =	sld [smem:$0x3FAC];
	_ =	sdelay $0x3  }
0x34: {  	[smem:$0x3FAC] =	sst s10  }
0x35: {  	s10 =	sld [smem:$0x3FAB];
	_ =	sdelay $0x3  }
0x36: {  	p1 =	seq.s32 s10, $0x1;
	s10 =	sld [smem:$0x3FAC];
	_ =	sdelay $0x3  }
0x37: {  	[smem:$0x3FAC] =	sst s10  }
0x38: {  	s10 =	sld [smem:$0x3FAD]  }
0x39: {  	_ = 	snop;
	(pc) =	sbr.ind lr, $3  }
0x3a: {  	_ = 	snop  }
0x3b: {  	_ = 	snop  }
0x3c: {  	p2 =	seq.s32 s10, $0x1;
	s10 =	sld [smem:$0x3FAC]  }
0x3d: {  	_ =	shalt  }
0x3e: {  	_ =	shalt  }
0x3f: {  	_ =	shalt  }
0x40: {  	_ =	shalt  }
0x41: {  	_ =	shalt  }
0x42: {  	_ =	shalt  }
0x43: {  	_ =	shalt  }
0x44: {  	_ =	shalt  }
0x45: {  	_ =	shalt  }
0x46: {  	_ =	shalt  }
0x47: {  	_ =	shalt  }
0x48: {  	_ =	shalt  }
0x49: {  	_ =	shalt  }
0x4a: {  	_ =	shalt  }
0x4b: {  	_ =	shalt  }
0x4c: {  	_ =	shalt  }
0x4d: {  	_ =	shalt  }
0x4e: {  	_ =	shalt  }
0x4f: {  	_ =	shalt  }
0x50: {  	_ =	shalt  }
0x51: {  	_ =	shalt  }
0x52: {  	_ =	shalt  }
0x53: {  	_ =	shalt  }
0x54: {  	_ =	shalt  }
0x55: {  	_ =	shalt  }
0x56: {  	_ =	shalt  }
0x57: {  	_ =	shalt  }
0x58: {  	_ =	shalt  }
0x59: {  	_ =	shalt  }
0x5a: {  	_ =	shalt  }
0x5b: {  	_ =	shalt  }
0x5c: {  	_ =	shalt  }
0x5d: {  	_ =	shalt  }
0x5e: {  	_ =	shalt  }
0x5f: {  	_ =	shalt  }
0x60: {  	_ =	shalt  }
0x61: {  	_ =	shalt  }
0x62: {  	_ =	shalt  }
0x63: {  	_ =	shalt  }
0x64: {  	_ =	shalt  }
0x65: {  	_ =	shalt  }
0x66: {  	_ =	shalt  }
0x67: {  	_ =	shalt  }
0x68: {  	_ =	shalt  }
0x69: {  	_ =	shalt  }
0x6a: {  	_ =	shalt  }
0x6b: {  	_ =	shalt  }
0x6c: {  	_ =	shalt  }
0x6d: {  	_ =	shalt  }
0x6e: {  	_ =	shalt  }
0x6f: {  	_ =	shalt  }
0x70: {  	_ =	shalt  }
0x71: {  	_ =	shalt  }
0x72: {  	_ =	shalt  }
0x73: {  	_ =	shalt  }
0x74: {  	_ =	shalt  }
0x75: {  	_ =	shalt  }
0x76: {  	_ =	shalt  }
0x77: {  	_ =	shalt  }
0x78: {  	_ =	shalt  }
0x79: {  	_ =	shalt  }
0x7a: {  	_ =	shalt  }
0x7b: {  	_ =	shalt  }
0x7c: {  	_ =	shalt  }
0x7d: {  	_ =	shalt  }
0x7e: {  	_ =	shalt  }
0x7f: {  	_ =	shalt  }
0x80: {  	_ =	shalt  }
0x81: {  	_ =	shalt  }
0x82: {  	_ =	shalt  }
0x83: {  	_ =	shalt  }
0x84: {  	_ =	shalt  }
0x85: {  	_ =	shalt  }
0x86: {  	_ =	shalt  }
0x87: {  	_ =	shalt  }
.Lfunc_end0:
.L_simem_size_0:
called_computation_lowered:
.L_overlay_start_0:
0x88: {  	s2 =	sld [smem:$0x3FD9]  }
0x89: {  	s3 =	sld [smem:$0x3FFE];
	_ =	sdelay $0x1  }
0x8a: {  	s1 =	srdreg.scid  }
0x8b: {  	s0 =	sand.u32 $0x1, s1  }
0x8c: {  	s14 =	sshll.u32 s0, $0xA;
	s2 =	sadd.s32 s3, s2  }
0x8d: {  	s2 =	sadd.s32 s2, s14  }
0x8e: {  	[smem:$0x3FB8] =	sst s2  }
0x8f: {  	_ = 	snop  }
0x90: {  	s2 =	sld [smem:$0x3FD0];
	_ =	sdelay $0x2  }
0x91: {  	s15 =	simm.s32 $0xA;
	s4 =	simm.s32 $0x10  }
0x92: {  	[smem:s4], [sflag:s15] =	dma.local [hbm:s2], $0x1  }
0x93: {  	_ =	swait.eq [sflag:s15], $0x1  }
0x94: {  	[sflag:s15] =	ssyncset.done $0x0  }
0x95: {  	s16 =	sld [smem:$0x10];
	[sflag:s15] =	ssyncadd.s32 $0xFFFFFFFF  }
0x96: {  	s17 =	sld [smem:$0x11];
	(tm) =	ssettm $0x1  }
0x97: {  	s18 =	sld [smem:$0x3FFB];
	_ =	sdelay $0x3  }
0x98: {  	_ =	strace s18  }
0x99: {  	s4 =	sld [smem:$0x3FFC];
	_ =	sdelay $0x3  }
0x9a: {  	_ =	strace s4  }
0x9b: {  	s4 =	sld [smem:$0x3FFD];
	_ =	sdelay $0x3  }
0x9c: {  	_ =	strace s4  }
0x9d: {  	_ =	strace $0x8FFFFFFF  }
0x9e: {  	s19 =	sld [smem:$0x3FDB];
	_ =	sdelay $0x1  }
0x9f: {  	s5 =	simm.s32 $_scs_section_size  }
0xa0: {  	s6 =	simm.s32 $_size__tile_overlayer_lowered;
	s7 =	simm.s32 $_tile_overlayer_lowered  }
0xa1: {  	s22 =	simm.s32 $0x1BFF;
	s21 =	sshll.u32 s7, $0x1;
	s4 =	sadd.s32 s5, s19  }
0xa2: {  	s8 =	simm.s32 $0x0;
	s20 =	sshll.u32 s6, $0x1;
	s6 =	sadd.s32 s21, s4  }
0xa3: {  	[timem:s8], [sflag:s22] =	dma.local [hbm:s6], s20  }
0xa4: {  	_ =	swait.ge [sflag:s22], s20  }
0xa5: {  	s5 =	ssub.s32 $0x0, s20;
	[sflag:s22] =	ssyncset.done $0x0  }
0xa6: {  	[sflag:s22] =	ssyncadd.s32 s5;
	_ =	sdelay $0x1  }
0xa7: {  	s23 =	simm.s32 $0x1B8B  }
0xa8: {  	_ =	swait.ge [sflag:s23], $0x1  }
0xa9: {  	[sflag:s23] =	ssyncset.done $0x0  }
0xaa: {  	s25 =	simm.s32 $0x1B8E;
	s24 =	sld [smem:$0x3FFE];
	[sflag:s23] =	ssyncadd.s32 $0xFFFFFFFF  }
0xab: {  	s26 =	simm.s32 $execute0_lowered;
	[smem:$0x3FD2] =	sst s25  }
0xac: {  	s6 =	sshll.u32 s26, $0x1;
	_ =	strace $0x80000046;
	[dreg:$0x1] =	wrdreg $0xFFFFFFFF  }
0xad: {  	s28 =	simm.s32 $_size_execute0_lowered;
	s4 =	sadd.s32 s4, s6;
	[dreg:$0x0] =	wrdreg $0x0  }
0xae: {  	s6 =	sshll.u32 s28, $0x1;
	[dreg:$0x2] =	wrdreg s4  }
0xaf: {  	[dreg:$0x3] =	wrdreg s6  }
0xb0: {  	[dreg:$0x4] =	wrdreg $0xC0  }
0xb1: {  	_ =	task [dreg:s8], $0x5FFFF  }
0xb2: {  	[dreg:$0x1] =	wrdreg $0xFFFFFFFF  }
0xb3: {  	[dreg:$0x0] =	wrdreg $0x60  }
0xb4: {  	[dreg:$0x2] =	wrdreg s17  }
0xb5: {  	[dreg:$0x3] =	wrdreg s24  }
0xb6: {  	[dreg:$0x4] =	wrdreg s16  }
0xb7: {  	[dreg:$0x5] =	wrdreg $0x9  }
0xb8: {  	_ =	task.clear_ibuf [dreg:s8], $0x6FFFF;
	_ =	strace $0x90000046  }
0xb9: {  	s29 =	simm.s32 $0x9;
	_ =	strace $0x80000048  }
0xba: {  	_ =	swait.ge [sflag:s29], $0x1  }
0xbb: {  	[sflag:s29] =	ssyncadd.s32 $0xFFFFFFFF  }
0xbc: {  	_ =	strace $0x90000048  }
0xbd: {  	_ =	sfence  }
0xbe: {  	s30 =	sld [smem:$0x0];
	_ =	sdelay $0x2  }
0xbf: {  	s31 =	sshll.u32 s1, $0xD;
	s1 =	sshrl.u32 s1, $0x2  }
0xc0: {  	s3 =	sand.u32 $0x4000, s31;
	s1 =	sadd.s32 s1, s30  }
0xc1: {  	s0 =	sor.u32 s3, s0;
	s1 =	sshll.u32 s1, $0x11  }
0xc2: {  	s0 =	sor.u32 s1, s0  }
0xc3: {  	s0 =	sadd.s32 $0x8F2B, s0  }
0xc4: {  	[sflag:s0] =	ssyncadd.remote.s32 $0x1  }
0xc5: {  	_ =	sfence.sel $0xFFFF  }
0xc6: {  	[dreg:$0x0] =	wrdreg $0xFFFFFFFF;
	(pc) =	sbr.abs _section_cstart, $3  }
0xc7: {  	[dreg:$0x1] =	wrdreg $0xFFFFFFFF  }
0xc8: {  	_ =	task.clear_ibuf [dreg:s8], $0x2FFFF;
	_ =	strace $0x9FFFFFFF  }
0xc9: {  	(tm) =	ssettm $0x7FFFFFFF  }
tec
execute0_lowered:
.L_overlay_start_1:
0x0: {  	(tag) =	ssettag $0x1  }
0x1: {  	s12 =	rddreg [dreg:$0x0]  }
0x2: {  	s2 =	rddreg [dreg:$0x1]  }
0x3: {  	s4 =	rddreg [dreg:$0x2]  }
0x4: {  	s1 =	simm.s32 $0x0;
	s5 =	srdreg.scid;
	s0 =	stileid.u32  }
0x5: {  	s28 =	simm.s32 $0x3;
	s29 =	simm.s32 $0x4;
	s30 =	simm.s32 $0x5  }
0x6: {  	s31 =	simm.s32 $0x6;
	[smem:$0x7FF] =	sst s1;
	s3 =	sadd.s32 $0x2000, s2  }
0x7: {  	s5 =	sand.u32 $0x1, s5;
	s7 =	sshll.u32 s0, $0x2;
	s2 =	sadd.s32 $0x202000, s2  }
0x8: {  	s15 =	sshll.u32 s0, $0x15;
	_ =	strace $0x80000047;
	s8 =	sshll.u32 s5, $0x1  }
0x9: {  	s6 =	ssub.s32 $0x2, s5;
	s5 =	sshll.u32 s5, $0x14;
	s7 =	sor.u32 s8, s7  }
0xa: {  	s9 =	sshrl.u32 s6, $0x1;
	s5 =	sor.u32 s5, s15;
	s8 =	sshll.u32 s7, $0xC  }
0xb: {  	s10 =	sor.u32 $0x1, s7;
	s11 =	sshll.u32 s7, $0x7;
	s6 =	ssub.s32 s6, s9  }
0xc: {  	s17 =	sshrl.u32 s5, $0x3;
	s18 =	sor.u32 $0x8000, s5;
	s20 =	sor.u32 $0x4000, s5  }
0xd: {  	s21 =	sor.u32 $0xC000, s5;
	s22 =	sor.u32 $0x80000, s5;
	s24 =	sor.u32 $0x88000, s5  }
0xe: {  	s25 =	sor.u32 $0x84000, s5;
	s5 =	sor.u32 $0x8C000, s5;
	s26 =	sor.u32 s10, s8  }
0xf: {  	s11 =	sor.u32 s11, s8;
	s7 =	sor.u32 s7, s8;
	s10 =	sshll.u32 s10, $0x7  }
0x10: {  	s6 =	smax.u32 s6, $0x1;
	s9 =	sadd.s32 s17, s2;
	s19 =	sshrl.u32 s18, $0x3  }
0x11: {  	s23 =	sshrl.u32 s22, $0x3;
	s17 =	simm.s32 $0x80;
	s22 =	simm.s32 $0x7000  }
0x12: {  	s11 =	sand.u32 $0x38300, s11;
	s7 =	sand.u32 $0x1000E, s7;
	s8 =	sor.u32 s8, s10  }
0x13: {  	s0 =	sand.u32 $0x1000F, s26;
	[dreg:$0x8] =	wrdreg s6;
	s10 =	sadd.s32 s19, s2  }
0x14: {  	s6 =	sshrl.u32 s21, $0x3;
	s26 =	sshrl.u32 s5, $0x3;
	s11 =	sshrl.u32 s11, $0x3  }
0x15: {  	s19 =	simm.s32 $0x9;
	s21 =	simm.s32 $0x3000;
	s13 =	sadd.s32 s12, s11  }
0x16: {  	s8 =	sand.u32 $0x38380, s8;
	s14 =	sadd.s32 s4, s11;
	[dreg:$0x4] =	wrdreg s13  }
0x17: {  	v1 =	vmov s0;
	s0 =	simm.s32 $0x7;
	s8 =	sshrl.u32 s8, $0x3;
	[dreg:$0x5] =	wrdreg s14  }
0x18: {  	s16 =	sadd.s32 s12, s8;
	s4 =	sadd.s32 s4, s8;
	s12 =	sadd.s32 s6, s2  }
0x19: {  	s13 =	sadd.s32 s23, s2;
	s6 =	sshrl.u32 s25, $0x3;
	s8 =	simm.s32 $0x400  }
0x1a: {  	s23 =	simm.s32 $0xB000;
	s25 =	simm.s32 $0x1;
	[dreg:$0x6] =	wrdreg s16  }
0x1b: {  	[dreg:$0x7] =	wrdreg s4;
	s4 =	sshrl.u32 s20, $0x3;
	s15 =	sadd.s32 s6, s2  }
0x1c: {  	s16 =	sadd.s32 s26, s2;
	s20 =	simm.s32 $0x1000;
	s26 =	simm.s32 $0x2  }
0x1d: {  	s11 =	sadd.s32 s4, s2;
	s4 =	sshrl.u32 s24, $0x3;
	s24 =	simm.s32 $0xF000  }
0x1e: {  	v2 =	vlaneseq.u32;
	v0 =	vmov s7;
	s14 =	sadd.s32 s4, s2;
	s2 =	simm.s32 $0x8;
	s4 =	simm.s32 $0x0  }
.LBB2_1:
0x1f: {  	s5 =	rddreg [dreg:$0x4]  }
0x20: {  	[tilespmem:s1], [sflag:$0x9] =	stream.strided.gather [hbm4b:s5+s17], $0x1000, s8, s17, $0x38;
	[tilespmem:$0x13000] =	vst v63  }
0x21: {  	_ =	swait.ge [sflag:s19], $0x1000  }
0x22: {  	[sflag:s19] =	ssyncset.done $0x0  }
0x23: {  	[sflag:s19] =	ssyncadd.s32 $0xFFFFF000  }
0x24: {  	s6 =	simm.s32 $0x0;
	s7 =	simm.s32 $0x0;
	s5 =	simm.s32 $0x10;
	v3 =	vld [tilespmem:s1+$0x0]  }
.LBB2_2:
0x25: {  	p0 =	sne.s32 s5, $0xFF0;
	_ =	sdelay $0x3  }
.Ltmp0:
0x26: {  	(pc) =	sbr.rel @p0 .LBB2_2-.Ltmp0, $4  }
0x27: {  	_ = 	snop  }
0x28: {  	v4 =	vor.u32 s6, v2;
	s6 =	smov.u32 s5  }
0x29: {  	s7 =	sadd.s32 $0x10, s7;
	[tilespmem:v3+s20+$0x0] =	vst.idx.msk $0xffff, v4  }
0x2a: {  	s5 =	sadd.s32 $0x10, s5;
	v3 =	vld [tilespmem:s7+$0x0]  }
0x2b: {  	_ =	sdelay $0x6  }
0x2c: {  	v4 =	vor.u32 s6, v2  }
0x2d: {  	s5 =	rddreg [dreg:$0x5];
	[tilespmem:v3+s20+$0x0] =	vst.idx.msk $0xffff, v4  }
0x2e: {  	[hbm4b:s5+s17] =	stream.strided.scatter [tilespmem:s20], [sflag:$0x9], $0x1000, s8, s17, $0x38;
	[tilespmem:$0x13000] =	vst v63  }
0x2f: {  	_ =	swait.ge [sflag:s19], $0x1000  }
0x30: {  	s7 =	simm.s32 $0x10;
	s6 =	simm.s32 $0x0;
	[sflag:s19] =	ssyncset.done $0x0  }
0x31: {  	s5 =	simm.s32 $0x0;
	s8 =	simm.s32 $0x0;
	[sflag:s19] =	ssyncadd.s32 $0xFFFFF000  }
.LBB2_4:
0x32: {  	p0 =	sne.s32 s7, $0xFF0;
	v3 =	vld [tilespmem:s8+$0x1000];
	_ =	sdelay $0x2  }
.Ltmp1:
0x33: {  	(pc) =	sbr.rel @p0 .LBB2_4-.Ltmp1, $4  }
0x34: {  	s8 =	sand.u32 $0x3E00, s5  }
0x35: {  	s18 =	sand.u32 $0x70, s6;
	s6 =	smov.u32 s7;
	s8 =	sshrl.u32 s8, $0x2;
	v3 =	vshll.u32 v3, $0x4  }
0x36: {  	s5 =	sadd.s32 $0x40, s5;
	s18 =	sor.u32 s18, s8;
	v3 =	vadd.s32 v0, v3  }
0x37: {  	s7 =	sadd.s32 $0x10, s7;
	s8 =	sshra.s32 s5, $0x2;
	[tilespmem:s18+$0x2000] =	vst v3  }
0x38: {  	v3 =	vld [tilespmem:s8+$0x1000];
	_ =	sdelay $0x3  }
0x39: {  	s5 =	sand.u32 $0x3E00, s5  }
0x3a: {  	s6 =	sand.u32 $0x70, s6;
	s5 =	sshrl.u32 s5, $0x2;
	v3 =	vshll.u32 v3, $0x4  }
0x3b: {  	s5 =	sor.u32 s6, s5;
	v3 =	vadd.s32 v0, v3  }
0x3c: {  	[tilespmem:s5+$0x2000] =	vst v3;
	s5 =	simm.s32 $0x2000  }
0x3d: {  	[tilespmem:s21], [sflag:$0x1] =	stream.indirect.gather [hbm4b:s3+s17], $0x80, s5, s17, $0xb8;
	[tilespmem:$0x13000] =	vst v63  }
0x3e: {  	s18 =	simm.s32 $0x2080  }
0x3f: {  	[tilespmem:s22], [sflag:$0x2] =	stream.indirect.gather [hbm4b:s3+s17], $0x80, s18, s17, $0xb8;
	[tilespmem:$0x13000] =	vst v63  }
0x40: {  	s7 =	simm.s32 $0x2100  }
0x41: {  	[tilespmem:s23], [sflag:$0x3] =	stream.indirect.gather [hbm4b:s3+s17], $0x80, s7, s17, $0xb8;
	[tilespmem:$0x13000] =	vst v63  }
0x42: {  	s8 =	simm.s32 $0x2180  }
0x43: {  	[tilespmem:s24], [sflag:$0x4] =	stream.indirect.gather [hbm4b:s3+s17], $0x80, s8, s17, $0xb8;
	[tilespmem:$0x13000] =	vst v63  }
0x44: {  	_ =	swait.ge [sflag:s25], $0x4000  }
0x45: {  	[sflag:s25] =	ssyncset.done $0x0  }
0x46: {  	s18 =	sadd.s32 $0x0, s9;
	[sflag:s25] =	ssyncadd.s32 $0xFFFFC000  }
0x47: {  	[hbm4b:s18+s1] =	stream.linear.scatter [tilespmem:s21], [sflag:$0x5], $0x4000, $0x38;
	[tilespmem:$0x13000] =	vst v63  }
0x48: {  	_ =	swait.ge [sflag:s26], $0x4000  }
0x49: {  	[sflag:s26] =	ssyncset.done $0x0  }
0x4a: {  	s7 =	sadd.s32 $0x0, s11;
	[sflag:s26] =	ssyncadd.s32 $0xFFFFC000  }
0x4b: {  	[hbm4b:s7+s1] =	stream.linear.scatter [tilespmem:s22], [sflag:$0x6], $0x4000, $0x38;
	[tilespmem:$0x13000] =	vst v63  }
0x4c: {  	_ =	swait.ge [sflag:s28], $0x4000  }
0x4d: {  	[sflag:s28] =	ssyncset.done $0x0  }
0x4e: {  	s8 =	sadd.s32 $0x0, s10;
	[sflag:s28] =	ssyncadd.s32 $0xFFFFC000  }
0x4f: {  	[hbm4b:s8+s1] =	stream.linear.scatter [tilespmem:s23], [sflag:$0x7], $0x4000, $0x38;
	[tilespmem:$0x13000] =	vst v63  }
0x50: {  	_ =	swait.ge [sflag:s29], $0x4000  }
0x51: {  	[sflag:s29] =	ssyncset.done $0x0  }
0x52: {  	s18 =	sadd.s32 $0x0, s12;
	[sflag:s29] =	ssyncadd.s32 $0xFFFFC000  }
0x53: {  	[hbm4b:s18+s1] =	stream.linear.scatter [tilespmem:s24], [sflag:$0x8], $0x4000, $0x38;
	[tilespmem:$0x13000] =	vst v63  }
0x54: {  	_ =	swait.ge [sflag:s30], $0x4000  }
0x55: {  	[sflag:s30] =	ssyncset.done $0x0  }
0x56: {  	[sflag:s30] =	ssyncadd.s32 $0xFFFFC000  }
0x57: {  	_ =	swait.ge [sflag:s31], $0x4000  }
0x58: {  	[sflag:s31] =	ssyncset.done $0x0  }
0x59: {  	[sflag:s31] =	ssyncadd.s32 $0xFFFFC000  }
0x5a: {  	_ =	swait.ge [sflag:s0], $0x4000  }
0x5b: {  	[sflag:s0] =	ssyncset.done $0x0  }
0x5c: {  	[sflag:s0] =	ssyncadd.s32 $0xFFFFC000  }
0x5d: {  	_ =	swait.ge [sflag:s2], $0x4000  }
0x5e: {  	s6 =	simm.s32 $0x2000;
	[sflag:s2] =	ssyncset.done $0x0  }
.LBB2_6:
0x5f: {  	p0 =	sne.s32 s6, $0xE000;
	[sflag:s2] =	ssyncadd.s32 $0xFFFFC000;
	s5 =	sadd.s32 $0x200, s5  }
0x60: {  	[tilespmem:s21], [sflag:$0x1] =	stream.indirect.gather [hbm4b:s3+s17], $0x80, s5, s17, $0xb8;
	[tilespmem:$0x13000] =	vst v63  }
0x61: {  	s8 =	smov.u32 s6;
	s6 =	sadd.s32 $0x2000, s6;
	s7 =	sadd.s32 $0x80, s5  }
0x62: {  	[tilespmem:s22], [sflag:$0x2] =	stream.indirect.gather [hbm4b:s3+s17], $0x80, s7, s17, $0xb8;
	[tilespmem:$0x13000] =	vst v63  }
0x63: {  	s7 =	sadd.s32 $0x100, s5  }
0x64: {  	[tilespmem:s23], [sflag:$0x3] =	stream.indirect.gather [hbm4b:s3+s17], $0x80, s7, s17, $0xb8;
	[tilespmem:$0x13000] =	vst v63  }
0x65: {  	s7 =	sadd.s32 $0x180, s5  }
0x66: {  	[tilespmem:s24], [sflag:$0x4] =	stream.indirect.gather [hbm4b:s3+s17], $0x80, s7, s17, $0xb8;
	[tilespmem:$0x13000] =	vst v63  }
0x67: {  	_ =	swait.ge [sflag:s25], $0x4000  }
0x68: {  	[sflag:s25] =	ssyncset.done $0x0  }
0x69: {  	s7 =	sadd.s32 s8, s9;
	[sflag:s25] =	ssyncadd.s32 $0xFFFFC000  }
0x6a: {  	[hbm4b:s7+s1] =	stream.linear.scatter [tilespmem:s21], [sflag:$0x5], $0x4000, $0x38;
	[tilespmem:$0x13000] =	vst v63  }
0x6b: {  	_ =	swait.ge [sflag:s26], $0x4000  }
0x6c: {  	[sflag:s26] =	ssyncset.done $0x0  }
0x6d: {  	s7 =	sadd.s32 s8, s11;
	[sflag:s26] =	ssyncadd.s32 $0xFFFFC000  }
0x6e: {  	[hbm4b:s7+s1] =	stream.linear.scatter [tilespmem:s22], [sflag:$0x6], $0x4000, $0x38;
	[tilespmem:$0x13000] =	vst v63  }
0x6f: {  	_ =	swait.ge [sflag:s28], $0x4000  }
0x70: {  	[sflag:s28] =	ssyncset.done $0x0  }
0x71: {  	s7 =	sadd.s32 s8, s10;
	[sflag:s28] =	ssyncadd.s32 $0xFFFFC000  }
0x72: {  	[hbm4b:s7+s1] =	stream.linear.scatter [tilespmem:s23], [sflag:$0x7], $0x4000, $0x38;
	[tilespmem:$0x13000] =	vst v63  }
0x73: {  	_ =	swait.ge [sflag:s29], $0x4000  }
0x74: {  	[sflag:s29] =	ssyncset.done $0x0  }
0x75: {  	s7 =	sadd.s32 s8, s12;
	[sflag:s29] =	ssyncadd.s32 $0xFFFFC000  }
0x76: {  	[hbm4b:s7+s1] =	stream.linear.scatter [tilespmem:s24], [sflag:$0x8], $0x4000, $0x38;
	[tilespmem:$0x13000] =	vst v63  }
0x77: {  	_ =	swait.ge [sflag:s30], $0x4000  }
0x78: {  	[sflag:s30] =	ssyncset.done $0x0  }
0x79: {  	[sflag:s30] =	ssyncadd.s32 $0xFFFFC000  }
0x7a: {  	_ =	swait.ge [sflag:s31], $0x4000  }
0x7b: {  	[sflag:s31] =	ssyncset.done $0x0  }
0x7c: {  	[sflag:s31] =	ssyncadd.s32 $0xFFFFC000  }
.Ltmp2:
0x7d: {  	_ =	swait.ge [sflag:s0], $0x4000;
	(pc) =	sbr.rel @p0 .LBB2_6-.Ltmp2, $4  }
0x7e: {  	[sflag:s0] =	ssyncset.done $0x0  }
0x7f: {  	[sflag:s0] =	ssyncadd.s32 $0xFFFFC000  }
0x80: {  	_ =	swait.ge [sflag:s2], $0x4000  }
0x81: {  	[sflag:s2] =	ssyncset.done $0x0  }
0x82: {  	[sflag:s2] =	ssyncadd.s32 $0xFFFFC000  }
0x83: {  	s5 =	simm.s32 $0x0;
	s6 =	rddreg [dreg:$0x6];
	s8 =	simm.s32 $0x400  }
0x84: {  	[tilespmem:s5], [sflag:$0x9] =	stream.strided.gather [hbm4b:s6+s17], $0x1000, s8, s17, $0x38;
	[tilespmem:$0x13000] =	vst v63  }
0x85: {  	_ =	swait.ge [sflag:s19], $0x1000  }
0x86: {  	[sflag:s19] =	ssyncset.done $0x0  }
0x87: {  	[sflag:s19] =	ssyncadd.s32 $0xFFFFF000  }
0x88: {  	s7 =	simm.s32 $0x0;
	s6 =	simm.s32 $0x10;
	v3 =	vld [tilespmem:s5+$0x0]  }
.LBB2_8:
0x89: {  	p0 =	sne.s32 s6, $0xFF0;
	_ =	sdelay $0x3  }
.Ltmp3:
0x8a: {  	(pc) =	sbr.rel @p0 .LBB2_8-.Ltmp3, $4  }
0x8b: {  	_ = 	snop  }
0x8c: {  	v4 =	vor.u32 s5, v2;
	s5 =	smov.u32 s6  }
0x8d: {  	s7 =	sadd.s32 $0x10, s7;
	[tilespmem:v3+s20+$0x0] =	vst.idx.msk $0xffff, v4  }
0x8e: {  	s6 =	sadd.s32 $0x10, s6;
	v3 =	vld [tilespmem:s7+$0x0]  }
0x8f: {  	_ =	sdelay $0x6  }
0x90: {  	v4 =	vor.u32 s5, v2  }
0x91: {  	s18 =	rddreg [dreg:$0x7];
	[tilespmem:v3+s20+$0x0] =	vst.idx.msk $0xffff, v4  }
0x92: {  	[hbm4b:s18+s17] =	stream.strided.scatter [tilespmem:s20], [sflag:$0x9], $0x1000, s8, s17, $0x38;
	[tilespmem:$0x13000] =	vst v63  }
0x93: {  	_ =	swait.ge [sflag:s19], $0x1000  }
0x94: {  	s5 =	simm.s32 $0x0;
	s7 =	simm.s32 $0x10;
	[sflag:s19] =	ssyncset.done $0x0  }
0x95: {  	s6 =	simm.s32 $0x0;
	s8 =	simm.s32 $0x0;
	[sflag:s19] =	ssyncadd.s32 $0xFFFFF000  }
.LBB2_10:
0x96: {  	p0 =	sne.s32 s7, $0xFF0;
	v3 =	vld [tilespmem:s8+$0x1000];
	_ =	sdelay $0x2  }
.Ltmp4:
0x97: {  	(pc) =	sbr.rel @p0 .LBB2_10-.Ltmp4, $4  }
0x98: {  	s8 =	sand.u32 $0x3E00, s5  }
0x99: {  	s18 =	sand.u32 $0x70, s6;
	s6 =	smov.u32 s7;
	s8 =	sshrl.u32 s8, $0x2;
	v3 =	vshll.u32 v3, $0x4  }
0x9a: {  	s5 =	sadd.s32 $0x40, s5;
	s18 =	sor.u32 s18, s8;
	v3 =	vadd.s32 v1, v3  }
0x9b: {  	s7 =	sadd.s32 $0x10, s7;
	s8 =	sshra.s32 s5, $0x2;
	[tilespmem:s18+$0x2000] =	vst v3  }
0x9c: {  	v3 =	vld [tilespmem:s8+$0x1000];
	_ =	sdelay $0x3  }
0x9d: {  	s5 =	sand.u32 $0x3E00, s5  }
0x9e: {  	s6 =	sand.u32 $0x70, s6;
	s5 =	sshrl.u32 s5, $0x2;
	v3 =	vshll.u32 v3, $0x4  }
0x9f: {  	s5 =	sor.u32 s6, s5;
	v3 =	vadd.s32 v1, v3  }
0xa0: {  	[tilespmem:s5+$0x2000] =	vst v3;
	s5 =	simm.s32 $0x2000  }
0xa1: {  	[tilespmem:s21], [sflag:$0x1] =	stream.indirect.gather [hbm4b:s3+s17], $0x80, s5, s17, $0xb8;
	[tilespmem:$0x13000] =	vst v63  }
0xa2: {  	s18 =	simm.s32 $0x2080  }
0xa3: {  	[tilespmem:s22], [sflag:$0x2] =	stream.indirect.gather [hbm4b:s3+s17], $0x80, s18, s17, $0xb8;
	[tilespmem:$0x13000] =	vst v63  }
0xa4: {  	s7 =	simm.s32 $0x2100  }
0xa5: {  	[tilespmem:s23], [sflag:$0x3] =	stream.indirect.gather [hbm4b:s3+s17], $0x80, s7, s17, $0xb8;
	[tilespmem:$0x13000] =	vst v63  }
0xa6: {  	s8 =	simm.s32 $0x2180  }
0xa7: {  	[tilespmem:s24], [sflag:$0x4] =	stream.indirect.gather [hbm4b:s3+s17], $0x80, s8, s17, $0xb8;
	[tilespmem:$0x13000] =	vst v63  }
0xa8: {  	_ =	swait.ge [sflag:s25], $0x4000  }
0xa9: {  	[sflag:s25] =	ssyncset.done $0x0  }
0xaa: {  	s18 =	sadd.s32 $0x0, s13;
	[sflag:s25] =	ssyncadd.s32 $0xFFFFC000  }
0xab: {  	[hbm4b:s18+s1] =	stream.linear.scatter [tilespmem:s21], [sflag:$0x5], $0x4000, $0x38;
	[tilespmem:$0x13000] =	vst v63  }
0xac: {  	_ =	swait.ge [sflag:s26], $0x4000  }
0xad: {  	[sflag:s26] =	ssyncset.done $0x0  }
0xae: {  	s7 =	sadd.s32 $0x0, s15;
	[sflag:s26] =	ssyncadd.s32 $0xFFFFC000  }
0xaf: {  	[hbm4b:s7+s1] =	stream.linear.scatter [tilespmem:s22], [sflag:$0x6], $0x4000, $0x38;
	[tilespmem:$0x13000] =	vst v63  }
0xb0: {  	_ =	swait.ge [sflag:s28], $0x4000  }
0xb1: {  	[sflag:s28] =	ssyncset.done $0x0  }
0xb2: {  	s8 =	sadd.s32 $0x0, s14;
	[sflag:s28] =	ssyncadd.s32 $0xFFFFC000  }
0xb3: {  	[hbm4b:s8+s1] =	stream.linear.scatter [tilespmem:s23], [sflag:$0x7], $0x4000, $0x38;
	[tilespmem:$0x13000] =	vst v63  }
0xb4: {  	_ =	swait.ge [sflag:s29], $0x4000  }
0xb5: {  	[sflag:s29] =	ssyncset.done $0x0  }
0xb6: {  	s18 =	sadd.s32 $0x0, s16;
	[sflag:s29] =	ssyncadd.s32 $0xFFFFC000  }
0xb7: {  	[hbm4b:s18+s1] =	stream.linear.scatter [tilespmem:s24], [sflag:$0x8], $0x4000, $0x38;
	[tilespmem:$0x13000] =	vst v63  }
0xb8: {  	_ =	swait.ge [sflag:s30], $0x4000  }
0xb9: {  	[sflag:s30] =	ssyncset.done $0x0  }
0xba: {  	[sflag:s30] =	ssyncadd.s32 $0xFFFFC000  }
0xbb: {  	_ =	swait.ge [sflag:s31], $0x4000  }
0xbc: {  	[sflag:s31] =	ssyncset.done $0x0  }
0xbd: {  	[sflag:s31] =	ssyncadd.s32 $0xFFFFC000  }
0xbe: {  	_ =	swait.ge [sflag:s0], $0x4000  }
0xbf: {  	[sflag:s0] =	ssyncset.done $0x0  }
0xc0: {  	[sflag:s0] =	ssyncadd.s32 $0xFFFFC000  }
0xc1: {  	_ =	swait.ge [sflag:s2], $0x4000  }
0xc2: {  	s6 =	simm.s32 $0x2000;
	[sflag:s2] =	ssyncset.done $0x0  }
.LBB2_12:
0xc3: {  	p0 =	sne.s32 s6, $0xE000;
	[sflag:s2] =	ssyncadd.s32 $0xFFFFC000;
	s5 =	sadd.s32 $0x200, s5  }
0xc4: {  	[tilespmem:s21], [sflag:$0x1] =	stream.indirect.gather [hbm4b:s3+s17], $0x80, s5, s17, $0xb8;
	[tilespmem:$0x13000] =	vst v63  }
0xc5: {  	s8 =	smov.u32 s6;
	s6 =	sadd.s32 $0x2000, s6;
	s7 =	sadd.s32 $0x80, s5  }
0xc6: {  	[tilespmem:s22], [sflag:$0x2] =	stream.indirect.gather [hbm4b:s3+s17], $0x80, s7, s17, $0xb8;
	[tilespmem:$0x13000] =	vst v63  }
0xc7: {  	s7 =	sadd.s32 $0x100, s5  }
0xc8: {  	[tilespmem:s23], [sflag:$0x3] =	stream.indirect.gather [hbm4b:s3+s17], $0x80, s7, s17, $0xb8;
	[tilespmem:$0x13000] =	vst v63  }
0xc9: {  	s7 =	sadd.s32 $0x180, s5  }
0xca: {  	[tilespmem:s24], [sflag:$0x4] =	stream.indirect.gather [hbm4b:s3+s17], $0x80, s7, s17, $0xb8;
	[tilespmem:$0x13000] =	vst v63  }
0xcb: {  	_ =	swait.ge [sflag:s25], $0x4000  }
0xcc: {  	[sflag:s25] =	ssyncset.done $0x0  }
0xcd: {  	s7 =	sadd.s32 s8, s13;
	[sflag:s25] =	ssyncadd.s32 $0xFFFFC000  }
0xce: {  	[hbm4b:s7+s1] =	stream.linear.scatter [tilespmem:s21], [sflag:$0x5], $0x4000, $0x38;
	[tilespmem:$0x13000] =	vst v63  }
0xcf: {  	_ =	swait.ge [sflag:s26], $0x4000  }
0xd0: {  	[sflag:s26] =	ssyncset.done $0x0  }
0xd1: {  	s7 =	sadd.s32 s8, s15;
	[sflag:s26] =	ssyncadd.s32 $0xFFFFC000  }
0xd2: {  	[hbm4b:s7+s1] =	stream.linear.scatter [tilespmem:s22], [sflag:$0x6], $0x4000, $0x38;
	[tilespmem:$0x13000] =	vst v63  }
0xd3: {  	_ =	swait.ge [sflag:s28], $0x4000  }
0xd4: {  	[sflag:s28] =	ssyncset.done $0x0  }
0xd5: {  	s7 =	sadd.s32 s8, s14;
	[sflag:s28] =	ssyncadd.s32 $0xFFFFC000  }
0xd6: {  	[hbm4b:s7+s1] =	stream.linear.scatter [tilespmem:s23], [sflag:$0x7], $0x4000, $0x38;
	[tilespmem:$0x13000] =	vst v63  }
0xd7: {  	_ =	swait.ge [sflag:s29], $0x4000  }
0xd8: {  	[sflag:s29] =	ssyncset.done $0x0  }
0xd9: {  	s7 =	sadd.s32 s8, s16;
	[sflag:s29] =	ssyncadd.s32 $0xFFFFC000  }
0xda: {  	[hbm4b:s7+s1] =	stream.linear.scatter [tilespmem:s24], [sflag:$0x8], $0x4000, $0x38;
	[tilespmem:$0x13000] =	vst v63  }
0xdb: {  	_ =	swait.ge [sflag:s30], $0x4000  }
0xdc: {  	[sflag:s30] =	ssyncset.done $0x0  }
0xdd: {  	[sflag:s30] =	ssyncadd.s32 $0xFFFFC000  }
0xde: {  	_ =	swait.ge [sflag:s31], $0x4000  }
0xdf: {  	[sflag:s31] =	ssyncset.done $0x0  }
0xe0: {  	[sflag:s31] =	ssyncadd.s32 $0xFFFFC000  }
.Ltmp5:
0xe1: {  	_ =	swait.ge [sflag:s0], $0x4000;
	(pc) =	sbr.rel @p0 .LBB2_12-.Ltmp5, $4  }
0xe2: {  	[sflag:s0] =	ssyncset.done $0x0  }
0xe3: {  	[sflag:s0] =	ssyncadd.s32 $0xFFFFC000  }
0xe4: {  	_ =	swait.ge [sflag:s2], $0x4000  }
0xe5: {  	[sflag:s2] =	ssyncset.done $0x0  }
0xe6: {  	s4 =	sadd.s32 $0x1, s4;
	s5 =	rddreg [dreg:$0x8]  }
0xe7: {  	p0 =	sne.s32 s4, s5  }
.Ltmp6:
0xe8: {  	_ = 	snop;
	(pc) =	sbr.rel @p0 .LBB2_1-.Ltmp6, $2  }
0xe9: {  	_ =	sdelay $0x2  }
0xea: {  	[sflag:s2] =	ssyncadd.s32 $0xFFFFC000;
	s8 =	simm.s32 $0x400  }
0xeb: {  	_ =	sfence.sel $0x180000  }
0xec: {  	[bflag:$0x0] =	sbarrier.arrive $0xFFFF  }
0xed: {  	_ =	strace $0x90000047  }
0xee: {  	s0 =	stileid.u32;
	[bflag:$0x2] =	sbarrier.arrive $0xFFFF  }
0xef: {  	p0 =	sne.s32 s0, $0x0;
	s0 =	rddreg [dreg:$0x3]  }
0xf0: {  	s0 =	sadd.s32 @!p0 $0x100000, s0  }
0xf1: {  	[sflag:s0] =	ssyncadd.tile.s32 @!p0 $0x1;
	_ =	shalt  }
.Lfunc_end2:
_tile_overlayer_lowered:
.L_overlay_start_2:
0xf2: {  	(tag) =	ssettag $0x2  }
0xf3: {  	s0 =	rddreg [dreg:$0x0];
	s2 =	stileid.u32  }
0xf4: {  	s1 =	rddreg [dreg:$0x1];
	p0 =	sne.s32 s2, $0x0  }
0xf5: {  	s3 =	rddreg [dreg:$0x2];
	[bflag:$0x3] =	sbarrier.arrive $0xFFFF;
	s2 =	simm.s32 @!p0 $0x1C09  }
0xf6: {  	[timem:s3], [sflag:s2] =	dma.local @!p0 [hbm:s0], s1  }
0xf7: {  	s0 =	simm.s32 @!p0 $0x9  }
0xf8: {  	_ =	swait.ge @!p0 [sflag:s0], s1  }
0xf9: {  	s1 =	ssub.s32 @!p0 $0x0, s1;
	[sflag:s0] =	ssyncset.done @!p0 $0x0  }
0xfa: {  	[sflag:s0] =	ssyncadd.s32 @!p0 s1  }
0xfb: {  	[bflag:$0x3] =	sbarrier.arrive $0xFFFF  }
0xfc: {  	_ =	shalt  }

</sc_bundles>
